<compile_context>
chip_gen: v7x
topology: tpu7x:2x2x1
jax: 0.10.2.dev20260603
libtpu: 0.0.44.dev20260713+nightly
codegen_flags: <defaults>
</compile_context>

<pallas_src>
import functools

import jax
import jax.numpy as jnp
from jax import lax
from jax.experimental import pallas as pl
from jax.experimental.pallas import tpu as pltpu
from jax.experimental.pallas import tpu_sc as plsc

B = 16384
ED = 25
EW = 128
EC = 32
CW = 128
NLANE = 16


def _sc_buckets(x, h0, h1):
    info = plsc.get_sparse_core_info()
    nw = info.num_cores * info.num_subcores
    cpw = B // nw
    nch = cpw // CW
    nc = info.num_cores

    mesh = plsc.VectorSubcoreMesh(core_axis_name="c", subcore_axis_name="s")

    scratch = (
        [pltpu.VMEM((CW,), jnp.int32) for _ in range(nch)]
        + [pltpu.VMEM((cpw,), jnp.int32),
           pltpu.VMEM((cpw,), jnp.int32),
           pltpu.SemaphoreType.DMA,
           pltpu.SemaphoreType.DMA,
           pltpu.SemaphoreType.DMA]
    )

    @functools.partial(
        pl.kernel,
        out_type=(jax.ShapeDtypeStruct((B,), jnp.int32),
                  jax.ShapeDtypeStruct((B,), jnp.int32)),
        mesh=mesh,
        scratch_types=scratch,
    )
    def body(x_hbm, h0_hbm, h1_hbm, b0_out, b1_out, *scr):
        xv = scr[0:nch]
        bv0, bv1 = scr[nch], scr[nch + 1]
        xsem, gsem, wsem = scr[nch + 2:nch + 5]

        w = lax.axis_index("s") * nc + lax.axis_index("c")
        base = w * cpw

        xds = [pltpu.async_copy(x_hbm.at[pl.ds(base + j * CW, CW)],
                                xv[j], xsem) for j in range(nch)]
        gds = []
        for j in range(nch):
            xds[j].wait()
            sl = pl.ds(j * CW, CW)
            gds.append(pltpu.async_copy(h0_hbm.at[xv[j]], bv0.at[sl], gsem))
            gds.append(pltpu.async_copy(h1_hbm.at[xv[j]], bv1.at[sl], gsem))
        for c in gds:
            c.wait()
        wds = [pltpu.async_copy(bv0, b0_out.at[pl.ds(base, cpw)], wsem),
               pltpu.async_copy(bv1, b1_out.at[pl.ds(base, cpw)], wsem)]
        for d in wds:
            d.wait()

    return body(x, h0, h1)


def _sc_gather(x, b0h, b1h, p0, p1, e128):
    info = plsc.get_sparse_core_info()
    nw = info.num_cores * info.num_subcores
    cpw = B // nw
    nch = cpw // CW
    nc = info.num_cores

    mesh = plsc.VectorSubcoreMesh(core_axis_name="c", subcore_axis_name="s")

    scratch = (
        [pltpu.VMEM((CW,), jnp.int32) for _ in range(nch)]
        + [pltpu.VMEM((CW,), jnp.int32) for _ in range(2 * nch)]
        + [pltpu.VMEM((CW,), jnp.float32) for _ in range(2 * nch)]
        + [pltpu.VMEM((CW, EW), jnp.float32) for _ in range(4)]
        + [pltpu.VMEM((CW, EC), jnp.float32),
           pltpu.VMEM((CW, EC), jnp.float32),
           pltpu.SemaphoreType.DMA,
           pltpu.SemaphoreType.DMA,
           pltpu.SemaphoreType.DMA,
           pltpu.SemaphoreType.DMA]
    )

    @functools.partial(
        pl.kernel,
        out_type=jax.ShapeDtypeStruct((B, EC), jnp.float32),
        mesh=mesh,
        scratch_types=scratch,
    )
    def body(x_hbm, b0_hbm, b1_hbm, p0_hbm, p1_hbm, e_hbm, emb_out, *scr):
        xv = scr[0:nch]
        b0 = scr[nch:2 * nch]
        b1 = scr[2 * nch:3 * nch]
        q0 = scr[3 * nch:4 * nch]
        q1 = scr[4 * nch:5 * nch]
        r0c = scr[5 * nch:5 * nch + 2]
        r1c = scr[5 * nch + 2:5 * nch + 4]
        embc = (scr[5 * nch + 4], scr[5 * nch + 5])
        xsem, gsem, esem, wsem = scr[5 * nch + 6:5 * nch + 10]

        w = lax.axis_index("s") * nc + lax.axis_index("c")
        base = w * cpw

        xds = [pltpu.async_copy(x_hbm.at[pl.ds(base + j * CW, CW)],
                                xv[j], xsem) for j in range(nch)]
        bds = []
        for j in range(nch):
            sl = pl.ds(base + j * CW, CW)
            bds.append([pltpu.async_copy(b0_hbm.at[sl], b0[j], xsem),
                        pltpu.async_copy(b1_hbm.at[sl], b1[j], xsem)])
        gds = []
        for j in range(nch):
            xds[j].wait()
            gds.append([pltpu.async_copy(p0_hbm.at[xv[j]], q0[j], gsem),
                        pltpu.async_copy(p1_hbm.at[xv[j]], q1[j], gsem)])

        def fire_e(j):
            for c in bds[j]:
                c.wait()
            return (pltpu.async_copy(e_hbm.at[b0[j]], r0c[j % 2], esem),
                    pltpu.async_copy(e_hbm.at[b1[j]], r1c[j % 2], esem))

        eds = {0: fire_e(0)}
        wds = [None, None]
        for j in range(nch):
            if j + 1 < nch:
                eds[j + 1] = fire_e(j + 1)
            for c in eds[j]:
                c.wait()
            for c in gds[j]:
                c.wait()
            eb = embc[j % 2]
            if wds[j % 2] is not None:
                wds[j % 2].wait()
            ra, rb = r0c[j % 2], r1c[j % 2]

            def sbody(g, _, eb=eb, ra=ra, rb=rb, jj=j):
                qv0 = q0[jj][pl.ds(g * NLANE, NLANE)]
                qv1 = q1[jj][pl.ds(g * NLANE, NLANE)]
                for t in range(NLANE):
                    i = g * NLANE + t
                    s0 = qv0[t]
                    s1 = qv1[t]
                    for l in range(2):
                        sl = pl.ds(l * NLANE, NLANE)
                        eb[i, sl] = ra[i, sl] * s0 + rb[i, sl] * s1
                return 0
            lax.fori_loop(0, CW // NLANE, sbody, 0)

            wds[j % 2] = pltpu.async_copy(
                eb, emb_out.at[pl.ds(base + j * CW, CW), :], wsem)
        for d in wds:
            d.wait()

    return body(x, b0h, b1h, p0, p1, e128)


def _e_pad_body(et_ref, o_ref):
    o_ref[:, 0:ED] = lax.transpose(et_ref[...], (1, 0))
    o_ref[:, ED:EW] = jnp.zeros((o_ref.shape[0], EW - ED), jnp.float32)


def _e_pad(et):
    nb = et.shape[1]
    return pl.pallas_call(
        _e_pad_body,
        out_shape=jax.ShapeDtypeStruct((nb, EW), jnp.float32),
    )(et)


def _tc_body(emb_ref, w1_ref, w2_ref, o_ref, wct_ref):
    @pl.when(pl.program_id(0) == 0)
    def _():
        wct_ref[0:ED, :] = lax.dot_general(
            w1_ref[...], w2_ref[...], (((1,), (1,)), ((), ())),
            preferred_element_type=jnp.float32,
            precision=lax.Precision.HIGHEST)
        wct_ref[ED:EC, :] = jnp.zeros((EC - ED, 300), jnp.float32)
    emb = emb_ref[...]
    wct = wct_ref[...]
    eh = emb.astype(jnp.bfloat16)
    el = (emb - eh.astype(jnp.float32)).astype(jnp.bfloat16)
    wh = wct.astype(jnp.bfloat16)
    wl = (wct - wh.astype(jnp.float32)).astype(jnp.bfloat16)
    dot = functools.partial(
        lax.dot_general,
        dimension_numbers=(((0,), (1,)), ((), ())),
        preferred_element_type=jnp.float32)
    logits = dot(wh, eh) + (dot(wl, eh) + dot(wh, el))
    o_ref[...] = logits - jnp.log(
        jnp.sum(jnp.exp(logits), axis=0, keepdims=True))


def _tc_mlp(emb, w1, w2):
    br = 4096
    grid = B // br
    return pl.pallas_call(
        _tc_body,
        grid=(grid,),
        in_specs=[
            pl.BlockSpec((br, EC), lambda i: (i, 0)),
            pl.BlockSpec((ED, 128), lambda i: (0, 0)),
            pl.BlockSpec((300, 128), lambda i: (0, 0)),
        ],
        out_specs=pl.BlockSpec((300, br), lambda i: (0, i)),
        out_shape=jax.ShapeDtypeStruct((300, B), jnp.float32),
        scratch_shapes=[pltpu.VMEM((EC, 300), jnp.float32)],
    )(emb, w1, w2)


def kernel(x, H, P, E, W1, W2):
    x = x.astype(jnp.int32)
    h0 = H[:, 0].astype(jnp.int32)
    h1 = H[:, 1].astype(jnp.int32)
    p0 = P[:, 0]
    p1 = P[:, 1]
    e128 = _e_pad(E.T)
    b0h, b1h = _sc_buckets(x, h0, h1)
    emb = _sc_gather(x, b0h, b1h, p0, p1, e128)
    return _tc_mlp(emb, W1.T, W2).T

# --- scband reference (transcript-rebuilt; emitter-appended) ---
"""Pipeline reference for scband-hash-embedding-trainer-19499151523989 (READ-ONLY COPY).

The authoritative reference and input builder live on the scoring server;
editing this copy changes nothing except your own understanding.
"""

import jax, jax.numpy as jnp
import numpy as np

NUM_WORDS = 100000
NUM_HASH = 2
NUM_BUCKETS = 10000
EMB_DIM = 25
BATCH = 16384


def setup_inputs(seed: int = 0) -> dict:
    key = jax.random.key(seed)
    ks = jax.random.split(key, 6)
    x = jax.random.randint(ks[0], (BATCH,), 0, NUM_WORDS, dtype=jnp.int64 if jax.config.jax_enable_x64 else jnp.int32)
    H = jax.random.randint(ks[1], (NUM_WORDS, NUM_HASH), 0, NUM_BUCKETS, dtype=jnp.int64 if jax.config.jax_enable_x64 else jnp.int32)
    P = jax.random.uniform(ks[2], (NUM_WORDS, NUM_HASH), minval=-0.1, maxval=0.1, dtype=jnp.float32)
    E = jax.random.uniform(ks[3], (NUM_BUCKETS, EMB_DIM), minval=-0.1, maxval=0.1, dtype=jnp.float32)
    W1 = jax.random.uniform(ks[4], (128, EMB_DIM), minval=-0.1, maxval=0.1, dtype=jnp.float32)
    W2 = jax.random.uniform(ks[5], (300, 128), minval=-0.1, maxval=0.1, dtype=jnp.float32)
    return {"x": x, "H": H, "P": P, "E": E, "W1": W1, "W2": W2}


def reference(x, H, P, E, W1, W2):
    # HashEmbedding (Svenstrup et al. 2017):
    #   buckets[b, k] = H[x[b], k]   (hash functions as precomputed table)
    #   emb[b] = sum_k P[x[b], k] * E[buckets[b, k]]
    buckets = jnp.take(H, x, axis=0)                # [B, K]
    comp = jnp.take(E, buckets, axis=0)             # [B, K, d]
    imp = jnp.take(P, x, axis=0)                    # [B, K]
    emb = jnp.sum(imp[..., None] * comp, axis=1)    # [B, d]
    h = emb.reshape(emb.shape[0], -1)               # [B, 25]
    h = h @ W1.T                                    # fc1, no bias -> [B, 128]
    h = h @ W2.T                                    # fc2, no bias -> [B, 300]
    return jax.nn.log_softmax(h, axis=1)

if __name__ == "__main__":
    import jax
    _d = setup_inputs()
    print(jax.jit(kernel)(*tuple(_d.values())))

</pallas_src>

<mosaic_0001>
#map = affine_map<(d0, d1) -> (0)>
#map1 = affine_map<(d0, d1) -> (0, 0)>
module attributes {stable_mosaic.version = 14 : i64} {
  func.func @body(%arg0: i32, %arg1: i32, %arg2: memref<16384xi32, #tpu.memory_space<hbm>>, %arg3: memref<16384xi32, #tpu.memory_space<hbm>>, %arg4: memref<16384xi32, #tpu.memory_space<hbm>>, %arg5: memref<100000xf32, #tpu.memory_space<hbm>>, %arg6: memref<100000xf32, #tpu.memory_space<hbm>>, %arg7: memref<10000x128xf32, #tpu.memory_space<hbm>>, %arg8: memref<16384x32xf32, #tpu.memory_space<hbm>>, %arg9: memref<128xi32, #tpu.memory_space<vmem>>, %arg10: memref<128xi32, #tpu.memory_space<vmem>>, %arg11: memref<128xi32, #tpu.memory_space<vmem>>, %arg12: memref<128xi32, #tpu.memory_space<vmem>>, %arg13: memref<128xi32, #tpu.memory_space<vmem>>, %arg14: memref<128xi32, #tpu.memory_space<vmem>>, %arg15: memref<128xi32, #tpu.memory_space<vmem>>, %arg16: memref<128xi32, #tpu.memory_space<vmem>>, %arg17: memref<128xi32, #tpu.memory_space<vmem>>, %arg18: memref<128xi32, #tpu.memory_space<vmem>>, %arg19: memref<128xi32, #tpu.memory_space<vmem>>, %arg20: memref<128xi32, #tpu.memory_space<vmem>>, %arg21: memref<128xf32, #tpu.memory_space<vmem>>, %arg22: memref<128xf32, #tpu.memory_space<vmem>>, %arg23: memref<128xf32, #tpu.memory_space<vmem>>, %arg24: memref<128xf32, #tpu.memory_space<vmem>>, %arg25: memref<128xf32, #tpu.memory_space<vmem>>, %arg26: memref<128xf32, #tpu.memory_space<vmem>>, %arg27: memref<128xf32, #tpu.memory_space<vmem>>, %arg28: memref<128xf32, #tpu.memory_space<vmem>>, %arg29: memref<128x128xf32, #tpu.memory_space<vmem>>, %arg30: memref<128x128xf32, #tpu.memory_space<vmem>>, %arg31: memref<128x128xf32, #tpu.memory_space<vmem>>, %arg32: memref<128x128xf32, #tpu.memory_space<vmem>>, %arg33: memref<128x32xf32, #tpu.memory_space<vmem>>, %arg34: memref<128x32xf32, #tpu.memory_space<vmem>>, %arg35: memref<!tpu.dma_semaphore, #tpu.memory_space<semaphore_mem>>, %arg36: memref<!tpu.dma_semaphore, #tpu.memory_space<semaphore_mem>>, %arg37: memref<!tpu.dma_semaphore, #tpu.memory_space<semaphore_mem>>, %arg38: memref<!tpu.dma_semaphore, #tpu.memory_space<semaphore_mem>>) attributes {dimension_semantics = [#tpu.dimension_semantics<core_parallel>, #tpu.dimension_semantics<subcore_parallel>], iteration_bounds = array<i64: 2, 16>, scalar_prefetch = 0 : i64, scratch_operands = 30 : i64, tpu.core_type = #tpu.core_type<sc_vector_subcore>, window_params = [{transform_indices = #map}, {transform_indices = #map}, {transform_indices = #map}, {transform_indices = #map}, {transform_indices = #map}, {transform_indices = #map1}, {transform_indices = #map1}]} {
    %mul3A = arith.constant 2 : i32
    %mul3A_0 = arith.muli %arg1, %mul3A : i32
    %add3A = arith.addi %mul3A_0, %arg0 : i32
    %mul3A_1 = arith.constant 512 : i32
    %mul3A_2 = arith.muli %add3A, %mul3A_1 : i32
    %add3A_3 = arith.constant 0 : i32
    %add3A_4 = arith.addi %mul3A_2, %add3A_3 : i32
    %dma_start3A = tpu.memref_slice %arg2[%add3A_4] : memref<16384xi32, #tpu.memory_space<hbm>> -> memref<128xi32, #tpu.memory_space<hbm>>
    %dma_start3A_5 = tpu.memref_slice %arg2[%add3A_4] : memref<16384xi32, #tpu.memory_space<hbm>> -> memref<128xi32, #tpu.memory_space<hbm>>
    tpu.enqueue_dma source(%dma_start3A_5 : memref<128xi32, #tpu.memory_space<hbm>>) target(%arg9 : memref<128xi32, #tpu.memory_space<vmem>>) target_semaphore(%arg35 : memref<!tpu.dma_semaphore, #tpu.memory_space<semaphore_mem>>)
    %add3A_6 = arith.constant 128 : i32
    %add3A_7 = arith.addi %mul3A_2, %add3A_6 : i32
    %dma_start3A_8 = tpu.memref_slice %arg2[%add3A_7] : memref<16384xi32, #tpu.memory_space<hbm>> -> memref<128xi32, #tpu.memory_space<hbm>>
    %dma_start3A_9 = tpu.memref_slice %arg2[%add3A_7] : memref<16384xi32, #tpu.memory_space<hbm>> -> memref<128xi32, #tpu.memory_space<hbm>>
    tpu.enqueue_dma source(%dma_start3A_9 : memref<128xi32, #tpu.memory_space<hbm>>) target(%arg10 : memref<128xi32, #tpu.memory_space<vmem>>) target_semaphore(%arg35 : memref<!tpu.dma_semaphore, #tpu.memory_space<semaphore_mem>>)
    %add3A_10 = arith.constant 256 : i32
    %add3A_11 = arith.addi %mul3A_2, %add3A_10 : i32
    %dma_start3A_12 = tpu.memref_slice %arg2[%add3A_11] : memref<16384xi32, #tpu.memory_space<hbm>> -> memref<128xi32, #tpu.memory_space<hbm>>
    %dma_start3A_13 = tpu.memref_slice %arg2[%add3A_11] : memref<16384xi32, #tpu.memory_space<hbm>> -> memref<128xi32, #tpu.memory_space<hbm>>
    tpu.enqueue_dma source(%dma_start3A_13 : memref<128xi32, #tpu.memory_space<hbm>>) target(%arg11 : memref<128xi32, #tpu.memory_space<vmem>>) target_semaphore(%arg35 : memref<!tpu.dma_semaphore, #tpu.memory_space<semaphore_mem>>)
    %add3A_14 = arith.constant 384 : i32
    %add3A_15 = arith.addi %mul3A_2, %add3A_14 : i32
    %dma_start3A_16 = tpu.memref_slice %arg2[%add3A_15] : memref<16384xi32, #tpu.memory_space<hbm>> -> memref<128xi32, #tpu.memory_space<hbm>>
    %dma_start3A_17 = tpu.memref_slice %arg2[%add3A_15] : memref<16384xi32, #tpu.memory_space<hbm>> -> memref<128xi32, #tpu.memory_space<hbm>>
    tpu.enqueue_dma source(%dma_start3A_17 : memref<128xi32, #tpu.memory_space<hbm>>) target(%arg12 : memref<128xi32, #tpu.memory_space<vmem>>) target_semaphore(%arg35 : memref<!tpu.dma_semaphore, #tpu.memory_space<semaphore_mem>>)
    %add3A_18 = arith.constant 0 : i32
    %add3A_19 = arith.addi %mul3A_2, %add3A_18 : i32
    %dma_start3A_20 = tpu.memref_slice %arg3[%add3A_19] : memref<16384xi32, #tpu.memory_space<hbm>> -> memref<128xi32, #tpu.memory_space<hbm>>
    %dma_start3A_21 = tpu.memref_slice %arg3[%add3A_19] : memref<16384xi32, #tpu.memory_space<hbm>> -> memref<128xi32, #tpu.memory_space<hbm>>
    tpu.enqueue_dma source(%dma_start3A_21 : memref<128xi32, #tpu.memory_space<hbm>>) target(%arg13 : memref<128xi32, #tpu.memory_space<vmem>>) target_semaphore(%arg35 : memref<!tpu.dma_semaphore, #tpu.memory_space<semaphore_mem>>)
    %dma_start3A_22 = tpu.memref_slice %arg4[%add3A_19] : memref<16384xi32, #tpu.memory_space<hbm>> -> memref<128xi32, #tpu.memory_space<hbm>>
    %dma_start3A_23 = tpu.memref_slice %arg4[%add3A_19] : memref<16384xi32, #tpu.memory_space<hbm>> -> memref<128xi32, #tpu.memory_space<hbm>>
    tpu.enqueue_dma source(%dma_start3A_23 : memref<128xi32, #tpu.memory_space<hbm>>) target(%arg17 : memref<128xi32, #tpu.memory_space<vmem>>) target_semaphore(%arg35 : memref<!tpu.dma_semaphore, #tpu.memory_space<semaphore_mem>>)
    %add3A_24 = arith.constant 128 : i32
    %add3A_25 = arith.addi %mul3A_2, %add3A_24 : i32
    %dma_start3A_26 = tpu.memref_slice %arg3[%add3A_25] : memref<16384xi32, #tpu.memory_space<hbm>> -> memref<128xi32, #tpu.memory_space<hbm>>
    %dma_start3A_27 = tpu.memref_slice %arg3[%add3A_25] : memref<16384xi32, #tpu.memory_space<hbm>> -> memref<128xi32, #tpu.memory_space<hbm>>
    tpu.enqueue_dma source(%dma_start3A_27 : memref<128xi32, #tpu.memory_space<hbm>>) target(%arg14 : memref<128xi32, #tpu.memory_space<vmem>>) target_semaphore(%arg35 : memref<!tpu.dma_semaphore, #tpu.memory_space<semaphore_mem>>)
    %dma_start3A_28 = tpu.memref_slice %arg4[%add3A_25] : memref<16384xi32, #tpu.memory_space<hbm>> -> memref<128xi32, #tpu.memory_space<hbm>>
    %dma_start3A_29 = tpu.memref_slice %arg4[%add3A_25] : memref<16384xi32, #tpu.memory_space<hbm>> -> memref<128xi32, #tpu.memory_space<hbm>>
    tpu.enqueue_dma source(%dma_start3A_29 : memref<128xi32, #tpu.memory_space<hbm>>) target(%arg18 : memref<128xi32, #tpu.memory_space<vmem>>) target_semaphore(%arg35 : memref<!tpu.dma_semaphore, #tpu.memory_space<semaphore_mem>>)
    %add3A_30 = arith.constant 256 : i32
    %add3A_31 = arith.addi %mul3A_2, %add3A_30 : i32
    %dma_start3A_32 = tpu.memref_slice %arg3[%add3A_31] : memref<16384xi32, #tpu.memory_space<hbm>> -> memref<128xi32, #tpu.memory_space<hbm>>
    %dma_start3A_33 = tpu.memref_slice %arg3[%add3A_31] : memref<16384xi32, #tpu.memory_space<hbm>> -> memref<128xi32, #tpu.memory_space<hbm>>
    tpu.enqueue_dma source(%dma_start3A_33 : memref<128xi32, #tpu.memory_space<hbm>>) target(%arg15 : memref<128xi32, #tpu.memory_space<vmem>>) target_semaphore(%arg35 : memref<!tpu.dma_semaphore, #tpu.memory_space<semaphore_mem>>)
    %dma_start3A_34 = tpu.memref_slice %arg4[%add3A_31] : memref<16384xi32, #tpu.memory_space<hbm>> -> memref<128xi32, #tpu.memory_space<hbm>>
    %dma_start3A_35 = tpu.memref_slice %arg4[%add3A_31] : memref<16384xi32, #tpu.memory_space<hbm>> -> memref<128xi32, #tpu.memory_space<hbm>>
    tpu.enqueue_dma source(%dma_start3A_35 : memref<128xi32, #tpu.memory_space<hbm>>) target(%arg19 : memref<128xi32, #tpu.memory_space<vmem>>) target_semaphore(%arg35 : memref<!tpu.dma_semaphore, #tpu.memory_space<semaphore_mem>>)
    %add3A_36 = arith.constant 384 : i32
    %add3A_37 = arith.addi %mul3A_2, %add3A_36 : i32
    %dma_start3A_38 = tpu.memref_slice %arg3[%add3A_37] : memref<16384xi32, #tpu.memory_space<hbm>> -> memref<128xi32, #tpu.memory_space<hbm>>
    %dma_start3A_39 = tpu.memref_slice %arg3[%add3A_37] : memref<16384xi32, #tpu.memory_space<hbm>> -> memref<128xi32, #tpu.memory_space<hbm>>
    tpu.enqueue_dma source(%dma_start3A_39 : memref<128xi32, #tpu.memory_space<hbm>>) target(%arg16 : memref<128xi32, #tpu.memory_space<vmem>>) target_semaphore(%arg35 : memref<!tpu.dma_semaphore, #tpu.memory_space<semaphore_mem>>)
    %dma_start3A_40 = tpu.memref_slice %arg4[%add3A_37] : memref<16384xi32, #tpu.memory_space<hbm>> -> memref<128xi32, #tpu.memory_space<hbm>>
    %dma_start3A_41 = tpu.memref_slice %arg4[%add3A_37] : memref<16384xi32, #tpu.memory_space<hbm>> -> memref<128xi32, #tpu.memory_space<hbm>>
    tpu.enqueue_dma source(%dma_start3A_41 : memref<128xi32, #tpu.memory_space<hbm>>) target(%arg20 : memref<128xi32, #tpu.memory_space<vmem>>) target_semaphore(%arg35 : memref<!tpu.dma_semaphore, #tpu.memory_space<semaphore_mem>>)
    %dma_wait3A = tpu.memref_slice %arg2[%add3A_4] : memref<16384xi32, #tpu.memory_space<hbm>> -> memref<128xi32, #tpu.memory_space<hbm>>
    %dma_wait3A_42 = tpu.memref_slice %arg2[%add3A_4] : memref<16384xi32, #tpu.memory_space<hbm>> -> memref<128xi32, #tpu.memory_space<hbm>>
    tpu.wait_dma2 semaphore(%arg35 : memref<!tpu.dma_semaphore, #tpu.memory_space<semaphore_mem>>) src(%dma_wait3A_42 : memref<128xi32, #tpu.memory_space<hbm>>) dst(%arg9 : memref<128xi32, #tpu.memory_space<vmem>>)
    %dma_start3A_43 = arith.constant 0 : i32
    %dma_start3A_44 = tpu.memref_slice %arg5[%dma_start3A_43] : memref<100000xf32, #tpu.memory_space<hbm>> -> memref<100000xf32, #tpu.memory_space<hbm>>
    tpu.enqueue_indirect_dma source(%dma_start3A_44 : memref<100000xf32, #tpu.memory_space<hbm>>) target(%arg21 : memref<128xf32, #tpu.memory_space<vmem>>) offsets(%arg9 : memref<128xi32, #tpu.memory_space<vmem>>) semaphore(%arg36 : memref<!tpu.dma_semaphore, #tpu.memory_space<semaphore_mem>>)
    %dma_start3A_45 = arith.constant 0 : i32
    %dma_start3A_46 = tpu.memref_slice %arg6[%dma_start3A_45] : memref<100000xf32, #tpu.memory_space<hbm>> -> memref<100000xf32, #tpu.memory_space<hbm>>
    tpu.enqueue_indirect_dma source(%dma_start3A_46 : memref<100000xf32, #tpu.memory_space<hbm>>) target(%arg25 : memref<128xf32, #tpu.memory_space<vmem>>) offsets(%arg9 : memref<128xi32, #tpu.memory_space<vmem>>) semaphore(%arg36 : memref<!tpu.dma_semaphore, #tpu.memory_space<semaphore_mem>>)
    %dma_wait3A_47 = tpu.memref_slice %arg2[%add3A_7] : memref<16384xi32, #tpu.memory_space<hbm>> -> memref<128xi32, #tpu.memory_space<hbm>>
    %dma_wait3A_48 = tpu.memref_slice %arg2[%add3A_7] : memref<16384xi32, #tpu.memory_space<hbm>> -> memref<128xi32, #tpu.memory_space<hbm>>
    tpu.wait_dma2 semaphore(%arg35 : memref<!tpu.dma_semaphore, #tpu.memory_space<semaphore_mem>>) src(%dma_wait3A_48 : memref<128xi32, #tpu.memory_space<hbm>>) dst(%arg10 : memref<128xi32, #tpu.memory_space<vmem>>)
    %dma_start3A_49 = arith.constant 0 : i32
    %dma_start3A_50 = tpu.memref_slice %arg5[%dma_start3A_49] : memref<100000xf32, #tpu.memory_space<hbm>> -> memref<100000xf32, #tpu.memory_space<hbm>>
    tpu.enqueue_indirect_dma source(%dma_start3A_50 : memref<100000xf32, #tpu.memory_space<hbm>>) target(%arg22 : memref<128xf32, #tpu.memory_space<vmem>>) offsets(%arg10 : memref<128xi32, #tpu.memory_space<vmem>>) semaphore(%arg36 : memref<!tpu.dma_semaphore, #tpu.memory_space<semaphore_mem>>)
    %dma_start3A_51 = arith.constant 0 : i32
    %dma_start3A_52 = tpu.memref_slice %arg6[%dma_start3A_51] : memref<100000xf32, #tpu.memory_space<hbm>> -> memref<100000xf32, #tpu.memory_space<hbm>>
    tpu.enqueue_indirect_dma source(%dma_start3A_52 : memref<100000xf32, #tpu.memory_space<hbm>>) target(%arg26 : memref<128xf32, #tpu.memory_space<vmem>>) offsets(%arg10 : memref<128xi32, #tpu.memory_space<vmem>>) semaphore(%arg36 : memref<!tpu.dma_semaphore, #tpu.memory_space<semaphore_mem>>)
    %dma_wait3A_53 = tpu.memref_slice %arg2[%add3A_11] : memref<16384xi32, #tpu.memory_space<hbm>> -> memref<128xi32, #tpu.memory_space<hbm>>
    %dma_wait3A_54 = tpu.memref_slice %arg2[%add3A_11] : memref<16384xi32, #tpu.memory_space<hbm>> -> memref<128xi32, #tpu.memory_space<hbm>>
    tpu.wait_dma2 semaphore(%arg35 : memref<!tpu.dma_semaphore, #tpu.memory_space<semaphore_mem>>) src(%dma_wait3A_54 : memref<128xi32, #tpu.memory_space<hbm>>) dst(%arg11 : memref<128xi32, #tpu.memory_space<vmem>>)
    %dma_start3A_55 = arith.constant 0 : i32
    %dma_start3A_56 = tpu.memref_slice %arg5[%dma_start3A_55] : memref<100000xf32, #tpu.memory_space<hbm>> -> memref<100000xf32, #tpu.memory_space<hbm>>
    tpu.enqueue_indirect_dma source(%dma_start3A_56 : memref<100000xf32, #tpu.memory_space<hbm>>) target(%arg23 : memref<128xf32, #tpu.memory_space<vmem>>) offsets(%arg11 : memref<128xi32, #tpu.memory_space<vmem>>) semaphore(%arg36 : memref<!tpu.dma_semaphore, #tpu.memory_space<semaphore_mem>>)
    %dma_start3A_57 = arith.constant 0 : i32
    %dma_start3A_58 = tpu.memref_slice %arg6[%dma_start3A_57] : memref<100000xf32, #tpu.memory_space<hbm>> -> memref<100000xf32, #tpu.memory_space<hbm>>
    tpu.enqueue_indirect_dma source(%dma_start3A_58 : memref<100000xf32, #tpu.memory_space<hbm>>) target(%arg27 : memref<128xf32, #tpu.memory_space<vmem>>) offsets(%arg11 : memref<128xi32, #tpu.memory_space<vmem>>) semaphore(%arg36 : memref<!tpu.dma_semaphore, #tpu.memory_space<semaphore_mem>>)
    %dma_wait3A_59 = tpu.memref_slice %arg2[%add3A_15] : memref<16384xi32, #tpu.memory_space<hbm>> -> memref<128xi32, #tpu.memory_space<hbm>>
    %dma_wait3A_60 = tpu.memref_slice %arg2[%add3A_15] : memref<16384xi32, #tpu.memory_space<hbm>> -> memref<128xi32, #tpu.memory_space<hbm>>
    tpu.wait_dma2 semaphore(%arg35 : memref<!tpu.dma_semaphore, #tpu.memory_space<semaphore_mem>>) src(%dma_wait3A_60 : memref<128xi32, #tpu.memory_space<hbm>>) dst(%arg12 : memref<128xi32, #tpu.memory_space<vmem>>)
    %dma_start3A_61 = arith.constant 0 : i32
    %dma_start3A_62 = tpu.memref_slice %arg5[%dma_start3A_61] : memref<100000xf32, #tpu.memory_space<hbm>> -> memref<100000xf32, #tpu.memory_space<hbm>>
    tpu.enqueue_indirect_dma source(%dma_start3A_62 : memref<100000xf32, #tpu.memory_space<hbm>>) target(%arg24 : memref<128xf32, #tpu.memory_space<vmem>>) offsets(%arg12 : memref<128xi32, #tpu.memory_space<vmem>>) semaphore(%arg36 : memref<!tpu.dma_semaphore, #tpu.memory_space<semaphore_mem>>)
    %dma_start3A_63 = arith.constant 0 : i32
    %dma_start3A_64 = tpu.memref_slice %arg6[%dma_start3A_63] : memref<100000xf32, #tpu.memory_space<hbm>> -> memref<100000xf32, #tpu.memory_space<hbm>>
    tpu.enqueue_indirect_dma source(%dma_start3A_64 : memref<100000xf32, #tpu.memory_space<hbm>>) target(%arg28 : memref<128xf32, #tpu.memory_space<vmem>>) offsets(%arg12 : memref<128xi32, #tpu.memory_space<vmem>>) semaphore(%arg36 : memref<!tpu.dma_semaphore, #tpu.memory_space<semaphore_mem>>)
    %dma_wait3A_65 = tpu.memref_slice %arg3[%add3A_19] : memref<16384xi32, #tpu.memory_space<hbm>> -> memref<128xi32, #tpu.memory_space<hbm>>
    %dma_wait3A_66 = tpu.memref_slice %arg3[%add3A_19] : memref<16384xi32, #tpu.memory_space<hbm>> -> memref<128xi32, #tpu.memory_space<hbm>>
    tpu.wait_dma2 semaphore(%arg35 : memref<!tpu.dma_semaphore, #tpu.memory_space<semaphore_mem>>) src(%dma_wait3A_66 : memref<128xi32, #tpu.memory_space<hbm>>) dst(%arg13 : memref<128xi32, #tpu.memory_space<vmem>>)
    %dma_wait3A_67 = tpu.memref_slice %arg4[%add3A_19] : memref<16384xi32, #tpu.memory_space<hbm>> -> memref<128xi32, #tpu.memory_space<hbm>>
    %dma_wait3A_68 = tpu.memref_slice %arg4[%add3A_19] : memref<16384xi32, #tpu.memory_space<hbm>> -> memref<128xi32, #tpu.memory_space<hbm>>
    tpu.wait_dma2 semaphore(%arg35 : memref<!tpu.dma_semaphore, #tpu.memory_space<semaphore_mem>>) src(%dma_wait3A_68 : memref<128xi32, #tpu.memory_space<hbm>>) dst(%arg17 : memref<128xi32, #tpu.memory_space<vmem>>)
    %dma_start3A_69 = arith.constant 0 : i32
    %dma_start3A_70 = arith.constant 0 : i32
    %dma_start3A_71 = tpu.memref_slice %arg7[%dma_start3A_69, %dma_start3A_70] : memref<10000x128xf32, #tpu.memory_space<hbm>> -> memref<10000x128xf32, #tpu.memory_space<hbm>>
    tpu.enqueue_indirect_dma source(%dma_start3A_71 : memref<10000x128xf32, #tpu.memory_space<hbm>>) target(%arg29 : memref<128x128xf32, #tpu.memory_space<vmem>>) offsets(%arg13 : memref<128xi32, #tpu.memory_space<vmem>>) semaphore(%arg37 : memref<!tpu.dma_semaphore, #tpu.memory_space<semaphore_mem>>)
    %dma_start3A_72 = arith.constant 0 : i32
    %dma_start3A_73 = arith.constant 0 : i32
    %dma_start3A_74 = tpu.memref_slice %arg7[%dma_start3A_72, %dma_start3A_73] : memref<10000x128xf32, #tpu.memory_space<hbm>> -> memref<10000x128xf32, #tpu.memory_space<hbm>>
    tpu.enqueue_indirect_dma source(%dma_start3A_74 : memref<10000x128xf32, #tpu.memory_space<hbm>>) target(%arg31 : memref<128x128xf32, #tpu.memory_space<vmem>>) offsets(%arg17 : memref<128xi32, #tpu.memory_space<vmem>>) semaphore(%arg37 : memref<!tpu.dma_semaphore, #tpu.memory_space<semaphore_mem>>)
    %dma_wait3A_75 = tpu.memref_slice %arg3[%add3A_25] : memref<16384xi32, #tpu.memory_space<hbm>> -> memref<128xi32, #tpu.memory_space<hbm>>
    %dma_wait3A_76 = tpu.memref_slice %arg3[%add3A_25] : memref<16384xi32, #tpu.memory_space<hbm>> -> memref<128xi32, #tpu.memory_space<hbm>>
    tpu.wait_dma2 semaphore(%arg35 : memref<!tpu.dma_semaphore, #tpu.memory_space<semaphore_mem>>) src(%dma_wait3A_76 : memref<128xi32, #tpu.memory_space<hbm>>) dst(%arg14 : memref<128xi32, #tpu.memory_space<vmem>>)
    %dma_wait3A_77 = tpu.memref_slice %arg4[%add3A_25] : memref<16384xi32, #tpu.memory_space<hbm>> -> memref<128xi32, #tpu.memory_space<hbm>>
    %dma_wait3A_78 = tpu.memref_slice %arg4[%add3A_25] : memref<16384xi32, #tpu.memory_space<hbm>> -> memref<128xi32, #tpu.memory_space<hbm>>
    tpu.wait_dma2 semaphore(%arg35 : memref<!tpu.dma_semaphore, #tpu.memory_space<semaphore_mem>>) src(%dma_wait3A_78 : memref<128xi32, #tpu.memory_space<hbm>>) dst(%arg18 : memref<128xi32, #tpu.memory_space<vmem>>)
    %dma_start3A_79 = arith.constant 0 : i32
    %dma_start3A_80 = arith.constant 0 : i32
    %dma_start3A_81 = tpu.memref_slice %arg7[%dma_start3A_79, %dma_start3A_80] : memref<10000x128xf32, #tpu.memory_space<hbm>> -> memref<10000x128xf32, #tpu.memory_space<hbm>>
    tpu.enqueue_indirect_dma source(%dma_start3A_81 : memref<10000x128xf32, #tpu.memory_space<hbm>>) target(%arg30 : memref<128x128xf32, #tpu.memory_space<vmem>>) offsets(%arg14 : memref<128xi32, #tpu.memory_space<vmem>>) semaphore(%arg37 : memref<!tpu.dma_semaphore, #tpu.memory_space<semaphore_mem>>)
    %dma_start3A_82 = arith.constant 0 : i32
    %dma_start3A_83 = arith.constant 0 : i32
    %dma_start3A_84 = tpu.memref_slice %arg7[%dma_start3A_82, %dma_start3A_83] : memref<10000x128xf32, #tpu.memory_space<hbm>> -> memref<10000x128xf32, #tpu.memory_space<hbm>>
    tpu.enqueue_indirect_dma source(%dma_start3A_84 : memref<10000x128xf32, #tpu.memory_space<hbm>>) target(%arg32 : memref<128x128xf32, #tpu.memory_space<vmem>>) offsets(%arg18 : memref<128xi32, #tpu.memory_space<vmem>>) semaphore(%arg37 : memref<!tpu.dma_semaphore, #tpu.memory_space<semaphore_mem>>)
    %dma_wait3A_85 = arith.constant 0 : i32
    %dma_wait3A_86 = arith.constant 0 : i32
    %dma_wait3A_87 = tpu.memref_slice %arg7[%dma_wait3A_85, %dma_wait3A_86] : memref<10000x128xf32, #tpu.memory_space<hbm>> -> memref<10000x128xf32, #tpu.memory_space<hbm>>
    tpu.wait_indirect_dma semaphore(%arg37 : memref<!tpu.dma_semaphore, #tpu.memory_space<semaphore_mem>>) src(%dma_wait3A_87 : memref<10000x128xf32, #tpu.memory_space<hbm>>) dst(%arg29 : memref<128x128xf32, #tpu.memory_space<vmem>>)
    %dma_wait3A_88 = arith.constant 0 : i32
    %dma_wait3A_89 = arith.constant 0 : i32
    %dma_wait3A_90 = tpu.memref_slice %arg7[%dma_wait3A_88, %dma_wait3A_89] : memref<10000x128xf32, #tpu.memory_space<hbm>> -> memref<10000x128xf32, #tpu.memory_space<hbm>>
    tpu.wait_indirect_dma semaphore(%arg37 : memref<!tpu.dma_semaphore, #tpu.memory_space<semaphore_mem>>) src(%dma_wait3A_90 : memref<10000x128xf32, #tpu.memory_space<hbm>>) dst(%arg31 : memref<128x128xf32, #tpu.memory_space<vmem>>)
    %dma_wait3A_91 = arith.constant 0 : i32
    %dma_wait3A_92 = tpu.memref_slice %arg5[%dma_wait3A_91] : memref<100000xf32, #tpu.memory_space<hbm>> -> memref<100000xf32, #tpu.memory_space<hbm>>
    tpu.wait_indirect_dma semaphore(%arg36 : memref<!tpu.dma_semaphore, #tpu.memory_space<semaphore_mem>>) src(%dma_wait3A_92 : memref<100000xf32, #tpu.memory_space<hbm>>) dst(%arg21 : memref<128xf32, #tpu.memory_space<vmem>>)
    %dma_wait3A_93 = arith.constant 0 : i32
    %dma_wait3A_94 = tpu.memref_slice %arg6[%dma_wait3A_93] : memref<100000xf32, #tpu.memory_space<hbm>> -> memref<100000xf32, #tpu.memory_space<hbm>>
    tpu.wait_indirect_dma semaphore(%arg36 : memref<!tpu.dma_semaphore, #tpu.memory_space<semaphore_mem>>) src(%dma_wait3A_94 : memref<100000xf32, #tpu.memory_space<hbm>>) dst(%arg25 : memref<128xf32, #tpu.memory_space<vmem>>)
    %scan3A = arith.constant 0 : i32
    %scan3A_95 = arith.constant 0 : i32
    %scan3A_96 = arith.constant 8 : i32
    %scan3A_97 = arith.addi %scan3A_95, %scan3A_96 : i32
    %scan3A_98 = arith.constant 1 : i32
    %scan3A_99 = scf.for %scan3A_212 = %scan3A_95 to %scan3A_97 step %scan3A_98 iter_args(%scan3A_213 = %scan3A) -> (i32)  : i32 {
      %mul3A_214 = arith.constant 16 : i32
      %mul3A_215 = arith.muli %scan3A_212, %mul3A_214 : i32
      %get3A = arith.index_cast %mul3A_215 : i32 to index
      %get3A_216 = tpu.vector_load %arg21[%get3A] {strides = array<i32>} : memref<128xf32, #tpu.memory_space<vmem>>, vector<16xf32>,
      %get3A_217 = vector.shape_cast %get3A_216 : vector<16xf32> to vector<16xf32>
      %mul3A_218 = arith.constant 16 : i32
      %mul3A_219 = arith.muli %scan3A_212, %mul3A_218 : i32
      %get3A_220 = arith.index_cast %mul3A_219 : i32 to index
      %get3A_221 = tpu.vector_load %arg25[%get3A_220] {strides = array<i32>} : memref<128xf32, #tpu.memory_space<vmem>>, vector<16xf32>,
      %get3A_222 = vector.shape_cast %get3A_221 : vector<16xf32> to vector<16xf32>
      %mul3A_223 = arith.constant 16 : i32
      %mul3A_224 = arith.muli %scan3A_212, %mul3A_223 : i32
      %add3A_225 = arith.constant 0 : i32
      %add3A_226 = arith.addi %mul3A_224, %add3A_225 : i32
      %slice3A = vector.extract_strided_slice %get3A_217 {offsets = [0], sizes = [1], strides = [1]} : vector<16xf32> to vector<1xf32>
      %squeeze3A = vector.extract %slice3A[0] : f32 from vector<1xf32>
      %slice3A_227 = vector.extract_strided_slice %get3A_222 {offsets = [0], sizes = [1], strides = [1]} : vector<16xf32> to vector<1xf32>
      %squeeze3A_228 = vector.extract %slice3A_227[0] : f32 from vector<1xf32>
      %get3A_229 = arith.index_cast %add3A_226 : i32 to index
      %get3A_230 = arith.constant 0 : index
      %get3A_231 = tpu.vector_load %arg29[%get3A_229, %get3A_230] {strides = array<i32>} : memref<128x128xf32, #tpu.memory_space<vmem>>, vector<1x16xf32>,
      %get3A_232 = vector.shape_cast %get3A_231 : vector<1x16xf32> to vector<16xf32>
      %mul3A_233 = vector.broadcast %squeeze3A : f32 to vector<16xf32>
      %mul3A_234 = arith.mulf %get3A_232, %mul3A_233 : vector<16xf32>
      %get3A_235 = arith.index_cast %add3A_226 : i32 to index
      %get3A_236 = arith.constant 0 : index
      %get3A_237 = tpu.vector_load %arg31[%get3A_235, %get3A_236] {strides = array<i32>} : memref<128x128xf32, #tpu.memory_space<vmem>>, vector<1x16xf32>,
      %get3A_238 = vector.shape_cast %get3A_237 : vector<1x16xf32> to vector<16xf32>
      %mul3A_239 = vector.broadcast %squeeze3A_228 : f32 to vector<16xf32>
      %mul3A_240 = arith.mulf %get3A_238, %mul3A_239 : vector<16xf32>
      %add3A_241 = arith.addf %mul3A_234, %mul3A_240 : vector<16xf32>
      %swap3A = arith.index_cast %add3A_226 : i32 to index
      %swap3A_242 = arith.constant 0 : index
      %swap3A_243 = tpu.vector_load %arg33[%swap3A, %swap3A_242] {strides = array<i32>} : memref<128x32xf32, #tpu.memory_space<vmem>>, vector<1x16xf32>,
      %swap3A_244 = vector.shape_cast %swap3A_243 : vector<1x16xf32> to vector<16xf32>
      %swap3A_245 = vector.shape_cast %add3A_241 : vector<16xf32> to vector<1x16xf32>
      tpu.vector_store %arg33[%swap3A, %swap3A_242], %swap3A_245 {strides = array<i32>} : memref<128x32xf32, #tpu.memory_space<vmem>>, vector<1x16xf32>,
      %get3A_246 = arith.index_cast %add3A_226 : i32 to index
      %get3A_247 = arith.constant 16 : index
      %get3A_248 = tpu.vector_load %arg29[%get3A_246, %get3A_247] {strides = array<i32>} : memref<128x128xf32, #tpu.memory_space<vmem>>, vector<1x16xf32>,
      %get3A_249 = vector.shape_cast %get3A_248 : vector<1x16xf32> to vector<16xf32>
      %mul3A_250 = vector.broadcast %squeeze3A : f32 to vector<16xf32>
      %mul3A_251 = arith.mulf %get3A_249, %mul3A_250 : vector<16xf32>
      %get3A_252 = arith.index_cast %add3A_226 : i32 to index
      %get3A_253 = arith.constant 16 : index
      %get3A_254 = tpu.vector_load %arg31[%get3A_252, %get3A_253] {strides = array<i32>} : memref<128x128xf32, #tpu.memory_space<vmem>>, vector<1x16xf32>,
      %get3A_255 = vector.shape_cast %get3A_254 : vector<1x16xf32> to vector<16xf32>
      %mul3A_256 = vector.broadcast %squeeze3A_228 : f32 to vector<16xf32>
      %mul3A_257 = arith.mulf %get3A_255, %mul3A_256 : vector<16xf32>
      %add3A_258 = arith.addf %mul3A_251, %mul3A_257 : vector<16xf32>
      %swap3A_259 = arith.index_cast %add3A_226 : i32 to index
      %swap3A_260 = arith.constant 16 : index
      %swap3A_261 = tpu.vector_load %arg33[%swap3A_259, %swap3A_260] {strides = array<i32>} : memref<128x32xf32, #tpu.memory_space<vmem>>, vector<1x16xf32>,
      %swap3A_262 = vector.shape_cast %swap3A_261 : vector<1x16xf32> to vector<16xf32>
      %swap3A_263 = vector.shape_cast %add3A_258 : vector<16xf32> to vector<1x16xf32>
      tpu.vector_store %arg33[%swap3A_259, %swap3A_260], %swap3A_263 {strides = array<i32>} : memref<128x32xf32, #tpu.memory_space<vmem>>, vector<1x16xf32>,
      %mul3A_264 = arith.constant 16 : i32
      %mul3A_265 = arith.muli %scan3A_212, %mul3A_264 : i32
      %add3A_266 = arith.constant 1 : i32
      %add3A_267 = arith.addi %mul3A_265, %add3A_266 : i32
      %slice3A_268 = vector.extract_strided_slice %get3A_217 {offsets = [1], sizes = [1], strides = [1]} : vector<16xf32> to vector<1xf32>
      %squeeze3A_269 = vector.extract %slice3A_268[0] : f32 from vector<1xf32>
      %slice3A_270 = vector.extract_strided_slice %get3A_222 {offsets = [1], sizes = [1], strides = [1]} : vector<16xf32> to vector<1xf32>
      %squeeze3A_271 = vector.extract %slice3A_270[0] : f32 from vector<1xf32>
      %get3A_272 = arith.index_cast %add3A_267 : i32 to index
      %get3A_273 = arith.constant 0 : index
      %get3A_274 = tpu.vector_load %arg29[%get3A_272, %get3A_273] {strides = array<i32>} : memref<128x128xf32, #tpu.memory_space<vmem>>, vector<1x16xf32>,
      %get3A_275 = vector.shape_cast %get3A_274 : vector<1x16xf32> to vector<16xf32>
      %mul3A_276 = vector.broadcast %squeeze3A_269 : f32 to vector<16xf32>
      %mul3A_277 = arith.mulf %get3A_275, %mul3A_276 : vector<16xf32>
      %get3A_278 = arith.index_cast %add3A_267 : i32 to index
      %get3A_279 = arith.constant 0 : index
      %get3A_280 = tpu.vector_load %arg31[%get3A_278, %get3A_279] {strides = array<i32>} : memref<128x128xf32, #tpu.memory_space<vmem>>, vector<1x16xf32>,
      %get3A_281 = vector.shape_cast %get3A_280 : vector<1x16xf32> to vector<16xf32>
      %mul3A_282 = vector.broadcast %squeeze3A_271 : f32 to vector<16xf32>
      %mul3A_283 = arith.mulf %get3A_281, %mul3A_282 : vector<16xf32>
      %add3A_284 = arith.addf %mul3A_277, %mul3A_283 : vector<16xf32>
      %swap3A_285 = arith.index_cast %add3A_267 : i32 to index
      %swap3A_286 = arith.constant 0 : index
      %swap3A_287 = tpu.vector_load %arg33[%swap3A_285, %swap3A_286] {strides = array<i32>} : memref<128x32xf32, #tpu.memory_space<vmem>>, vector<1x16xf32>,
      %swap3A_288 = vector.shape_cast %swap3A_287 : vector<1x16xf32> to vector<16xf32>
      %swap3A_289 = vector.shape_cast %add3A_284 : vector<16xf32> to vector<1x16xf32>
      tpu.vector_store %arg33[%swap3A_285, %swap3A_286], %swap3A_289 {strides = array<i32>} : memref<128x32xf32, #tpu.memory_space<vmem>>, vector<1x16xf32>,
      %get3A_290 = arith.index_cast %add3A_267 : i32 to index
      %get3A_291 = arith.constant 16 : index
      %get3A_292 = tpu.vector_load %arg29[%get3A_290, %get3A_291] {strides = array<i32>} : memref<128x128xf32, #tpu.memory_space<vmem>>, vector<1x16xf32>,
      %get3A_293 = vector.shape_cast %get3A_292 : vector<1x16xf32> to vector<16xf32>
      %mul3A_294 = vector.broadcast %squeeze3A_269 : f32 to vector<16xf32>
      %mul3A_295 = arith.mulf %get3A_293, %mul3A_294 : vector<16xf32>
      %get3A_296 = arith.index_cast %add3A_267 : i32 to index
      %get3A_297 = arith.constant 16 : index
      %get3A_298 = tpu.vector_load %arg31[%get3A_296, %get3A_297] {strides = array<i32>} : memref<128x128xf32, #tpu.memory_space<vmem>>, vector<1x16xf32>,
      %get3A_299 = vector.shape_cast %get3A_298 : vector<1x16xf32> to vector<16xf32>
      %mul3A_300 = vector.broadcast %squeeze3A_271 : f32 to vector<16xf32>
      %mul3A_301 = arith.mulf %get3A_299, %mul3A_300 : vector<16xf32>
      %add3A_302 = arith.addf %mul3A_295, %mul3A_301 : vector<16xf32>
      %swap3A_303 = arith.index_cast %add3A_267 : i32 to index
      %swap3A_304 = arith.constant 16 : index
      %swap3A_305 = tpu.vector_load %arg33[%swap3A_303, %swap3A_304] {strides = array<i32>} : memref<128x32xf32, #tpu.memory_space<vmem>>, vector<1x16xf32>,
      %swap3A_306 = vector.shape_cast %swap3A_305 : vector<1x16xf32> to vector<16xf32>
      %swap3A_307 = vector.shape_cast %add3A_302 : vector<16xf32> to vector<1x16xf32>
      tpu.vector_store %arg33[%swap3A_303, %swap3A_304], %swap3A_307 {strides = array<i32>} : memref<128x32xf32, #tpu.memory_space<vmem>>, vector<1x16xf32>,
      %mul3A_308 = arith.constant 16 : i32
      %mul3A_309 = arith.muli %scan3A_212, %mul3A_308 : i32
      %add3A_310 = arith.constant 2 : i32
      %add3A_311 = arith.addi %mul3A_309, %add3A_310 : i32
      %slice3A_312 = vector.extract_strided_slice %get3A_217 {offsets = [2], sizes = [1], strides = [1]} : vector<16xf32> to vector<1xf32>
      %squeeze3A_313 = vector.extract %slice3A_312[0] : f32 from vector<1xf32>
      %slice3A_314 = vector.extract_strided_slice %get3A_222 {offsets = [2], sizes = [1], strides = [1]} : vector<16xf32> to vector<1xf32>
      %squeeze3A_315 = vector.extract %slice3A_314[0] : f32 from vector<1xf32>
      %get3A_316 = arith.index_cast %add3A_311 : i32 to index
      %get3A_317 = arith.constant 0 : index
      %get3A_318 = tpu.vector_load %arg29[%get3A_316, %get3A_317] {strides = array<i32>} : memref<128x128xf32, #tpu.memory_space<vmem>>, vector<1x16xf32>,
      %get3A_319 = vector.shape_cast %get3A_318 : vector<1x16xf32> to vector<16xf32>
      %mul3A_320 = vector.broadcast %squeeze3A_313 : f32 to vector<16xf32>
      %mul3A_321 = arith.mulf %get3A_319, %mul3A_320 : vector<16xf32>
      %get3A_322 = arith.index_cast %add3A_311 : i32 to index
      %get3A_323 = arith.constant 0 : index
      %get3A_324 = tpu.vector_load %arg31[%get3A_322, %get3A_323] {strides = array<i32>} : memref<128x128xf32, #tpu.memory_space<vmem>>, vector<1x16xf32>,
      %get3A_325 = vector.shape_cast %get3A_324 : vector<1x16xf32> to vector<16xf32>
      %mul3A_326 = vector.broadcast %squeeze3A_315 : f32 to vector<16xf32>
      %mul3A_327 = arith.mulf %get3A_325, %mul3A_326 : vector<16xf32>
      %add3A_328 = arith.addf %mul3A_321, %mul3A_327 : vector<16xf32>
      %swap3A_329 = arith.index_cast %add3A_311 : i32 to index
      %swap3A_330 = arith.constant 0 : index
      %swap3A_331 = tpu.vector_load %arg33[%swap3A_329, %swap3A_330] {strides = array<i32>} : memref<128x32xf32, #tpu.memory_space<vmem>>, vector<1x16xf32>,
      %swap3A_332 = vector.shape_cast %swap3A_331 : vector<1x16xf32> to vector<16xf32>
      %swap3A_333 = vector.shape_cast %add3A_328 : vector<16xf32> to vector<1x16xf32>
      tpu.vector_store %arg33[%swap3A_329, %swap3A_330], %swap3A_333 {strides = array<i32>} : memref<128x32xf32, #tpu.memory_space<vmem>>, vector<1x16xf32>,
      %get3A_334 = arith.index_cast %add3A_311 : i32 to index
      %get3A_335 = arith.constant 16 : index
      %get3A_336 = tpu.vector_load %arg29[%get3A_334, %get3A_335] {strides = array<i32>} : memref<128x128xf32, #tpu.memory_space<vmem>>, vector<1x16xf32>,
      %get3A_337 = vector.shape_cast %get3A_336 : vector<1x16xf32> to vector<16xf32>
      %mul3A_338 = vector.broadcast %squeeze3A_313 : f32 to vector<16xf32>
      %mul3A_339 = arith.mulf %get3A_337, %mul3A_338 : vector<16xf32>
      %get3A_340 = arith.index_cast %add3A_311 : i32 to index
      %get3A_341 = arith.constant 16 : index
      %get3A_342 = tpu.vector_load %arg31[%get3A_340, %get3A_341] {strides = array<i32>} : memref<128x128xf32, #tpu.memory_space<vmem>>, vector<1x16xf32>,
      %get3A_343 = vector.shape_cast %get3A_342 : vector<1x16xf32> to vector<16xf32>
      %mul3A_344 = vector.broadcast %squeeze3A_315 : f32 to vector<16xf32>
      %mul3A_345 = arith.mulf %get3A_343, %mul3A_344 : vector<16xf32>
      %add3A_346 = arith.addf %mul3A_339, %mul3A_345 : vector<16xf32>
      %swap3A_347 = arith.index_cast %add3A_311 : i32 to index
      %swap3A_348 = arith.constant 16 : index
      %swap3A_349 = tpu.vector_load %arg33[%swap3A_347, %swap3A_348] {strides = array<i32>} : memref<128x32xf32, #tpu.memory_space<vmem>>, vector<1x16xf32>,
      %swap3A_350 = vector.shape_cast %swap3A_349 : vector<1x16xf32> to vector<16xf32>
      %swap3A_351 = vector.shape_cast %add3A_346 : vector<16xf32> to vector<1x16xf32>
      tpu.vector_store %arg33[%swap3A_347, %swap3A_348], %swap3A_351 {strides = array<i32>} : memref<128x32xf32, #tpu.memory_space<vmem>>, vector<1x16xf32>,
      %mul3A_352 = arith.constant 16 : i32
      %mul3A_353 = arith.muli %scan3A_212, %mul3A_352 : i32
      %add3A_354 = arith.constant 3 : i32
      %add3A_355 = arith.addi %mul3A_353, %add3A_354 : i32
      %slice3A_356 = vector.extract_strided_slice %get3A_217 {offsets = [3], sizes = [1], strides = [1]} : vector<16xf32> to vector<1xf32>
      %squeeze3A_357 = vector.extract %slice3A_356[0] : f32 from vector<1xf32>
      %slice3A_358 = vector.extract_strided_slice %get3A_222 {offsets = [3], sizes = [1], strides = [1]} : vector<16xf32> to vector<1xf32>
      %squeeze3A_359 = vector.extract %slice3A_358[0] : f32 from vector<1xf32>
      %get3A_360 = arith.index_cast %add3A_355 : i32 to index
      %get3A_361 = arith.constant 0 : index
      %get3A_362 = tpu.vector_load %arg29[%get3A_360, %get3A_361] {strides = array<i32>} : memref<128x128xf32, #tpu.memory_space<vmem>>, vector<1x16xf32>,
      %get3A_363 = vector.shape_cast %get3A_362 : vector<1x16xf32> to vector<16xf32>
      %mul3A_364 = vector.broadcast %squeeze3A_357 : f32 to vector<16xf32>
      %mul3A_365 = arith.mulf %get3A_363, %mul3A_364 : vector<16xf32>
      %get3A_366 = arith.index_cast %add3A_355 : i32 to index
      %get3A_367 = arith.constant 0 : index
      %get3A_368 = tpu.vector_load %arg31[%get3A_366, %get3A_367] {strides = array<i32>} : memref<128x128xf32, #tpu.memory_space<vmem>>, vector<1x16xf32>,
      %get3A_369 = vector.shape_cast %get3A_368 : vector<1x16xf32> to vector<16xf32>
      %mul3A_370 = vector.broadcast %squeeze3A_359 : f32 to vector<16xf32>
      %mul3A_371 = arith.mulf %get3A_369, %mul3A_370 : vector<16xf32>
      %add3A_372 = arith.addf %mul3A_365, %mul3A_371 : vector<16xf32>
      %swap3A_373 = arith.index_cast %add3A_355 : i32 to index
      %swap3A_374 = arith.constant 0 : index
      %swap3A_375 = tpu.vector_load %arg33[%swap3A_373, %swap3A_374] {strides = array<i32>} : memref<128x32xf32, #tpu.memory_space<vmem>>, vector<1x16xf32>,
      %swap3A_376 = vector.shape_cast %swap3A_375 : vector<1x16xf32> to vector<16xf32>
      %swap3A_377 = vector.shape_cast %add3A_372 : vector<16xf32> to vector<1x16xf32>
      tpu.vector_store %arg33[%swap3A_373, %swap3A_374], %swap3A_377 {strides = array<i32>} : memref<128x32xf32, #tpu.memory_space<vmem>>, vector<1x16xf32>,
      %get3A_378 = arith.index_cast %add3A_355 : i32 to index
      %get3A_379 = arith.constant 16 : index
      %get3A_380 = tpu.vector_load %arg29[%get3A_378, %get3A_379] {strides = array<i32>} : memref<128x128xf32, #tpu.memory_space<vmem>>, vector<1x16xf32>,
      %get3A_381 = vector.shape_cast %get3A_380 : vector<1x16xf32> to vector<16xf32>
      %mul3A_382 = vector.broadcast %squeeze3A_357 : f32 to vector<16xf32>
      %mul3A_383 = arith.mulf %get3A_381, %mul3A_382 : vector<16xf32>
      %get3A_384 = arith.index_cast %add3A_355 : i32 to index
      %get3A_385 = arith.constant 16 : index
      %get3A_386 = tpu.vector_load %arg31[%get3A_384, %get3A_385] {strides = array<i32>} : memref<128x128xf32, #tpu.memory_space<vmem>>, vector<1x16xf32>,
      %get3A_387 = vector.shape_cast %get3A_386 : vector<1x16xf32> to vector<16xf32>
      %mul3A_388 = vector.broadcast %squeeze3A_359 : f32 to vector<16xf32>
      %mul3A_389 = arith.mulf %get3A_387, %mul3A_388 : vector<16xf32>
      %add3A_390 = arith.addf %mul3A_383, %mul3A_389 : vector<16xf32>
      %swap3A_391 = arith.index_cast %add3A_355 : i32 to index
      %swap3A_392 = arith.constant 16 : index
      %swap3A_393 = tpu.vector_load %arg33[%swap3A_391, %swap3A_392] {strides = array<i32>} : memref<128x32xf32, #tpu.memory_space<vmem>>, vector<1x16xf32>,
      %swap3A_394 = vector.shape_cast %swap3A_393 : vector<1x16xf32> to vector<16xf32>
      %swap3A_395 = vector.shape_cast %add3A_390 : vector<16xf32> to vector<1x16xf32>
      tpu.vector_store %arg33[%swap3A_391, %swap3A_392], %swap3A_395 {strides = array<i32>} : memref<128x32xf32, #tpu.memory_space<vmem>>, vector<1x16xf32>,
      %mul3A_396 = arith.constant 16 : i32
      %mul3A_397 = arith.muli %scan3A_212, %mul3A_396 : i32
      %add3A_398 = arith.constant 4 : i32
      %add3A_399 = arith.addi %mul3A_397, %add3A_398 : i32
      %slice3A_400 = vector.extract_strided_slice %get3A_217 {offsets = [4], sizes = [1], strides = [1]} : vector<16xf32> to vector<1xf32>
      %squeeze3A_401 = vector.extract %slice3A_400[0] : f32 from vector<1xf32>
      %slice3A_402 = vector.extract_strided_slice %get3A_222 {offsets = [4], sizes = [1], strides = [1]} : vector<16xf32> to vector<1xf32>
      %squeeze3A_403 = vector.extract %slice3A_402[0] : f32 from vector<1xf32>
      %get3A_404 = arith.index_cast %add3A_399 : i32 to index
      %get3A_405 = arith.constant 0 : index
      %get3A_406 = tpu.vector_load %arg29[%get3A_404, %get3A_405] {strides = array<i32>} : memref<128x128xf32, #tpu.memory_space<vmem>>, vector<1x16xf32>,
      %get3A_407 = vector.shape_cast %get3A_406 : vector<1x16xf32> to vector<16xf32>
      %mul3A_408 = vector.broadcast %squeeze3A_401 : f32 to vector<16xf32>
      %mul3A_409 = arith.mulf %get3A_407, %mul3A_408 : vector<16xf32>
      %get3A_410 = arith.index_cast %add3A_399 : i32 to index
      %get3A_411 = arith.constant 0 : index
      %get3A_412 = tpu.vector_load %arg31[%get3A_410, %get3A_411] {strides = array<i32>} : memref<128x128xf32, #tpu.memory_space<vmem>>, vector<1x16xf32>,
      %get3A_413 = vector.shape_cast %get3A_412 : vector<1x16xf32> to vector<16xf32>
      %mul3A_414 = vector.broadcast %squeeze3A_403 : f32 to vector<16xf32>
      %mul3A_415 = arith.mulf %get3A_413, %mul3A_414 : vector<16xf32>
      %add3A_416 = arith.addf %mul3A_409, %mul3A_415 : vector<16xf32>
      %swap3A_417 = arith.index_cast %add3A_399 : i32 to index
      %swap3A_418 = arith.constant 0 : index
      %swap3A_419 = tpu.vector_load %arg33[%swap3A_417, %swap3A_418] {strides = array<i32>} : memref<128x32xf32, #tpu.memory_space<vmem>>, vector<1x16xf32>,
      %swap3A_420 = vector.shape_cast %swap3A_419 : vector<1x16xf32> to vector<16xf32>
      %swap3A_421 = vector.shape_cast %add3A_416 : vector<16xf32> to vector<1x16xf32>
      tpu.vector_store %arg33[%swap3A_417, %swap3A_418], %swap3A_421 {strides = array<i32>} : memref<128x32xf32, #tpu.memory_space<vmem>>, vector<1x16xf32>,
      %get3A_422 = arith.index_cast %add3A_399 : i32 to index
      %get3A_423 = arith.constant 16 : index
      %get3A_424 = tpu.vector_load %arg29[%get3A_422, %get3A_423] {strides = array<i32>} : memref<128x128xf32, #tpu.memory_space<vmem>>, vector<1x16xf32>,
      %get3A_425 = vector.shape_cast %get3A_424 : vector<1x16xf32> to vector<16xf32>
      %mul3A_426 = vector.broadcast %squeeze3A_401 : f32 to vector<16xf32>
      %mul3A_427 = arith.mulf %get3A_425, %mul3A_426 : vector<16xf32>
      %get3A_428 = arith.index_cast %add3A_399 : i32 to index
      %get3A_429 = arith.constant 16 : index
      %get3A_430 = tpu.vector_load %arg31[%get3A_428, %get3A_429] {strides = array<i32>} : memref<128x128xf32, #tpu.memory_space<vmem>>, vector<1x16xf32>,
      %get3A_431 = vector.shape_cast %get3A_430 : vector<1x16xf32> to vector<16xf32>
      %mul3A_432 = vector.broadcast %squeeze3A_403 : f32 to vector<16xf32>
      %mul3A_433 = arith.mulf %get3A_431, %mul3A_432 : vector<16xf32>
      %add3A_434 = arith.addf %mul3A_427, %mul3A_433 : vector<16xf32>
      %swap3A_435 = arith.index_cast %add3A_399 : i32 to index
      %swap3A_436 = arith.constant 16 : index
      %swap3A_437 = tpu.vector_load %arg33[%swap3A_435, %swap3A_436] {strides = array<i32>} : memref<128x32xf32, #tpu.memory_space<vmem>>, vector<1x16xf32>,
      %swap3A_438 = vector.shape_cast %swap3A_437 : vector<1x16xf32> to vector<16xf32>
      %swap3A_439 = vector.shape_cast %add3A_434 : vector<16xf32> to vector<1x16xf32>
      tpu.vector_store %arg33[%swap3A_435, %swap3A_436], %swap3A_439 {strides = array<i32>} : memref<128x32xf32, #tpu.memory_space<vmem>>, vector<1x16xf32>,
      %mul3A_440 = arith.constant 16 : i32
      %mul3A_441 = arith.muli %scan3A_212, %mul3A_440 : i32
      %add3A_442 = arith.constant 5 : i32
      %add3A_443 = arith.addi %mul3A_441, %add3A_442 : i32
      %slice3A_444 = vector.extract_strided_slice %get3A_217 {offsets = [5], sizes = [1], strides = [1]} : vector<16xf32> to vector<1xf32>
      %squeeze3A_445 = vector.extract %slice3A_444[0] : f32 from vector<1xf32>
      %slice3A_446 = vector.extract_strided_slice %get3A_222 {offsets = [5], sizes = [1], strides = [1]} : vector<16xf32> to vector<1xf32>
      %squeeze3A_447 = vector.extract %slice3A_446[0] : f32 from vector<1xf32>
      %get3A_448 = arith.index_cast %add3A_443 : i32 to index
      %get3A_449 = arith.constant 0 : index
      %get3A_450 = tpu.vector_load %arg29[%get3A_448, %get3A_449] {strides = array<i32>} : memref<128x128xf32, #tpu.memory_space<vmem>>, vector<1x16xf32>,
      %get3A_451 = vector.shape_cast %get3A_450 : vector<1x16xf32> to vector<16xf32>
      %mul3A_452 = vector.broadcast %squeeze3A_445 : f32 to vector<16xf32>
      %mul3A_453 = arith.mulf %get3A_451, %mul3A_452 : vector<16xf32>
      %get3A_454 = arith.index_cast %add3A_443 : i32 to index
      %get3A_455 = arith.constant 0 : index
      %get3A_456 = tpu.vector_load %arg31[%get3A_454, %get3A_455] {strides = array<i32>} : memref<128x128xf32, #tpu.memory_space<vmem>>, vector<1x16xf32>,
      %get3A_457 = vector.shape_cast %get3A_456 : vector<1x16xf32> to vector<16xf32>
      %mul3A_458 = vector.broadcast %squeeze3A_447 : f32 to vector<16xf32>
      %mul3A_459 = arith.mulf %get3A_457, %mul3A_458 : vector<16xf32>
      %add3A_460 = arith.addf %mul3A_453, %mul3A_459 : vector<16xf32>
      %swap3A_461 = arith.index_cast %add3A_443 : i32 to index
      %swap3A_462 = arith.constant 0 : index
      %swap3A_463 = tpu.vector_load %arg33[%swap3A_461, %swap3A_462] {strides = array<i32>} : memref<128x32xf32, #tpu.memory_space<vmem>>, vector<1x16xf32>,
      %swap3A_464 = vector.shape_cast %swap3A_463 : vector<1x16xf32> to vector<16xf32>
      %swap3A_465 = vector.shape_cast %add3A_460 : vector<16xf32> to vector<1x16xf32>
      tpu.vector_store %arg33[%swap3A_461, %swap3A_462], %swap3A_465 {strides = array<i32>} : memref<128x32xf32, #tpu.memory_space<vmem>>, vector<1x16xf32>,
      %get3A_466 = arith.index_cast %add3A_443 : i32 to index
      %get3A_467 = arith.constant 16 : index
      %get3A_468 = tpu.vector_load %arg29[%get3A_466, %get3A_467] {strides = array<i32>} : memref<128x128xf32, #tpu.memory_space<vmem>>, vector<1x16xf32>,
      %get3A_469 = vector.shape_cast %get3A_468 : vector<1x16xf32> to vector<16xf32>
      %mul3A_470 = vector.broadcast %squeeze3A_445 : f32 to vector<16xf32>
      %mul3A_471 = arith.mulf %get3A_469, %mul3A_470 : vector<16xf32>
      %get3A_472 = arith.index_cast %add3A_443 : i32 to index
      %get3A_473 = arith.constant 16 : index
      %get3A_474 = tpu.vector_load %arg31[%get3A_472, %get3A_473] {strides = array<i32>} : memref<128x128xf32, #tpu.memory_space<vmem>>, vector<1x16xf32>,
      %get3A_475 = vector.shape_cast %get3A_474 : vector<1x16xf32> to vector<16xf32>
      %mul3A_476 = vector.broadcast %squeeze3A_447 : f32 to vector<16xf32>
      %mul3A_477 = arith.mulf %get3A_475, %mul3A_476 : vector<16xf32>
      %add3A_478 = arith.addf %mul3A_471, %mul3A_477 : vector<16xf32>
      %swap3A_479 = arith.index_cast %add3A_443 : i32 to index
      %swap3A_480 = arith.constant 16 : index
      %swap3A_481 = tpu.vector_load %arg33[%swap3A_479, %swap3A_480] {strides = array<i32>} : memref<128x32xf32, #tpu.memory_space<vmem>>, vector<1x16xf32>,
      %swap3A_482 = vector.shape_cast %swap3A_481 : vector<1x16xf32> to vector<16xf32>
      %swap3A_483 = vector.shape_cast %add3A_478 : vector<16xf32> to vector<1x16xf32>
      tpu.vector_store %arg33[%swap3A_479, %swap3A_480], %swap3A_483 {strides = array<i32>} : memref<128x32xf32, #tpu.memory_space<vmem>>, vector<1x16xf32>,
      %mul3A_484 = arith.constant 16 : i32
      %mul3A_485 = arith.muli %scan3A_212, %mul3A_484 : i32
      %add3A_486 = arith.constant 6 : i32
      %add3A_487 = arith.addi %mul3A_485, %add3A_486 : i32
      %slice3A_488 = vector.extract_strided_slice %get3A_217 {offsets = [6], sizes = [1], strides = [1]} : vector<16xf32> to vector<1xf32>
      %squeeze3A_489 = vector.extract %slice3A_488[0] : f32 from vector<1xf32>
      %slice3A_490 = vector.extract_strided_slice %get3A_222 {offsets = [6], sizes = [1], strides = [1]} : vector<16xf32> to vector<1xf32>
      %squeeze3A_491 = vector.extract %slice3A_490[0] : f32 from vector<1xf32>
      %get3A_492 = arith.index_cast %add3A_487 : i32 to index
      %get3A_493 = arith.constant 0 : index
      %get3A_494 = tpu.vector_load %arg29[%get3A_492, %get3A_493] {strides = array<i32>} : memref<128x128xf32, #tpu.memory_space<vmem>>, vector<1x16xf32>,
      %get3A_495 = vector.shape_cast %get3A_494 : vector<1x16xf32> to vector<16xf32>
      %mul3A_496 = vector.broadcast %squeeze3A_489 : f32 to vector<16xf32>
      %mul3A_497 = arith.mulf %get3A_495, %mul3A_496 : vector<16xf32>
      %get3A_498 = arith.index_cast %add3A_487 : i32 to index
      %get3A_499 = arith.constant 0 : index
      %get3A_500 = tpu.vector_load %arg31[%get3A_498, %get3A_499] {strides = array<i32>} : memref<128x128xf32, #tpu.memory_space<vmem>>, vector<1x16xf32>,
      %get3A_501 = vector.shape_cast %get3A_500 : vector<1x16xf32> to vector<16xf32>
      %mul3A_502 = vector.broadcast %squeeze3A_491 : f32 to vector<16xf32>
      %mul3A_503 = arith.mulf %get3A_501, %mul3A_502 : vector<16xf32>
      %add3A_504 = arith.addf %mul3A_497, %mul3A_503 : vector<16xf32>
      %swap3A_505 = arith.index_cast %add3A_487 : i32 to index
      %swap3A_506 = arith.constant 0 : index
      %swap3A_507 = tpu.vector_load %arg33[%swap3A_505, %swap3A_506] {strides = array<i32>} : memref<128x32xf32, #tpu.memory_space<vmem>>, vector<1x16xf32>,
      %swap3A_508 = vector.shape_cast %swap3A_507 : vector<1x16xf32> to vector<16xf32>
      %swap3A_509 = vector.shape_cast %add3A_504 : vector<16xf32> to vector<1x16xf32>
      tpu.vector_store %arg33[%swap3A_505, %swap3A_506], %swap3A_509 {strides = array<i32>} : memref<128x32xf32, #tpu.memory_space<vmem>>, vector<1x16xf32>,
      %get3A_510 = arith.index_cast %add3A_487 : i32 to index
      %get3A_511 = arith.constant 16 : index
      %get3A_512 = tpu.vector_load %arg29[%get3A_510, %get3A_511] {strides = array<i32>} : memref<128x128xf32, #tpu.memory_space<vmem>>, vector<1x16xf32>,
      %get3A_513 = vector.shape_cast %get3A_512 : vector<1x16xf32> to vector<16xf32>
      %mul3A_514 = vector.broadcast %squeeze3A_489 : f32 to vector<16xf32>
      %mul3A_515 = arith.mulf %get3A_513, %mul3A_514 : vector<16xf32>
      %get3A_516 = arith.index_cast %add3A_487 : i32 to index
      %get3A_517 = arith.constant 16 : index
      %get3A_518 = tpu.vector_load %arg31[%get3A_516, %get3A_517] {strides = array<i32>} : memref<128x128xf32, #tpu.memory_space<vmem>>, vector<1x16xf32>,
      %get3A_519 = vector.shape_cast %get3A_518 : vector<1x16xf32> to vector<16xf32>
      %mul3A_520 = vector.broadcast %squeeze3A_491 : f32 to vector<16xf32>
      %mul3A_521 = arith.mulf %get3A_519, %mul3A_520 : vector<16xf32>
      %add3A_522 = arith.addf %mul3A_515, %mul3A_521 : vector<16xf32>
      %swap3A_523 = arith.index_cast %add3A_487 : i32 to index
      %swap3A_524 = arith.constant 16 : index
      %swap3A_525 = tpu.vector_load %arg33[%swap3A_523, %swap3A_524] {strides = array<i32>} : memref<128x32xf32, #tpu.memory_space<vmem>>, vector<1x16xf32>,
      %swap3A_526 = vector.shape_cast %swap3A_525 : vector<1x16xf32> to vector<16xf32>
      %swap3A_527 = vector.shape_cast %add3A_522 : vector<16xf32> to vector<1x16xf32>
      tpu.vector_store %arg33[%swap3A_523, %swap3A_524], %swap3A_527 {strides = array<i32>} : memref<128x32xf32, #tpu.memory_space<vmem>>, vector<1x16xf32>,
      %mul3A_528 = arith.constant 16 : i32
      %mul3A_529 = arith.muli %scan3A_212, %mul3A_528 : i32
      %add3A_530 = arith.constant 7 : i32
      %add3A_531 = arith.addi %mul3A_529, %add3A_530 : i32
      %slice3A_532 = vector.extract_strided_slice %get3A_217 {offsets = [7], sizes = [1], strides = [1]} : vector<16xf32> to vector<1xf32>
      %squeeze3A_533 = vector.extract %slice3A_532[0] : f32 from vector<1xf32>
      %slice3A_534 = vector.extract_strided_slice %get3A_222 {offsets = [7], sizes = [1], strides = [1]} : vector<16xf32> to vector<1xf32>
      %squeeze3A_535 = vector.extract %slice3A_534[0] : f32 from vector<1xf32>
      %get3A_536 = arith.index_cast %add3A_531 : i32 to index
      %get3A_537 = arith.constant 0 : index
      %get3A_538 = tpu.vector_load %arg29[%get3A_536, %get3A_537] {strides = array<i32>} : memref<128x128xf32, #tpu.memory_space<vmem>>, vector<1x16xf32>,
      %get3A_539 = vector.shape_cast %get3A_538 : vector<1x16xf32> to vector<16xf32>
      %mul3A_540 = vector.broadcast %squeeze3A_533 : f32 to vector<16xf32>
      %mul3A_541 = arith.mulf %get3A_539, %mul3A_540 : vector<16xf32>
      %get3A_542 = arith.index_cast %add3A_531 : i32 to index
      %get3A_543 = arith.constant 0 : index
      %get3A_544 = tpu.vector_load %arg31[%get3A_542, %get3A_543] {strides = array<i32>} : memref<128x128xf32, #tpu.memory_space<vmem>>, vector<1x16xf32>,
      %get3A_545 = vector.shape_cast %get3A_544 : vector<1x16xf32> to vector<16xf32>
      %mul3A_546 = vector.broadcast %squeeze3A_535 : f32 to vector<16xf32>
      %mul3A_547 = arith.mulf %get3A_545, %mul3A_546 : vector<16xf32>
      %add3A_548 = arith.addf %mul3A_541, %mul3A_547 : vector<16xf32>
      %swap3A_549 = arith.index_cast %add3A_531 : i32 to index
      %swap3A_550 = arith.constant 0 : index
      %swap3A_551 = tpu.vector_load %arg33[%swap3A_549, %swap3A_550] {strides = array<i32>} : memref<128x32xf32, #tpu.memory_space<vmem>>, vector<1x16xf32>,
      %swap3A_552 = vector.shape_cast %swap3A_551 : vector<1x16xf32> to vector<16xf32>
      %swap3A_553 = vector.shape_cast %add3A_548 : vector<16xf32> to vector<1x16xf32>
      tpu.vector_store %arg33[%swap3A_549, %swap3A_550], %swap3A_553 {strides = array<i32>} : memref<128x32xf32, #tpu.memory_space<vmem>>, vector<1x16xf32>,
      %get3A_554 = arith.index_cast %add3A_531 : i32 to index
      %get3A_555 = arith.constant 16 : index
      %get3A_556 = tpu.vector_load %arg29[%get3A_554, %get3A_555] {strides = array<i32>} : memref<128x128xf32, #tpu.memory_space<vmem>>, vector<1x16xf32>,
      %get3A_557 = vector.shape_cast %get3A_556 : vector<1x16xf32> to vector<16xf32>
      %mul3A_558 = vector.broadcast %squeeze3A_533 : f32 to vector<16xf32>
      %mul3A_559 = arith.mulf %get3A_557, %mul3A_558 : vector<16xf32>
      %get3A_560 = arith.index_cast %add3A_531 : i32 to index
      %get3A_561 = arith.constant 16 : index
      %get3A_562 = tpu.vector_load %arg31[%get3A_560, %get3A_561] {strides = array<i32>} : memref<128x128xf32, #tpu.memory_space<vmem>>, vector<1x16xf32>,
      %get3A_563 = vector.shape_cast %get3A_562 : vector<1x16xf32> to vector<16xf32>
      %mul3A_564 = vector.broadcast %squeeze3A_535 : f32 to vector<16xf32>
      %mul3A_565 = arith.mulf %get3A_563, %mul3A_564 : vector<16xf32>
      %add3A_566 = arith.addf %mul3A_559, %mul3A_565 : vector<16xf32>
      %swap3A_567 = arith.index_cast %add3A_531 : i32 to index
      %swap3A_568 = arith.constant 16 : index
      %swap3A_569 = tpu.vector_load %arg33[%swap3A_567, %swap3A_568] {strides = array<i32>} : memref<128x32xf32, #tpu.memory_space<vmem>>, vector<1x16xf32>,
      %swap3A_570 = vector.shape_cast %swap3A_569 : vector<1x16xf32> to vector<16xf32>
      %swap3A_571 = vector.shape_cast %add3A_566 : vector<16xf32> to vector<1x16xf32>
      tpu.vector_store %arg33[%swap3A_567, %swap3A_568], %swap3A_571 {strides = array<i32>} : memref<128x32xf32, #tpu.memory_space<vmem>>, vector<1x16xf32>,
      %mul3A_572 = arith.constant 16 : i32
      %mul3A_573 = arith.muli %scan3A_212, %mul3A_572 : i32
      %add3A_574 = arith.constant 8 : i32
      %add3A_575 = arith.addi %mul3A_573, %add3A_574 : i32
      %slice3A_576 = vector.extract_strided_slice %get3A_217 {offsets = [8], sizes = [1], strides = [1]} : vector<16xf32> to vector<1xf32>
      %squeeze3A_577 = vector.extract %slice3A_576[0] : f32 from vector<1xf32>
      %slice3A_578 = vector.extract_strided_slice %get3A_222 {offsets = [8], sizes = [1], strides = [1]} : vector<16xf32> to vector<1xf32>
      %squeeze3A_579 = vector.extract %slice3A_578[0] : f32 from vector<1xf32>
      %get3A_580 = arith.index_cast %add3A_575 : i32 to index
      %get3A_581 = arith.constant 0 : index
      %get3A_582 = tpu.vector_load %arg29[%get3A_580, %get3A_581] {strides = array<i32>} : memref<128x128xf32, #tpu.memory_space<vmem>>, vector<1x16xf32>,
      %get3A_583 = vector.shape_cast %get3A_582 : vector<1x16xf32> to vector<16xf32>
      %mul3A_584 = vector.broadcast %squeeze3A_577 : f32 to vector<16xf32>
      %mul3A_585 = arith.mulf %get3A_583, %mul3A_584 : vector<16xf32>
      %get3A_586 = arith.index_cast %add3A_575 : i32 to index
      %get3A_587 = arith.constant 0 : index
      %get3A_588 = tpu.vector_load %arg31[%get3A_586, %get3A_587] {strides = array<i32>} : memref<128x128xf32, #tpu.memory_space<vmem>>, vector<1x16xf32>,
      %get3A_589 = vector.shape_cast %get3A_588 : vector<1x16xf32> to vector<16xf32>
      %mul3A_590 = vector.broadcast %squeeze3A_579 : f32 to vector<16xf32>
      %mul3A_591 = arith.mulf %get3A_589, %mul3A_590 : vector<16xf32>
      %add3A_592 = arith.addf %mul3A_585, %mul3A_591 : vector<16xf32>
      %swap3A_593 = arith.index_cast %add3A_575 : i32 to index
      %swap3A_594 = arith.constant 0 : index
      %swap3A_595 = tpu.vector_load %arg33[%swap3A_593, %swap3A_594] {strides = array<i32>} : memref<128x32xf32, #tpu.memory_space<vmem>>, vector<1x16xf32>,
      %swap3A_596 = vector.shape_cast %swap3A_595 : vector<1x16xf32> to vector<16xf32>
      %swap3A_597 = vector.shape_cast %add3A_592 : vector<16xf32> to vector<1x16xf32>
      tpu.vector_store %arg33[%swap3A_593, %swap3A_594], %swap3A_597 {strides = array<i32>} : memref<128x32xf32, #tpu.memory_space<vmem>>, vector<1x16xf32>,
      %get3A_598 = arith.index_cast %add3A_575 : i32 to index
      %get3A_599 = arith.constant 16 : index
      %get3A_600 = tpu.vector_load %arg29[%get3A_598, %get3A_599] {strides = array<i32>} : memref<128x128xf32, #tpu.memory_space<vmem>>, vector<1x16xf32>,
      %get3A_601 = vector.shape_cast %get3A_600 : vector<1x16xf32> to vector<16xf32>
      %mul3A_602 = vector.broadcast %squeeze3A_577 : f32 to vector<16xf32>
      %mul3A_603 = arith.mulf %get3A_601, %mul3A_602 : vector<16xf32>
      %get3A_604 = arith.index_cast %add3A_575 : i32 to index
      %get3A_605 = arith.constant 16 : index
      %get3A_606 = tpu.vector_load %arg31[%get3A_604, %get3A_605] {strides = array<i32>} : memref<128x128xf32, #tpu.memory_space<vmem>>, vector<1x16xf32>,
      %get3A_607 = vector.shape_cast %get3A_606 : vector<1x16xf32> to vector<16xf32>
      %mul3A_608 = vector.broadcast %squeeze3A_579 : f32 to vector<16xf32>
      %mul3A_609 = arith.mulf %get3A_607, %mul3A_608 : vector<16xf32>
      %add3A_610 = arith.addf %mul3A_603, %mul3A_609 : vector<16xf32>
      %swap3A_611 = arith.index_cast %add3A_575 : i32 to index
      %swap3A_612 = arith.constant 16 : index
      %swap3A_613 = tpu.vector_load %arg33[%swap3A_611, %swap3A_612] {strides = array<i32>} : memref<128x32xf32, #tpu.memory_space<vmem>>, vector<1x16xf32>,
      %swap3A_614 = vector.shape_cast %swap3A_613 : vector<1x16xf32> to vector<16xf32>
      %swap3A_615 = vector.shape_cast %add3A_610 : vector<16xf32> to vector<1x16xf32>
      tpu.vector_store %arg33[%swap3A_611, %swap3A_612], %swap3A_615 {strides = array<i32>} : memref<128x32xf32, #tpu.memory_space<vmem>>, vector<1x16xf32>,
      %mul3A_616 = arith.constant 16 : i32
      %mul3A_617 = arith.muli %scan3A_212, %mul3A_616 : i32
      %add3A_618 = arith.constant 9 : i32
      %add3A_619 = arith.addi %mul3A_617, %add3A_618 : i32
      %slice3A_620 = vector.extract_strided_slice %get3A_217 {offsets = [9], sizes = [1], strides = [1]} : vector<16xf32> to vector<1xf32>
      %squeeze3A_621 = vector.extract %slice3A_620[0] : f32 from vector<1xf32>
      %slice3A_622 = vector.extract_strided_slice %get3A_222 {offsets = [9], sizes = [1], strides = [1]} : vector<16xf32> to vector<1xf32>
      %squeeze3A_623 = vector.extract %slice3A_622[0] : f32 from vector<1xf32>
      %get3A_624 = arith.index_cast %add3A_619 : i32 to index
      %get3A_625 = arith.constant 0 : index
      %get3A_626 = tpu.vector_load %arg29[%get3A_624, %get3A_625] {strides = array<i32>} : memref<128x128xf32, #tpu.memory_space<vmem>>, vector<1x16xf32>,
      %get3A_627 = vector.shape_cast %get3A_626 : vector<1x16xf32> to vector<16xf32>
      %mul3A_628 = vector.broadcast %squeeze3A_621 : f32 to vector<16xf32>
      %mul3A_629 = arith.mulf %get3A_627, %mul3A_628 : vector<16xf32>
      %get3A_630 = arith.index_cast %add3A_619 : i32 to index
      %get3A_631 = arith.constant 0 : index
      %get3A_632 = tpu.vector_load %arg31[%get3A_630, %get3A_631] {strides = array<i32>} : memref<128x128xf32, #tpu.memory_space<vmem>>, vector<1x16xf32>,
      %get3A_633 = vector.shape_cast %get3A_632 : vector<1x16xf32> to vector<16xf32>
      %mul3A_634 = vector.broadcast %squeeze3A_623 : f32 to vector<16xf32>
      %mul3A_635 = arith.mulf %get3A_633, %mul3A_634 : vector<16xf32>
      %add3A_636 = arith.addf %mul3A_629, %mul3A_635 : vector<16xf32>
      %swap3A_637 = arith.index_cast %add3A_619 : i32 to index
      %swap3A_638 = arith.constant 0 : index
      %swap3A_639 = tpu.vector_load %arg33[%swap3A_637, %swap3A_638] {strides = array<i32>} : memref<128x32xf32, #tpu.memory_space<vmem>>, vector<1x16xf32>,
      %swap3A_640 = vector.shape_cast %swap3A_639 : vector<1x16xf32> to vector<16xf32>
      %swap3A_641 = vector.shape_cast %add3A_636 : vector<16xf32> to vector<1x16xf32>
      tpu.vector_store %arg33[%swap3A_637, %swap3A_638], %swap3A_641 {strides = array<i32>} : memref<128x32xf32, #tpu.memory_space<vmem>>, vector<1x16xf32>,
      %get3A_642 = arith.index_cast %add3A_619 : i32 to index
      %get3A_643 = arith.constant 16 : index
      %get3A_644 = tpu.vector_load %arg29[%get3A_642, %get3A_643] {strides = array<i32>} : memref<128x128xf32, #tpu.memory_space<vmem>>, vector<1x16xf32>,
      %get3A_645 = vector.shape_cast %get3A_644 : vector<1x16xf32> to vector<16xf32>
      %mul3A_646 = vector.broadcast %squeeze3A_621 : f32 to vector<16xf32>
      %mul3A_647 = arith.mulf %get3A_645, %mul3A_646 : vector<16xf32>
      %get3A_648 = arith.index_cast %add3A_619 : i32 to index
      %get3A_649 = arith.constant 16 : index
      %get3A_650 = tpu.vector_load %arg31[%get3A_648, %get3A_649] {strides = array<i32>} : memref<128x128xf32, #tpu.memory_space<vmem>>, vector<1x16xf32>,
      %get3A_651 = vector.shape_cast %get3A_650 : vector<1x16xf32> to vector<16xf32>
      %mul3A_652 = vector.broadcast %squeeze3A_623 : f32 to vector<16xf32>
      %mul3A_653 = arith.mulf %get3A_651, %mul3A_652 : vector<16xf32>
      %add3A_654 = arith.addf %mul3A_647, %mul3A_653 : vector<16xf32>
      %swap3A_655 = arith.index_cast %add3A_619 : i32 to index
      %swap3A_656 = arith.constant 16 : index
      %swap3A_657 = tpu.vector_load %arg33[%swap3A_655, %swap3A_656] {strides = array<i32>} : memref<128x32xf32, #tpu.memory_space<vmem>>, vector<1x16xf32>,
      %swap3A_658 = vector.shape_cast %swap3A_657 : vector<1x16xf32> to vector<16xf32>
      %swap3A_659 = vector.shape_cast %add3A_654 : vector<16xf32> to vector<1x16xf32>
      tpu.vector_store %arg33[%swap3A_655, %swap3A_656], %swap3A_659 {strides = array<i32>} : memref<128x32xf32, #tpu.memory_space<vmem>>, vector<1x16xf32>,
      %mul3A_660 = arith.constant 16 : i32
      %mul3A_661 = arith.muli %scan3A_212, %mul3A_660 : i32
      %add3A_662 = arith.constant 10 : i32
      %add3A_663 = arith.addi %mul3A_661, %add3A_662 : i32
      %slice3A_664 = vector.extract_strided_slice %get3A_217 {offsets = [10], sizes = [1], strides = [1]} : vector<16xf32> to vector<1xf32>
      %squeeze3A_665 = vector.extract %slice3A_664[0] : f32 from vector<1xf32>
      %slice3A_666 = vector.extract_strided_slice %get3A_222 {offsets = [10], sizes = [1], strides = [1]} : vector<16xf32> to vector<1xf32>
      %squeeze3A_667 = vector.extract %slice3A_666[0] : f32 from vector<1xf32>
      %get3A_668 = arith.index_cast %add3A_663 : i32 to index
      %get3A_669 = arith.constant 0 : index
      %get3A_670 = tpu.vector_load %arg29[%get3A_668, %get3A_669] {strides = array<i32>} : memref<128x128xf32, #tpu.memory_space<vmem>>, vector<1x16xf32>,
      %get3A_671 = vector.shape_cast %get3A_670 : vector<1x16xf32> to vector<16xf32>
      %mul3A_672 = vector.broadcast %squeeze3A_665 : f32 to vector<16xf32>
      %mul3A_673 = arith.mulf %get3A_671, %mul3A_672 : vector<16xf32>
      %get3A_674 = arith.index_cast %add3A_663 : i32 to index
      %get3A_675 = arith.constant 0 : index
      %get3A_676 = tpu.vector_load %arg31[%get3A_674, %get3A_675] {strides = array<i32>} : memref<128x128xf32, #tpu.memory_space<vmem>>, vector<1x16xf32>,
      %get3A_677 = vector.shape_cast %get3A_676 : vector<1x16xf32> to vector<16xf32>
      %mul3A_678 = vector.broadcast %squeeze3A_667 : f32 to vector<16xf32>
      %mul3A_679 = arith.mulf %get3A_677, %mul3A_678 : vector<16xf32>
      %add3A_680 = arith.addf %mul3A_673, %mul3A_679 : vector<16xf32>
      %swap3A_681 = arith.index_cast %add3A_663 : i32 to index
      %swap3A_682 = arith.constant 0 : index
      %swap3A_683 = tpu.vector_load %arg33[%swap3A_681, %swap3A_682] {strides = array<i32>} : memref<128x32xf32, #tpu.memory_space<vmem>>, vector<1x16xf32>,
      %swap3A_684 = vector.shape_cast %swap3A_683 : vector<1x16xf32> to vector<16xf32>
      %swap3A_685 = vector.shape_cast %add3A_680 : vector<16xf32> to vector<1x16xf32>
      tpu.vector_store %arg33[%swap3A_681, %swap3A_682], %swap3A_685 {strides = array<i32>} : memref<128x32xf32, #tpu.memory_space<vmem>>, vector<1x16xf32>,
      %get3A_686 = arith.index_cast %add3A_663 : i32 to index
      %get3A_687 = arith.constant 16 : index
      %get3A_688 = tpu.vector_load %arg29[%get3A_686, %get3A_687] {strides = array<i32>} : memref<128x128xf32, #tpu.memory_space<vmem>>, vector<1x16xf32>,
      %get3A_689 = vector.shape_cast %get3A_688 : vector<1x16xf32> to vector<16xf32>
      %mul3A_690 = vector.broadcast %squeeze3A_665 : f32 to vector<16xf32>
      %mul3A_691 = arith.mulf %get3A_689, %mul3A_690 : vector<16xf32>
      %get3A_692 = arith.index_cast %add3A_663 : i32 to index
      %get3A_693 = arith.constant 16 : index
      %get3A_694 = tpu.vector_load %arg31[%get3A_692, %get3A_693] {strides = array<i32>} : memref<128x128xf32, #tpu.memory_space<vmem>>, vector<1x16xf32>,
      %get3A_695 = vector.shape_cast %get3A_694 : vector<1x16xf32> to vector<16xf32>
      %mul3A_696 = vector.broadcast %squeeze3A_667 : f32 to vector<16xf32>
      %mul3A_697 = arith.mulf %get3A_695, %mul3A_696 : vector<16xf32>
      %add3A_698 = arith.addf %mul3A_691, %mul3A_697 : vector<16xf32>
      %swap3A_699 = arith.index_cast %add3A_663 : i32 to index
      %swap3A_700 = arith.constant 16 : index
      %swap3A_701 = tpu.vector_load %arg33[%swap3A_699, %swap3A_700] {strides = array<i32>} : memref<128x32xf32, #tpu.memory_space<vmem>>, vector<1x16xf32>,
      %swap3A_702 = vector.shape_cast %swap3A_701 : vector<1x16xf32> to vector<16xf32>
      %swap3A_703 = vector.shape_cast %add3A_698 : vector<16xf32> to vector<1x16xf32>
      tpu.vector_store %arg33[%swap3A_699, %swap3A_700], %swap3A_703 {strides = array<i32>} : memref<128x32xf32, #tpu.memory_space<vmem>>, vector<1x16xf32>,
      %mul3A_704 = arith.constant 16 : i32
      %mul3A_705 = arith.muli %scan3A_212, %mul3A_704 : i32
      %add3A_706 = arith.constant 11 : i32
      %add3A_707 = arith.addi %mul3A_705, %add3A_706 : i32
      %slice3A_708 = vector.extract_strided_slice %get3A_217 {offsets = [11], sizes = [1], strides = [1]} : vector<16xf32> to vector<1xf32>
      %squeeze3A_709 = vector.extract %slice3A_708[0] : f32 from vector<1xf32>
      %slice3A_710 = vector.extract_strided_slice %get3A_222 {offsets = [11], sizes = [1], strides = [1]} : vector<16xf32> to vector<1xf32>
      %squeeze3A_711 = vector.extract %slice3A_710[0] : f32 from vector<1xf32>
      %get3A_712 = arith.index_cast %add3A_707 : i32 to index
      %get3A_713 = arith.constant 0 : index
      %get3A_714 = tpu.vector_load %arg29[%get3A_712, %get3A_713] {strides = array<i32>} : memref<128x128xf32, #tpu.memory_space<vmem>>, vector<1x16xf32>,
      %get3A_715 = vector.shape_cast %get3A_714 : vector<1x16xf32> to vector<16xf32>
      %mul3A_716 = vector.broadcast %squeeze3A_709 : f32 to vector<16xf32>
      %mul3A_717 = arith.mulf %get3A_715, %mul3A_716 : vector<16xf32>
      %get3A_718 = arith.index_cast %add3A_707 : i32 to index
      %get3A_719 = arith.constant 0 : index
      %get3A_720 = tpu.vector_load %arg31[%get3A_718, %get3A_719] {strides = array<i32>} : memref<128x128xf32, #tpu.memory_space<vmem>>, vector<1x16xf32>,
      %get3A_721 = vector.shape_cast %get3A_720 : vector<1x16xf32> to vector<16xf32>
      %mul3A_722 = vector.broadcast %squeeze3A_711 : f32 to vector<16xf32>
      %mul3A_723 = arith.mulf %get3A_721, %mul3A_722 : vector<16xf32>
      %add3A_724 = arith.addf %mul3A_717, %mul3A_723 : vector<16xf32>
      %swap3A_725 = arith.index_cast %add3A_707 : i32 to index
      %swap3A_726 = arith.constant 0 : index
      %swap3A_727 = tpu.vector_load %arg33[%swap3A_725, %swap3A_726] {strides = array<i32>} : memref<128x32xf32, #tpu.memory_space<vmem>>, vector<1x16xf32>,
      %swap3A_728 = vector.shape_cast %swap3A_727 : vector<1x16xf32> to vector<16xf32>
      %swap3A_729 = vector.shape_cast %add3A_724 : vector<16xf32> to vector<1x16xf32>
      tpu.vector_store %arg33[%swap3A_725, %swap3A_726], %swap3A_729 {strides = array<i32>} : memref<128x32xf32, #tpu.memory_space<vmem>>, vector<1x16xf32>,
      %get3A_730 = arith.index_cast %add3A_707 : i32 to index
      %get3A_731 = arith.constant 16 : index
      %get3A_732 = tpu.vector_load %arg29[%get3A_730, %get3A_731] {strides = array<i32>} : memref<128x128xf32, #tpu.memory_space<vmem>>, vector<1x16xf32>,
      %get3A_733 = vector.shape_cast %get3A_732 : vector<1x16xf32> to vector<16xf32>
      %mul3A_734 = vector.broadcast %squeeze3A_709 : f32 to vector<16xf32>
      %mul3A_735 = arith.mulf %get3A_733, %mul3A_734 : vector<16xf32>
      %get3A_736 = arith.index_cast %add3A_707 : i32 to index
      %get3A_737 = arith.constant 16 : index
      %get3A_738 = tpu.vector_load %arg31[%get3A_736, %get3A_737] {strides = array<i32>} : memref<128x128xf32, #tpu.memory_space<vmem>>, vector<1x16xf32>,
      %get3A_739 = vector.shape_cast %get3A_738 : vector<1x16xf32> to vector<16xf32>
      %mul3A_740 = vector.broadcast %squeeze3A_711 : f32 to vector<16xf32>
      %mul3A_741 = arith.mulf %get3A_739, %mul3A_740 : vector<16xf32>
      %add3A_742 = arith.addf %mul3A_735, %mul3A_741 : vector<16xf32>
      %swap3A_743 = arith.index_cast %add3A_707 : i32 to index
      %swap3A_744 = arith.constant 16 : index
      %swap3A_745 = tpu.vector_load %arg33[%swap3A_743, %swap3A_744] {strides = array<i32>} : memref<128x32xf32, #tpu.memory_space<vmem>>, vector<1x16xf32>,
      %swap3A_746 = vector.shape_cast %swap3A_745 : vector<1x16xf32> to vector<16xf32>
      %swap3A_747 = vector.shape_cast %add3A_742 : vector<16xf32> to vector<1x16xf32>
      tpu.vector_store %arg33[%swap3A_743, %swap3A_744], %swap3A_747 {strides = array<i32>} : memref<128x32xf32, #tpu.memory_space<vmem>>, vector<1x16xf32>,
      %mul3A_748 = arith.constant 16 : i32
      %mul3A_749 = arith.muli %scan3A_212, %mul3A_748 : i32
      %add3A_750 = arith.constant 12 : i32
      %add3A_751 = arith.addi %mul3A_749, %add3A_750 : i32
      %slice3A_752 = vector.extract_strided_slice %get3A_217 {offsets = [12], sizes = [1], strides = [1]} : vector<16xf32> to vector<1xf32>
      %squeeze3A_753 = vector.extract %slice3A_752[0] : f32 from vector<1xf32>
      %slice3A_754 = vector.extract_strided_slice %get3A_222 {offsets = [12], sizes = [1], strides = [1]} : vector<16xf32> to vector<1xf32>
      %squeeze3A_755 = vector.extract %slice3A_754[0] : f32 from vector<1xf32>
      %get3A_756 = arith.index_cast %add3A_751 : i32 to index
      %get3A_757 = arith.constant 0 : index
      %get3A_758 = tpu.vector_load %arg29[%get3A_756, %get3A_757] {strides = array<i32>} : memref<128x128xf32, #tpu.memory_space<vmem>>, vector<1x16xf32>,
      %get3A_759 = vector.shape_cast %get3A_758 : vector<1x16xf32> to vector<16xf32>
      %mul3A_760 = vector.broadcast %squeeze3A_753 : f32 to vector<16xf32>
      %mul3A_761 = arith.mulf %get3A_759, %mul3A_760 : vector<16xf32>
      %get3A_762 = arith.index_cast %add3A_751 : i32 to index
      %get3A_763 = arith.constant 0 : index
      %get3A_764 = tpu.vector_load %arg31[%get3A_762, %get3A_763] {strides = array<i32>} : memref<128x128xf32, #tpu.memory_space<vmem>>, vector<1x16xf32>,
      %get3A_765 = vector.shape_cast %get3A_764 : vector<1x16xf32> to vector<16xf32>
      %mul3A_766 = vector.broadcast %squeeze3A_755 : f32 to vector<16xf32>
      %mul3A_767 = arith.mulf %get3A_765, %mul3A_766 : vector<16xf32>
      %add3A_768 = arith.addf %mul3A_761, %mul3A_767 : vector<16xf32>
      %swap3A_769 = arith.index_cast %add3A_751 : i32 to index
      %swap3A_770 = arith.constant 0 : index
      %swap3A_771 = tpu.vector_load %arg33[%swap3A_769, %swap3A_770] {strides = array<i32>} : memref<128x32xf32, #tpu.memory_space<vmem>>, vector<1x16xf32>,
      %swap3A_772 = vector.shape_cast %swap3A_771 : vector<1x16xf32> to vector<16xf32>
      %swap3A_773 = vector.shape_cast %add3A_768 : vector<16xf32> to vector<1x16xf32>
      tpu.vector_store %arg33[%swap3A_769, %swap3A_770], %swap3A_773 {strides = array<i32>} : memref<128x32xf32, #tpu.memory_space<vmem>>, vector<1x16xf32>,
      %get3A_774 = arith.index_cast %add3A_751 : i32 to index
      %get3A_775 = arith.constant 16 : index
      %get3A_776 = tpu.vector_load %arg29[%get3A_774, %get3A_775] {strides = array<i32>} : memref<128x128xf32, #tpu.memory_space<vmem>>, vector<1x16xf32>,
      %get3A_777 = vector.shape_cast %get3A_776 : vector<1x16xf32> to vector<16xf32>
      %mul3A_778 = vector.broadcast %squeeze3A_753 : f32 to vector<16xf32>
      %mul3A_779 = arith.mulf %get3A_777, %mul3A_778 : vector<16xf32>
      %get3A_780 = arith.index_cast %add3A_751 : i32 to index
      %get3A_781 = arith.constant 16 : index
      %get3A_782 = tpu.vector_load %arg31[%get3A_780, %get3A_781] {strides = array<i32>} : memref<128x128xf32, #tpu.memory_space<vmem>>, vector<1x16xf32>,
      %get3A_783 = vector.shape_cast %get3A_782 : vector<1x16xf32> to vector<16xf32>
      %mul3A_784 = vector.broadcast %squeeze3A_755 : f32 to vector<16xf32>
      %mul3A_785 = arith.mulf %get3A_783, %mul3A_784 : vector<16xf32>
      %add3A_786 = arith.addf %mul3A_779, %mul3A_785 : vector<16xf32>
      %swap3A_787 = arith.index_cast %add3A_751 : i32 to index
      %swap3A_788 = arith.constant 16 : index
      %swap3A_789 = tpu.vector_load %arg33[%swap3A_787, %swap3A_788] {strides = array<i32>} : memref<128x32xf32, #tpu.memory_space<vmem>>, vector<1x16xf32>,
      %swap3A_790 = vector.shape_cast %swap3A_789 : vector<1x16xf32> to vector<16xf32>
      %swap3A_791 = vector.shape_cast %add3A_786 : vector<16xf32> to vector<1x16xf32>
      tpu.vector_store %arg33[%swap3A_787, %swap3A_788], %swap3A_791 {strides = array<i32>} : memref<128x32xf32, #tpu.memory_space<vmem>>, vector<1x16xf32>,
      %mul3A_792 = arith.constant 16 : i32
      %mul3A_793 = arith.muli %scan3A_212, %mul3A_792 : i32
      %add3A_794 = arith.constant 13 : i32
      %add3A_795 = arith.addi %mul3A_793, %add3A_794 : i32
      %slice3A_796 = vector.extract_strided_slice %get3A_217 {offsets = [13], sizes = [1], strides = [1]} : vector<16xf32> to vector<1xf32>
      %squeeze3A_797 = vector.extract %slice3A_796[0] : f32 from vector<1xf32>
      %slice3A_798 = vector.extract_strided_slice %get3A_222 {offsets = [13], sizes = [1], strides = [1]} : vector<16xf32> to vector<1xf32>
      %squeeze3A_799 = vector.extract %slice3A_798[0] : f32 from vector<1xf32>
      %get3A_800 = arith.index_cast %add3A_795 : i32 to index
      %get3A_801 = arith.constant 0 : index
      %get3A_802 = tpu.vector_load %arg29[%get3A_800, %get3A_801] {strides = array<i32>} : memref<128x128xf32, #tpu.memory_space<vmem>>, vector<1x16xf32>,
      %get3A_803 = vector.shape_cast %get3A_802 : vector<1x16xf32> to vector<16xf32>
      %mul3A_804 = vector.broadcast %squeeze3A_797 : f32 to vector<16xf32>
      %mul3A_805 = arith.mulf %get3A_803, %mul3A_804 : vector<16xf32>
      %get3A_806 = arith.index_cast %add3A_795 : i32 to index
      %get3A_807 = arith.constant 0 : index
      %get3A_808 = tpu.vector_load %arg31[%get3A_806, %get3A_807] {strides = array<i32>} : memref<128x128xf32, #tpu.memory_space<vmem>>, vector<1x16xf32>,
      %get3A_809 = vector.shape_cast %get3A_808 : vector<1x16xf32> to vector<16xf32>
      %mul3A_810 = vector.broadcast %squeeze3A_799 : f32 to vector<16xf32>
      %mul3A_811 = arith.mulf %get3A_809, %mul3A_810 : vector<16xf32>
      %add3A_812 = arith.addf %mul3A_805, %mul3A_811 : vector<16xf32>
      %swap3A_813 = arith.index_cast %add3A_795 : i32 to index
      %swap3A_814 = arith.constant 0 : index
      %swap3A_815 = tpu.vector_load %arg33[%swap3A_813, %swap3A_814] {strides = array<i32>} : memref<128x32xf32, #tpu.memory_space<vmem>>, vector<1x16xf32>,
      %swap3A_816 = vector.shape_cast %swap3A_815 : vector<1x16xf32> to vector<16xf32>
      %swap3A_817 = vector.shape_cast %add3A_812 : vector<16xf32> to vector<1x16xf32>
      tpu.vector_store %arg33[%swap3A_813, %swap3A_814], %swap3A_817 {strides = array<i32>} : memref<128x32xf32, #tpu.memory_space<vmem>>, vector<1x16xf32>,
      %get3A_818 = arith.index_cast %add3A_795 : i32 to index
      %get3A_819 = arith.constant 16 : index
      %get3A_820 = tpu.vector_load %arg29[%get3A_818, %get3A_819] {strides = array<i32>} : memref<128x128xf32, #tpu.memory_space<vmem>>, vector<1x16xf32>,
      %get3A_821 = vector.shape_cast %get3A_820 : vector<1x16xf32> to vector<16xf32>
      %mul3A_822 = vector.broadcast %squeeze3A_797 : f32 to vector<16xf32>
      %mul3A_823 = arith.mulf %get3A_821, %mul3A_822 : vector<16xf32>
      %get3A_824 = arith.index_cast %add3A_795 : i32 to index
      %get3A_825 = arith.constant 16 : index
      %get3A_826 = tpu.vector_load %arg31[%get3A_824, %get3A_825] {strides = array<i32>} : memref<128x128xf32, #tpu.memory_space<vmem>>, vector<1x16xf32>,
      %get3A_827 = vector.shape_cast %get3A_826 : vector<1x16xf32> to vector<16xf32>
      %mul3A_828 = vector.broadcast %squeeze3A_799 : f32 to vector<16xf32>
      %mul3A_829 = arith.mulf %get3A_827, %mul3A_828 : vector<16xf32>
      %add3A_830 = arith.addf %mul3A_823, %mul3A_829 : vector<16xf32>
      %swap3A_831 = arith.index_cast %add3A_795 : i32 to index
      %swap3A_832 = arith.constant 16 : index
      %swap3A_833 = tpu.vector_load %arg33[%swap3A_831, %swap3A_832] {strides = array<i32>} : memref<128x32xf32, #tpu.memory_space<vmem>>, vector<1x16xf32>,
      %swap3A_834 = vector.shape_cast %swap3A_833 : vector<1x16xf32> to vector<16xf32>
      %swap3A_835 = vector.shape_cast %add3A_830 : vector<16xf32> to vector<1x16xf32>
      tpu.vector_store %arg33[%swap3A_831, %swap3A_832], %swap3A_835 {strides = array<i32>} : memref<128x32xf32, #tpu.memory_space<vmem>>, vector<1x16xf32>,
      %mul3A_836 = arith.constant 16 : i32
      %mul3A_837 = arith.muli %scan3A_212, %mul3A_836 : i32
      %add3A_838 = arith.constant 14 : i32
      %add3A_839 = arith.addi %mul3A_837, %add3A_838 : i32
      %slice3A_840 = vector.extract_strided_slice %get3A_217 {offsets = [14], sizes = [1], strides = [1]} : vector<16xf32> to vector<1xf32>
      %squeeze3A_841 = vector.extract %slice3A_840[0] : f32 from vector<1xf32>
      %slice3A_842 = vector.extract_strided_slice %get3A_222 {offsets = [14], sizes = [1], strides = [1]} : vector<16xf32> to vector<1xf32>
      %squeeze3A_843 = vector.extract %slice3A_842[0] : f32 from vector<1xf32>
      %get3A_844 = arith.index_cast %add3A_839 : i32 to index
      %get3A_845 = arith.constant 0 : index
      %get3A_846 = tpu.vector_load %arg29[%get3A_844, %get3A_845] {strides = array<i32>} : memref<128x128xf32, #tpu.memory_space<vmem>>, vector<1x16xf32>,
      %get3A_847 = vector.shape_cast %get3A_846 : vector<1x16xf32> to vector<16xf32>
      %mul3A_848 = vector.broadcast %squeeze3A_841 : f32 to vector<16xf32>
      %mul3A_849 = arith.mulf %get3A_847, %mul3A_848 : vector<16xf32>
      %get3A_850 = arith.index_cast %add3A_839 : i32 to index
      %get3A_851 = arith.constant 0 : index
      %get3A_852 = tpu.vector_load %arg31[%get3A_850, %get3A_851] {strides = array<i32>} : memref<128x128xf32, #tpu.memory_space<vmem>>, vector<1x16xf32>,
      %get3A_853 = vector.shape_cast %get3A_852 : vector<1x16xf32> to vector<16xf32>
      %mul3A_854 = vector.broadcast %squeeze3A_843 : f32 to vector<16xf32>
      %mul3A_855 = arith.mulf %get3A_853, %mul3A_854 : vector<16xf32>
      %add3A_856 = arith.addf %mul3A_849, %mul3A_855 : vector<16xf32>
      %swap3A_857 = arith.index_cast %add3A_839 : i32 to index
      %swap3A_858 = arith.constant 0 : index
      %swap3A_859 = tpu.vector_load %arg33[%swap3A_857, %swap3A_858] {strides = array<i32>} : memref<128x32xf32, #tpu.memory_space<vmem>>, vector<1x16xf32>,
      %swap3A_860 = vector.shape_cast %swap3A_859 : vector<1x16xf32> to vector<16xf32>
      %swap3A_861 = vector.shape_cast %add3A_856 : vector<16xf32> to vector<1x16xf32>
      tpu.vector_store %arg33[%swap3A_857, %swap3A_858], %swap3A_861 {strides = array<i32>} : memref<128x32xf32, #tpu.memory_space<vmem>>, vector<1x16xf32>,
      %get3A_862 = arith.index_cast %add3A_839 : i32 to index
      %get3A_863 = arith.constant 16 : index
      %get3A_864 = tpu.vector_load %arg29[%get3A_862, %get3A_863] {strides = array<i32>} : memref<128x128xf32, #tpu.memory_space<vmem>>, vector<1x16xf32>,
      %get3A_865 = vector.shape_cast %get3A_864 : vector<1x16xf32> to vector<16xf32>
      %mul3A_866 = vector.broadcast %squeeze3A_841 : f32 to vector<16xf32>
      %mul3A_867 = arith.mulf %get3A_865, %mul3A_866 : vector<16xf32>
      %get3A_868 = arith.index_cast %add3A_839 : i32 to index
      %get3A_869 = arith.constant 16 : index
      %get3A_870 = tpu.vector_load %arg31[%get3A_868, %get3A_869] {strides = array<i32>} : memref<128x128xf32, #tpu.memory_space<vmem>>, vector<1x16xf32>,
      %get3A_871 = vector.shape_cast %get3A_870 : vector<1x16xf32> to vector<16xf32>
      %mul3A_872 = vector.broadcast %squeeze3A_843 : f32 to vector<16xf32>
      %mul3A_873 = arith.mulf %get3A_871, %mul3A_872 : vector<16xf32>
      %add3A_874 = arith.addf %mul3A_867, %mul3A_873 : vector<16xf32>
      %swap3A_875 = arith.index_cast %add3A_839 : i32 to index
      %swap3A_876 = arith.constant 16 : index
      %swap3A_877 = tpu.vector_load %arg33[%swap3A_875, %swap3A_876] {strides = array<i32>} : memref<128x32xf32, #tpu.memory_space<vmem>>, vector<1x16xf32>,
      %swap3A_878 = vector.shape_cast %swap3A_877 : vector<1x16xf32> to vector<16xf32>
      %swap3A_879 = vector.shape_cast %add3A_874 : vector<16xf32> to vector<1x16xf32>
      tpu.vector_store %arg33[%swap3A_875, %swap3A_876], %swap3A_879 {strides = array<i32>} : memref<128x32xf32, #tpu.memory_space<vmem>>, vector<1x16xf32>,
      %mul3A_880 = arith.constant 16 : i32
      %mul3A_881 = arith.muli %scan3A_212, %mul3A_880 : i32
      %add3A_882 = arith.constant 15 : i32
      %add3A_883 = arith.addi %mul3A_881, %add3A_882 : i32
      %slice3A_884 = vector.extract_strided_slice %get3A_217 {offsets = [15], sizes = [1], strides = [1]} : vector<16xf32> to vector<1xf32>
      %squeeze3A_885 = vector.extract %slice3A_884[0] : f32 from vector<1xf32>
      %slice3A_886 = vector.extract_strided_slice %get3A_222 {offsets = [15], sizes = [1], strides = [1]} : vector<16xf32> to vector<1xf32>
      %squeeze3A_887 = vector.extract %slice3A_886[0] : f32 from vector<1xf32>
      %get3A_888 = arith.index_cast %add3A_883 : i32 to index
      %get3A_889 = arith.constant 0 : index
      %get3A_890 = tpu.vector_load %arg29[%get3A_888, %get3A_889] {strides = array<i32>} : memref<128x128xf32, #tpu.memory_space<vmem>>, vector<1x16xf32>,
      %get3A_891 = vector.shape_cast %get3A_890 : vector<1x16xf32> to vector<16xf32>
      %mul3A_892 = vector.broadcast %squeeze3A_885 : f32 to vector<16xf32>
      %mul3A_893 = arith.mulf %get3A_891, %mul3A_892 : vector<16xf32>
      %get3A_894 = arith.index_cast %add3A_883 : i32 to index
      %get3A_895 = arith.constant 0 : index
      %get3A_896 = tpu.vector_load %arg31[%get3A_894, %get3A_895] {strides = array<i32>} : memref<128x128xf32, #tpu.memory_space<vmem>>, vector<1x16xf32>,
      %get3A_897 = vector.shape_cast %get3A_896 : vector<1x16xf32> to vector<16xf32>
      %mul3A_898 = vector.broadcast %squeeze3A_887 : f32 to vector<16xf32>
      %mul3A_899 = arith.mulf %get3A_897, %mul3A_898 : vector<16xf32>
      %add3A_900 = arith.addf %mul3A_893, %mul3A_899 : vector<16xf32>
      %swap3A_901 = arith.index_cast %add3A_883 : i32 to index
      %swap3A_902 = arith.constant 0 : index
      %swap3A_903 = tpu.vector_load %arg33[%swap3A_901, %swap3A_902] {strides = array<i32>} : memref<128x32xf32, #tpu.memory_space<vmem>>, vector<1x16xf32>,
      %swap3A_904 = vector.shape_cast %swap3A_903 : vector<1x16xf32> to vector<16xf32>
      %swap3A_905 = vector.shape_cast %add3A_900 : vector<16xf32> to vector<1x16xf32>
      tpu.vector_store %arg33[%swap3A_901, %swap3A_902], %swap3A_905 {strides = array<i32>} : memref<128x32xf32, #tpu.memory_space<vmem>>, vector<1x16xf32>,
      %get3A_906 = arith.index_cast %add3A_883 : i32 to index
      %get3A_907 = arith.constant 16 : index
      %get3A_908 = tpu.vector_load %arg29[%get3A_906, %get3A_907] {strides = array<i32>} : memref<128x128xf32, #tpu.memory_space<vmem>>, vector<1x16xf32>,
      %get3A_909 = vector.shape_cast %get3A_908 : vector<1x16xf32> to vector<16xf32>
      %mul3A_910 = vector.broadcast %squeeze3A_885 : f32 to vector<16xf32>
      %mul3A_911 = arith.mulf %get3A_909, %mul3A_910 : vector<16xf32>
      %get3A_912 = arith.index_cast %add3A_883 : i32 to index
      %get3A_913 = arith.constant 16 : index
      %get3A_914 = tpu.vector_load %arg31[%get3A_912, %get3A_913] {strides = array<i32>} : memref<128x128xf32, #tpu.memory_space<vmem>>, vector<1x16xf32>,
      %get3A_915 = vector.shape_cast %get3A_914 : vector<1x16xf32> to vector<16xf32>
      %mul3A_916 = vector.broadcast %squeeze3A_887 : f32 to vector<16xf32>
      %mul3A_917 = arith.mulf %get3A_915, %mul3A_916 : vector<16xf32>
      %add3A_918 = arith.addf %mul3A_911, %mul3A_917 : vector<16xf32>
      %swap3A_919 = arith.index_cast %add3A_883 : i32 to index
      %swap3A_920 = arith.constant 16 : index
      %swap3A_921 = tpu.vector_load %arg33[%swap3A_919, %swap3A_920] {strides = array<i32>} : memref<128x32xf32, #tpu.memory_space<vmem>>, vector<1x16xf32>,
      %swap3A_922 = vector.shape_cast %swap3A_921 : vector<1x16xf32> to vector<16xf32>
      %swap3A_923 = vector.shape_cast %add3A_918 : vector<16xf32> to vector<1x16xf32>
      tpu.vector_store %arg33[%swap3A_919, %swap3A_920], %swap3A_923 {strides = array<i32>} : memref<128x32xf32, #tpu.memory_space<vmem>>, vector<1x16xf32>,
      %scan3A_924 = arith.constant 0 : i32
      scf.yield %scan3A_924 : i32
    }
    %scan3A_100 = arith.constant 8 : i32
    %add3A_101 = arith.constant 0 : i32
    %add3A_102 = arith.addi %mul3A_2, %add3A_101 : i32
    %dma_start3A_103 = arith.constant 0 : i32
    %dma_start3A_104 = tpu.memref_slice %arg8[%add3A_102, %dma_start3A_103] : memref<16384x32xf32, #tpu.memory_space<hbm>> -> memref<128x32xf32, #tpu.memory_space<hbm>>
    %dma_start3A_105 = arith.constant 0 : i32
    %dma_start3A_106 = tpu.memref_slice %arg8[%add3A_102, %dma_start3A_105] : memref<16384x32xf32, #tpu.memory_space<hbm>> -> memref<128x32xf32, #tpu.memory_space<hbm>>
    tpu.enqueue_dma source(%arg33 : memref<128x32xf32, #tpu.memory_space<vmem>>) target(%dma_start3A_106 : memref<128x32xf32, #tpu.memory_space<hbm>>) target_semaphore(%arg38 : memref<!tpu.dma_semaphore, #tpu.memory_space<semaphore_mem>>)
    %dma_wait3A_107 = tpu.memref_slice %arg3[%add3A_31] : memref<16384xi32, #tpu.memory_space<hbm>> -> memref<128xi32, #tpu.memory_space<hbm>>
    %dma_wait3A_108 = tpu.memref_slice %arg3[%add3A_31] : memref<16384xi32, #tpu.memory_space<hbm>> -> memref<128xi32, #tpu.memory_space<hbm>>
    tpu.wait_dma2 semaphore(%arg35 : memref<!tpu.dma_semaphore, #tpu.memory_space<semaphore_mem>>) src(%dma_wait3A_108 : memref<128xi32, #tpu.memory_space<hbm>>) dst(%arg15 : memref<128xi32, #tpu.memory_space<vmem>>)
    %dma_wait3A_109 = tpu.memref_slice %arg4[%add3A_31] : memref<16384xi32, #tpu.memory_space<hbm>> -> memref<128xi32, #tpu.memory_space<hbm>>
    %dma_wait3A_110 = tpu.memref_slice %arg4[%add3A_31] : memref<16384xi32, #tpu.memory_space<hbm>> -> memref<128xi32, #tpu.memory_space<hbm>>
    tpu.wait_dma2 semaphore(%arg35 : memref<!tpu.dma_semaphore, #tpu.memory_space<semaphore_mem>>) src(%dma_wait3A_110 : memref<128xi32, #tpu.memory_space<hbm>>) dst(%arg19 : memref<128xi32, #tpu.memory_space<vmem>>)
    %dma_start3A_111 = arith.constant 0 : i32
    %dma_start3A_112 = arith.constant 0 : i32
    %dma_start3A_113 = tpu.memref_slice %arg7[%dma_start3A_111, %dma_start3A_112] : memref<10000x128xf32, #tpu.memory_space<hbm>> -> memref<10000x128xf32, #tpu.memory_space<hbm>>
    tpu.enqueue_indirect_dma source(%dma_start3A_113 : memref<10000x128xf32, #tpu.memory_space<hbm>>) target(%arg29 : memref<128x128xf32, #tpu.memory_space<vmem>>) offsets(%arg15 : memref<128xi32, #tpu.memory_space<vmem>>) semaphore(%arg37 : memref<!tpu.dma_semaphore, #tpu.memory_space<semaphore_mem>>)
    %dma_start3A_114 = arith.constant 0 : i32
    %dma_start3A_115 = arith.constant 0 : i32
    %dma_start3A_116 = tpu.memref_slice %arg7[%dma_start3A_114, %dma_start3A_115] : memref<10000x128xf32, #tpu.memory_space<hbm>> -> memref<10000x128xf32, #tpu.memory_space<hbm>>
    tpu.enqueue_indirect_dma source(%dma_start3A_116 : memref<10000x128xf32, #tpu.memory_space<hbm>>) target(%arg31 : memref<128x128xf32, #tpu.memory_space<vmem>>) offsets(%arg19 : memref<128xi32, #tpu.memory_space<vmem>>) semaphore(%arg37 : memref<!tpu.dma_semaphore, #tpu.memory_space<semaphore_mem>>)
    %dma_wait3A_117 = arith.constant 0 : i32
    %dma_wait3A_118 = arith.constant 0 : i32
    %dma_wait3A_119 = tpu.memref_slice %arg7[%dma_wait3A_117, %dma_wait3A_118] : memref<10000x128xf32, #tpu.memory_space<hbm>> -> memref<10000x128xf32, #tpu.memory_space<hbm>>
    tpu.wait_indirect_dma semaphore(%arg37 : memref<!tpu.dma_semaphore, #tpu.memory_space<semaphore_mem>>) src(%dma_wait3A_119 : memref<10000x128xf32, #tpu.memory_space<hbm>>) dst(%arg30 : memref<128x128xf32, #tpu.memory_space<vmem>>)
    %dma_wait3A_120 = arith.constant 0 : i32
    %dma_wait3A_121 = arith.constant 0 : i32
    %dma_wait3A_122 = tpu.memref_slice %arg7[%dma_wait3A_120, %dma_wait3A_121] : memref<10000x128xf32, #tpu.memory_space<hbm>> -> memref<10000x128xf32, #tpu.memory_space<hbm>>
    tpu.wait_indirect_dma semaphore(%arg37 : memref<!tpu.dma_semaphore, #tpu.memory_space<semaphore_mem>>) src(%dma_wait3A_122 : memref<10000x128xf32, #tpu.memory_space<hbm>>) dst(%arg32 : memref<128x128xf32, #tpu.memory_space<vmem>>)
    %dma_wait3A_123 = arith.constant 0 : i32
    %dma_wait3A_124 = tpu.memref_slice %arg5[%dma_wait3A_123] : memref<100000xf32, #tpu.memory_space<hbm>> -> memref<100000xf32, #tpu.memory_space<hbm>>
    tpu.wait_indirect_dma semaphore(%arg36 : memref<!tpu.dma_semaphore, #tpu.memory_space<semaphore_mem>>) src(%dma_wait3A_124 : memref<100000xf32, #tpu.memory_space<hbm>>) dst(%arg22 : memref<128xf32, #tpu.memory_space<vmem>>)
    %dma_wait3A_125 = arith.constant 0 : i32
    %dma_wait3A_126 = tpu.memref_slice %arg6[%dma_wait3A_125] : memref<100000xf32, #tpu.memory_space<hbm>> -> memref<100000xf32, #tpu.memory_space<hbm>>
    tpu.wait_indirect_dma semaphore(%arg36 : memref<!tpu.dma_semaphore, #tpu.memory_space<semaphore_mem>>) src(%dma_wait3A_126 : memref<100000xf32, #tpu.memory_space<hbm>>) dst(%arg26 : memref<128xf32, #tpu.memory_space<vmem>>)
    %scan3A_127 = arith.constant 0 : i32
    %scan3A_128 = arith.constant 0 : i32
    %scan3A_129 = arith.constant 8 : i32
    %scan3A_130 = arith.addi %scan3A_128, %scan3A_129 : i32
    %scan3A_131 = arith.constant 1 : i32
    %scan3A_132 = scf.for %scan3A_212 = %scan3A_128 to %scan3A_130 step %scan3A_131 iter_args(%scan3A_213 = %scan3A_127) -> (i32)  : i32 {
      %mul3A_214 = arith.constant 16 : i32
      %mul3A_215 = arith.muli %scan3A_212, %mul3A_214 : i32
      %get3A = arith.index_cast %mul3A_215 : i32 to index
      %get3A_216 = tpu.vector_load %arg22[%get3A] {strides = array<i32>} : memref<128xf32, #tpu.memory_space<vmem>>, vector<16xf32>,
      %get3A_217 = vector.shape_cast %get3A_216 : vector<16xf32> to vector<16xf32>
      %mul3A_218 = arith.constant 16 : i32
      %mul3A_219 = arith.muli %scan3A_212, %mul3A_218 : i32
      %get3A_220 = arith.index_cast %mul3A_219 : i32 to index
      %get3A_221 = tpu.vector_load %arg26[%get3A_220] {strides = array<i32>} : memref<128xf32, #tpu.memory_space<vmem>>, vector<16xf32>,
      %get3A_222 = vector.shape_cast %get3A_221 : vector<16xf32> to vector<16xf32>
      %mul3A_223 = arith.constant 16 : i32
      %mul3A_224 = arith.muli %scan3A_212, %mul3A_223 : i32
      %add3A_225 = arith.constant 0 : i32
      %add3A_226 = arith.addi %mul3A_224, %add3A_225 : i32
      %slice3A = vector.extract_strided_slice %get3A_217 {offsets = [0], sizes = [1], strides = [1]} : vector<16xf32> to vector<1xf32>
      %squeeze3A = vector.extract %slice3A[0] : f32 from vector<1xf32>
      %slice3A_227 = vector.extract_strided_slice %get3A_222 {offsets = [0], sizes = [1], strides = [1]} : vector<16xf32> to vector<1xf32>
      %squeeze3A_228 = vector.extract %slice3A_227[0] : f32 from vector<1xf32>
      %get3A_229 = arith.index_cast %add3A_226 : i32 to index
      %get3A_230 = arith.constant 0 : index
      %get3A_231 = tpu.vector_load %arg30[%get3A_229, %get3A_230] {strides = array<i32>} : memref<128x128xf32, #tpu.memory_space<vmem>>, vector<1x16xf32>,
      %get3A_232 = vector.shape_cast %get3A_231 : vector<1x16xf32> to vector<16xf32>
      %mul3A_233 = vector.broadcast %squeeze3A : f32 to vector<16xf32>
      %mul3A_234 = arith.mulf %get3A_232, %mul3A_233 : vector<16xf32>
      %get3A_235 = arith.index_cast %add3A_226 : i32 to index
      %get3A_236 = arith.constant 0 : index
      %get3A_237 = tpu.vector_load %arg32[%get3A_235, %get3A_236] {strides = array<i32>} : memref<128x128xf32, #tpu.memory_space<vmem>>, vector<1x16xf32>,
      %get3A_238 = vector.shape_cast %get3A_237 : vector<1x16xf32> to vector<16xf32>
      %mul3A_239 = vector.broadcast %squeeze3A_228 : f32 to vector<16xf32>
      %mul3A_240 = arith.mulf %get3A_238, %mul3A_239 : vector<16xf32>
      %add3A_241 = arith.addf %mul3A_234, %mul3A_240 : vector<16xf32>
      %swap3A = arith.index_cast %add3A_226 : i32 to index
      %swap3A_242 = arith.constant 0 : index
      %swap3A_243 = tpu.vector_load %arg34[%swap3A, %swap3A_242] {strides = array<i32>} : memref<128x32xf32, #tpu.memory_space<vmem>>, vector<1x16xf32>,
      %swap3A_244 = vector.shape_cast %swap3A_243 : vector<1x16xf32> to vector<16xf32>
      %swap3A_245 = vector.shape_cast %add3A_241 : vector<16xf32> to vector<1x16xf32>
      tpu.vector_store %arg34[%swap3A, %swap3A_242], %swap3A_245 {strides = array<i32>} : memref<128x32xf32, #tpu.memory_space<vmem>>, vector<1x16xf32>,
      %get3A_246 = arith.index_cast %add3A_226 : i32 to index
      %get3A_247 = arith.constant 16 : index
      %get3A_248 = tpu.vector_load %arg30[%get3A_246, %get3A_247] {strides = array<i32>} : memref<128x128xf32, #tpu.memory_space<vmem>>, vector<1x16xf32>,
      %get3A_249 = vector.shape_cast %get3A_248 : vector<1x16xf32> to vector<16xf32>
      %mul3A_250 = vector.broadcast %squeeze3A : f32 to vector<16xf32>
      %mul3A_251 = arith.mulf %get3A_249, %mul3A_250 : vector<16xf32>
      %get3A_252 = arith.index_cast %add3A_226 : i32 to index
      %get3A_253 = arith.constant 16 : index
      %get3A_254 = tpu.vector_load %arg32[%get3A_252, %get3A_253] {strides = array<i32>} : memref<128x128xf32, #tpu.memory_space<vmem>>, vector<1x16xf32>,
      %get3A_255 = vector.shape_cast %get3A_254 : vector<1x16xf32> to vector<16xf32>
      %mul3A_256 = vector.broadcast %squeeze3A_228 : f32 to vector<16xf32>
      %mul3A_257 = arith.mulf %get3A_255, %mul3A_256 : vector<16xf32>
      %add3A_258 = arith.addf %mul3A_251, %mul3A_257 : vector<16xf32>
      %swap3A_259 = arith.index_cast %add3A_226 : i32 to index
      %swap3A_260 = arith.constant 16 : index
      %swap3A_261 = tpu.vector_load %arg34[%swap3A_259, %swap3A_260] {strides = array<i32>} : memref<128x32xf32, #tpu.memory_space<vmem>>, vector<1x16xf32>,
      %swap3A_262 = vector.shape_cast %swap3A_261 : vector<1x16xf32> to vector<16xf32>
      %swap3A_263 = vector.shape_cast %add3A_258 : vector<16xf32> to vector<1x16xf32>
      tpu.vector_store %arg34[%swap3A_259, %swap3A_260], %swap3A_263 {strides = array<i32>} : memref<128x32xf32, #tpu.memory_space<vmem>>, vector<1x16xf32>,
      %mul3A_264 = arith.constant 16 : i32
      %mul3A_265 = arith.muli %scan3A_212, %mul3A_264 : i32
      %add3A_266 = arith.constant 1 : i32
      %add3A_267 = arith.addi %mul3A_265, %add3A_266 : i32
      %slice3A_268 = vector.extract_strided_slice %get3A_217 {offsets = [1], sizes = [1], strides = [1]} : vector<16xf32> to vector<1xf32>
      %squeeze3A_269 = vector.extract %slice3A_268[0] : f32 from vector<1xf32>
      %slice3A_270 = vector.extract_strided_slice %get3A_222 {offsets = [1], sizes = [1], strides = [1]} : vector<16xf32> to vector<1xf32>
      %squeeze3A_271 = vector.extract %slice3A_270[0] : f32 from vector<1xf32>
      %get3A_272 = arith.index_cast %add3A_267 : i32 to index
      %get3A_273 = arith.constant 0 : index
      %get3A_274 = tpu.vector_load %arg30[%get3A_272, %get3A_273] {strides = array<i32>} : memref<128x128xf32, #tpu.memory_space<vmem>>, vector<1x16xf32>,
      %get3A_275 = vector.shape_cast %get3A_274 : vector<1x16xf32> to vector<16xf32>
      %mul3A_276 = vector.broadcast %squeeze3A_269 : f32 to vector<16xf32>
      %mul3A_277 = arith.mulf %get3A_275, %mul3A_276 : vector<16xf32>
      %get3A_278 = arith.index_cast %add3A_267 : i32 to index
      %get3A_279 = arith.constant 0 : index
      %get3A_280 = tpu.vector_load %arg32[%get3A_278, %get3A_279] {strides = array<i32>} : memref<128x128xf32, #tpu.memory_space<vmem>>, vector<1x16xf32>,
      %get3A_281 = vector.shape_cast %get3A_280 : vector<1x16xf32> to vector<16xf32>
      %mul3A_282 = vector.broadcast %squeeze3A_271 : f32 to vector<16xf32>
      %mul3A_283 = arith.mulf %get3A_281, %mul3A_282 : vector<16xf32>
      %add3A_284 = arith.addf %mul3A_277, %mul3A_283 : vector<16xf32>
      %swap3A_285 = arith.index_cast %add3A_267 : i32 to index
      %swap3A_286 = arith.constant 0 : index
      %swap3A_287 = tpu.vector_load %arg34[%swap3A_285, %swap3A_286] {strides = array<i32>} : memref<128x32xf32, #tpu.memory_space<vmem>>, vector<1x16xf32>,
      %swap3A_288 = vector.shape_cast %swap3A_287 : vector<1x16xf32> to vector<16xf32>
      %swap3A_289 = vector.shape_cast %add3A_284 : vector<16xf32> to vector<1x16xf32>
      tpu.vector_store %arg34[%swap3A_285, %swap3A_286], %swap3A_289 {strides = array<i32>} : memref<128x32xf32, #tpu.memory_space<vmem>>, vector<1x16xf32>,
      %get3A_290 = arith.index_cast %add3A_267 : i32 to index
      %get3A_291 = arith.constant 16 : index
      %get3A_292 = tpu.vector_load %arg30[%get3A_290, %get3A_291] {strides = array<i32>} : memref<128x128xf32, #tpu.memory_space<vmem>>, vector<1x16xf32>,
      %get3A_293 = vector.shape_cast %get3A_292 : vector<1x16xf32> to vector<16xf32>
      %mul3A_294 = vector.broadcast %squeeze3A_269 : f32 to vector<16xf32>
      %mul3A_295 = arith.mulf %get3A_293, %mul3A_294 : vector<16xf32>
      %get3A_296 = arith.index_cast %add3A_267 : i32 to index
      %get3A_297 = arith.constant 16 : index
      %get3A_298 = tpu.vector_load %arg32[%get3A_296, %get3A_297] {strides = array<i32>} : memref<128x128xf32, #tpu.memory_space<vmem>>, vector<1x16xf32>,
      %get3A_299 = vector.shape_cast %get3A_298 : vector<1x16xf32> to vector<16xf32>
      %mul3A_300 = vector.broadcast %squeeze3A_271 : f32 to vector<16xf32>
      %mul3A_301 = arith.mulf %get3A_299, %mul3A_300 : vector<16xf32>
      %add3A_302 = arith.addf %mul3A_295, %mul3A_301 : vector<16xf32>
      %swap3A_303 = arith.index_cast %add3A_267 : i32 to index
      %swap3A_304 = arith.constant 16 : index
      %swap3A_305 = tpu.vector_load %arg34[%swap3A_303, %swap3A_304] {strides = array<i32>} : memref<128x32xf32, #tpu.memory_space<vmem>>, vector<1x16xf32>,
      %swap3A_306 = vector.shape_cast %swap3A_305 : vector<1x16xf32> to vector<16xf32>
      %swap3A_307 = vector.shape_cast %add3A_302 : vector<16xf32> to vector<1x16xf32>
      tpu.vector_store %arg34[%swap3A_303, %swap3A_304], %swap3A_307 {strides = array<i32>} : memref<128x32xf32, #tpu.memory_space<vmem>>, vector<1x16xf32>,
      %mul3A_308 = arith.constant 16 : i32
      %mul3A_309 = arith.muli %scan3A_212, %mul3A_308 : i32
      %add3A_310 = arith.constant 2 : i32
      %add3A_311 = arith.addi %mul3A_309, %add3A_310 : i32
      %slice3A_312 = vector.extract_strided_slice %get3A_217 {offsets = [2], sizes = [1], strides = [1]} : vector<16xf32> to vector<1xf32>
      %squeeze3A_313 = vector.extract %slice3A_312[0] : f32 from vector<1xf32>
      %slice3A_314 = vector.extract_strided_slice %get3A_222 {offsets = [2], sizes = [1], strides = [1]} : vector<16xf32> to vector<1xf32>
      %squeeze3A_315 = vector.extract %slice3A_314[0] : f32 from vector<1xf32>
      %get3A_316 = arith.index_cast %add3A_311 : i32 to index
      %get3A_317 = arith.constant 0 : index
      %get3A_318 = tpu.vector_load %arg30[%get3A_316, %get3A_317] {strides = array<i32>} : memref<128x128xf32, #tpu.memory_space<vmem>>, vector<1x16xf32>,
      %get3A_319 = vector.shape_cast %get3A_318 : vector<1x16xf32> to vector<16xf32>
      %mul3A_320 = vector.broadcast %squeeze3A_313 : f32 to vector<16xf32>
      %mul3A_321 = arith.mulf %get3A_319, %mul3A_320 : vector<16xf32>
      %get3A_322 = arith.index_cast %add3A_311 : i32 to index
      %get3A_323 = arith.constant 0 : index
      %get3A_324 = tpu.vector_load %arg32[%get3A_322, %get3A_323] {strides = array<i32>} : memref<128x128xf32, #tpu.memory_space<vmem>>, vector<1x16xf32>,
      %get3A_325 = vector.shape_cast %get3A_324 : vector<1x16xf32> to vector<16xf32>
      %mul3A_326 = vector.broadcast %squeeze3A_315 : f32 to vector<16xf32>
      %mul3A_327 = arith.mulf %get3A_325, %mul3A_326 : vector<16xf32>
      %add3A_328 = arith.addf %mul3A_321, %mul3A_327 : vector<16xf32>
      %swap3A_329 = arith.index_cast %add3A_311 : i32 to index
      %swap3A_330 = arith.constant 0 : index
      %swap3A_331 = tpu.vector_load %arg34[%swap3A_329, %swap3A_330] {strides = array<i32>} : memref<128x32xf32, #tpu.memory_space<vmem>>, vector<1x16xf32>,
      %swap3A_332 = vector.shape_cast %swap3A_331 : vector<1x16xf32> to vector<16xf32>
      %swap3A_333 = vector.shape_cast %add3A_328 : vector<16xf32> to vector<1x16xf32>
      tpu.vector_store %arg34[%swap3A_329, %swap3A_330], %swap3A_333 {strides = array<i32>} : memref<128x32xf32, #tpu.memory_space<vmem>>, vector<1x16xf32>,
      %get3A_334 = arith.index_cast %add3A_311 : i32 to index
      %get3A_335 = arith.constant 16 : index
      %get3A_336 = tpu.vector_load %arg30[%get3A_334, %get3A_335] {strides = array<i32>} : memref<128x128xf32, #tpu.memory_space<vmem>>, vector<1x16xf32>,
      %get3A_337 = vector.shape_cast %get3A_336 : vector<1x16xf32> to vector<16xf32>
      %mul3A_338 = vector.broadcast %squeeze3A_313 : f32 to vector<16xf32>
      %mul3A_339 = arith.mulf %get3A_337, %mul3A_338 : vector<16xf32>
      %get3A_340 = arith.index_cast %add3A_311 : i32 to index
      %get3A_341 = arith.constant 16 : index
      %get3A_342 = tpu.vector_load %arg32[%get3A_340, %get3A_341] {strides = array<i32>} : memref<128x128xf32, #tpu.memory_space<vmem>>, vector<1x16xf32>,
      %get3A_343 = vector.shape_cast %get3A_342 : vector<1x16xf32> to vector<16xf32>
      %mul3A_344 = vector.broadcast %squeeze3A_315 : f32 to vector<16xf32>
      %mul3A_345 = arith.mulf %get3A_343, %mul3A_344 : vector<16xf32>
      %add3A_346 = arith.addf %mul3A_339, %mul3A_345 : vector<16xf32>
      %swap3A_347 = arith.index_cast %add3A_311 : i32 to index
      %swap3A_348 = arith.constant 16 : index
      %swap3A_349 = tpu.vector_load %arg34[%swap3A_347, %swap3A_348] {strides = array<i32>} : memref<128x32xf32, #tpu.memory_space<vmem>>, vector<1x16xf32>,
      %swap3A_350 = vector.shape_cast %swap3A_349 : vector<1x16xf32> to vector<16xf32>
      %swap3A_351 = vector.shape_cast %add3A_346 : vector<16xf32> to vector<1x16xf32>
      tpu.vector_store %arg34[%swap3A_347, %swap3A_348], %swap3A_351 {strides = array<i32>} : memref<128x32xf32, #tpu.memory_space<vmem>>, vector<1x16xf32>,
      %mul3A_352 = arith.constant 16 : i32
      %mul3A_353 = arith.muli %scan3A_212, %mul3A_352 : i32
      %add3A_354 = arith.constant 3 : i32
      %add3A_355 = arith.addi %mul3A_353, %add3A_354 : i32
      %slice3A_356 = vector.extract_strided_slice %get3A_217 {offsets = [3], sizes = [1], strides = [1]} : vector<16xf32> to vector<1xf32>
      %squeeze3A_357 = vector.extract %slice3A_356[0] : f32 from vector<1xf32>
      %slice3A_358 = vector.extract_strided_slice %get3A_222 {offsets = [3], sizes = [1], strides = [1]} : vector<16xf32> to vector<1xf32>
      %squeeze3A_359 = vector.extract %slice3A_358[0] : f32 from vector<1xf32>
      %get3A_360 = arith.index_cast %add3A_355 : i32 to index
      %get3A_361 = arith.constant 0 : index
      %get3A_362 = tpu.vector_load %arg30[%get3A_360, %get3A_361] {strides = array<i32>} : memref<128x128xf32, #tpu.memory_space<vmem>>, vector<1x16xf32>,
      %get3A_363 = vector.shape_cast %get3A_362 : vector<1x16xf32> to vector<16xf32>
      %mul3A_364 = vector.broadcast %squeeze3A_357 : f32 to vector<16xf32>
      %mul3A_365 = arith.mulf %get3A_363, %mul3A_364 : vector<16xf32>
      %get3A_366 = arith.index_cast %add3A_355 : i32 to index
      %get3A_367 = arith.constant 0 : index
      %get3A_368 = tpu.vector_load %arg32[%get3A_366, %get3A_367] {strides = array<i32>} : memref<128x128xf32, #tpu.memory_space<vmem>>, vector<1x16xf32>,
      %get3A_369 = vector.shape_cast %get3A_368 : vector<1x16xf32> to vector<16xf32>
      %mul3A_370 = vector.broadcast %squeeze3A_359 : f32 to vector<16xf32>
      %mul3A_371 = arith.mulf %get3A_369, %mul3A_370 : vector<16xf32>
      %add3A_372 = arith.addf %mul3A_365, %mul3A_371 : vector<16xf32>
      %swap3A_373 = arith.index_cast %add3A_355 : i32 to index
      %swap3A_374 = arith.constant 0 : index
      %swap3A_375 = tpu.vector_load %arg34[%swap3A_373, %swap3A_374] {strides = array<i32>} : memref<128x32xf32, #tpu.memory_space<vmem>>, vector<1x16xf32>,
      %swap3A_376 = vector.shape_cast %swap3A_375 : vector<1x16xf32> to vector<16xf32>
      %swap3A_377 = vector.shape_cast %add3A_372 : vector<16xf32> to vector<1x16xf32>
      tpu.vector_store %arg34[%swap3A_373, %swap3A_374], %swap3A_377 {strides = array<i32>} : memref<128x32xf32, #tpu.memory_space<vmem>>, vector<1x16xf32>,
      %get3A_378 = arith.index_cast %add3A_355 : i32 to index
      %get3A_379 = arith.constant 16 : index
      %get3A_380 = tpu.vector_load %arg30[%get3A_378, %get3A_379] {strides = array<i32>} : memref<128x128xf32, #tpu.memory_space<vmem>>, vector<1x16xf32>,
      %get3A_381 = vector.shape_cast %get3A_380 : vector<1x16xf32> to vector<16xf32>
      %mul3A_382 = vector.broadcast %squeeze3A_357 : f32 to vector<16xf32>
      %mul3A_383 = arith.mulf %get3A_381, %mul3A_382 : vector<16xf32>
      %get3A_384 = arith.index_cast %add3A_355 : i32 to index
      %get3A_385 = arith.constant 16 : index
      %get3A_386 = tpu.vector_load %arg32[%get3A_384, %get3A_385] {strides = array<i32>} : memref<128x128xf32, #tpu.memory_space<vmem>>, vector<1x16xf32>,
      %get3A_387 = vector.shape_cast %get3A_386 : vector<1x16xf32> to vector<16xf32>
      %mul3A_388 = vector.broadcast %squeeze3A_359 : f32 to vector<16xf32>
      %mul3A_389 = arith.mulf %get3A_387, %mul3A_388 : vector<16xf32>
      %add3A_390 = arith.addf %mul3A_383, %mul3A_389 : vector<16xf32>
      %swap3A_391 = arith.index_cast %add3A_355 : i32 to index
      %swap3A_392 = arith.constant 16 : index
      %swap3A_393 = tpu.vector_load %arg34[%swap3A_391, %swap3A_392] {strides = array<i32>} : memref<128x32xf32, #tpu.memory_space<vmem>>, vector<1x16xf32>,
      %swap3A_394 = vector.shape_cast %swap3A_393 : vector<1x16xf32> to vector<16xf32>
      %swap3A_395 = vector.shape_cast %add3A_390 : vector<16xf32> to vector<1x16xf32>
      tpu.vector_store %arg34[%swap3A_391, %swap3A_392], %swap3A_395 {strides = array<i32>} : memref<128x32xf32, #tpu.memory_space<vmem>>, vector<1x16xf32>,
      %mul3A_396 = arith.constant 16 : i32
      %mul3A_397 = arith.muli %scan3A_212, %mul3A_396 : i32
      %add3A_398 = arith.constant 4 : i32
      %add3A_399 = arith.addi %mul3A_397, %add3A_398 : i32
      %slice3A_400 = vector.extract_strided_slice %get3A_217 {offsets = [4], sizes = [1], strides = [1]} : vector<16xf32> to vector<1xf32>
      %squeeze3A_401 = vector.extract %slice3A_400[0] : f32 from vector<1xf32>
      %slice3A_402 = vector.extract_strided_slice %get3A_222 {offsets = [4], sizes = [1], strides = [1]} : vector<16xf32> to vector<1xf32>
      %squeeze3A_403 = vector.extract %slice3A_402[0] : f32 from vector<1xf32>
      %get3A_404 = arith.index_cast %add3A_399 : i32 to index
      %get3A_405 = arith.constant 0 : index
      %get3A_406 = tpu.vector_load %arg30[%get3A_404, %get3A_405] {strides = array<i32>} : memref<128x128xf32, #tpu.memory_space<vmem>>, vector<1x16xf32>,
      %get3A_407 = vector.shape_cast %get3A_406 : vector<1x16xf32> to vector<16xf32>
      %mul3A_408 = vector.broadcast %squeeze3A_401 : f32 to vector<16xf32>
      %mul3A_409 = arith.mulf %get3A_407, %mul3A_408 : vector<16xf32>
      %get3A_410 = arith.index_cast %add3A_399 : i32 to index
      %get3A_411 = arith.constant 0 : index
      %get3A_412 = tpu.vector_load %arg32[%get3A_410, %get3A_411] {strides = array<i32>} : memref<128x128xf32, #tpu.memory_space<vmem>>, vector<1x16xf32>,
      %get3A_413 = vector.shape_cast %get3A_412 : vector<1x16xf32> to vector<16xf32>
      %mul3A_414 = vector.broadcast %squeeze3A_403 : f32 to vector<16xf32>
      %mul3A_415 = arith.mulf %get3A_413, %mul3A_414 : vector<16xf32>
      %add3A_416 = arith.addf %mul3A_409, %mul3A_415 : vector<16xf32>
      %swap3A_417 = arith.index_cast %add3A_399 : i32 to index
      %swap3A_418 = arith.constant 0 : index
      %swap3A_419 = tpu.vector_load %arg34[%swap3A_417, %swap3A_418] {strides = array<i32>} : memref<128x32xf32, #tpu.memory_space<vmem>>, vector<1x16xf32>,
      %swap3A_420 = vector.shape_cast %swap3A_419 : vector<1x16xf32> to vector<16xf32>
      %swap3A_421 = vector.shape_cast %add3A_416 : vector<16xf32> to vector<1x16xf32>
      tpu.vector_store %arg34[%swap3A_417, %swap3A_418], %swap3A_421 {strides = array<i32>} : memref<128x32xf32, #tpu.memory_space<vmem>>, vector<1x16xf32>,
      %get3A_422 = arith.index_cast %add3A_399 : i32 to index
      %get3A_423 = arith.constant 16 : index
      %get3A_424 = tpu.vector_load %arg30[%get3A_422, %get3A_423] {strides = array<i32>} : memref<128x128xf32, #tpu.memory_space<vmem>>, vector<1x16xf32>,
      %get3A_425 = vector.shape_cast %get3A_424 : vector<1x16xf32> to vector<16xf32>
      %mul3A_426 = vector.broadcast %squeeze3A_401 : f32 to vector<16xf32>
      %mul3A_427 = arith.mulf %get3A_425, %mul3A_426 : vector<16xf32>
      %get3A_428 = arith.index_cast %add3A_399 : i32 to index
      %get3A_429 = arith.constant 16 : index
      %get3A_430 = tpu.vector_load %arg32[%get3A_428, %get3A_429] {strides = array<i32>} : memref<128x128xf32, #tpu.memory_space<vmem>>, vector<1x16xf32>,
      %get3A_431 = vector.shape_cast %get3A_430 : vector<1x16xf32> to vector<16xf32>
      %mul3A_432 = vector.broadcast %squeeze3A_403 : f32 to vector<16xf32>
      %mul3A_433 = arith.mulf %get3A_431, %mul3A_432 : vector<16xf32>
      %add3A_434 = arith.addf %mul3A_427, %mul3A_433 : vector<16xf32>
      %swap3A_435 = arith.index_cast %add3A_399 : i32 to index
      %swap3A_436 = arith.constant 16 : index
      %swap3A_437 = tpu.vector_load %arg34[%swap3A_435, %swap3A_436] {strides = array<i32>} : memref<128x32xf32, #tpu.memory_space<vmem>>, vector<1x16xf32>,
      %swap3A_438 = vector.shape_cast %swap3A_437 : vector<1x16xf32> to vector<16xf32>
      %swap3A_439 = vector.shape_cast %add3A_434 : vector<16xf32> to vector<1x16xf32>
      tpu.vector_store %arg34[%swap3A_435, %swap3A_436], %swap3A_439 {strides = array<i32>} : memref<128x32xf32, #tpu.memory_space<vmem>>, vector<1x16xf32>,
      %mul3A_440 = arith.constant 16 : i32
      %mul3A_441 = arith.muli %scan3A_212, %mul3A_440 : i32
      %add3A_442 = arith.constant 5 : i32
      %add3A_443 = arith.addi %mul3A_441, %add3A_442 : i32
      %slice3A_444 = vector.extract_strided_slice %get3A_217 {offsets = [5], sizes = [1], strides = [1]} : vector<16xf32> to vector<1xf32>
      %squeeze3A_445 = vector.extract %slice3A_444[0] : f32 from vector<1xf32>
      %slice3A_446 = vector.extract_strided_slice %get3A_222 {offsets = [5], sizes = [1], strides = [1]} : vector<16xf32> to vector<1xf32>
      %squeeze3A_447 = vector.extract %slice3A_446[0] : f32 from vector<1xf32>
      %get3A_448 = arith.index_cast %add3A_443 : i32 to index
      %get3A_449 = arith.constant 0 : index
      %get3A_450 = tpu.vector_load %arg30[%get3A_448, %get3A_449] {strides = array<i32>} : memref<128x128xf32, #tpu.memory_space<vmem>>, vector<1x16xf32>,
      %get3A_451 = vector.shape_cast %get3A_450 : vector<1x16xf32> to vector<16xf32>
      %mul3A_452 = vector.broadcast %squeeze3A_445 : f32 to vector<16xf32>
      %mul3A_453 = arith.mulf %get3A_451, %mul3A_452 : vector<16xf32>
      %get3A_454 = arith.index_cast %add3A_443 : i32 to index
      %get3A_455 = arith.constant 0 : index
      %get3A_456 = tpu.vector_load %arg32[%get3A_454, %get3A_455] {strides = array<i32>} : memref<128x128xf32, #tpu.memory_space<vmem>>, vector<1x16xf32>,
      %get3A_457 = vector.shape_cast %get3A_456 : vector<1x16xf32> to vector<16xf32>
      %mul3A_458 = vector.broadcast %squeeze3A_447 : f32 to vector<16xf32>
      %mul3A_459 = arith.mulf %get3A_457, %mul3A_458 : vector<16xf32>
      %add3A_460 = arith.addf %mul3A_453, %mul3A_459 : vector<16xf32>
      %swap3A_461 = arith.index_cast %add3A_443 : i32 to index
      %swap3A_462 = arith.constant 0 : index
      %swap3A_463 = tpu.vector_load %arg34[%swap3A_461, %swap3A_462] {strides = array<i32>} : memref<128x32xf32, #tpu.memory_space<vmem>>, vector<1x16xf32>,
      %swap3A_464 = vector.shape_cast %swap3A_463 : vector<1x16xf32> to vector<16xf32>
      %swap3A_465 = vector.shape_cast %add3A_460 : vector<16xf32> to vector<1x16xf32>
      tpu.vector_store %arg34[%swap3A_461, %swap3A_462], %swap3A_465 {strides = array<i32>} : memref<128x32xf32, #tpu.memory_space<vmem>>, vector<1x16xf32>,
      %get3A_466 = arith.index_cast %add3A_443 : i32 to index
      %get3A_467 = arith.constant 16 : index
      %get3A_468 = tpu.vector_load %arg30[%get3A_466, %get3A_467] {strides = array<i32>} : memref<128x128xf32, #tpu.memory_space<vmem>>, vector<1x16xf32>,
      %get3A_469 = vector.shape_cast %get3A_468 : vector<1x16xf32> to vector<16xf32>
      %mul3A_470 = vector.broadcast %squeeze3A_445 : f32 to vector<16xf32>
      %mul3A_471 = arith.mulf %get3A_469, %mul3A_470 : vector<16xf32>
      %get3A_472 = arith.index_cast %add3A_443 : i32 to index
      %get3A_473 = arith.constant 16 : index
      %get3A_474 = tpu.vector_load %arg32[%get3A_472, %get3A_473] {strides = array<i32>} : memref<128x128xf32, #tpu.memory_space<vmem>>, vector<1x16xf32>,
      %get3A_475 = vector.shape_cast %get3A_474 : vector<1x16xf32> to vector<16xf32>
      %mul3A_476 = vector.broadcast %squeeze3A_447 : f32 to vector<16xf32>
      %mul3A_477 = arith.mulf %get3A_475, %mul3A_476 : vector<16xf32>
      %add3A_478 = arith.addf %mul3A_471, %mul3A_477 : vector<16xf32>
      %swap3A_479 = arith.index_cast %add3A_443 : i32 to index
      %swap3A_480 = arith.constant 16 : index
      %swap3A_481 = tpu.vector_load %arg34[%swap3A_479, %swap3A_480] {strides = array<i32>} : memref<128x32xf32, #tpu.memory_space<vmem>>, vector<1x16xf32>,
      %swap3A_482 = vector.shape_cast %swap3A_481 : vector<1x16xf32> to vector<16xf32>
      %swap3A_483 = vector.shape_cast %add3A_478 : vector<16xf32> to vector<1x16xf32>
      tpu.vector_store %arg34[%swap3A_479, %swap3A_480], %swap3A_483 {strides = array<i32>} : memref<128x32xf32, #tpu.memory_space<vmem>>, vector<1x16xf32>,
      %mul3A_484 = arith.constant 16 : i32
      %mul3A_485 = arith.muli %scan3A_212, %mul3A_484 : i32
      %add3A_486 = arith.constant 6 : i32
      %add3A_487 = arith.addi %mul3A_485, %add3A_486 : i32
      %slice3A_488 = vector.extract_strided_slice %get3A_217 {offsets = [6], sizes = [1], strides = [1]} : vector<16xf32> to vector<1xf32>
      %squeeze3A_489 = vector.extract %slice3A_488[0] : f32 from vector<1xf32>
      %slice3A_490 = vector.extract_strided_slice %get3A_222 {offsets = [6], sizes = [1], strides = [1]} : vector<16xf32> to vector<1xf32>
      %squeeze3A_491 = vector.extract %slice3A_490[0] : f32 from vector<1xf32>
      %get3A_492 = arith.index_cast %add3A_487 : i32 to index
      %get3A_493 = arith.constant 0 : index
      %get3A_494 = tpu.vector_load %arg30[%get3A_492, %get3A_493] {strides = array<i32>} : memref<128x128xf32, #tpu.memory_space<vmem>>, vector<1x16xf32>,
      %get3A_495 = vector.shape_cast %get3A_494 : vector<1x16xf32> to vector<16xf32>
      %mul3A_496 = vector.broadcast %squeeze3A_489 : f32 to vector<16xf32>
      %mul3A_497 = arith.mulf %get3A_495, %mul3A_496 : vector<16xf32>
      %get3A_498 = arith.index_cast %add3A_487 : i32 to index
      %get3A_499 = arith.constant 0 : index
      %get3A_500 = tpu.vector_load %arg32[%get3A_498, %get3A_499] {strides = array<i32>} : memref<128x128xf32, #tpu.memory_space<vmem>>, vector<1x16xf32>,
      %get3A_501 = vector.shape_cast %get3A_500 : vector<1x16xf32> to vector<16xf32>
      %mul3A_502 = vector.broadcast %squeeze3A_491 : f32 to vector<16xf32>
      %mul3A_503 = arith.mulf %get3A_501, %mul3A_502 : vector<16xf32>
      %add3A_504 = arith.addf %mul3A_497, %mul3A_503 : vector<16xf32>
      %swap3A_505 = arith.index_cast %add3A_487 : i32 to index
      %swap3A_506 = arith.constant 0 : index
      %swap3A_507 = tpu.vector_load %arg34[%swap3A_505, %swap3A_506] {strides = array<i32>} : memref<128x32xf32, #tpu.memory_space<vmem>>, vector<1x16xf32>,
      %swap3A_508 = vector.shape_cast %swap3A_507 : vector<1x16xf32> to vector<16xf32>
      %swap3A_509 = vector.shape_cast %add3A_504 : vector<16xf32> to vector<1x16xf32>
      tpu.vector_store %arg34[%swap3A_505, %swap3A_506], %swap3A_509 {strides = array<i32>} : memref<128x32xf32, #tpu.memory_space<vmem>>, vector<1x16xf32>,
      %get3A_510 = arith.index_cast %add3A_487 : i32 to index
      %get3A_511 = arith.constant 16 : index
      %get3A_512 = tpu.vector_load %arg30[%get3A_510, %get3A_511] {strides = array<i32>} : memref<128x128xf32, #tpu.memory_space<vmem>>, vector<1x16xf32>,
      %get3A_513 = vector.shape_cast %get3A_512 : vector<1x16xf32> to vector<16xf32>
      %mul3A_514 = vector.broadcast %squeeze3A_489 : f32 to vector<16xf32>
      %mul3A_515 = arith.mulf %get3A_513, %mul3A_514 : vector<16xf32>
      %get3A_516 = arith.index_cast %add3A_487 : i32 to index
      %get3A_517 = arith.constant 16 : index
      %get3A_518 = tpu.vector_load %arg32[%get3A_516, %get3A_517] {strides = array<i32>} : memref<128x128xf32, #tpu.memory_space<vmem>>, vector<1x16xf32>,
      %get3A_519 = vector.shape_cast %get3A_518 : vector<1x16xf32> to vector<16xf32>
      %mul3A_520 = vector.broadcast %squeeze3A_491 : f32 to vector<16xf32>
      %mul3A_521 = arith.mulf %get3A_519, %mul3A_520 : vector<16xf32>
      %add3A_522 = arith.addf %mul3A_515, %mul3A_521 : vector<16xf32>
      %swap3A_523 = arith.index_cast %add3A_487 : i32 to index
      %swap3A_524 = arith.constant 16 : index
      %swap3A_525 = tpu.vector_load %arg34[%swap3A_523, %swap3A_524] {strides = array<i32>} : memref<128x32xf32, #tpu.memory_space<vmem>>, vector<1x16xf32>,
      %swap3A_526 = vector.shape_cast %swap3A_525 : vector<1x16xf32> to vector<16xf32>
      %swap3A_527 = vector.shape_cast %add3A_522 : vector<16xf32> to vector<1x16xf32>
      tpu.vector_store %arg34[%swap3A_523, %swap3A_524], %swap3A_527 {strides = array<i32>} : memref<128x32xf32, #tpu.memory_space<vmem>>, vector<1x16xf32>,
      %mul3A_528 = arith.constant 16 : i32
      %mul3A_529 = arith.muli %scan3A_212, %mul3A_528 : i32
      %add3A_530 = arith.constant 7 : i32
      %add3A_531 = arith.addi %mul3A_529, %add3A_530 : i32
      %slice3A_532 = vector.extract_strided_slice %get3A_217 {offsets = [7], sizes = [1], strides = [1]} : vector<16xf32> to vector<1xf32>
      %squeeze3A_533 = vector.extract %slice3A_532[0] : f32 from vector<1xf32>
      %slice3A_534 = vector.extract_strided_slice %get3A_222 {offsets = [7], sizes = [1], strides = [1]} : vector<16xf32> to vector<1xf32>
      %squeeze3A_535 = vector.extract %slice3A_534[0] : f32 from vector<1xf32>
      %get3A_536 = arith.index_cast %add3A_531 : i32 to index
      %get3A_537 = arith.constant 0 : index
      %get3A_538 = tpu.vector_load %arg30[%get3A_536, %get3A_537] {strides = array<i32>} : memref<128x128xf32, #tpu.memory_space<vmem>>, vector<1x16xf32>,
      %get3A_539 = vector.shape_cast %get3A_538 : vector<1x16xf32> to vector<16xf32>
      %mul3A_540 = vector.broadcast %squeeze3A_533 : f32 to vector<16xf32>
      %mul3A_541 = arith.mulf %get3A_539, %mul3A_540 : vector<16xf32>
      %get3A_542 = arith.index_cast %add3A_531 : i32 to index
      %get3A_543 = arith.constant 0 : index
      %get3A_544 = tpu.vector_load %arg32[%get3A_542, %get3A_543] {strides = array<i32>} : memref<128x128xf32, #tpu.memory_space<vmem>>, vector<1x16xf32>,
      %get3A_545 = vector.shape_cast %get3A_544 : vector<1x16xf32> to vector<16xf32>
      %mul3A_546 = vector.broadcast %squeeze3A_535 : f32 to vector<16xf32>
      %mul3A_547 = arith.mulf %get3A_545, %mul3A_546 : vector<16xf32>
      %add3A_548 = arith.addf %mul3A_541, %mul3A_547 : vector<16xf32>
      %swap3A_549 = arith.index_cast %add3A_531 : i32 to index
      %swap3A_550 = arith.constant 0 : index
      %swap3A_551 = tpu.vector_load %arg34[%swap3A_549, %swap3A_550] {strides = array<i32>} : memref<128x32xf32, #tpu.memory_space<vmem>>, vector<1x16xf32>,
      %swap3A_552 = vector.shape_cast %swap3A_551 : vector<1x16xf32> to vector<16xf32>
      %swap3A_553 = vector.shape_cast %add3A_548 : vector<16xf32> to vector<1x16xf32>
      tpu.vector_store %arg34[%swap3A_549, %swap3A_550], %swap3A_553 {strides = array<i32>} : memref<128x32xf32, #tpu.memory_space<vmem>>, vector<1x16xf32>,
      %get3A_554 = arith.index_cast %add3A_531 : i32 to index
      %get3A_555 = arith.constant 16 : index
      %get3A_556 = tpu.vector_load %arg30[%get3A_554, %get3A_555] {strides = array<i32>} : memref<128x128xf32, #tpu.memory_space<vmem>>, vector<1x16xf32>,
      %get3A_557 = vector.shape_cast %get3A_556 : vector<1x16xf32> to vector<16xf32>
      %mul3A_558 = vector.broadcast %squeeze3A_533 : f32 to vector<16xf32>
      %mul3A_559 = arith.mulf %get3A_557, %mul3A_558 : vector<16xf32>
      %get3A_560 = arith.index_cast %add3A_531 : i32 to index
      %get3A_561 = arith.constant 16 : index
      %get3A_562 = tpu.vector_load %arg32[%get3A_560, %get3A_561] {strides = array<i32>} : memref<128x128xf32, #tpu.memory_space<vmem>>, vector<1x16xf32>,
      %get3A_563 = vector.shape_cast %get3A_562 : vector<1x16xf32> to vector<16xf32>
      %mul3A_564 = vector.broadcast %squeeze3A_535 : f32 to vector<16xf32>
      %mul3A_565 = arith.mulf %get3A_563, %mul3A_564 : vector<16xf32>
      %add3A_566 = arith.addf %mul3A_559, %mul3A_565 : vector<16xf32>
      %swap3A_567 = arith.index_cast %add3A_531 : i32 to index
      %swap3A_568 = arith.constant 16 : index
      %swap3A_569 = tpu.vector_load %arg34[%swap3A_567, %swap3A_568] {strides = array<i32>} : memref<128x32xf32, #tpu.memory_space<vmem>>, vector<1x16xf32>,
      %swap3A_570 = vector.shape_cast %swap3A_569 : vector<1x16xf32> to vector<16xf32>
      %swap3A_571 = vector.shape_cast %add3A_566 : vector<16xf32> to vector<1x16xf32>
      tpu.vector_store %arg34[%swap3A_567, %swap3A_568], %swap3A_571 {strides = array<i32>} : memref<128x32xf32, #tpu.memory_space<vmem>>, vector<1x16xf32>,
      %mul3A_572 = arith.constant 16 : i32
      %mul3A_573 = arith.muli %scan3A_212, %mul3A_572 : i32
      %add3A_574 = arith.constant 8 : i32
      %add3A_575 = arith.addi %mul3A_573, %add3A_574 : i32
      %slice3A_576 = vector.extract_strided_slice %get3A_217 {offsets = [8], sizes = [1], strides = [1]} : vector<16xf32> to vector<1xf32>
      %squeeze3A_577 = vector.extract %slice3A_576[0] : f32 from vector<1xf32>
      %slice3A_578 = vector.extract_strided_slice %get3A_222 {offsets = [8], sizes = [1], strides = [1]} : vector<16xf32> to vector<1xf32>
      %squeeze3A_579 = vector.extract %slice3A_578[0] : f32 from vector<1xf32>
      %get3A_580 = arith.index_cast %add3A_575 : i32 to index
      %get3A_581 = arith.constant 0 : index
      %get3A_582 = tpu.vector_load %arg30[%get3A_580, %get3A_581] {strides = array<i32>} : memref<128x128xf32, #tpu.memory_space<vmem>>, vector<1x16xf32>,
      %get3A_583 = vector.shape_cast %get3A_582 : vector<1x16xf32> to vector<16xf32>
      %mul3A_584 = vector.broadcast %squeeze3A_577 : f32 to vector<16xf32>
      %mul3A_585 = arith.mulf %get3A_583, %mul3A_584 : vector<16xf32>
      %get3A_586 = arith.index_cast %add3A_575 : i32 to index
      %get3A_587 = arith.constant 0 : index
      %get3A_588 = tpu.vector_load %arg32[%get3A_586, %get3A_587] {strides = array<i32>} : memref<128x128xf32, #tpu.memory_space<vmem>>, vector<1x16xf32>,
      %get3A_589 = vector.shape_cast %get3A_588 : vector<1x16xf32> to vector<16xf32>
      %mul3A_590 = vector.broadcast %squeeze3A_579 : f32 to vector<16xf32>
      %mul3A_591 = arith.mulf %get3A_589, %mul3A_590 : vector<16xf32>
      %add3A_592 = arith.addf %mul3A_585, %mul3A_591 : vector<16xf32>
      %swap3A_593 = arith.index_cast %add3A_575 : i32 to index
      %swap3A_594 = arith.constant 0 : index
      %swap3A_595 = tpu.vector_load %arg34[%swap3A_593, %swap3A_594] {strides = array<i32>} : memref<128x32xf32, #tpu.memory_space<vmem>>, vector<1x16xf32>,
      %swap3A_596 = vector.shape_cast %swap3A_595 : vector<1x16xf32> to vector<16xf32>
      %swap3A_597 = vector.shape_cast %add3A_592 : vector<16xf32> to vector<1x16xf32>
      tpu.vector_store %arg34[%swap3A_593, %swap3A_594], %swap3A_597 {strides = array<i32>} : memref<128x32xf32, #tpu.memory_space<vmem>>, vector<1x16xf32>,
      %get3A_598 = arith.index_cast %add3A_575 : i32 to index
      %get3A_599 = arith.constant 16 : index
      %get3A_600 = tpu.vector_load %arg30[%get3A_598, %get3A_599] {strides = array<i32>} : memref<128x128xf32, #tpu.memory_space<vmem>>, vector<1x16xf32>,
      %get3A_601 = vector.shape_cast %get3A_600 : vector<1x16xf32> to vector<16xf32>
      %mul3A_602 = vector.broadcast %squeeze3A_577 : f32 to vector<16xf32>
      %mul3A_603 = arith.mulf %get3A_601, %mul3A_602 : vector<16xf32>
      %get3A_604 = arith.index_cast %add3A_575 : i32 to index
      %get3A_605 = arith.constant 16 : index
      %get3A_606 = tpu.vector_load %arg32[%get3A_604, %get3A_605] {strides = array<i32>} : memref<128x128xf32, #tpu.memory_space<vmem>>, vector<1x16xf32>,
      %get3A_607 = vector.shape_cast %get3A_606 : vector<1x16xf32> to vector<16xf32>
      %mul3A_608 = vector.broadcast %squeeze3A_579 : f32 to vector<16xf32>
      %mul3A_609 = arith.mulf %get3A_607, %mul3A_608 : vector<16xf32>
      %add3A_610 = arith.addf %mul3A_603, %mul3A_609 : vector<16xf32>
      %swap3A_611 = arith.index_cast %add3A_575 : i32 to index
      %swap3A_612 = arith.constant 16 : index
      %swap3A_613 = tpu.vector_load %arg34[%swap3A_611, %swap3A_612] {strides = array<i32>} : memref<128x32xf32, #tpu.memory_space<vmem>>, vector<1x16xf32>,
      %swap3A_614 = vector.shape_cast %swap3A_613 : vector<1x16xf32> to vector<16xf32>
      %swap3A_615 = vector.shape_cast %add3A_610 : vector<16xf32> to vector<1x16xf32>
      tpu.vector_store %arg34[%swap3A_611, %swap3A_612], %swap3A_615 {strides = array<i32>} : memref<128x32xf32, #tpu.memory_space<vmem>>, vector<1x16xf32>,
      %mul3A_616 = arith.constant 16 : i32
      %mul3A_617 = arith.muli %scan3A_212, %mul3A_616 : i32
      %add3A_618 = arith.constant 9 : i32
      %add3A_619 = arith.addi %mul3A_617, %add3A_618 : i32
      %slice3A_620 = vector.extract_strided_slice %get3A_217 {offsets = [9], sizes = [1], strides = [1]} : vector<16xf32> to vector<1xf32>
      %squeeze3A_621 = vector.extract %slice3A_620[0] : f32 from vector<1xf32>
      %slice3A_622 = vector.extract_strided_slice %get3A_222 {offsets = [9], sizes = [1], strides = [1]} : vector<16xf32> to vector<1xf32>
      %squeeze3A_623 = vector.extract %slice3A_622[0] : f32 from vector<1xf32>
      %get3A_624 = arith.index_cast %add3A_619 : i32 to index
      %get3A_625 = arith.constant 0 : index
      %get3A_626 = tpu.vector_load %arg30[%get3A_624, %get3A_625] {strides = array<i32>} : memref<128x128xf32, #tpu.memory_space<vmem>>, vector<1x16xf32>,
      %get3A_627 = vector.shape_cast %get3A_626 : vector<1x16xf32> to vector<16xf32>
      %mul3A_628 = vector.broadcast %squeeze3A_621 : f32 to vector<16xf32>
      %mul3A_629 = arith.mulf %get3A_627, %mul3A_628 : vector<16xf32>
      %get3A_630 = arith.index_cast %add3A_619 : i32 to index
      %get3A_631 = arith.constant 0 : index
      %get3A_632 = tpu.vector_load %arg32[%get3A_630, %get3A_631] {strides = array<i32>} : memref<128x128xf32, #tpu.memory_space<vmem>>, vector<1x16xf32>,
      %get3A_633 = vector.shape_cast %get3A_632 : vector<1x16xf32> to vector<16xf32>
      %mul3A_634 = vector.broadcast %squeeze3A_623 : f32 to vector<16xf32>
      %mul3A_635 = arith.mulf %get3A_633, %mul3A_634 : vector<16xf32>
      %add3A_636 = arith.addf %mul3A_629, %mul3A_635 : vector<16xf32>
      %swap3A_637 = arith.index_cast %add3A_619 : i32 to index
      %swap3A_638 = arith.constant 0 : index
      %swap3A_639 = tpu.vector_load %arg34[%swap3A_637, %swap3A_638] {strides = array<i32>} : memref<128x32xf32, #tpu.memory_space<vmem>>, vector<1x16xf32>,
      %swap3A_640 = vector.shape_cast %swap3A_639 : vector<1x16xf32> to vector<16xf32>
      %swap3A_641 = vector.shape_cast %add3A_636 : vector<16xf32> to vector<1x16xf32>
      tpu.vector_store %arg34[%swap3A_637, %swap3A_638], %swap3A_641 {strides = array<i32>} : memref<128x32xf32, #tpu.memory_space<vmem>>, vector<1x16xf32>,
      %get3A_642 = arith.index_cast %add3A_619 : i32 to index
      %get3A_643 = arith.constant 16 : index
      %get3A_644 = tpu.vector_load %arg30[%get3A_642, %get3A_643] {strides = array<i32>} : memref<128x128xf32, #tpu.memory_space<vmem>>, vector<1x16xf32>,
      %get3A_645 = vector.shape_cast %get3A_644 : vector<1x16xf32> to vector<16xf32>
      %mul3A_646 = vector.broadcast %squeeze3A_621 : f32 to vector<16xf32>
      %mul3A_647 = arith.mulf %get3A_645, %mul3A_646 : vector<16xf32>
      %get3A_648 = arith.index_cast %add3A_619 : i32 to index
      %get3A_649 = arith.constant 16 : index
      %get3A_650 = tpu.vector_load %arg32[%get3A_648, %get3A_649] {strides = array<i32>} : memref<128x128xf32, #tpu.memory_space<vmem>>, vector<1x16xf32>,
      %get3A_651 = vector.shape_cast %get3A_650 : vector<1x16xf32> to vector<16xf32>
      %mul3A_652 = vector.broadcast %squeeze3A_623 : f32 to vector<16xf32>
      %mul3A_653 = arith.mulf %get3A_651, %mul3A_652 : vector<16xf32>
      %add3A_654 = arith.addf %mul3A_647, %mul3A_653 : vector<16xf32>
      %swap3A_655 = arith.index_cast %add3A_619 : i32 to index
      %swap3A_656 = arith.constant 16 : index
      %swap3A_657 = tpu.vector_load %arg34[%swap3A_655, %swap3A_656] {strides = array<i32>} : memref<128x32xf32, #tpu.memory_space<vmem>>, vector<1x16xf32>,
      %swap3A_658 = vector.shape_cast %swap3A_657 : vector<1x16xf32> to vector<16xf32>
      %swap3A_659 = vector.shape_cast %add3A_654 : vector<16xf32> to vector<1x16xf32>
      tpu.vector_store %arg34[%swap3A_655, %swap3A_656], %swap3A_659 {strides = array<i32>} : memref<128x32xf32, #tpu.memory_space<vmem>>, vector<1x16xf32>,
      %mul3A_660 = arith.constant 16 : i32
      %mul3A_661 = arith.muli %scan3A_212, %mul3A_660 : i32
      %add3A_662 = arith.constant 10 : i32
      %add3A_663 = arith.addi %mul3A_661, %add3A_662 : i32
      %slice3A_664 = vector.extract_strided_slice %get3A_217 {offsets = [10], sizes = [1], strides = [1]} : vector<16xf32> to vector<1xf32>
      %squeeze3A_665 = vector.extract %slice3A_664[0] : f32 from vector<1xf32>
      %slice3A_666 = vector.extract_strided_slice %get3A_222 {offsets = [10], sizes = [1], strides = [1]} : vector<16xf32> to vector<1xf32>
      %squeeze3A_667 = vector.extract %slice3A_666[0] : f32 from vector<1xf32>
      %get3A_668 = arith.index_cast %add3A_663 : i32 to index
      %get3A_669 = arith.constant 0 : index
      %get3A_670 = tpu.vector_load %arg30[%get3A_668, %get3A_669] {strides = array<i32>} : memref<128x128xf32, #tpu.memory_space<vmem>>, vector<1x16xf32>,
      %get3A_671 = vector.shape_cast %get3A_670 : vector<1x16xf32> to vector<16xf32>
      %mul3A_672 = vector.broadcast %squeeze3A_665 : f32 to vector<16xf32>
      %mul3A_673 = arith.mulf %get3A_671, %mul3A_672 : vector<16xf32>
      %get3A_674 = arith.index_cast %add3A_663 : i32 to index
      %get3A_675 = arith.constant 0 : index
      %get3A_676 = tpu.vector_load %arg32[%get3A_674, %get3A_675] {strides = array<i32>} : memref<128x128xf32, #tpu.memory_space<vmem>>, vector<1x16xf32>,
      %get3A_677 = vector.shape_cast %get3A_676 : vector<1x16xf32> to vector<16xf32>
      %mul3A_678 = vector.broadcast %squeeze3A_667 : f32 to vector<16xf32>
      %mul3A_679 = arith.mulf %get3A_677, %mul3A_678 : vector<16xf32>
      %add3A_680 = arith.addf %mul3A_673, %mul3A_679 : vector<16xf32>
      %swap3A_681 = arith.index_cast %add3A_663 : i32 to index
      %swap3A_682 = arith.constant 0 : index
      %swap3A_683 = tpu.vector_load %arg34[%swap3A_681, %swap3A_682] {strides = array<i32>} : memref<128x32xf32, #tpu.memory_space<vmem>>, vector<1x16xf32>,
      %swap3A_684 = vector.shape_cast %swap3A_683 : vector<1x16xf32> to vector<16xf32>
      %swap3A_685 = vector.shape_cast %add3A_680 : vector<16xf32> to vector<1x16xf32>
      tpu.vector_store %arg34[%swap3A_681, %swap3A_682], %swap3A_685 {strides = array<i32>} : memref<128x32xf32, #tpu.memory_space<vmem>>, vector<1x16xf32>,
      %get3A_686 = arith.index_cast %add3A_663 : i32 to index
      %get3A_687 = arith.constant 16 : index
      %get3A_688 = tpu.vector_load %arg30[%get3A_686, %get3A_687] {strides = array<i32>} : memref<128x128xf32, #tpu.memory_space<vmem>>, vector<1x16xf32>,
      %get3A_689 = vector.shape_cast %get3A_688 : vector<1x16xf32> to vector<16xf32>
      %mul3A_690 = vector.broadcast %squeeze3A_665 : f32 to vector<16xf32>
      %mul3A_691 = arith.mulf %get3A_689, %mul3A_690 : vector<16xf32>
      %get3A_692 = arith.index_cast %add3A_663 : i32 to index
      %get3A_693 = arith.constant 16 : index
      %get3A_694 = tpu.vector_load %arg32[%get3A_692, %get3A_693] {strides = array<i32>} : memref<128x128xf32, #tpu.memory_space<vmem>>, vector<1x16xf32>,
      %get3A_695 = vector.shape_cast %get3A_694 : vector<1x16xf32> to vector<16xf32>
      %mul3A_696 = vector.broadcast %squeeze3A_667 : f32 to vector<16xf32>
      %mul3A_697 = arith.mulf %get3A_695, %mul3A_696 : vector<16xf32>
      %add3A_698 = arith.addf %mul3A_691, %mul3A_697 : vector<16xf32>
      %swap3A_699 = arith.index_cast %add3A_663 : i32 to index
      %swap3A_700 = arith.constant 16 : index
      %swap3A_701 = tpu.vector_load %arg34[%swap3A_699, %swap3A_700] {strides = array<i32>} : memref<128x32xf32, #tpu.memory_space<vmem>>, vector<1x16xf32>,
      %swap3A_702 = vector.shape_cast %swap3A_701 : vector<1x16xf32> to vector<16xf32>
      %swap3A_703 = vector.shape_cast %add3A_698 : vector<16xf32> to vector<1x16xf32>
      tpu.vector_store %arg34[%swap3A_699, %swap3A_700], %swap3A_703 {strides = array<i32>} : memref<128x32xf32, #tpu.memory_space<vmem>>, vector<1x16xf32>,
      %mul3A_704 = arith.constant 16 : i32
      %mul3A_705 = arith.muli %scan3A_212, %mul3A_704 : i32
      %add3A_706 = arith.constant 11 : i32
      %add3A_707 = arith.addi %mul3A_705, %add3A_706 : i32
      %slice3A_708 = vector.extract_strided_slice %get3A_217 {offsets = [11], sizes = [1], strides = [1]} : vector<16xf32> to vector<1xf32>
      %squeeze3A_709 = vector.extract %slice3A_708[0] : f32 from vector<1xf32>
      %slice3A_710 = vector.extract_strided_slice %get3A_222 {offsets = [11], sizes = [1], strides = [1]} : vector<16xf32> to vector<1xf32>
      %squeeze3A_711 = vector.extract %slice3A_710[0] : f32 from vector<1xf32>
      %get3A_712 = arith.index_cast %add3A_707 : i32 to index
      %get3A_713 = arith.constant 0 : index
      %get3A_714 = tpu.vector_load %arg30[%get3A_712, %get3A_713] {strides = array<i32>} : memref<128x128xf32, #tpu.memory_space<vmem>>, vector<1x16xf32>,
      %get3A_715 = vector.shape_cast %get3A_714 : vector<1x16xf32> to vector<16xf32>
      %mul3A_716 = vector.broadcast %squeeze3A_709 : f32 to vector<16xf32>
      %mul3A_717 = arith.mulf %get3A_715, %mul3A_716 : vector<16xf32>
      %get3A_718 = arith.index_cast %add3A_707 : i32 to index
      %get3A_719 = arith.constant 0 : index
      %get3A_720 = tpu.vector_load %arg32[%get3A_718, %get3A_719] {strides = array<i32>} : memref<128x128xf32, #tpu.memory_space<vmem>>, vector<1x16xf32>,
      %get3A_721 = vector.shape_cast %get3A_720 : vector<1x16xf32> to vector<16xf32>
      %mul3A_722 = vector.broadcast %squeeze3A_711 : f32 to vector<16xf32>
      %mul3A_723 = arith.mulf %get3A_721, %mul3A_722 : vector<16xf32>
      %add3A_724 = arith.addf %mul3A_717, %mul3A_723 : vector<16xf32>
      %swap3A_725 = arith.index_cast %add3A_707 : i32 to index
      %swap3A_726 = arith.constant 0 : index
      %swap3A_727 = tpu.vector_load %arg34[%swap3A_725, %swap3A_726] {strides = array<i32>} : memref<128x32xf32, #tpu.memory_space<vmem>>, vector<1x16xf32>,
      %swap3A_728 = vector.shape_cast %swap3A_727 : vector<1x16xf32> to vector<16xf32>
      %swap3A_729 = vector.shape_cast %add3A_724 : vector<16xf32> to vector<1x16xf32>
      tpu.vector_store %arg34[%swap3A_725, %swap3A_726], %swap3A_729 {strides = array<i32>} : memref<128x32xf32, #tpu.memory_space<vmem>>, vector<1x16xf32>,
      %get3A_730 = arith.index_cast %add3A_707 : i32 to index
      %get3A_731 = arith.constant 16 : index
      %get3A_732 = tpu.vector_load %arg30[%get3A_730, %get3A_731] {strides = array<i32>} : memref<128x128xf32, #tpu.memory_space<vmem>>, vector<1x16xf32>,
      %get3A_733 = vector.shape_cast %get3A_732 : vector<1x16xf32> to vector<16xf32>
      %mul3A_734 = vector.broadcast %squeeze3A_709 : f32 to vector<16xf32>
      %mul3A_735 = arith.mulf %get3A_733, %mul3A_734 : vector<16xf32>
      %get3A_736 = arith.index_cast %add3A_707 : i32 to index
      %get3A_737 = arith.constant 16 : index
      %get3A_738 = tpu.vector_load %arg32[%get3A_736, %get3A_737] {strides = array<i32>} : memref<128x128xf32, #tpu.memory_space<vmem>>, vector<1x16xf32>,
      %get3A_739 = vector.shape_cast %get3A_738 : vector<1x16xf32> to vector<16xf32>
      %mul3A_740 = vector.broadcast %squeeze3A_711 : f32 to vector<16xf32>
      %mul3A_741 = arith.mulf %get3A_739, %mul3A_740 : vector<16xf32>
      %add3A_742 = arith.addf %mul3A_735, %mul3A_741 : vector<16xf32>
      %swap3A_743 = arith.index_cast %add3A_707 : i32 to index
      %swap3A_744 = arith.constant 16 : index
      %swap3A_745 = tpu.vector_load %arg34[%swap3A_743, %swap3A_744] {strides = array<i32>} : memref<128x32xf32, #tpu.memory_space<vmem>>, vector<1x16xf32>,
      %swap3A_746 = vector.shape_cast %swap3A_745 : vector<1x16xf32> to vector<16xf32>
      %swap3A_747 = vector.shape_cast %add3A_742 : vector<16xf32> to vector<1x16xf32>
      tpu.vector_store %arg34[%swap3A_743, %swap3A_744], %swap3A_747 {strides = array<i32>} : memref<128x32xf32, #tpu.memory_space<vmem>>, vector<1x16xf32>,
      %mul3A_748 = arith.constant 16 : i32
      %mul3A_749 = arith.muli %scan3A_212, %mul3A_748 : i32
      %add3A_750 = arith.constant 12 : i32
      %add3A_751 = arith.addi %mul3A_749, %add3A_750 : i32
      %slice3A_752 = vector.extract_strided_slice %get3A_217 {offsets = [12], sizes = [1], strides = [1]} : vector<16xf32> to vector<1xf32>
      %squeeze3A_753 = vector.extract %slice3A_752[0] : f32 from vector<1xf32>
      %slice3A_754 = vector.extract_strided_slice %get3A_222 {offsets = [12], sizes = [1], strides = [1]} : vector<16xf32> to vector<1xf32>
      %squeeze3A_755 = vector.extract %slice3A_754[0] : f32 from vector<1xf32>
      %get3A_756 = arith.index_cast %add3A_751 : i32 to index
      %get3A_757 = arith.constant 0 : index
      %get3A_758 = tpu.vector_load %arg30[%get3A_756, %get3A_757] {strides = array<i32>} : memref<128x128xf32, #tpu.memory_space<vmem>>, vector<1x16xf32>,
      %get3A_759 = vector.shape_cast %get3A_758 : vector<1x16xf32> to vector<16xf32>
      %mul3A_760 = vector.broadcast %squeeze3A_753 : f32 to vector<16xf32>
      %mul3A_761 = arith.mulf %get3A_759, %mul3A_760 : vector<16xf32>
      %get3A_762 = arith.index_cast %add3A_751 : i32 to index
      %get3A_763 = arith.constant 0 : index
      %get3A_764 = tpu.vector_load %arg32[%get3A_762, %get3A_763] {strides = array<i32>} : memref<128x128xf32, #tpu.memory_space<vmem>>, vector<1x16xf32>,
      %get3A_765 = vector.shape_cast %get3A_764 : vector<1x16xf32> to vector<16xf32>
      %mul3A_766 = vector.broadcast %squeeze3A_755 : f32 to vector<16xf32>
      %mul3A_767 = arith.mulf %get3A_765, %mul3A_766 : vector<16xf32>
      %add3A_768 = arith.addf %mul3A_761, %mul3A_767 : vector<16xf32>
      %swap3A_769 = arith.index_cast %add3A_751 : i32 to index
      %swap3A_770 = arith.constant 0 : index
      %swap3A_771 = tpu.vector_load %arg34[%swap3A_769, %swap3A_770] {strides = array<i32>} : memref<128x32xf32, #tpu.memory_space<vmem>>, vector<1x16xf32>,
      %swap3A_772 = vector.shape_cast %swap3A_771 : vector<1x16xf32> to vector<16xf32>
      %swap3A_773 = vector.shape_cast %add3A_768 : vector<16xf32> to vector<1x16xf32>
      tpu.vector_store %arg34[%swap3A_769, %swap3A_770], %swap3A_773 {strides = array<i32>} : memref<128x32xf32, #tpu.memory_space<vmem>>, vector<1x16xf32>,
      %get3A_774 = arith.index_cast %add3A_751 : i32 to index
      %get3A_775 = arith.constant 16 : index
      %get3A_776 = tpu.vector_load %arg30[%get3A_774, %get3A_775] {strides = array<i32>} : memref<128x128xf32, #tpu.memory_space<vmem>>, vector<1x16xf32>,
      %get3A_777 = vector.shape_cast %get3A_776 : vector<1x16xf32> to vector<16xf32>
      %mul3A_778 = vector.broadcast %squeeze3A_753 : f32 to vector<16xf32>
      %mul3A_779 = arith.mulf %get3A_777, %mul3A_778 : vector<16xf32>
      %get3A_780 = arith.index_cast %add3A_751 : i32 to index
      %get3A_781 = arith.constant 16 : index
      %get3A_782 = tpu.vector_load %arg32[%get3A_780, %get3A_781] {strides = array<i32>} : memref<128x128xf32, #tpu.memory_space<vmem>>, vector<1x16xf32>,
      %get3A_783 = vector.shape_cast %get3A_782 : vector<1x16xf32> to vector<16xf32>
      %mul3A_784 = vector.broadcast %squeeze3A_755 : f32 to vector<16xf32>
      %mul3A_785 = arith.mulf %get3A_783, %mul3A_784 : vector<16xf32>
      %add3A_786 = arith.addf %mul3A_779, %mul3A_785 : vector<16xf32>
      %swap3A_787 = arith.index_cast %add3A_751 : i32 to index
      %swap3A_788 = arith.constant 16 : index
      %swap3A_789 = tpu.vector_load %arg34[%swap3A_787, %swap3A_788] {strides = array<i32>} : memref<128x32xf32, #tpu.memory_space<vmem>>, vector<1x16xf32>,
      %swap3A_790 = vector.shape_cast %swap3A_789 : vector<1x16xf32> to vector<16xf32>
      %swap3A_791 = vector.shape_cast %add3A_786 : vector<16xf32> to vector<1x16xf32>
      tpu.vector_store %arg34[%swap3A_787, %swap3A_788], %swap3A_791 {strides = array<i32>} : memref<128x32xf32, #tpu.memory_space<vmem>>, vector<1x16xf32>,
      %mul3A_792 = arith.constant 16 : i32
      %mul3A_793 = arith.muli %scan3A_212, %mul3A_792 : i32
      %add3A_794 = arith.constant 13 : i32
      %add3A_795 = arith.addi %mul3A_793, %add3A_794 : i32
      %slice3A_796 = vector.extract_strided_slice %get3A_217 {offsets = [13], sizes = [1], strides = [1]} : vector<16xf32> to vector<1xf32>
      %squeeze3A_797 = vector.extract %slice3A_796[0] : f32 from vector<1xf32>
      %slice3A_798 = vector.extract_strided_slice %get3A_222 {offsets = [13], sizes = [1], strides = [1]} : vector<16xf32> to vector<1xf32>
      %squeeze3A_799 = vector.extract %slice3A_798[0] : f32 from vector<1xf32>
      %get3A_800 = arith.index_cast %add3A_795 : i32 to index
      %get3A_801 = arith.constant 0 : index
      %get3A_802 = tpu.vector_load %arg30[%get3A_800, %get3A_801] {strides = array<i32>} : memref<128x128xf32, #tpu.memory_space<vmem>>, vector<1x16xf32>,
      %get3A_803 = vector.shape_cast %get3A_802 : vector<1x16xf32> to vector<16xf32>
      %mul3A_804 = vector.broadcast %squeeze3A_797 : f32 to vector<16xf32>
      %mul3A_805 = arith.mulf %get3A_803, %mul3A_804 : vector<16xf32>
      %get3A_806 = arith.index_cast %add3A_795 : i32 to index
      %get3A_807 = arith.constant 0 : index
      %get3A_808 = tpu.vector_load %arg32[%get3A_806, %get3A_807] {strides = array<i32>} : memref<128x128xf32, #tpu.memory_space<vmem>>, vector<1x16xf32>,
      %get3A_809 = vector.shape_cast %get3A_808 : vector<1x16xf32> to vector<16xf32>
      %mul3A_810 = vector.broadcast %squeeze3A_799 : f32 to vector<16xf32>
      %mul3A_811 = arith.mulf %get3A_809, %mul3A_810 : vector<16xf32>
      %add3A_812 = arith.addf %mul3A_805, %mul3A_811 : vector<16xf32>
      %swap3A_813 = arith.index_cast %add3A_795 : i32 to index
      %swap3A_814 = arith.constant 0 : index
      %swap3A_815 = tpu.vector_load %arg34[%swap3A_813, %swap3A_814] {strides = array<i32>} : memref<128x32xf32, #tpu.memory_space<vmem>>, vector<1x16xf32>,
      %swap3A_816 = vector.shape_cast %swap3A_815 : vector<1x16xf32> to vector<16xf32>
      %swap3A_817 = vector.shape_cast %add3A_812 : vector<16xf32> to vector<1x16xf32>
      tpu.vector_store %arg34[%swap3A_813, %swap3A_814], %swap3A_817 {strides = array<i32>} : memref<128x32xf32, #tpu.memory_space<vmem>>, vector<1x16xf32>,
      %get3A_818 = arith.index_cast %add3A_795 : i32 to index
      %get3A_819 = arith.constant 16 : index
      %get3A_820 = tpu.vector_load %arg30[%get3A_818, %get3A_819] {strides = array<i32>} : memref<128x128xf32, #tpu.memory_space<vmem>>, vector<1x16xf32>,
      %get3A_821 = vector.shape_cast %get3A_820 : vector<1x16xf32> to vector<16xf32>
      %mul3A_822 = vector.broadcast %squeeze3A_797 : f32 to vector<16xf32>
      %mul3A_823 = arith.mulf %get3A_821, %mul3A_822 : vector<16xf32>
      %get3A_824 = arith.index_cast %add3A_795 : i32 to index
      %get3A_825 = arith.constant 16 : index
      %get3A_826 = tpu.vector_load %arg32[%get3A_824, %get3A_825] {strides = array<i32>} : memref<128x128xf32, #tpu.memory_space<vmem>>, vector<1x16xf32>,
      %get3A_827 = vector.shape_cast %get3A_826 : vector<1x16xf32> to vector<16xf32>
      %mul3A_828 = vector.broadcast %squeeze3A_799 : f32 to vector<16xf32>
      %mul3A_829 = arith.mulf %get3A_827, %mul3A_828 : vector<16xf32>
      %add3A_830 = arith.addf %mul3A_823, %mul3A_829 : vector<16xf32>
      %swap3A_831 = arith.index_cast %add3A_795 : i32 to index
      %swap3A_832 = arith.constant 16 : index
      %swap3A_833 = tpu.vector_load %arg34[%swap3A_831, %swap3A_832] {strides = array<i32>} : memref<128x32xf32, #tpu.memory_space<vmem>>, vector<1x16xf32>,
      %swap3A_834 = vector.shape_cast %swap3A_833 : vector<1x16xf32> to vector<16xf32>
      %swap3A_835 = vector.shape_cast %add3A_830 : vector<16xf32> to vector<1x16xf32>
      tpu.vector_store %arg34[%swap3A_831, %swap3A_832], %swap3A_835 {strides = array<i32>} : memref<128x32xf32, #tpu.memory_space<vmem>>, vector<1x16xf32>,
      %mul3A_836 = arith.constant 16 : i32
      %mul3A_837 = arith.muli %scan3A_212, %mul3A_836 : i32
      %add3A_838 = arith.constant 14 : i32
      %add3A_839 = arith.addi %mul3A_837, %add3A_838 : i32
      %slice3A_840 = vector.extract_strided_slice %get3A_217 {offsets = [14], sizes = [1], strides = [1]} : vector<16xf32> to vector<1xf32>
      %squeeze3A_841 = vector.extract %slice3A_840[0] : f32 from vector<1xf32>
      %slice3A_842 = vector.extract_strided_slice %get3A_222 {offsets = [14], sizes = [1], strides = [1]} : vector<16xf32> to vector<1xf32>
      %squeeze3A_843 = vector.extract %slice3A_842[0] : f32 from vector<1xf32>
      %get3A_844 = arith.index_cast %add3A_839 : i32 to index
      %get3A_845 = arith.constant 0 : index
      %get3A_846 = tpu.vector_load %arg30[%get3A_844, %get3A_845] {strides = array<i32>} : memref<128x128xf32, #tpu.memory_space<vmem>>, vector<1x16xf32>,
      %get3A_847 = vector.shape_cast %get3A_846 : vector<1x16xf32> to vector<16xf32>
      %mul3A_848 = vector.broadcast %squeeze3A_841 : f32 to vector<16xf32>
      %mul3A_849 = arith.mulf %get3A_847, %mul3A_848 : vector<16xf32>
      %get3A_850 = arith.index_cast %add3A_839 : i32 to index
      %get3A_851 = arith.constant 0 : index
      %get3A_852 = tpu.vector_load %arg32[%get3A_850, %get3A_851] {strides = array<i32>} : memref<128x128xf32, #tpu.memory_space<vmem>>, vector<1x16xf32>,
      %get3A_853 = vector.shape_cast %get3A_852 : vector<1x16xf32> to vector<16xf32>
      %mul3A_854 = vector.broadcast %squeeze3A_843 : f32 to vector<16xf32>
      %mul3A_855 = arith.mulf %get3A_853, %mul3A_854 : vector<16xf32>
      %add3A_856 = arith.addf %mul3A_849, %mul3A_855 : vector<16xf32>
      %swap3A_857 = arith.index_cast %add3A_839 : i32 to index
      %swap3A_858 = arith.constant 0 : index
      %swap3A_859 = tpu.vector_load %arg34[%swap3A_857, %swap3A_858] {strides = array<i32>} : memref<128x32xf32, #tpu.memory_space<vmem>>, vector<1x16xf32>,
      %swap3A_860 = vector.shape_cast %swap3A_859 : vector<1x16xf32> to vector<16xf32>
      %swap3A_861 = vector.shape_cast %add3A_856 : vector<16xf32> to vector<1x16xf32>
      tpu.vector_store %arg34[%swap3A_857, %swap3A_858], %swap3A_861 {strides = array<i32>} : memref<128x32xf32, #tpu.memory_space<vmem>>, vector<1x16xf32>,
      %get3A_862 = arith.index_cast %add3A_839 : i32 to index
      %get3A_863 = arith.constant 16 : index
      %get3A_864 = tpu.vector_load %arg30[%get3A_862, %get3A_863] {strides = array<i32>} : memref<128x128xf32, #tpu.memory_space<vmem>>, vector<1x16xf32>,
      %get3A_865 = vector.shape_cast %get3A_864 : vector<1x16xf32> to vector<16xf32>
      %mul3A_866 = vector.broadcast %squeeze3A_841 : f32 to vector<16xf32>
      %mul3A_867 = arith.mulf %get3A_865, %mul3A_866 : vector<16xf32>
      %get3A_868 = arith.index_cast %add3A_839 : i32 to index
      %get3A_869 = arith.constant 16 : index
      %get3A_870 = tpu.vector_load %arg32[%get3A_868, %get3A_869] {strides = array<i32>} : memref<128x128xf32, #tpu.memory_space<vmem>>, vector<1x16xf32>,
      %get3A_871 = vector.shape_cast %get3A_870 : vector<1x16xf32> to vector<16xf32>
      %mul3A_872 = vector.broadcast %squeeze3A_843 : f32 to vector<16xf32>
      %mul3A_873 = arith.mulf %get3A_871, %mul3A_872 : vector<16xf32>
      %add3A_874 = arith.addf %mul3A_867, %mul3A_873 : vector<16xf32>
      %swap3A_875 = arith.index_cast %add3A_839 : i32 to index
      %swap3A_876 = arith.constant 16 : index
      %swap3A_877 = tpu.vector_load %arg34[%swap3A_875, %swap3A_876] {strides = array<i32>} : memref<128x32xf32, #tpu.memory_space<vmem>>, vector<1x16xf32>,
      %swap3A_878 = vector.shape_cast %swap3A_877 : vector<1x16xf32> to vector<16xf32>
      %swap3A_879 = vector.shape_cast %add3A_874 : vector<16xf32> to vector<1x16xf32>
      tpu.vector_store %arg34[%swap3A_875, %swap3A_876], %swap3A_879 {strides = array<i32>} : memref<128x32xf32, #tpu.memory_space<vmem>>, vector<1x16xf32>,
      %mul3A_880 = arith.constant 16 : i32
      %mul3A_881 = arith.muli %scan3A_212, %mul3A_880 : i32
      %add3A_882 = arith.constant 15 : i32
      %add3A_883 = arith.addi %mul3A_881, %add3A_882 : i32
      %slice3A_884 = vector.extract_strided_slice %get3A_217 {offsets = [15], sizes = [1], strides = [1]} : vector<16xf32> to vector<1xf32>
      %squeeze3A_885 = vector.extract %slice3A_884[0] : f32 from vector<1xf32>
      %slice3A_886 = vector.extract_strided_slice %get3A_222 {offsets = [15], sizes = [1], strides = [1]} : vector<16xf32> to vector<1xf32>
      %squeeze3A_887 = vector.extract %slice3A_886[0] : f32 from vector<1xf32>
      %get3A_888 = arith.index_cast %add3A_883 : i32 to index
      %get3A_889 = arith.constant 0 : index
      %get3A_890 = tpu.vector_load %arg30[%get3A_888, %get3A_889] {strides = array<i32>} : memref<128x128xf32, #tpu.memory_space<vmem>>, vector<1x16xf32>,
      %get3A_891 = vector.shape_cast %get3A_890 : vector<1x16xf32> to vector<16xf32>
      %mul3A_892 = vector.broadcast %squeeze3A_885 : f32 to vector<16xf32>
      %mul3A_893 = arith.mulf %get3A_891, %mul3A_892 : vector<16xf32>
      %get3A_894 = arith.index_cast %add3A_883 : i32 to index
      %get3A_895 = arith.constant 0 : index
      %get3A_896 = tpu.vector_load %arg32[%get3A_894, %get3A_895] {strides = array<i32>} : memref<128x128xf32, #tpu.memory_space<vmem>>, vector<1x16xf32>,
      %get3A_897 = vector.shape_cast %get3A_896 : vector<1x16xf32> to vector<16xf32>
      %mul3A_898 = vector.broadcast %squeeze3A_887 : f32 to vector<16xf32>
      %mul3A_899 = arith.mulf %get3A_897, %mul3A_898 : vector<16xf32>
      %add3A_900 = arith.addf %mul3A_893, %mul3A_899 : vector<16xf32>
      %swap3A_901 = arith.index_cast %add3A_883 : i32 to index
      %swap3A_902 = arith.constant 0 : index
      %swap3A_903 = tpu.vector_load %arg34[%swap3A_901, %swap3A_902] {strides = array<i32>} : memref<128x32xf32, #tpu.memory_space<vmem>>, vector<1x16xf32>,
      %swap3A_904 = vector.shape_cast %swap3A_903 : vector<1x16xf32> to vector<16xf32>
      %swap3A_905 = vector.shape_cast %add3A_900 : vector<16xf32> to vector<1x16xf32>
      tpu.vector_store %arg34[%swap3A_901, %swap3A_902], %swap3A_905 {strides = array<i32>} : memref<128x32xf32, #tpu.memory_space<vmem>>, vector<1x16xf32>,
      %get3A_906 = arith.index_cast %add3A_883 : i32 to index
      %get3A_907 = arith.constant 16 : index
      %get3A_908 = tpu.vector_load %arg30[%get3A_906, %get3A_907] {strides = array<i32>} : memref<128x128xf32, #tpu.memory_space<vmem>>, vector<1x16xf32>,
      %get3A_909 = vector.shape_cast %get3A_908 : vector<1x16xf32> to vector<16xf32>
      %mul3A_910 = vector.broadcast %squeeze3A_885 : f32 to vector<16xf32>
      %mul3A_911 = arith.mulf %get3A_909, %mul3A_910 : vector<16xf32>
      %get3A_912 = arith.index_cast %add3A_883 : i32 to index
      %get3A_913 = arith.constant 16 : index
      %get3A_914 = tpu.vector_load %arg32[%get3A_912, %get3A_913] {strides = array<i32>} : memref<128x128xf32, #tpu.memory_space<vmem>>, vector<1x16xf32>,
      %get3A_915 = vector.shape_cast %get3A_914 : vector<1x16xf32> to vector<16xf32>
      %mul3A_916 = vector.broadcast %squeeze3A_887 : f32 to vector<16xf32>
      %mul3A_917 = arith.mulf %get3A_915, %mul3A_916 : vector<16xf32>
      %add3A_918 = arith.addf %mul3A_911, %mul3A_917 : vector<16xf32>
      %swap3A_919 = arith.index_cast %add3A_883 : i32 to index
      %swap3A_920 = arith.constant 16 : index
      %swap3A_921 = tpu.vector_load %arg34[%swap3A_919, %swap3A_920] {strides = array<i32>} : memref<128x32xf32, #tpu.memory_space<vmem>>, vector<1x16xf32>,
      %swap3A_922 = vector.shape_cast %swap3A_921 : vector<1x16xf32> to vector<16xf32>
      %swap3A_923 = vector.shape_cast %add3A_918 : vector<16xf32> to vector<1x16xf32>
      tpu.vector_store %arg34[%swap3A_919, %swap3A_920], %swap3A_923 {strides = array<i32>} : memref<128x32xf32, #tpu.memory_space<vmem>>, vector<1x16xf32>,
      %scan3A_924 = arith.constant 0 : i32
      scf.yield %scan3A_924 : i32
    }
    %scan3A_133 = arith.constant 8 : i32
    %add3A_134 = arith.constant 128 : i32
    %add3A_135 = arith.addi %mul3A_2, %add3A_134 : i32
    %dma_start3A_136 = arith.constant 0 : i32
    %dma_start3A_137 = tpu.memref_slice %arg8[%add3A_135, %dma_start3A_136] : memref<16384x32xf32, #tpu.memory_space<hbm>> -> memref<128x32xf32, #tpu.memory_space<hbm>>
    %dma_start3A_138 = arith.constant 0 : i32
    %dma_start3A_139 = tpu.memref_slice %arg8[%add3A_135, %dma_start3A_138] : memref<16384x32xf32, #tpu.memory_space<hbm>> -> memref<128x32xf32, #tpu.memory_space<hbm>>
    tpu.enqueue_dma source(%arg34 : memref<128x32xf32, #tpu.memory_space<vmem>>) target(%dma_start3A_139 : memref<128x32xf32, #tpu.memory_space<hbm>>) target_semaphore(%arg38 : memref<!tpu.dma_semaphore, #tpu.memory_space<semaphore_mem>>)
    %dma_wait3A_140 = tpu.memref_slice %arg3[%add3A_37] : memref<16384xi32, #tpu.memory_space<hbm>> -> memref<128xi32, #tpu.memory_space<hbm>>
    %dma_wait3A_141 = tpu.memref_slice %arg3[%add3A_37] : memref<16384xi32, #tpu.memory_space<hbm>> -> memref<128xi32, #tpu.memory_space<hbm>>
    tpu.wait_dma2 semaphore(%arg35 : memref<!tpu.dma_semaphore, #tpu.memory_space<semaphore_mem>>) src(%dma_wait3A_141 : memref<128xi32, #tpu.memory_space<hbm>>) dst(%arg16 : memref<128xi32, #tpu.memory_space<vmem>>)
    %dma_wait3A_142 = tpu.memref_slice %arg4[%add3A_37] : memref<16384xi32, #tpu.memory_space<hbm>> -> memref<128xi32, #tpu.memory_space<hbm>>
    %dma_wait3A_143 = tpu.memref_slice %arg4[%add3A_37] : memref<16384xi32, #tpu.memory_space<hbm>> -> memref<128xi32, #tpu.memory_space<hbm>>
    tpu.wait_dma2 semaphore(%arg35 : memref<!tpu.dma_semaphore, #tpu.memory_space<semaphore_mem>>) src(%dma_wait3A_143 : memref<128xi32, #tpu.memory_space<hbm>>) dst(%arg20 : memref<128xi32, #tpu.memory_space<vmem>>)
    %dma_start3A_144 = arith.constant 0 : i32
    %dma_start3A_145 = arith.constant 0 : i32
    %dma_start3A_146 = tpu.memref_slice %arg7[%dma_start3A_144, %dma_start3A_145] : memref<10000x128xf32, #tpu.memory_space<hbm>> -> memref<10000x128xf32, #tpu.memory_space<hbm>>
    tpu.enqueue_indirect_dma source(%dma_start3A_146 : memref<10000x128xf32, #tpu.memory_space<hbm>>) target(%arg30 : memref<128x128xf32, #tpu.memory_space<vmem>>) offsets(%arg16 : memref<128xi32, #tpu.memory_space<vmem>>) semaphore(%arg37 : memref<!tpu.dma_semaphore, #tpu.memory_space<semaphore_mem>>)
    %dma_start3A_147 = arith.constant 0 : i32
    %dma_start3A_148 = arith.constant 0 : i32
    %dma_start3A_149 = tpu.memref_slice %arg7[%dma_start3A_147, %dma_start3A_148] : memref<10000x128xf32, #tpu.memory_space<hbm>> -> memref<10000x128xf32, #tpu.memory_space<hbm>>
    tpu.enqueue_indirect_dma source(%dma_start3A_149 : memref<10000x128xf32, #tpu.memory_space<hbm>>) target(%arg32 : memref<128x128xf32, #tpu.memory_space<vmem>>) offsets(%arg20 : memref<128xi32, #tpu.memory_space<vmem>>) semaphore(%arg37 : memref<!tpu.dma_semaphore, #tpu.memory_space<semaphore_mem>>)
    %dma_wait3A_150 = arith.constant 0 : i32
    %dma_wait3A_151 = arith.constant 0 : i32
    %dma_wait3A_152 = tpu.memref_slice %arg7[%dma_wait3A_150, %dma_wait3A_151] : memref<10000x128xf32, #tpu.memory_space<hbm>> -> memref<10000x128xf32, #tpu.memory_space<hbm>>
    tpu.wait_indirect_dma semaphore(%arg37 : memref<!tpu.dma_semaphore, #tpu.memory_space<semaphore_mem>>) src(%dma_wait3A_152 : memref<10000x128xf32, #tpu.memory_space<hbm>>) dst(%arg29 : memref<128x128xf32, #tpu.memory_space<vmem>>)
    %dma_wait3A_153 = arith.constant 0 : i32
    %dma_wait3A_154 = arith.constant 0 : i32
    %dma_wait3A_155 = tpu.memref_slice %arg7[%dma_wait3A_153, %dma_wait3A_154] : memref<10000x128xf32, #tpu.memory_space<hbm>> -> memref<10000x128xf32, #tpu.memory_space<hbm>>
    tpu.wait_indirect_dma semaphore(%arg37 : memref<!tpu.dma_semaphore, #tpu.memory_space<semaphore_mem>>) src(%dma_wait3A_155 : memref<10000x128xf32, #tpu.memory_space<hbm>>) dst(%arg31 : memref<128x128xf32, #tpu.memory_space<vmem>>)
    %dma_wait3A_156 = arith.constant 0 : i32
    %dma_wait3A_157 = tpu.memref_slice %arg5[%dma_wait3A_156] : memref<100000xf32, #tpu.memory_space<hbm>> -> memref<100000xf32, #tpu.memory_space<hbm>>
    tpu.wait_indirect_dma semaphore(%arg36 : memref<!tpu.dma_semaphore, #tpu.memory_space<semaphore_mem>>) src(%dma_wait3A_157 : memref<100000xf32, #tpu.memory_space<hbm>>) dst(%arg23 : memref<128xf32, #tpu.memory_space<vmem>>)
    %dma_wait3A_158 = arith.constant 0 : i32
    %dma_wait3A_159 = tpu.memref_slice %arg6[%dma_wait3A_158] : memref<100000xf32, #tpu.memory_space<hbm>> -> memref<100000xf32, #tpu.memory_space<hbm>>
    tpu.wait_indirect_dma semaphore(%arg36 : memref<!tpu.dma_semaphore, #tpu.memory_space<semaphore_mem>>) src(%dma_wait3A_159 : memref<100000xf32, #tpu.memory_space<hbm>>) dst(%arg27 : memref<128xf32, #tpu.memory_space<vmem>>)
    %dma_wait3A_160 = arith.constant 0 : i32
    %dma_wait3A_161 = tpu.memref_slice %arg8[%add3A_102, %dma_wait3A_160] : memref<16384x32xf32, #tpu.memory_space<hbm>> -> memref<128x32xf32, #tpu.memory_space<hbm>>
    %dma_wait3A_162 = arith.constant 0 : i32
    %dma_wait3A_163 = tpu.memref_slice %arg8[%add3A_102, %dma_wait3A_162] : memref<16384x32xf32, #tpu.memory_space<hbm>> -> memref<128x32xf32, #tpu.memory_space<hbm>>
    tpu.wait_dma2 semaphore(%arg38 : memref<!tpu.dma_semaphore, #tpu.memory_space<semaphore_mem>>) src(%arg33 : memref<128x32xf32, #tpu.memory_space<vmem>>) dst(%dma_wait3A_163 : memref<128x32xf32, #tpu.memory_space<hbm>>)
    %scan3A_164 = arith.constant 0 : i32
    %scan3A_165 = arith.constant 0 : i32
    %scan3A_166 = arith.constant 8 : i32
    %scan3A_167 = arith.addi %scan3A_165, %scan3A_166 : i32
    %scan3A_168 = arith.constant 1 : i32
    %scan3A_169 = scf.for %scan3A_212 = %scan3A_165 to %scan3A_167 step %scan3A_168 iter_args(%scan3A_213 = %scan3A_164) -> (i32)  : i32 {
      %mul3A_214 = arith.constant 16 : i32
      %mul3A_215 = arith.muli %scan3A_212, %mul3A_214 : i32
      %get3A = arith.index_cast %mul3A_215 : i32 to index
      %get3A_216 = tpu.vector_load %arg23[%get3A] {strides = array<i32>} : memref<128xf32, #tpu.memory_space<vmem>>, vector<16xf32>,
      %get3A_217 = vector.shape_cast %get3A_216 : vector<16xf32> to vector<16xf32>
      %mul3A_218 = arith.constant 16 : i32
      %mul3A_219 = arith.muli %scan3A_212, %mul3A_218 : i32
      %get3A_220 = arith.index_cast %mul3A_219 : i32 to index
      %get3A_221 = tpu.vector_load %arg27[%get3A_220] {strides = array<i32>} : memref<128xf32, #tpu.memory_space<vmem>>, vector<16xf32>,
      %get3A_222 = vector.shape_cast %get3A_221 : vector<16xf32> to vector<16xf32>
      %mul3A_223 = arith.constant 16 : i32
      %mul3A_224 = arith.muli %scan3A_212, %mul3A_223 : i32
      %add3A_225 = arith.constant 0 : i32
      %add3A_226 = arith.addi %mul3A_224, %add3A_225 : i32
      %slice3A = vector.extract_strided_slice %get3A_217 {offsets = [0], sizes = [1], strides = [1]} : vector<16xf32> to vector<1xf32>
      %squeeze3A = vector.extract %slice3A[0] : f32 from vector<1xf32>
      %slice3A_227 = vector.extract_strided_slice %get3A_222 {offsets = [0], sizes = [1], strides = [1]} : vector<16xf32> to vector<1xf32>
      %squeeze3A_228 = vector.extract %slice3A_227[0] : f32 from vector<1xf32>
      %get3A_229 = arith.index_cast %add3A_226 : i32 to index
      %get3A_230 = arith.constant 0 : index
      %get3A_231 = tpu.vector_load %arg29[%get3A_229, %get3A_230] {strides = array<i32>} : memref<128x128xf32, #tpu.memory_space<vmem>>, vector<1x16xf32>,
      %get3A_232 = vector.shape_cast %get3A_231 : vector<1x16xf32> to vector<16xf32>
      %mul3A_233 = vector.broadcast %squeeze3A : f32 to vector<16xf32>
      %mul3A_234 = arith.mulf %get3A_232, %mul3A_233 : vector<16xf32>
      %get3A_235 = arith.index_cast %add3A_226 : i32 to index
      %get3A_236 = arith.constant 0 : index
      %get3A_237 = tpu.vector_load %arg31[%get3A_235, %get3A_236] {strides = array<i32>} : memref<128x128xf32, #tpu.memory_space<vmem>>, vector<1x16xf32>,
      %get3A_238 = vector.shape_cast %get3A_237 : vector<1x16xf32> to vector<16xf32>
      %mul3A_239 = vector.broadcast %squeeze3A_228 : f32 to vector<16xf32>
      %mul3A_240 = arith.mulf %get3A_238, %mul3A_239 : vector<16xf32>
      %add3A_241 = arith.addf %mul3A_234, %mul3A_240 : vector<16xf32>
      %swap3A = arith.index_cast %add3A_226 : i32 to index
      %swap3A_242 = arith.constant 0 : index
      %swap3A_243 = tpu.vector_load %arg33[%swap3A, %swap3A_242] {strides = array<i32>} : memref<128x32xf32, #tpu.memory_space<vmem>>, vector<1x16xf32>,
      %swap3A_244 = vector.shape_cast %swap3A_243 : vector<1x16xf32> to vector<16xf32>
      %swap3A_245 = vector.shape_cast %add3A_241 : vector<16xf32> to vector<1x16xf32>
      tpu.vector_store %arg33[%swap3A, %swap3A_242], %swap3A_245 {strides = array<i32>} : memref<128x32xf32, #tpu.memory_space<vmem>>, vector<1x16xf32>,
      %get3A_246 = arith.index_cast %add3A_226 : i32 to index
      %get3A_247 = arith.constant 16 : index
      %get3A_248 = tpu.vector_load %arg29[%get3A_246, %get3A_247] {strides = array<i32>} : memref<128x128xf32, #tpu.memory_space<vmem>>, vector<1x16xf32>,
      %get3A_249 = vector.shape_cast %get3A_248 : vector<1x16xf32> to vector<16xf32>
      %mul3A_250 = vector.broadcast %squeeze3A : f32 to vector<16xf32>
      %mul3A_251 = arith.mulf %get3A_249, %mul3A_250 : vector<16xf32>
      %get3A_252 = arith.index_cast %add3A_226 : i32 to index
      %get3A_253 = arith.constant 16 : index
      %get3A_254 = tpu.vector_load %arg31[%get3A_252, %get3A_253] {strides = array<i32>} : memref<128x128xf32, #tpu.memory_space<vmem>>, vector<1x16xf32>,
      %get3A_255 = vector.shape_cast %get3A_254 : vector<1x16xf32> to vector<16xf32>
      %mul3A_256 = vector.broadcast %squeeze3A_228 : f32 to vector<16xf32>
      %mul3A_257 = arith.mulf %get3A_255, %mul3A_256 : vector<16xf32>
      %add3A_258 = arith.addf %mul3A_251, %mul3A_257 : vector<16xf32>
      %swap3A_259 = arith.index_cast %add3A_226 : i32 to index
      %swap3A_260 = arith.constant 16 : index
      %swap3A_261 = tpu.vector_load %arg33[%swap3A_259, %swap3A_260] {strides = array<i32>} : memref<128x32xf32, #tpu.memory_space<vmem>>, vector<1x16xf32>,
      %swap3A_262 = vector.shape_cast %swap3A_261 : vector<1x16xf32> to vector<16xf32>
      %swap3A_263 = vector.shape_cast %add3A_258 : vector<16xf32> to vector<1x16xf32>
      tpu.vector_store %arg33[%swap3A_259, %swap3A_260], %swap3A_263 {strides = array<i32>} : memref<128x32xf32, #tpu.memory_space<vmem>>, vector<1x16xf32>,
      %mul3A_264 = arith.constant 16 : i32
      %mul3A_265 = arith.muli %scan3A_212, %mul3A_264 : i32
      %add3A_266 = arith.constant 1 : i32
      %add3A_267 = arith.addi %mul3A_265, %add3A_266 : i32
      %slice3A_268 = vector.extract_strided_slice %get3A_217 {offsets = [1], sizes = [1], strides = [1]} : vector<16xf32> to vector<1xf32>
      %squeeze3A_269 = vector.extract %slice3A_268[0] : f32 from vector<1xf32>
      %slice3A_270 = vector.extract_strided_slice %get3A_222 {offsets = [1], sizes = [1], strides = [1]} : vector<16xf32> to vector<1xf32>
      %squeeze3A_271 = vector.extract %slice3A_270[0] : f32 from vector<1xf32>
      %get3A_272 = arith.index_cast %add3A_267 : i32 to index
      %get3A_273 = arith.constant 0 : index
      %get3A_274 = tpu.vector_load %arg29[%get3A_272, %get3A_273] {strides = array<i32>} : memref<128x128xf32, #tpu.memory_space<vmem>>, vector<1x16xf32>,
      %get3A_275 = vector.shape_cast %get3A_274 : vector<1x16xf32> to vector<16xf32>
      %mul3A_276 = vector.broadcast %squeeze3A_269 : f32 to vector<16xf32>
      %mul3A_277 = arith.mulf %get3A_275, %mul3A_276 : vector<16xf32>
      %get3A_278 = arith.index_cast %add3A_267 : i32 to index
      %get3A_279 = arith.constant 0 : index
      %get3A_280 = tpu.vector_load %arg31[%get3A_278, %get3A_279] {strides = array<i32>} : memref<128x128xf32, #tpu.memory_space<vmem>>, vector<1x16xf32>,
      %get3A_281 = vector.shape_cast %get3A_280 : vector<1x16xf32> to vector<16xf32>
      %mul3A_282 = vector.broadcast %squeeze3A_271 : f32 to vector<16xf32>
      %mul3A_283 = arith.mulf %get3A_281, %mul3A_282 : vector<16xf32>
      %add3A_284 = arith.addf %mul3A_277, %mul3A_283 : vector<16xf32>
      %swap3A_285 = arith.index_cast %add3A_267 : i32 to index
      %swap3A_286 = arith.constant 0 : index
      %swap3A_287 = tpu.vector_load %arg33[%swap3A_285, %swap3A_286] {strides = array<i32>} : memref<128x32xf32, #tpu.memory_space<vmem>>, vector<1x16xf32>,
      %swap3A_288 = vector.shape_cast %swap3A_287 : vector<1x16xf32> to vector<16xf32>
      %swap3A_289 = vector.shape_cast %add3A_284 : vector<16xf32> to vector<1x16xf32>
      tpu.vector_store %arg33[%swap3A_285, %swap3A_286], %swap3A_289 {strides = array<i32>} : memref<128x32xf32, #tpu.memory_space<vmem>>, vector<1x16xf32>,
      %get3A_290 = arith.index_cast %add3A_267 : i32 to index
      %get3A_291 = arith.constant 16 : index
      %get3A_292 = tpu.vector_load %arg29[%get3A_290, %get3A_291] {strides = array<i32>} : memref<128x128xf32, #tpu.memory_space<vmem>>, vector<1x16xf32>,
      %get3A_293 = vector.shape_cast %get3A_292 : vector<1x16xf32> to vector<16xf32>
      %mul3A_294 = vector.broadcast %squeeze3A_269 : f32 to vector<16xf32>
      %mul3A_295 = arith.mulf %get3A_293, %mul3A_294 : vector<16xf32>
      %get3A_296 = arith.index_cast %add3A_267 : i32 to index
      %get3A_297 = arith.constant 16 : index
      %get3A_298 = tpu.vector_load %arg31[%get3A_296, %get3A_297] {strides = array<i32>} : memref<128x128xf32, #tpu.memory_space<vmem>>, vector<1x16xf32>,
      %get3A_299 = vector.shape_cast %get3A_298 : vector<1x16xf32> to vector<16xf32>
      %mul3A_300 = vector.broadcast %squeeze3A_271 : f32 to vector<16xf32>
      %mul3A_301 = arith.mulf %get3A_299, %mul3A_300 : vector<16xf32>
      %add3A_302 = arith.addf %mul3A_295, %mul3A_301 : vector<16xf32>
      %swap3A_303 = arith.index_cast %add3A_267 : i32 to index
      %swap3A_304 = arith.constant 16 : index
      %swap3A_305 = tpu.vector_load %arg33[%swap3A_303, %swap3A_304] {strides = array<i32>} : memref<128x32xf32, #tpu.memory_space<vmem>>, vector<1x16xf32>,
      %swap3A_306 = vector.shape_cast %swap3A_305 : vector<1x16xf32> to vector<16xf32>
      %swap3A_307 = vector.shape_cast %add3A_302 : vector<16xf32> to vector<1x16xf32>
      tpu.vector_store %arg33[%swap3A_303, %swap3A_304], %swap3A_307 {strides = array<i32>} : memref<128x32xf32, #tpu.memory_space<vmem>>, vector<1x16xf32>,
      %mul3A_308 = arith.constant 16 : i32
      %mul3A_309 = arith.muli %scan3A_212, %mul3A_308 : i32
      %add3A_310 = arith.constant 2 : i32
      %add3A_311 = arith.addi %mul3A_309, %add3A_310 : i32
      %slice3A_312 = vector.extract_strided_slice %get3A_217 {offsets = [2], sizes = [1], strides = [1]} : vector<16xf32> to vector<1xf32>
      %squeeze3A_313 = vector.extract %slice3A_312[0] : f32 from vector<1xf32>
      %slice3A_314 = vector.extract_strided_slice %get3A_222 {offsets = [2], sizes = [1], strides = [1]} : vector<16xf32> to vector<1xf32>
      %squeeze3A_315 = vector.extract %slice3A_314[0] : f32 from vector<1xf32>
      %get3A_316 = arith.index_cast %add3A_311 : i32 to index
      %get3A_317 = arith.constant 0 : index
      %get3A_318 = tpu.vector_load %arg29[%get3A_316, %get3A_317] {strides = array<i32>} : memref<128x128xf32, #tpu.memory_space<vmem>>, vector<1x16xf32>,
      %get3A_319 = vector.shape_cast %get3A_318 : vector<1x16xf32> to vector<16xf32>
      %mul3A_320 = vector.broadcast %squeeze3A_313 : f32 to vector<16xf32>
      %mul3A_321 = arith.mulf %get3A_319, %mul3A_320 : vector<16xf32>
      %get3A_322 = arith.index_cast %add3A_311 : i32 to index
      %get3A_323 = arith.constant 0 : index
      %get3A_324 = tpu.vector_load %arg31[%get3A_322, %get3A_323] {strides = array<i32>} : memref<128x128xf32, #tpu.memory_space<vmem>>, vector<1x16xf32>,
      %get3A_325 = vector.shape_cast %get3A_324 : vector<1x16xf32> to vector<16xf32>
      %mul3A_326 = vector.broadcast %squeeze3A_315 : f32 to vector<16xf32>
      %mul3A_327 = arith.mulf %get3A_325, %mul3A_326 : vector<16xf32>
      %add3A_328 = arith.addf %mul3A_321, %mul3A_327 : vector<16xf32>
      %swap3A_329 = arith.index_cast %add3A_311 : i32 to index
      %swap3A_330 = arith.constant 0 : index
      %swap3A_331 = tpu.vector_load %arg33[%swap3A_329, %swap3A_330] {strides = array<i32>} : memref<128x32xf32, #tpu.memory_space<vmem>>, vector<1x16xf32>,
      %swap3A_332 = vector.shape_cast %swap3A_331 : vector<1x16xf32> to vector<16xf32>
      %swap3A_333 = vector.shape_cast %add3A_328 : vector<16xf32> to vector<1x16xf32>
      tpu.vector_store %arg33[%swap3A_329, %swap3A_330], %swap3A_333 {strides = array<i32>} : memref<128x32xf32, #tpu.memory_space<vmem>>, vector<1x16xf32>,
      %get3A_334 = arith.index_cast %add3A_311 : i32 to index
      %get3A_335 = arith.constant 16 : index
      %get3A_336 = tpu.vector_load %arg29[%get3A_334, %get3A_335] {strides = array<i32>} : memref<128x128xf32, #tpu.memory_space<vmem>>, vector<1x16xf32>,
      %get3A_337 = vector.shape_cast %get3A_336 : vector<1x16xf32> to vector<16xf32>
      %mul3A_338 = vector.broadcast %squeeze3A_313 : f32 to vector<16xf32>
      %mul3A_339 = arith.mulf %get3A_337, %mul3A_338 : vector<16xf32>
      %get3A_340 = arith.index_cast %add3A_311 : i32 to index
      %get3A_341 = arith.constant 16 : index
      %get3A_342 = tpu.vector_load %arg31[%get3A_340, %get3A_341] {strides = array<i32>} : memref<128x128xf32, #tpu.memory_space<vmem>>, vector<1x16xf32>,
      %get3A_343 = vector.shape_cast %get3A_342 : vector<1x16xf32> to vector<16xf32>
      %mul3A_344 = vector.broadcast %squeeze3A_315 : f32 to vector<16xf32>
      %mul3A_345 = arith.mulf %get3A_343, %mul3A_344 : vector<16xf32>
      %add3A_346 = arith.addf %mul3A_339, %mul3A_345 : vector<16xf32>
      %swap3A_347 = arith.index_cast %add3A_311 : i32 to index
      %swap3A_348 = arith.constant 16 : index
      %swap3A_349 = tpu.vector_load %arg33[%swap3A_347, %swap3A_348] {strides = array<i32>} : memref<128x32xf32, #tpu.memory_space<vmem>>, vector<1x16xf32>,
      %swap3A_350 = vector.shape_cast %swap3A_349 : vector<1x16xf32> to vector<16xf32>
      %swap3A_351 = vector.shape_cast %add3A_346 : vector<16xf32> to vector<1x16xf32>
      tpu.vector_store %arg33[%swap3A_347, %swap3A_348], %swap3A_351 {strides = array<i32>} : memref<128x32xf32, #tpu.memory_space<vmem>>, vector<1x16xf32>,
      %mul3A_352 = arith.constant 16 : i32
      %mul3A_353 = arith.muli %scan3A_212, %mul3A_352 : i32
      %add3A_354 = arith.constant 3 : i32
      %add3A_355 = arith.addi %mul3A_353, %add3A_354 : i32
      %slice3A_356 = vector.extract_strided_slice %get3A_217 {offsets = [3], sizes = [1], strides = [1]} : vector<16xf32> to vector<1xf32>
      %squeeze3A_357 = vector.extract %slice3A_356[0] : f32 from vector<1xf32>
      %slice3A_358 = vector.extract_strided_slice %get3A_222 {offsets = [3], sizes = [1], strides = [1]} : vector<16xf32> to vector<1xf32>
      %squeeze3A_359 = vector.extract %slice3A_358[0] : f32 from vector<1xf32>
      %get3A_360 = arith.index_cast %add3A_355 : i32 to index
      %get3A_361 = arith.constant 0 : index
      %get3A_362 = tpu.vector_load %arg29[%get3A_360, %get3A_361] {strides = array<i32>} : memref<128x128xf32, #tpu.memory_space<vmem>>, vector<1x16xf32>,
      %get3A_363 = vector.shape_cast %get3A_362 : vector<1x16xf32> to vector<16xf32>
      %mul3A_364 = vector.broadcast %squeeze3A_357 : f32 to vector<16xf32>
      %mul3A_365 = arith.mulf %get3A_363, %mul3A_364 : vector<16xf32>
      %get3A_366 = arith.index_cast %add3A_355 : i32 to index
      %get3A_367 = arith.constant 0 : index
      %get3A_368 = tpu.vector_load %arg31[%get3A_366, %get3A_367] {strides = array<i32>} : memref<128x128xf32, #tpu.memory_space<vmem>>, vector<1x16xf32>,
      %get3A_369 = vector.shape_cast %get3A_368 : vector<1x16xf32> to vector<16xf32>
      %mul3A_370 = vector.broadcast %squeeze3A_359 : f32 to vector<16xf32>
      %mul3A_371 = arith.mulf %get3A_369, %mul3A_370 : vector<16xf32>
      %add3A_372 = arith.addf %mul3A_365, %mul3A_371 : vector<16xf32>
      %swap3A_373 = arith.index_cast %add3A_355 : i32 to index
      %swap3A_374 = arith.constant 0 : index
      %swap3A_375 = tpu.vector_load %arg33[%swap3A_373, %swap3A_374] {strides = array<i32>} : memref<128x32xf32, #tpu.memory_space<vmem>>, vector<1x16xf32>,
      %swap3A_376 = vector.shape_cast %swap3A_375 : vector<1x16xf32> to vector<16xf32>
      %swap3A_377 = vector.shape_cast %add3A_372 : vector<16xf32> to vector<1x16xf32>
      tpu.vector_store %arg33[%swap3A_373, %swap3A_374], %swap3A_377 {strides = array<i32>} : memref<128x32xf32, #tpu.memory_space<vmem>>, vector<1x16xf32>,
      %get3A_378 = arith.index_cast %add3A_355 : i32 to index
      %get3A_379 = arith.constant 16 : index
      %get3A_380 = tpu.vector_load %arg29[%get3A_378, %get3A_379] {strides = array<i32>} : memref<128x128xf32, #tpu.memory_space<vmem>>, vector<1x16xf32>,
      %get3A_381 = vector.shape_cast %get3A_380 : vector<1x16xf32> to vector<16xf32>
      %mul3A_382 = vector.broadcast %squeeze3A_357 : f32 to vector<16xf32>
      %mul3A_383 = arith.mulf %get3A_381, %mul3A_382 : vector<16xf32>
      %get3A_384 = arith.index_cast %add3A_355 : i32 to index
      %get3A_385 = arith.constant 16 : index
      %get3A_386 = tpu.vector_load %arg31[%get3A_384, %get3A_385] {strides = array<i32>} : memref<128x128xf32, #tpu.memory_space<vmem>>, vector<1x16xf32>,
      %get3A_387 = vector.shape_cast %get3A_386 : vector<1x16xf32> to vector<16xf32>
      %mul3A_388 = vector.broadcast %squeeze3A_359 : f32 to vector<16xf32>
      %mul3A_389 = arith.mulf %get3A_387, %mul3A_388 : vector<16xf32>
      %add3A_390 = arith.addf %mul3A_383, %mul3A_389 : vector<16xf32>
      %swap3A_391 = arith.index_cast %add3A_355 : i32 to index
      %swap3A_392 = arith.constant 16 : index
      %swap3A_393 = tpu.vector_load %arg33[%swap3A_391, %swap3A_392] {strides = array<i32>} : memref<128x32xf32, #tpu.memory_space<vmem>>, vector<1x16xf32>,
      %swap3A_394 = vector.shape_cast %swap3A_393 : vector<1x16xf32> to vector<16xf32>
      %swap3A_395 = vector.shape_cast %add3A_390 : vector<16xf32> to vector<1x16xf32>
      tpu.vector_store %arg33[%swap3A_391, %swap3A_392], %swap3A_395 {strides = array<i32>} : memref<128x32xf32, #tpu.memory_space<vmem>>, vector<1x16xf32>,
      %mul3A_396 = arith.constant 16 : i32
      %mul3A_397 = arith.muli %scan3A_212, %mul3A_396 : i32
      %add3A_398 = arith.constant 4 : i32
      %add3A_399 = arith.addi %mul3A_397, %add3A_398 : i32
      %slice3A_400 = vector.extract_strided_slice %get3A_217 {offsets = [4], sizes = [1], strides = [1]} : vector<16xf32> to vector<1xf32>
      %squeeze3A_401 = vector.extract %slice3A_400[0] : f32 from vector<1xf32>
      %slice3A_402 = vector.extract_strided_slice %get3A_222 {offsets = [4], sizes = [1], strides = [1]} : vector<16xf32> to vector<1xf32>
      %squeeze3A_403 = vector.extract %slice3A_402[0] : f32 from vector<1xf32>
      %get3A_404 = arith.index_cast %add3A_399 : i32 to index
      %get3A_405 = arith.constant 0 : index
      %get3A_406 = tpu.vector_load %arg29[%get3A_404, %get3A_405] {strides = array<i32>} : memref<128x128xf32, #tpu.memory_space<vmem>>, vector<1x16xf32>,
      %get3A_407 = vector.shape_cast %get3A_406 : vector<1x16xf32> to vector<16xf32>
      %mul3A_408 = vector.broadcast %squeeze3A_401 : f32 to vector<16xf32>
      %mul3A_409 = arith.mulf %get3A_407, %mul3A_408 : vector<16xf32>
      %get3A_410 = arith.index_cast %add3A_399 : i32 to index
      %get3A_411 = arith.constant 0 : index
      %get3A_412 = tpu.vector_load %arg31[%get3A_410, %get3A_411] {strides = array<i32>} : memref<128x128xf32, #tpu.memory_space<vmem>>, vector<1x16xf32>,
      %get3A_413 = vector.shape_cast %get3A_412 : vector<1x16xf32> to vector<16xf32>
      %mul3A_414 = vector.broadcast %squeeze3A_403 : f32 to vector<16xf32>
      %mul3A_415 = arith.mulf %get3A_413, %mul3A_414 : vector<16xf32>
      %add3A_416 = arith.addf %mul3A_409, %mul3A_415 : vector<16xf32>
      %swap3A_417 = arith.index_cast %add3A_399 : i32 to index
      %swap3A_418 = arith.constant 0 : index
      %swap3A_419 = tpu.vector_load %arg33[%swap3A_417, %swap3A_418] {strides = array<i32>} : memref<128x32xf32, #tpu.memory_space<vmem>>, vector<1x16xf32>,
      %swap3A_420 = vector.shape_cast %swap3A_419 : vector<1x16xf32> to vector<16xf32>
      %swap3A_421 = vector.shape_cast %add3A_416 : vector<16xf32> to vector<1x16xf32>
      tpu.vector_store %arg33[%swap3A_417, %swap3A_418], %swap3A_421 {strides = array<i32>} : memref<128x32xf32, #tpu.memory_space<vmem>>, vector<1x16xf32>,
      %get3A_422 = arith.index_cast %add3A_399 : i32 to index
      %get3A_423 = arith.constant 16 : index
      %get3A_424 = tpu.vector_load %arg29[%get3A_422, %get3A_423] {strides = array<i32>} : memref<128x128xf32, #tpu.memory_space<vmem>>, vector<1x16xf32>,
      %get3A_425 = vector.shape_cast %get3A_424 : vector<1x16xf32> to vector<16xf32>
      %mul3A_426 = vector.broadcast %squeeze3A_401 : f32 to vector<16xf32>
      %mul3A_427 = arith.mulf %get3A_425, %mul3A_426 : vector<16xf32>
      %get3A_428 = arith.index_cast %add3A_399 : i32 to index
      %get3A_429 = arith.constant 16 : index
      %get3A_430 = tpu.vector_load %arg31[%get3A_428, %get3A_429] {strides = array<i32>} : memref<128x128xf32, #tpu.memory_space<vmem>>, vector<1x16xf32>,
      %get3A_431 = vector.shape_cast %get3A_430 : vector<1x16xf32> to vector<16xf32>
      %mul3A_432 = vector.broadcast %squeeze3A_403 : f32 to vector<16xf32>
      %mul3A_433 = arith.mulf %get3A_431, %mul3A_432 : vector<16xf32>
      %add3A_434 = arith.addf %mul3A_427, %mul3A_433 : vector<16xf32>
      %swap3A_435 = arith.index_cast %add3A_399 : i32 to index
      %swap3A_436 = arith.constant 16 : index
      %swap3A_437 = tpu.vector_load %arg33[%swap3A_435, %swap3A_436] {strides = array<i32>} : memref<128x32xf32, #tpu.memory_space<vmem>>, vector<1x16xf32>,
      %swap3A_438 = vector.shape_cast %swap3A_437 : vector<1x16xf32> to vector<16xf32>
      %swap3A_439 = vector.shape_cast %add3A_434 : vector<16xf32> to vector<1x16xf32>
      tpu.vector_store %arg33[%swap3A_435, %swap3A_436], %swap3A_439 {strides = array<i32>} : memref<128x32xf32, #tpu.memory_space<vmem>>, vector<1x16xf32>,
      %mul3A_440 = arith.constant 16 : i32
      %mul3A_441 = arith.muli %scan3A_212, %mul3A_440 : i32
      %add3A_442 = arith.constant 5 : i32
      %add3A_443 = arith.addi %mul3A_441, %add3A_442 : i32
      %slice3A_444 = vector.extract_strided_slice %get3A_217 {offsets = [5], sizes = [1], strides = [1]} : vector<16xf32> to vector<1xf32>
      %squeeze3A_445 = vector.extract %slice3A_444[0] : f32 from vector<1xf32>
      %slice3A_446 = vector.extract_strided_slice %get3A_222 {offsets = [5], sizes = [1], strides = [1]} : vector<16xf32> to vector<1xf32>
      %squeeze3A_447 = vector.extract %slice3A_446[0] : f32 from vector<1xf32>
      %get3A_448 = arith.index_cast %add3A_443 : i32 to index
      %get3A_449 = arith.constant 0 : index
      %get3A_450 = tpu.vector_load %arg29[%get3A_448, %get3A_449] {strides = array<i32>} : memref<128x128xf32, #tpu.memory_space<vmem>>, vector<1x16xf32>,
      %get3A_451 = vector.shape_cast %get3A_450 : vector<1x16xf32> to vector<16xf32>
      %mul3A_452 = vector.broadcast %squeeze3A_445 : f32 to vector<16xf32>
      %mul3A_453 = arith.mulf %get3A_451, %mul3A_452 : vector<16xf32>
      %get3A_454 = arith.index_cast %add3A_443 : i32 to index
      %get3A_455 = arith.constant 0 : index
      %get3A_456 = tpu.vector_load %arg31[%get3A_454, %get3A_455] {strides = array<i32>} : memref<128x128xf32, #tpu.memory_space<vmem>>, vector<1x16xf32>,
      %get3A_457 = vector.shape_cast %get3A_456 : vector<1x16xf32> to vector<16xf32>
      %mul3A_458 = vector.broadcast %squeeze3A_447 : f32 to vector<16xf32>
      %mul3A_459 = arith.mulf %get3A_457, %mul3A_458 : vector<16xf32>
      %add3A_460 = arith.addf %mul3A_453, %mul3A_459 : vector<16xf32>
      %swap3A_461 = arith.index_cast %add3A_443 : i32 to index
      %swap3A_462 = arith.constant 0 : index
      %swap3A_463 = tpu.vector_load %arg33[%swap3A_461, %swap3A_462] {strides = array<i32>} : memref<128x32xf32, #tpu.memory_space<vmem>>, vector<1x16xf32>,
      %swap3A_464 = vector.shape_cast %swap3A_463 : vector<1x16xf32> to vector<16xf32>
      %swap3A_465 = vector.shape_cast %add3A_460 : vector<16xf32> to vector<1x16xf32>
      tpu.vector_store %arg33[%swap3A_461, %swap3A_462], %swap3A_465 {strides = array<i32>} : memref<128x32xf32, #tpu.memory_space<vmem>>, vector<1x16xf32>,
      %get3A_466 = arith.index_cast %add3A_443 : i32 to index
      %get3A_467 = arith.constant 16 : index
      %get3A_468 = tpu.vector_load %arg29[%get3A_466, %get3A_467] {strides = array<i32>} : memref<128x128xf32, #tpu.memory_space<vmem>>, vector<1x16xf32>,
      %get3A_469 = vector.shape_cast %get3A_468 : vector<1x16xf32> to vector<16xf32>
      %mul3A_470 = vector.broadcast %squeeze3A_445 : f32 to vector<16xf32>
      %mul3A_471 = arith.mulf %get3A_469, %mul3A_470 : vector<16xf32>
      %get3A_472 = arith.index_cast %add3A_443 : i32 to index
      %get3A_473 = arith.constant 16 : index
      %get3A_474 = tpu.vector_load %arg31[%get3A_472, %get3A_473] {strides = array<i32>} : memref<128x128xf32, #tpu.memory_space<vmem>>, vector<1x16xf32>,
      %get3A_475 = vector.shape_cast %get3A_474 : vector<1x16xf32> to vector<16xf32>
      %mul3A_476 = vector.broadcast %squeeze3A_447 : f32 to vector<16xf32>
      %mul3A_477 = arith.mulf %get3A_475, %mul3A_476 : vector<16xf32>
      %add3A_478 = arith.addf %mul3A_471, %mul3A_477 : vector<16xf32>
      %swap3A_479 = arith.index_cast %add3A_443 : i32 to index
      %swap3A_480 = arith.constant 16 : index
      %swap3A_481 = tpu.vector_load %arg33[%swap3A_479, %swap3A_480] {strides = array<i32>} : memref<128x32xf32, #tpu.memory_space<vmem>>, vector<1x16xf32>,
      %swap3A_482 = vector.shape_cast %swap3A_481 : vector<1x16xf32> to vector<16xf32>
      %swap3A_483 = vector.shape_cast %add3A_478 : vector<16xf32> to vector<1x16xf32>
      tpu.vector_store %arg33[%swap3A_479, %swap3A_480], %swap3A_483 {strides = array<i32>} : memref<128x32xf32, #tpu.memory_space<vmem>>, vector<1x16xf32>,
      %mul3A_484 = arith.constant 16 : i32
      %mul3A_485 = arith.muli %scan3A_212, %mul3A_484 : i32
      %add3A_486 = arith.constant 6 : i32
      %add3A_487 = arith.addi %mul3A_485, %add3A_486 : i32
      %slice3A_488 = vector.extract_strided_slice %get3A_217 {offsets = [6], sizes = [1], strides = [1]} : vector<16xf32> to vector<1xf32>
      %squeeze3A_489 = vector.extract %slice3A_488[0] : f32 from vector<1xf32>
      %slice3A_490 = vector.extract_strided_slice %get3A_222 {offsets = [6], sizes = [1], strides = [1]} : vector<16xf32> to vector<1xf32>
      %squeeze3A_491 = vector.extract %slice3A_490[0] : f32 from vector<1xf32>
      %get3A_492 = arith.index_cast %add3A_487 : i32 to index
      %get3A_493 = arith.constant 0 : index
      %get3A_494 = tpu.vector_load %arg29[%get3A_492, %get3A_493] {strides = array<i32>} : memref<128x128xf32, #tpu.memory_space<vmem>>, vector<1x16xf32>,
      %get3A_495 = vector.shape_cast %get3A_494 : vector<1x16xf32> to vector<16xf32>
      %mul3A_496 = vector.broadcast %squeeze3A_489 : f32 to vector<16xf32>
      %mul3A_497 = arith.mulf %get3A_495, %mul3A_496 : vector<16xf32>
      %get3A_498 = arith.index_cast %add3A_487 : i32 to index
      %get3A_499 = arith.constant 0 : index
      %get3A_500 = tpu.vector_load %arg31[%get3A_498, %get3A_499] {strides = array<i32>} : memref<128x128xf32, #tpu.memory_space<vmem>>, vector<1x16xf32>,
      %get3A_501 = vector.shape_cast %get3A_500 : vector<1x16xf32> to vector<16xf32>
      %mul3A_502 = vector.broadcast %squeeze3A_491 : f32 to vector<16xf32>
      %mul3A_503 = arith.mulf %get3A_501, %mul3A_502 : vector<16xf32>
      %add3A_504 = arith.addf %mul3A_497, %mul3A_503 : vector<16xf32>
      %swap3A_505 = arith.index_cast %add3A_487 : i32 to index
      %swap3A_506 = arith.constant 0 : index
      %swap3A_507 = tpu.vector_load %arg33[%swap3A_505, %swap3A_506] {strides = array<i32>} : memref<128x32xf32, #tpu.memory_space<vmem>>, vector<1x16xf32>,
      %swap3A_508 = vector.shape_cast %swap3A_507 : vector<1x16xf32> to vector<16xf32>
      %swap3A_509 = vector.shape_cast %add3A_504 : vector<16xf32> to vector<1x16xf32>
      tpu.vector_store %arg33[%swap3A_505, %swap3A_506], %swap3A_509 {strides = array<i32>} : memref<128x32xf32, #tpu.memory_space<vmem>>, vector<1x16xf32>,
      %get3A_510 = arith.index_cast %add3A_487 : i32 to index
      %get3A_511 = arith.constant 16 : index
      %get3A_512 = tpu.vector_load %arg29[%get3A_510, %get3A_511] {strides = array<i32>} : memref<128x128xf32, #tpu.memory_space<vmem>>, vector<1x16xf32>,
      %get3A_513 = vector.shape_cast %get3A_512 : vector<1x16xf32> to vector<16xf32>
      %mul3A_514 = vector.broadcast %squeeze3A_489 : f32 to vector<16xf32>
      %mul3A_515 = arith.mulf %get3A_513, %mul3A_514 : vector<16xf32>
      %get3A_516 = arith.index_cast %add3A_487 : i32 to index
      %get3A_517 = arith.constant 16 : index
      %get3A_518 = tpu.vector_load %arg31[%get3A_516, %get3A_517] {strides = array<i32>} : memref<128x128xf32, #tpu.memory_space<vmem>>, vector<1x16xf32>,
      %get3A_519 = vector.shape_cast %get3A_518 : vector<1x16xf32> to vector<16xf32>
      %mul3A_520 = vector.broadcast %squeeze3A_491 : f32 to vector<16xf32>
      %mul3A_521 = arith.mulf %get3A_519, %mul3A_520 : vector<16xf32>
      %add3A_522 = arith.addf %mul3A_515, %mul3A_521 : vector<16xf32>
      %swap3A_523 = arith.index_cast %add3A_487 : i32 to index
      %swap3A_524 = arith.constant 16 : index
      %swap3A_525 = tpu.vector_load %arg33[%swap3A_523, %swap3A_524] {strides = array<i32>} : memref<128x32xf32, #tpu.memory_space<vmem>>, vector<1x16xf32>,
      %swap3A_526 = vector.shape_cast %swap3A_525 : vector<1x16xf32> to vector<16xf32>
      %swap3A_527 = vector.shape_cast %add3A_522 : vector<16xf32> to vector<1x16xf32>
      tpu.vector_store %arg33[%swap3A_523, %swap3A_524], %swap3A_527 {strides = array<i32>} : memref<128x32xf32, #tpu.memory_space<vmem>>, vector<1x16xf32>,
      %mul3A_528 = arith.constant 16 : i32
      %mul3A_529 = arith.muli %scan3A_212, %mul3A_528 : i32
      %add3A_530 = arith.constant 7 : i32
      %add3A_531 = arith.addi %mul3A_529, %add3A_530 : i32
      %slice3A_532 = vector.extract_strided_slice %get3A_217 {offsets = [7], sizes = [1], strides = [1]} : vector<16xf32> to vector<1xf32>
      %squeeze3A_533 = vector.extract %slice3A_532[0] : f32 from vector<1xf32>
      %slice3A_534 = vector.extract_strided_slice %get3A_222 {offsets = [7], sizes = [1], strides = [1]} : vector<16xf32> to vector<1xf32>
      %squeeze3A_535 = vector.extract %slice3A_534[0] : f32 from vector<1xf32>
      %get3A_536 = arith.index_cast %add3A_531 : i32 to index
      %get3A_537 = arith.constant 0 : index
      %get3A_538 = tpu.vector_load %arg29[%get3A_536, %get3A_537] {strides = array<i32>} : memref<128x128xf32, #tpu.memory_space<vmem>>, vector<1x16xf32>,
      %get3A_539 = vector.shape_cast %get3A_538 : vector<1x16xf32> to vector<16xf32>
      %mul3A_540 = vector.broadcast %squeeze3A_533 : f32 to vector<16xf32>
      %mul3A_541 = arith.mulf %get3A_539, %mul3A_540 : vector<16xf32>
      %get3A_542 = arith.index_cast %add3A_531 : i32 to index
      %get3A_543 = arith.constant 0 : index
      %get3A_544 = tpu.vector_load %arg31[%get3A_542, %get3A_543] {strides = array<i32>} : memref<128x128xf32, #tpu.memory_space<vmem>>, vector<1x16xf32>,
      %get3A_545 = vector.shape_cast %get3A_544 : vector<1x16xf32> to vector<16xf32>
      %mul3A_546 = vector.broadcast %squeeze3A_535 : f32 to vector<16xf32>
      %mul3A_547 = arith.mulf %get3A_545, %mul3A_546 : vector<16xf32>
      %add3A_548 = arith.addf %mul3A_541, %mul3A_547 : vector<16xf32>
      %swap3A_549 = arith.index_cast %add3A_531 : i32 to index
      %swap3A_550 = arith.constant 0 : index
      %swap3A_551 = tpu.vector_load %arg33[%swap3A_549, %swap3A_550] {strides = array<i32>} : memref<128x32xf32, #tpu.memory_space<vmem>>, vector<1x16xf32>,
      %swap3A_552 = vector.shape_cast %swap3A_551 : vector<1x16xf32> to vector<16xf32>
      %swap3A_553 = vector.shape_cast %add3A_548 : vector<16xf32> to vector<1x16xf32>
      tpu.vector_store %arg33[%swap3A_549, %swap3A_550], %swap3A_553 {strides = array<i32>} : memref<128x32xf32, #tpu.memory_space<vmem>>, vector<1x16xf32>,
      %get3A_554 = arith.index_cast %add3A_531 : i32 to index
      %get3A_555 = arith.constant 16 : index
      %get3A_556 = tpu.vector_load %arg29[%get3A_554, %get3A_555] {strides = array<i32>} : memref<128x128xf32, #tpu.memory_space<vmem>>, vector<1x16xf32>,
      %get3A_557 = vector.shape_cast %get3A_556 : vector<1x16xf32> to vector<16xf32>
      %mul3A_558 = vector.broadcast %squeeze3A_533 : f32 to vector<16xf32>
      %mul3A_559 = arith.mulf %get3A_557, %mul3A_558 : vector<16xf32>
      %get3A_560 = arith.index_cast %add3A_531 : i32 to index
      %get3A_561 = arith.constant 16 : index
      %get3A_562 = tpu.vector_load %arg31[%get3A_560, %get3A_561] {strides = array<i32>} : memref<128x128xf32, #tpu.memory_space<vmem>>, vector<1x16xf32>,
      %get3A_563 = vector.shape_cast %get3A_562 : vector<1x16xf32> to vector<16xf32>
      %mul3A_564 = vector.broadcast %squeeze3A_535 : f32 to vector<16xf32>
      %mul3A_565 = arith.mulf %get3A_563, %mul3A_564 : vector<16xf32>
      %add3A_566 = arith.addf %mul3A_559, %mul3A_565 : vector<16xf32>
      %swap3A_567 = arith.index_cast %add3A_531 : i32 to index
      %swap3A_568 = arith.constant 16 : index
      %swap3A_569 = tpu.vector_load %arg33[%swap3A_567, %swap3A_568] {strides = array<i32>} : memref<128x32xf32, #tpu.memory_space<vmem>>, vector<1x16xf32>,
      %swap3A_570 = vector.shape_cast %swap3A_569 : vector<1x16xf32> to vector<16xf32>
      %swap3A_571 = vector.shape_cast %add3A_566 : vector<16xf32> to vector<1x16xf32>
      tpu.vector_store %arg33[%swap3A_567, %swap3A_568], %swap3A_571 {strides = array<i32>} : memref<128x32xf32, #tpu.memory_space<vmem>>, vector<1x16xf32>,
      %mul3A_572 = arith.constant 16 : i32
      %mul3A_573 = arith.muli %scan3A_212, %mul3A_572 : i32
      %add3A_574 = arith.constant 8 : i32
      %add3A_575 = arith.addi %mul3A_573, %add3A_574 : i32
      %slice3A_576 = vector.extract_strided_slice %get3A_217 {offsets = [8], sizes = [1], strides = [1]} : vector<16xf32> to vector<1xf32>
      %squeeze3A_577 = vector.extract %slice3A_576[0] : f32 from vector<1xf32>
      %slice3A_578 = vector.extract_strided_slice %get3A_222 {offsets = [8], sizes = [1], strides = [1]} : vector<16xf32> to vector<1xf32>
      %squeeze3A_579 = vector.extract %slice3A_578[0] : f32 from vector<1xf32>
      %get3A_580 = arith.index_cast %add3A_575 : i32 to index
      %get3A_581 = arith.constant 0 : index
      %get3A_582 = tpu.vector_load %arg29[%get3A_580, %get3A_581] {strides = array<i32>} : memref<128x128xf32, #tpu.memory_space<vmem>>, vector<1x16xf32>,
      %get3A_583 = vector.shape_cast %get3A_582 : vector<1x16xf32> to vector<16xf32>
      %mul3A_584 = vector.broadcast %squeeze3A_577 : f32 to vector<16xf32>
      %mul3A_585 = arith.mulf %get3A_583, %mul3A_584 : vector<16xf32>
      %get3A_586 = arith.index_cast %add3A_575 : i32 to index
      %get3A_587 = arith.constant 0 : index
      %get3A_588 = tpu.vector_load %arg31[%get3A_586, %get3A_587] {strides = array<i32>} : memref<128x128xf32, #tpu.memory_space<vmem>>, vector<1x16xf32>,
      %get3A_589 = vector.shape_cast %get3A_588 : vector<1x16xf32> to vector<16xf32>
      %mul3A_590 = vector.broadcast %squeeze3A_579 : f32 to vector<16xf32>
      %mul3A_591 = arith.mulf %get3A_589, %mul3A_590 : vector<16xf32>
      %add3A_592 = arith.addf %mul3A_585, %mul3A_591 : vector<16xf32>
      %swap3A_593 = arith.index_cast %add3A_575 : i32 to index
      %swap3A_594 = arith.constant 0 : index
      %swap3A_595 = tpu.vector_load %arg33[%swap3A_593, %swap3A_594] {strides = array<i32>} : memref<128x32xf32, #tpu.memory_space<vmem>>, vector<1x16xf32>,
      %swap3A_596 = vector.shape_cast %swap3A_595 : vector<1x16xf32> to vector<16xf32>
      %swap3A_597 = vector.shape_cast %add3A_592 : vector<16xf32> to vector<1x16xf32>
      tpu.vector_store %arg33[%swap3A_593, %swap3A_594], %swap3A_597 {strides = array<i32>} : memref<128x32xf32, #tpu.memory_space<vmem>>, vector<1x16xf32>,
      %get3A_598 = arith.index_cast %add3A_575 : i32 to index
      %get3A_599 = arith.constant 16 : index
      %get3A_600 = tpu.vector_load %arg29[%get3A_598, %get3A_599] {strides = array<i32>} : memref<128x128xf32, #tpu.memory_space<vmem>>, vector<1x16xf32>,
      %get3A_601 = vector.shape_cast %get3A_600 : vector<1x16xf32> to vector<16xf32>
      %mul3A_602 = vector.broadcast %squeeze3A_577 : f32 to vector<16xf32>
      %mul3A_603 = arith.mulf %get3A_601, %mul3A_602 : vector<16xf32>
      %get3A_604 = arith.index_cast %add3A_575 : i32 to index
      %get3A_605 = arith.constant 16 : index
      %get3A_606 = tpu.vector_load %arg31[%get3A_604, %get3A_605] {strides = array<i32>} : memref<128x128xf32, #tpu.memory_space<vmem>>, vector<1x16xf32>,
      %get3A_607 = vector.shape_cast %get3A_606 : vector<1x16xf32> to vector<16xf32>
      %mul3A_608 = vector.broadcast %squeeze3A_579 : f32 to vector<16xf32>
      %mul3A_609 = arith.mulf %get3A_607, %mul3A_608 : vector<16xf32>
      %add3A_610 = arith.addf %mul3A_603, %mul3A_609 : vector<16xf32>
      %swap3A_611 = arith.index_cast %add3A_575 : i32 to index
      %swap3A_612 = arith.constant 16 : index
      %swap3A_613 = tpu.vector_load %arg33[%swap3A_611, %swap3A_612] {strides = array<i32>} : memref<128x32xf32, #tpu.memory_space<vmem>>, vector<1x16xf32>,
      %swap3A_614 = vector.shape_cast %swap3A_613 : vector<1x16xf32> to vector<16xf32>
      %swap3A_615 = vector.shape_cast %add3A_610 : vector<16xf32> to vector<1x16xf32>
      tpu.vector_store %arg33[%swap3A_611, %swap3A_612], %swap3A_615 {strides = array<i32>} : memref<128x32xf32, #tpu.memory_space<vmem>>, vector<1x16xf32>,
      %mul3A_616 = arith.constant 16 : i32
      %mul3A_617 = arith.muli %scan3A_212, %mul3A_616 : i32
      %add3A_618 = arith.constant 9 : i32
      %add3A_619 = arith.addi %mul3A_617, %add3A_618 : i32
      %slice3A_620 = vector.extract_strided_slice %get3A_217 {offsets = [9], sizes = [1], strides = [1]} : vector<16xf32> to vector<1xf32>
      %squeeze3A_621 = vector.extract %slice3A_620[0] : f32 from vector<1xf32>
      %slice3A_622 = vector.extract_strided_slice %get3A_222 {offsets = [9], sizes = [1], strides = [1]} : vector<16xf32> to vector<1xf32>
      %squeeze3A_623 = vector.extract %slice3A_622[0] : f32 from vector<1xf32>
      %get3A_624 = arith.index_cast %add3A_619 : i32 to index
      %get3A_625 = arith.constant 0 : index
      %get3A_626 = tpu.vector_load %arg29[%get3A_624, %get3A_625] {strides = array<i32>} : memref<128x128xf32, #tpu.memory_space<vmem>>, vector<1x16xf32>,
      %get3A_627 = vector.shape_cast %get3A_626 : vector<1x16xf32> to vector<16xf32>
      %mul3A_628 = vector.broadcast %squeeze3A_621 : f32 to vector<16xf32>
      %mul3A_629 = arith.mulf %get3A_627, %mul3A_628 : vector<16xf32>
      %get3A_630 = arith.index_cast %add3A_619 : i32 to index
      %get3A_631 = arith.constant 0 : index
      %get3A_632 = tpu.vector_load %arg31[%get3A_630, %get3A_631] {strides = array<i32>} : memref<128x128xf32, #tpu.memory_space<vmem>>, vector<1x16xf32>,
      %get3A_633 = vector.shape_cast %get3A_632 : vector<1x16xf32> to vector<16xf32>
      %mul3A_634 = vector.broadcast %squeeze3A_623 : f32 to vector<16xf32>
      %mul3A_635 = arith.mulf %get3A_633, %mul3A_634 : vector<16xf32>
      %add3A_636 = arith.addf %mul3A_629, %mul3A_635 : vector<16xf32>
      %swap3A_637 = arith.index_cast %add3A_619 : i32 to index
      %swap3A_638 = arith.constant 0 : index
      %swap3A_639 = tpu.vector_load %arg33[%swap3A_637, %swap3A_638] {strides = array<i32>} : memref<128x32xf32, #tpu.memory_space<vmem>>, vector<1x16xf32>,
      %swap3A_640 = vector.shape_cast %swap3A_639 : vector<1x16xf32> to vector<16xf32>
      %swap3A_641 = vector.shape_cast %add3A_636 : vector<16xf32> to vector<1x16xf32>
      tpu.vector_store %arg33[%swap3A_637, %swap3A_638], %swap3A_641 {strides = array<i32>} : memref<128x32xf32, #tpu.memory_space<vmem>>, vector<1x16xf32>,
      %get3A_642 = arith.index_cast %add3A_619 : i32 to index
      %get3A_643 = arith.constant 16 : index
      %get3A_644 = tpu.vector_load %arg29[%get3A_642, %get3A_643] {strides = array<i32>} : memref<128x128xf32, #tpu.memory_space<vmem>>, vector<1x16xf32>,
      %get3A_645 = vector.shape_cast %get3A_644 : vector<1x16xf32> to vector<16xf32>
      %mul3A_646 = vector.broadcast %squeeze3A_621 : f32 to vector<16xf32>
      %mul3A_647 = arith.mulf %get3A_645, %mul3A_646 : vector<16xf32>
      %get3A_648 = arith.index_cast %add3A_619 : i32 to index
      %get3A_649 = arith.constant 16 : index
      %get3A_650 = tpu.vector_load %arg31[%get3A_648, %get3A_649] {strides = array<i32>} : memref<128x128xf32, #tpu.memory_space<vmem>>, vector<1x16xf32>,
      %get3A_651 = vector.shape_cast %get3A_650 : vector<1x16xf32> to vector<16xf32>
      %mul3A_652 = vector.broadcast %squeeze3A_623 : f32 to vector<16xf32>
      %mul3A_653 = arith.mulf %get3A_651, %mul3A_652 : vector<16xf32>
      %add3A_654 = arith.addf %mul3A_647, %mul3A_653 : vector<16xf32>
      %swap3A_655 = arith.index_cast %add3A_619 : i32 to index
      %swap3A_656 = arith.constant 16 : index
      %swap3A_657 = tpu.vector_load %arg33[%swap3A_655, %swap3A_656] {strides = array<i32>} : memref<128x32xf32, #tpu.memory_space<vmem>>, vector<1x16xf32>,
      %swap3A_658 = vector.shape_cast %swap3A_657 : vector<1x16xf32> to vector<16xf32>
      %swap3A_659 = vector.shape_cast %add3A_654 : vector<16xf32> to vector<1x16xf32>
      tpu.vector_store %arg33[%swap3A_655, %swap3A_656], %swap3A_659 {strides = array<i32>} : memref<128x32xf32, #tpu.memory_space<vmem>>, vector<1x16xf32>,
      %mul3A_660 = arith.constant 16 : i32
      %mul3A_661 = arith.muli %scan3A_212, %mul3A_660 : i32
      %add3A_662 = arith.constant 10 : i32
      %add3A_663 = arith.addi %mul3A_661, %add3A_662 : i32
      %slice3A_664 = vector.extract_strided_slice %get3A_217 {offsets = [10], sizes = [1], strides = [1]} : vector<16xf32> to vector<1xf32>
      %squeeze3A_665 = vector.extract %slice3A_664[0] : f32 from vector<1xf32>
      %slice3A_666 = vector.extract_strided_slice %get3A_222 {offsets = [10], sizes = [1], strides = [1]} : vector<16xf32> to vector<1xf32>
      %squeeze3A_667 = vector.extract %slice3A_666[0] : f32 from vector<1xf32>
      %get3A_668 = arith.index_cast %add3A_663 : i32 to index
      %get3A_669 = arith.constant 0 : index
      %get3A_670 = tpu.vector_load %arg29[%get3A_668, %get3A_669] {strides = array<i32>} : memref<128x128xf32, #tpu.memory_space<vmem>>, vector<1x16xf32>,
      %get3A_671 = vector.shape_cast %get3A_670 : vector<1x16xf32> to vector<16xf32>
      %mul3A_672 = vector.broadcast %squeeze3A_665 : f32 to vector<16xf32>
      %mul3A_673 = arith.mulf %get3A_671, %mul3A_672 : vector<16xf32>
      %get3A_674 = arith.index_cast %add3A_663 : i32 to index
      %get3A_675 = arith.constant 0 : index
      %get3A_676 = tpu.vector_load %arg31[%get3A_674, %get3A_675] {strides = array<i32>} : memref<128x128xf32, #tpu.memory_space<vmem>>, vector<1x16xf32>,
      %get3A_677 = vector.shape_cast %get3A_676 : vector<1x16xf32> to vector<16xf32>
      %mul3A_678 = vector.broadcast %squeeze3A_667 : f32 to vector<16xf32>
      %mul3A_679 = arith.mulf %get3A_677, %mul3A_678 : vector<16xf32>
      %add3A_680 = arith.addf %mul3A_673, %mul3A_679 : vector<16xf32>
      %swap3A_681 = arith.index_cast %add3A_663 : i32 to index
      %swap3A_682 = arith.constant 0 : index
      %swap3A_683 = tpu.vector_load %arg33[%swap3A_681, %swap3A_682] {strides = array<i32>} : memref<128x32xf32, #tpu.memory_space<vmem>>, vector<1x16xf32>,
      %swap3A_684 = vector.shape_cast %swap3A_683 : vector<1x16xf32> to vector<16xf32>
      %swap3A_685 = vector.shape_cast %add3A_680 : vector<16xf32> to vector<1x16xf32>
      tpu.vector_store %arg33[%swap3A_681, %swap3A_682], %swap3A_685 {strides = array<i32>} : memref<128x32xf32, #tpu.memory_space<vmem>>, vector<1x16xf32>,
      %get3A_686 = arith.index_cast %add3A_663 : i32 to index
      %get3A_687 = arith.constant 16 : index
      %get3A_688 = tpu.vector_load %arg29[%get3A_686, %get3A_687] {strides = array<i32>} : memref<128x128xf32, #tpu.memory_space<vmem>>, vector<1x16xf32>,
      %get3A_689 = vector.shape_cast %get3A_688 : vector<1x16xf32> to vector<16xf32>
      %mul3A_690 = vector.broadcast %squeeze3A_665 : f32 to vector<16xf32>
      %mul3A_691 = arith.mulf %get3A_689, %mul3A_690 : vector<16xf32>
      %get3A_692 = arith.index_cast %add3A_663 : i32 to index
      %get3A_693 = arith.constant 16 : index
      %get3A_694 = tpu.vector_load %arg31[%get3A_692, %get3A_693] {strides = array<i32>} : memref<128x128xf32, #tpu.memory_space<vmem>>, vector<1x16xf32>,
      %get3A_695 = vector.shape_cast %get3A_694 : vector<1x16xf32> to vector<16xf32>
      %mul3A_696 = vector.broadcast %squeeze3A_667 : f32 to vector<16xf32>
      %mul3A_697 = arith.mulf %get3A_695, %mul3A_696 : vector<16xf32>
      %add3A_698 = arith.addf %mul3A_691, %mul3A_697 : vector<16xf32>
      %swap3A_699 = arith.index_cast %add3A_663 : i32 to index
      %swap3A_700 = arith.constant 16 : index
      %swap3A_701 = tpu.vector_load %arg33[%swap3A_699, %swap3A_700] {strides = array<i32>} : memref<128x32xf32, #tpu.memory_space<vmem>>, vector<1x16xf32>,
      %swap3A_702 = vector.shape_cast %swap3A_701 : vector<1x16xf32> to vector<16xf32>
      %swap3A_703 = vector.shape_cast %add3A_698 : vector<16xf32> to vector<1x16xf32>
      tpu.vector_store %arg33[%swap3A_699, %swap3A_700], %swap3A_703 {strides = array<i32>} : memref<128x32xf32, #tpu.memory_space<vmem>>, vector<1x16xf32>,
      %mul3A_704 = arith.constant 16 : i32
      %mul3A_705 = arith.muli %scan3A_212, %mul3A_704 : i32
      %add3A_706 = arith.constant 11 : i32
      %add3A_707 = arith.addi %mul3A_705, %add3A_706 : i32
      %slice3A_708 = vector.extract_strided_slice %get3A_217 {offsets = [11], sizes = [1], strides = [1]} : vector<16xf32> to vector<1xf32>
      %squeeze3A_709 = vector.extract %slice3A_708[0] : f32 from vector<1xf32>
      %slice3A_710 = vector.extract_strided_slice %get3A_222 {offsets = [11], sizes = [1], strides = [1]} : vector<16xf32> to vector<1xf32>
      %squeeze3A_711 = vector.extract %slice3A_710[0] : f32 from vector<1xf32>
      %get3A_712 = arith.index_cast %add3A_707 : i32 to index
      %get3A_713 = arith.constant 0 : index
      %get3A_714 = tpu.vector_load %arg29[%get3A_712, %get3A_713] {strides = array<i32>} : memref<128x128xf32, #tpu.memory_space<vmem>>, vector<1x16xf32>,
      %get3A_715 = vector.shape_cast %get3A_714 : vector<1x16xf32> to vector<16xf32>
      %mul3A_716 = vector.broadcast %squeeze3A_709 : f32 to vector<16xf32>
      %mul3A_717 = arith.mulf %get3A_715, %mul3A_716 : vector<16xf32>
      %get3A_718 = arith.index_cast %add3A_707 : i32 to index
      %get3A_719 = arith.constant 0 : index
      %get3A_720 = tpu.vector_load %arg31[%get3A_718, %get3A_719] {strides = array<i32>} : memref<128x128xf32, #tpu.memory_space<vmem>>, vector<1x16xf32>,
      %get3A_721 = vector.shape_cast %get3A_720 : vector<1x16xf32> to vector<16xf32>
      %mul3A_722 = vector.broadcast %squeeze3A_711 : f32 to vector<16xf32>
      %mul3A_723 = arith.mulf %get3A_721, %mul3A_722 : vector<16xf32>
      %add3A_724 = arith.addf %mul3A_717, %mul3A_723 : vector<16xf32>
      %swap3A_725 = arith.index_cast %add3A_707 : i32 to index
      %swap3A_726 = arith.constant 0 : index
      %swap3A_727 = tpu.vector_load %arg33[%swap3A_725, %swap3A_726] {strides = array<i32>} : memref<128x32xf32, #tpu.memory_space<vmem>>, vector<1x16xf32>,
      %swap3A_728 = vector.shape_cast %swap3A_727 : vector<1x16xf32> to vector<16xf32>
      %swap3A_729 = vector.shape_cast %add3A_724 : vector<16xf32> to vector<1x16xf32>
      tpu.vector_store %arg33[%swap3A_725, %swap3A_726], %swap3A_729 {strides = array<i32>} : memref<128x32xf32, #tpu.memory_space<vmem>>, vector<1x16xf32>,
      %get3A_730 = arith.index_cast %add3A_707 : i32 to index
      %get3A_731 = arith.constant 16 : index
      %get3A_732 = tpu.vector_load %arg29[%get3A_730, %get3A_731] {strides = array<i32>} : memref<128x128xf32, #tpu.memory_space<vmem>>, vector<1x16xf32>,
      %get3A_733 = vector.shape_cast %get3A_732 : vector<1x16xf32> to vector<16xf32>
      %mul3A_734 = vector.broadcast %squeeze3A_709 : f32 to vector<16xf32>
      %mul3A_735 = arith.mulf %get3A_733, %mul3A_734 : vector<16xf32>
      %get3A_736 = arith.index_cast %add3A_707 : i32 to index
      %get3A_737 = arith.constant 16 : index
      %get3A_738 = tpu.vector_load %arg31[%get3A_736, %get3A_737] {strides = array<i32>} : memref<128x128xf32, #tpu.memory_space<vmem>>, vector<1x16xf32>,
      %get3A_739 = vector.shape_cast %get3A_738 : vector<1x16xf32> to vector<16xf32>
      %mul3A_740 = vector.broadcast %squeeze3A_711 : f32 to vector<16xf32>
      %mul3A_741 = arith.mulf %get3A_739, %mul3A_740 : vector<16xf32>
      %add3A_742 = arith.addf %mul3A_735, %mul3A_741 : vector<16xf32>
      %swap3A_743 = arith.index_cast %add3A_707 : i32 to index
      %swap3A_744 = arith.constant 16 : index
      %swap3A_745 = tpu.vector_load %arg33[%swap3A_743, %swap3A_744] {strides = array<i32>} : memref<128x32xf32, #tpu.memory_space<vmem>>, vector<1x16xf32>,
      %swap3A_746 = vector.shape_cast %swap3A_745 : vector<1x16xf32> to vector<16xf32>
      %swap3A_747 = vector.shape_cast %add3A_742 : vector<16xf32> to vector<1x16xf32>
      tpu.vector_store %arg33[%swap3A_743, %swap3A_744], %swap3A_747 {strides = array<i32>} : memref<128x32xf32, #tpu.memory_space<vmem>>, vector<1x16xf32>,
      %mul3A_748 = arith.constant 16 : i32
      %mul3A_749 = arith.muli %scan3A_212, %mul3A_748 : i32
      %add3A_750 = arith.constant 12 : i32
      %add3A_751 = arith.addi %mul3A_749, %add3A_750 : i32
      %slice3A_752 = vector.extract_strided_slice %get3A_217 {offsets = [12], sizes = [1], strides = [1]} : vector<16xf32> to vector<1xf32>
      %squeeze3A_753 = vector.extract %slice3A_752[0] : f32 from vector<1xf32>
      %slice3A_754 = vector.extract_strided_slice %get3A_222 {offsets = [12], sizes = [1], strides = [1]} : vector<16xf32> to vector<1xf32>
      %squeeze3A_755 = vector.extract %slice3A_754[0] : f32 from vector<1xf32>
      %get3A_756 = arith.index_cast %add3A_751 : i32 to index
      %get3A_757 = arith.constant 0 : index
      %get3A_758 = tpu.vector_load %arg29[%get3A_756, %get3A_757] {strides = array<i32>} : memref<128x128xf32, #tpu.memory_space<vmem>>, vector<1x16xf32>,
      %get3A_759 = vector.shape_cast %get3A_758 : vector<1x16xf32> to vector<16xf32>
      %mul3A_760 = vector.broadcast %squeeze3A_753 : f32 to vector<16xf32>
      %mul3A_761 = arith.mulf %get3A_759, %mul3A_760 : vector<16xf32>
      %get3A_762 = arith.index_cast %add3A_751 : i32 to index
      %get3A_763 = arith.constant 0 : index
      %get3A_764 = tpu.vector_load %arg31[%get3A_762, %get3A_763] {strides = array<i32>} : memref<128x128xf32, #tpu.memory_space<vmem>>, vector<1x16xf32>,
      %get3A_765 = vector.shape_cast %get3A_764 : vector<1x16xf32> to vector<16xf32>
      %mul3A_766 = vector.broadcast %squeeze3A_755 : f32 to vector<16xf32>
      %mul3A_767 = arith.mulf %get3A_765, %mul3A_766 : vector<16xf32>
      %add3A_768 = arith.addf %mul3A_761, %mul3A_767 : vector<16xf32>
      %swap3A_769 = arith.index_cast %add3A_751 : i32 to index
      %swap3A_770 = arith.constant 0 : index
      %swap3A_771 = tpu.vector_load %arg33[%swap3A_769, %swap3A_770] {strides = array<i32>} : memref<128x32xf32, #tpu.memory_space<vmem>>, vector<1x16xf32>,
      %swap3A_772 = vector.shape_cast %swap3A_771 : vector<1x16xf32> to vector<16xf32>
      %swap3A_773 = vector.shape_cast %add3A_768 : vector<16xf32> to vector<1x16xf32>
      tpu.vector_store %arg33[%swap3A_769, %swap3A_770], %swap3A_773 {strides = array<i32>} : memref<128x32xf32, #tpu.memory_space<vmem>>, vector<1x16xf32>,
      %get3A_774 = arith.index_cast %add3A_751 : i32 to index
      %get3A_775 = arith.constant 16 : index
      %get3A_776 = tpu.vector_load %arg29[%get3A_774, %get3A_775] {strides = array<i32>} : memref<128x128xf32, #tpu.memory_space<vmem>>, vector<1x16xf32>,
      %get3A_777 = vector.shape_cast %get3A_776 : vector<1x16xf32> to vector<16xf32>
      %mul3A_778 = vector.broadcast %squeeze3A_753 : f32 to vector<16xf32>
      %mul3A_779 = arith.mulf %get3A_777, %mul3A_778 : vector<16xf32>
      %get3A_780 = arith.index_cast %add3A_751 : i32 to index
      %get3A_781 = arith.constant 16 : index
      %get3A_782 = tpu.vector_load %arg31[%get3A_780, %get3A_781] {strides = array<i32>} : memref<128x128xf32, #tpu.memory_space<vmem>>, vector<1x16xf32>,
      %get3A_783 = vector.shape_cast %get3A_782 : vector<1x16xf32> to vector<16xf32>
      %mul3A_784 = vector.broadcast %squeeze3A_755 : f32 to vector<16xf32>
      %mul3A_785 = arith.mulf %get3A_783, %mul3A_784 : vector<16xf32>
      %add3A_786 = arith.addf %mul3A_779, %mul3A_785 : vector<16xf32>
      %swap3A_787 = arith.index_cast %add3A_751 : i32 to index
      %swap3A_788 = arith.constant 16 : index
      %swap3A_789 = tpu.vector_load %arg33[%swap3A_787, %swap3A_788] {strides = array<i32>} : memref<128x32xf32, #tpu.memory_space<vmem>>, vector<1x16xf32>,
      %swap3A_790 = vector.shape_cast %swap3A_789 : vector<1x16xf32> to vector<16xf32>
      %swap3A_791 = vector.shape_cast %add3A_786 : vector<16xf32> to vector<1x16xf32>
      tpu.vector_store %arg33[%swap3A_787, %swap3A_788], %swap3A_791 {strides = array<i32>} : memref<128x32xf32, #tpu.memory_space<vmem>>, vector<1x16xf32>,
      %mul3A_792 = arith.constant 16 : i32
      %mul3A_793 = arith.muli %scan3A_212, %mul3A_792 : i32
      %add3A_794 = arith.constant 13 : i32
      %add3A_795 = arith.addi %mul3A_793, %add3A_794 : i32
      %slice3A_796 = vector.extract_strided_slice %get3A_217 {offsets = [13], sizes = [1], strides = [1]} : vector<16xf32> to vector<1xf32>
      %squeeze3A_797 = vector.extract %slice3A_796[0] : f32 from vector<1xf32>
      %slice3A_798 = vector.extract_strided_slice %get3A_222 {offsets = [13], sizes = [1], strides = [1]} : vector<16xf32> to vector<1xf32>
      %squeeze3A_799 = vector.extract %slice3A_798[0] : f32 from vector<1xf32>
      %get3A_800 = arith.index_cast %add3A_795 : i32 to index
      %get3A_801 = arith.constant 0 : index
      %get3A_802 = tpu.vector_load %arg29[%get3A_800, %get3A_801] {strides = array<i32>} : memref<128x128xf32, #tpu.memory_space<vmem>>, vector<1x16xf32>,
      %get3A_803 = vector.shape_cast %get3A_802 : vector<1x16xf32> to vector<16xf32>
      %mul3A_804 = vector.broadcast %squeeze3A_797 : f32 to vector<16xf32>
      %mul3A_805 = arith.mulf %get3A_803, %mul3A_804 : vector<16xf32>
      %get3A_806 = arith.index_cast %add3A_795 : i32 to index
      %get3A_807 = arith.constant 0 : index
      %get3A_808 = tpu.vector_load %arg31[%get3A_806, %get3A_807] {strides = array<i32>} : memref<128x128xf32, #tpu.memory_space<vmem>>, vector<1x16xf32>,
      %get3A_809 = vector.shape_cast %get3A_808 : vector<1x16xf32> to vector<16xf32>
      %mul3A_810 = vector.broadcast %squeeze3A_799 : f32 to vector<16xf32>
      %mul3A_811 = arith.mulf %get3A_809, %mul3A_810 : vector<16xf32>
      %add3A_812 = arith.addf %mul3A_805, %mul3A_811 : vector<16xf32>
      %swap3A_813 = arith.index_cast %add3A_795 : i32 to index
      %swap3A_814 = arith.constant 0 : index
      %swap3A_815 = tpu.vector_load %arg33[%swap3A_813, %swap3A_814] {strides = array<i32>} : memref<128x32xf32, #tpu.memory_space<vmem>>, vector<1x16xf32>,
      %swap3A_816 = vector.shape_cast %swap3A_815 : vector<1x16xf32> to vector<16xf32>
      %swap3A_817 = vector.shape_cast %add3A_812 : vector<16xf32> to vector<1x16xf32>
      tpu.vector_store %arg33[%swap3A_813, %swap3A_814], %swap3A_817 {strides = array<i32>} : memref<128x32xf32, #tpu.memory_space<vmem>>, vector<1x16xf32>,
      %get3A_818 = arith.index_cast %add3A_795 : i32 to index
      %get3A_819 = arith.constant 16 : index
      %get3A_820 = tpu.vector_load %arg29[%get3A_818, %get3A_819] {strides = array<i32>} : memref<128x128xf32, #tpu.memory_space<vmem>>, vector<1x16xf32>,
      %get3A_821 = vector.shape_cast %get3A_820 : vector<1x16xf32> to vector<16xf32>
      %mul3A_822 = vector.broadcast %squeeze3A_797 : f32 to vector<16xf32>
      %mul3A_823 = arith.mulf %get3A_821, %mul3A_822 : vector<16xf32>
      %get3A_824 = arith.index_cast %add3A_795 : i32 to index
      %get3A_825 = arith.constant 16 : index
      %get3A_826 = tpu.vector_load %arg31[%get3A_824, %get3A_825] {strides = array<i32>} : memref<128x128xf32, #tpu.memory_space<vmem>>, vector<1x16xf32>,
      %get3A_827 = vector.shape_cast %get3A_826 : vector<1x16xf32> to vector<16xf32>
      %mul3A_828 = vector.broadcast %squeeze3A_799 : f32 to vector<16xf32>
      %mul3A_829 = arith.mulf %get3A_827, %mul3A_828 : vector<16xf32>
      %add3A_830 = arith.addf %mul3A_823, %mul3A_829 : vector<16xf32>
      %swap3A_831 = arith.index_cast %add3A_795 : i32 to index
      %swap3A_832 = arith.constant 16 : index
      %swap3A_833 = tpu.vector_load %arg33[%swap3A_831, %swap3A_832] {strides = array<i32>} : memref<128x32xf32, #tpu.memory_space<vmem>>, vector<1x16xf32>,
      %swap3A_834 = vector.shape_cast %swap3A_833 : vector<1x16xf32> to vector<16xf32>
      %swap3A_835 = vector.shape_cast %add3A_830 : vector<16xf32> to vector<1x16xf32>
      tpu.vector_store %arg33[%swap3A_831, %swap3A_832], %swap3A_835 {strides = array<i32>} : memref<128x32xf32, #tpu.memory_space<vmem>>, vector<1x16xf32>,
      %mul3A_836 = arith.constant 16 : i32
      %mul3A_837 = arith.muli %scan3A_212, %mul3A_836 : i32
      %add3A_838 = arith.constant 14 : i32
      %add3A_839 = arith.addi %mul3A_837, %add3A_838 : i32
      %slice3A_840 = vector.extract_strided_slice %get3A_217 {offsets = [14], sizes = [1], strides = [1]} : vector<16xf32> to vector<1xf32>
      %squeeze3A_841 = vector.extract %slice3A_840[0] : f32 from vector<1xf32>
      %slice3A_842 = vector.extract_strided_slice %get3A_222 {offsets = [14], sizes = [1], strides = [1]} : vector<16xf32> to vector<1xf32>
      %squeeze3A_843 = vector.extract %slice3A_842[0] : f32 from vector<1xf32>
      %get3A_844 = arith.index_cast %add3A_839 : i32 to index
      %get3A_845 = arith.constant 0 : index
      %get3A_846 = tpu.vector_load %arg29[%get3A_844, %get3A_845] {strides = array<i32>} : memref<128x128xf32, #tpu.memory_space<vmem>>, vector<1x16xf32>,
      %get3A_847 = vector.shape_cast %get3A_846 : vector<1x16xf32> to vector<16xf32>
      %mul3A_848 = vector.broadcast %squeeze3A_841 : f32 to vector<16xf32>
      %mul3A_849 = arith.mulf %get3A_847, %mul3A_848 : vector<16xf32>
      %get3A_850 = arith.index_cast %add3A_839 : i32 to index
      %get3A_851 = arith.constant 0 : index
      %get3A_852 = tpu.vector_load %arg31[%get3A_850, %get3A_851] {strides = array<i32>} : memref<128x128xf32, #tpu.memory_space<vmem>>, vector<1x16xf32>,
      %get3A_853 = vector.shape_cast %get3A_852 : vector<1x16xf32> to vector<16xf32>
      %mul3A_854 = vector.broadcast %squeeze3A_843 : f32 to vector<16xf32>
      %mul3A_855 = arith.mulf %get3A_853, %mul3A_854 : vector<16xf32>
      %add3A_856 = arith.addf %mul3A_849, %mul3A_855 : vector<16xf32>
      %swap3A_857 = arith.index_cast %add3A_839 : i32 to index
      %swap3A_858 = arith.constant 0 : index
      %swap3A_859 = tpu.vector_load %arg33[%swap3A_857, %swap3A_858] {strides = array<i32>} : memref<128x32xf32, #tpu.memory_space<vmem>>, vector<1x16xf32>,
      %swap3A_860 = vector.shape_cast %swap3A_859 : vector<1x16xf32> to vector<16xf32>
      %swap3A_861 = vector.shape_cast %add3A_856 : vector<16xf32> to vector<1x16xf32>
      tpu.vector_store %arg33[%swap3A_857, %swap3A_858], %swap3A_861 {strides = array<i32>} : memref<128x32xf32, #tpu.memory_space<vmem>>, vector<1x16xf32>,
      %get3A_862 = arith.index_cast %add3A_839 : i32 to index
      %get3A_863 = arith.constant 16 : index
      %get3A_864 = tpu.vector_load %arg29[%get3A_862, %get3A_863] {strides = array<i32>} : memref<128x128xf32, #tpu.memory_space<vmem>>, vector<1x16xf32>,
      %get3A_865 = vector.shape_cast %get3A_864 : vector<1x16xf32> to vector<16xf32>
      %mul3A_866 = vector.broadcast %squeeze3A_841 : f32 to vector<16xf32>
      %mul3A_867 = arith.mulf %get3A_865, %mul3A_866 : vector<16xf32>
      %get3A_868 = arith.index_cast %add3A_839 : i32 to index
      %get3A_869 = arith.constant 16 : index
      %get3A_870 = tpu.vector_load %arg31[%get3A_868, %get3A_869] {strides = array<i32>} : memref<128x128xf32, #tpu.memory_space<vmem>>, vector<1x16xf32>,
      %get3A_871 = vector.shape_cast %get3A_870 : vector<1x16xf32> to vector<16xf32>
      %mul3A_872 = vector.broadcast %squeeze3A_843 : f32 to vector<16xf32>
      %mul3A_873 = arith.mulf %get3A_871, %mul3A_872 : vector<16xf32>
      %add3A_874 = arith.addf %mul3A_867, %mul3A_873 : vector<16xf32>
      %swap3A_875 = arith.index_cast %add3A_839 : i32 to index
      %swap3A_876 = arith.constant 16 : index
      %swap3A_877 = tpu.vector_load %arg33[%swap3A_875, %swap3A_876] {strides = array<i32>} : memref<128x32xf32, #tpu.memory_space<vmem>>, vector<1x16xf32>,
      %swap3A_878 = vector.shape_cast %swap3A_877 : vector<1x16xf32> to vector<16xf32>
      %swap3A_879 = vector.shape_cast %add3A_874 : vector<16xf32> to vector<1x16xf32>
      tpu.vector_store %arg33[%swap3A_875, %swap3A_876], %swap3A_879 {strides = array<i32>} : memref<128x32xf32, #tpu.memory_space<vmem>>, vector<1x16xf32>,
      %mul3A_880 = arith.constant 16 : i32
      %mul3A_881 = arith.muli %scan3A_212, %mul3A_880 : i32
      %add3A_882 = arith.constant 15 : i32
      %add3A_883 = arith.addi %mul3A_881, %add3A_882 : i32
      %slice3A_884 = vector.extract_strided_slice %get3A_217 {offsets = [15], sizes = [1], strides = [1]} : vector<16xf32> to vector<1xf32>
      %squeeze3A_885 = vector.extract %slice3A_884[0] : f32 from vector<1xf32>
      %slice3A_886 = vector.extract_strided_slice %get3A_222 {offsets = [15], sizes = [1], strides = [1]} : vector<16xf32> to vector<1xf32>
      %squeeze3A_887 = vector.extract %slice3A_886[0] : f32 from vector<1xf32>
      %get3A_888 = arith.index_cast %add3A_883 : i32 to index
      %get3A_889 = arith.constant 0 : index
      %get3A_890 = tpu.vector_load %arg29[%get3A_888, %get3A_889] {strides = array<i32>} : memref<128x128xf32, #tpu.memory_space<vmem>>, vector<1x16xf32>,
      %get3A_891 = vector.shape_cast %get3A_890 : vector<1x16xf32> to vector<16xf32>
      %mul3A_892 = vector.broadcast %squeeze3A_885 : f32 to vector<16xf32>
      %mul3A_893 = arith.mulf %get3A_891, %mul3A_892 : vector<16xf32>
      %get3A_894 = arith.index_cast %add3A_883 : i32 to index
      %get3A_895 = arith.constant 0 : index
      %get3A_896 = tpu.vector_load %arg31[%get3A_894, %get3A_895] {strides = array<i32>} : memref<128x128xf32, #tpu.memory_space<vmem>>, vector<1x16xf32>,
      %get3A_897 = vector.shape_cast %get3A_896 : vector<1x16xf32> to vector<16xf32>
      %mul3A_898 = vector.broadcast %squeeze3A_887 : f32 to vector<16xf32>
      %mul3A_899 = arith.mulf %get3A_897, %mul3A_898 : vector<16xf32>
      %add3A_900 = arith.addf %mul3A_893, %mul3A_899 : vector<16xf32>
      %swap3A_901 = arith.index_cast %add3A_883 : i32 to index
      %swap3A_902 = arith.constant 0 : index
      %swap3A_903 = tpu.vector_load %arg33[%swap3A_901, %swap3A_902] {strides = array<i32>} : memref<128x32xf32, #tpu.memory_space<vmem>>, vector<1x16xf32>,
      %swap3A_904 = vector.shape_cast %swap3A_903 : vector<1x16xf32> to vector<16xf32>
      %swap3A_905 = vector.shape_cast %add3A_900 : vector<16xf32> to vector<1x16xf32>
      tpu.vector_store %arg33[%swap3A_901, %swap3A_902], %swap3A_905 {strides = array<i32>} : memref<128x32xf32, #tpu.memory_space<vmem>>, vector<1x16xf32>,
      %get3A_906 = arith.index_cast %add3A_883 : i32 to index
      %get3A_907 = arith.constant 16 : index
      %get3A_908 = tpu.vector_load %arg29[%get3A_906, %get3A_907] {strides = array<i32>} : memref<128x128xf32, #tpu.memory_space<vmem>>, vector<1x16xf32>,
      %get3A_909 = vector.shape_cast %get3A_908 : vector<1x16xf32> to vector<16xf32>
      %mul3A_910 = vector.broadcast %squeeze3A_885 : f32 to vector<16xf32>
      %mul3A_911 = arith.mulf %get3A_909, %mul3A_910 : vector<16xf32>
      %get3A_912 = arith.index_cast %add3A_883 : i32 to index
      %get3A_913 = arith.constant 16 : index
      %get3A_914 = tpu.vector_load %arg31[%get3A_912, %get3A_913] {strides = array<i32>} : memref<128x128xf32, #tpu.memory_space<vmem>>, vector<1x16xf32>,
      %get3A_915 = vector.shape_cast %get3A_914 : vector<1x16xf32> to vector<16xf32>
      %mul3A_916 = vector.broadcast %squeeze3A_887 : f32 to vector<16xf32>
      %mul3A_917 = arith.mulf %get3A_915, %mul3A_916 : vector<16xf32>
      %add3A_918 = arith.addf %mul3A_911, %mul3A_917 : vector<16xf32>
      %swap3A_919 = arith.index_cast %add3A_883 : i32 to index
      %swap3A_920 = arith.constant 16 : index
      %swap3A_921 = tpu.vector_load %arg33[%swap3A_919, %swap3A_920] {strides = array<i32>} : memref<128x32xf32, #tpu.memory_space<vmem>>, vector<1x16xf32>,
      %swap3A_922 = vector.shape_cast %swap3A_921 : vector<1x16xf32> to vector<16xf32>
      %swap3A_923 = vector.shape_cast %add3A_918 : vector<16xf32> to vector<1x16xf32>
      tpu.vector_store %arg33[%swap3A_919, %swap3A_920], %swap3A_923 {strides = array<i32>} : memref<128x32xf32, #tpu.memory_space<vmem>>, vector<1x16xf32>,
      %scan3A_924 = arith.constant 0 : i32
      scf.yield %scan3A_924 : i32
    }
    %scan3A_170 = arith.constant 8 : i32
    %add3A_171 = arith.constant 256 : i32
    %add3A_172 = arith.addi %mul3A_2, %add3A_171 : i32
    %dma_start3A_173 = arith.constant 0 : i32
    %dma_start3A_174 = tpu.memref_slice %arg8[%add3A_172, %dma_start3A_173] : memref<16384x32xf32, #tpu.memory_space<hbm>> -> memref<128x32xf32, #tpu.memory_space<hbm>>
    %dma_start3A_175 = arith.constant 0 : i32
    %dma_start3A_176 = tpu.memref_slice %arg8[%add3A_172, %dma_start3A_175] : memref<16384x32xf32, #tpu.memory_space<hbm>> -> memref<128x32xf32, #tpu.memory_space<hbm>>
    tpu.enqueue_dma source(%arg33 : memref<128x32xf32, #tpu.memory_space<vmem>>) target(%dma_start3A_176 : memref<128x32xf32, #tpu.memory_space<hbm>>) target_semaphore(%arg38 : memref<!tpu.dma_semaphore, #tpu.memory_space<semaphore_mem>>)
    %dma_wait3A_177 = arith.constant 0 : i32
    %dma_wait3A_178 = arith.constant 0 : i32
    %dma_wait3A_179 = tpu.memref_slice %arg7[%dma_wait3A_177, %dma_wait3A_178] : memref<10000x128xf32, #tpu.memory_space<hbm>> -> memref<10000x128xf32, #tpu.memory_space<hbm>>
    tpu.wait_indirect_dma semaphore(%arg37 : memref<!tpu.dma_semaphore, #tpu.memory_space<semaphore_mem>>) src(%dma_wait3A_179 : memref<10000x128xf32, #tpu.memory_space<hbm>>) dst(%arg30 : memref<128x128xf32, #tpu.memory_space<vmem>>)
    %dma_wait3A_180 = arith.constant 0 : i32
    %dma_wait3A_181 = arith.constant 0 : i32
    %dma_wait3A_182 = tpu.memref_slice %arg7[%dma_wait3A_180, %dma_wait3A_181] : memref<10000x128xf32, #tpu.memory_space<hbm>> -> memref<10000x128xf32, #tpu.memory_space<hbm>>
    tpu.wait_indirect_dma semaphore(%arg37 : memref<!tpu.dma_semaphore, #tpu.memory_space<semaphore_mem>>) src(%dma_wait3A_182 : memref<10000x128xf32, #tpu.memory_space<hbm>>) dst(%arg32 : memref<128x128xf32, #tpu.memory_space<vmem>>)
    %dma_wait3A_183 = arith.constant 0 : i32
    %dma_wait3A_184 = tpu.memref_slice %arg5[%dma_wait3A_183] : memref<100000xf32, #tpu.memory_space<hbm>> -> memref<100000xf32, #tpu.memory_space<hbm>>
    tpu.wait_indirect_dma semaphore(%arg36 : memref<!tpu.dma_semaphore, #tpu.memory_space<semaphore_mem>>) src(%dma_wait3A_184 : memref<100000xf32, #tpu.memory_space<hbm>>) dst(%arg24 : memref<128xf32, #tpu.memory_space<vmem>>)
    %dma_wait3A_185 = arith.constant 0 : i32
    %dma_wait3A_186 = tpu.memref_slice %arg6[%dma_wait3A_185] : memref<100000xf32, #tpu.memory_space<hbm>> -> memref<100000xf32, #tpu.memory_space<hbm>>
    tpu.wait_indirect_dma semaphore(%arg36 : memref<!tpu.dma_semaphore, #tpu.memory_space<semaphore_mem>>) src(%dma_wait3A_186 : memref<100000xf32, #tpu.memory_space<hbm>>) dst(%arg28 : memref<128xf32, #tpu.memory_space<vmem>>)
    %dma_wait3A_187 = arith.constant 0 : i32
    %dma_wait3A_188 = tpu.memref_slice %arg8[%add3A_135, %dma_wait3A_187] : memref<16384x32xf32, #tpu.memory_space<hbm>> -> memref<128x32xf32, #tpu.memory_space<hbm>>
    %dma_wait3A_189 = arith.constant 0 : i32
    %dma_wait3A_190 = tpu.memref_slice %arg8[%add3A_135, %dma_wait3A_189] : memref<16384x32xf32, #tpu.memory_space<hbm>> -> memref<128x32xf32, #tpu.memory_space<hbm>>
    tpu.wait_dma2 semaphore(%arg38 : memref<!tpu.dma_semaphore, #tpu.memory_space<semaphore_mem>>) src(%arg34 : memref<128x32xf32, #tpu.memory_space<vmem>>) dst(%dma_wait3A_190 : memref<128x32xf32, #tpu.memory_space<hbm>>)
    %scan3A_191 = arith.constant 0 : i32
    %scan3A_192 = arith.constant 0 : i32
    %scan3A_193 = arith.constant 8 : i32
    %scan3A_194 = arith.addi %scan3A_192, %scan3A_193 : i32
    %scan3A_195 = arith.constant 1 : i32
    %scan3A_196 = scf.for %scan3A_212 = %scan3A_192 to %scan3A_194 step %scan3A_195 iter_args(%scan3A_213 = %scan3A_191) -> (i32)  : i32 {
      %mul3A_214 = arith.constant 16 : i32
      %mul3A_215 = arith.muli %scan3A_212, %mul3A_214 : i32
      %get3A = arith.index_cast %mul3A_215 : i32 to index
      %get3A_216 = tpu.vector_load %arg24[%get3A] {strides = array<i32>} : memref<128xf32, #tpu.memory_space<vmem>>, vector<16xf32>,
      %get3A_217 = vector.shape_cast %get3A_216 : vector<16xf32> to vector<16xf32>
      %mul3A_218 = arith.constant 16 : i32
      %mul3A_219 = arith.muli %scan3A_212, %mul3A_218 : i32
      %get3A_220 = arith.index_cast %mul3A_219 : i32 to index
      %get3A_221 = tpu.vector_load %arg28[%get3A_220] {strides = array<i32>} : memref<128xf32, #tpu.memory_space<vmem>>, vector<16xf32>,
      %get3A_222 = vector.shape_cast %get3A_221 : vector<16xf32> to vector<16xf32>
      %mul3A_223 = arith.constant 16 : i32
      %mul3A_224 = arith.muli %scan3A_212, %mul3A_223 : i32
      %add3A_225 = arith.constant 0 : i32
      %add3A_226 = arith.addi %mul3A_224, %add3A_225 : i32
      %slice3A = vector.extract_strided_slice %get3A_217 {offsets = [0], sizes = [1], strides = [1]} : vector<16xf32> to vector<1xf32>
      %squeeze3A = vector.extract %slice3A[0] : f32 from vector<1xf32>
      %slice3A_227 = vector.extract_strided_slice %get3A_222 {offsets = [0], sizes = [1], strides = [1]} : vector<16xf32> to vector<1xf32>
      %squeeze3A_228 = vector.extract %slice3A_227[0] : f32 from vector<1xf32>
      %get3A_229 = arith.index_cast %add3A_226 : i32 to index
      %get3A_230 = arith.constant 0 : index
      %get3A_231 = tpu.vector_load %arg30[%get3A_229, %get3A_230] {strides = array<i32>} : memref<128x128xf32, #tpu.memory_space<vmem>>, vector<1x16xf32>,
      %get3A_232 = vector.shape_cast %get3A_231 : vector<1x16xf32> to vector<16xf32>
      %mul3A_233 = vector.broadcast %squeeze3A : f32 to vector<16xf32>
      %mul3A_234 = arith.mulf %get3A_232, %mul3A_233 : vector<16xf32>
      %get3A_235 = arith.index_cast %add3A_226 : i32 to index
      %get3A_236 = arith.constant 0 : index
      %get3A_237 = tpu.vector_load %arg32[%get3A_235, %get3A_236] {strides = array<i32>} : memref<128x128xf32, #tpu.memory_space<vmem>>, vector<1x16xf32>,
      %get3A_238 = vector.shape_cast %get3A_237 : vector<1x16xf32> to vector<16xf32>
      %mul3A_239 = vector.broadcast %squeeze3A_228 : f32 to vector<16xf32>
      %mul3A_240 = arith.mulf %get3A_238, %mul3A_239 : vector<16xf32>
      %add3A_241 = arith.addf %mul3A_234, %mul3A_240 : vector<16xf32>
      %swap3A = arith.index_cast %add3A_226 : i32 to index
      %swap3A_242 = arith.constant 0 : index
      %swap3A_243 = tpu.vector_load %arg34[%swap3A, %swap3A_242] {strides = array<i32>} : memref<128x32xf32, #tpu.memory_space<vmem>>, vector<1x16xf32>,
      %swap3A_244 = vector.shape_cast %swap3A_243 : vector<1x16xf32> to vector<16xf32>
      %swap3A_245 = vector.shape_cast %add3A_241 : vector<16xf32> to vector<1x16xf32>
      tpu.vector_store %arg34[%swap3A, %swap3A_242], %swap3A_245 {strides = array<i32>} : memref<128x32xf32, #tpu.memory_space<vmem>>, vector<1x16xf32>,
      %get3A_246 = arith.index_cast %add3A_226 : i32 to index
      %get3A_247 = arith.constant 16 : index
      %get3A_248 = tpu.vector_load %arg30[%get3A_246, %get3A_247] {strides = array<i32>} : memref<128x128xf32, #tpu.memory_space<vmem>>, vector<1x16xf32>,
      %get3A_249 = vector.shape_cast %get3A_248 : vector<1x16xf32> to vector<16xf32>
      %mul3A_250 = vector.broadcast %squeeze3A : f32 to vector<16xf32>
      %mul3A_251 = arith.mulf %get3A_249, %mul3A_250 : vector<16xf32>
      %get3A_252 = arith.index_cast %add3A_226 : i32 to index
      %get3A_253 = arith.constant 16 : index
      %get3A_254 = tpu.vector_load %arg32[%get3A_252, %get3A_253] {strides = array<i32>} : memref<128x128xf32, #tpu.memory_space<vmem>>, vector<1x16xf32>,
      %get3A_255 = vector.shape_cast %get3A_254 : vector<1x16xf32> to vector<16xf32>
      %mul3A_256 = vector.broadcast %squeeze3A_228 : f32 to vector<16xf32>
      %mul3A_257 = arith.mulf %get3A_255, %mul3A_256 : vector<16xf32>
      %add3A_258 = arith.addf %mul3A_251, %mul3A_257 : vector<16xf32>
      %swap3A_259 = arith.index_cast %add3A_226 : i32 to index
      %swap3A_260 = arith.constant 16 : index
      %swap3A_261 = tpu.vector_load %arg34[%swap3A_259, %swap3A_260] {strides = array<i32>} : memref<128x32xf32, #tpu.memory_space<vmem>>, vector<1x16xf32>,
      %swap3A_262 = vector.shape_cast %swap3A_261 : vector<1x16xf32> to vector<16xf32>
      %swap3A_263 = vector.shape_cast %add3A_258 : vector<16xf32> to vector<1x16xf32>
      tpu.vector_store %arg34[%swap3A_259, %swap3A_260], %swap3A_263 {strides = array<i32>} : memref<128x32xf32, #tpu.memory_space<vmem>>, vector<1x16xf32>,
      %mul3A_264 = arith.constant 16 : i32
      %mul3A_265 = arith.muli %scan3A_212, %mul3A_264 : i32
      %add3A_266 = arith.constant 1 : i32
      %add3A_267 = arith.addi %mul3A_265, %add3A_266 : i32
      %slice3A_268 = vector.extract_strided_slice %get3A_217 {offsets = [1], sizes = [1], strides = [1]} : vector<16xf32> to vector<1xf32>
      %squeeze3A_269 = vector.extract %slice3A_268[0] : f32 from vector<1xf32>
      %slice3A_270 = vector.extract_strided_slice %get3A_222 {offsets = [1], sizes = [1], strides = [1]} : vector<16xf32> to vector<1xf32>
      %squeeze3A_271 = vector.extract %slice3A_270[0] : f32 from vector<1xf32>
      %get3A_272 = arith.index_cast %add3A_267 : i32 to index
      %get3A_273 = arith.constant 0 : index
      %get3A_274 = tpu.vector_load %arg30[%get3A_272, %get3A_273] {strides = array<i32>} : memref<128x128xf32, #tpu.memory_space<vmem>>, vector<1x16xf32>,
      %get3A_275 = vector.shape_cast %get3A_274 : vector<1x16xf32> to vector<16xf32>
      %mul3A_276 = vector.broadcast %squeeze3A_269 : f32 to vector<16xf32>
      %mul3A_277 = arith.mulf %get3A_275, %mul3A_276 : vector<16xf32>
      %get3A_278 = arith.index_cast %add3A_267 : i32 to index
      %get3A_279 = arith.constant 0 : index
      %get3A_280 = tpu.vector_load %arg32[%get3A_278, %get3A_279] {strides = array<i32>} : memref<128x128xf32, #tpu.memory_space<vmem>>, vector<1x16xf32>,
      %get3A_281 = vector.shape_cast %get3A_280 : vector<1x16xf32> to vector<16xf32>
      %mul3A_282 = vector.broadcast %squeeze3A_271 : f32 to vector<16xf32>
      %mul3A_283 = arith.mulf %get3A_281, %mul3A_282 : vector<16xf32>
      %add3A_284 = arith.addf %mul3A_277, %mul3A_283 : vector<16xf32>
      %swap3A_285 = arith.index_cast %add3A_267 : i32 to index
      %swap3A_286 = arith.constant 0 : index
      %swap3A_287 = tpu.vector_load %arg34[%swap3A_285, %swap3A_286] {strides = array<i32>} : memref<128x32xf32, #tpu.memory_space<vmem>>, vector<1x16xf32>,
      %swap3A_288 = vector.shape_cast %swap3A_287 : vector<1x16xf32> to vector<16xf32>
      %swap3A_289 = vector.shape_cast %add3A_284 : vector<16xf32> to vector<1x16xf32>
      tpu.vector_store %arg34[%swap3A_285, %swap3A_286], %swap3A_289 {strides = array<i32>} : memref<128x32xf32, #tpu.memory_space<vmem>>, vector<1x16xf32>,
      %get3A_290 = arith.index_cast %add3A_267 : i32 to index
      %get3A_291 = arith.constant 16 : index
      %get3A_292 = tpu.vector_load %arg30[%get3A_290, %get3A_291] {strides = array<i32>} : memref<128x128xf32, #tpu.memory_space<vmem>>, vector<1x16xf32>,
      %get3A_293 = vector.shape_cast %get3A_292 : vector<1x16xf32> to vector<16xf32>
      %mul3A_294 = vector.broadcast %squeeze3A_269 : f32 to vector<16xf32>
      %mul3A_295 = arith.mulf %get3A_293, %mul3A_294 : vector<16xf32>
      %get3A_296 = arith.index_cast %add3A_267 : i32 to index
      %get3A_297 = arith.constant 16 : index
      %get3A_298 = tpu.vector_load %arg32[%get3A_296, %get3A_297] {strides = array<i32>} : memref<128x128xf32, #tpu.memory_space<vmem>>, vector<1x16xf32>,
      %get3A_299 = vector.shape_cast %get3A_298 : vector<1x16xf32> to vector<16xf32>
      %mul3A_300 = vector.broadcast %squeeze3A_271 : f32 to vector<16xf32>
      %mul3A_301 = arith.mulf %get3A_299, %mul3A_300 : vector<16xf32>
      %add3A_302 = arith.addf %mul3A_295, %mul3A_301 : vector<16xf32>
      %swap3A_303 = arith.index_cast %add3A_267 : i32 to index
      %swap3A_304 = arith.constant 16 : index
      %swap3A_305 = tpu.vector_load %arg34[%swap3A_303, %swap3A_304] {strides = array<i32>} : memref<128x32xf32, #tpu.memory_space<vmem>>, vector<1x16xf32>,
      %swap3A_306 = vector.shape_cast %swap3A_305 : vector<1x16xf32> to vector<16xf32>
      %swap3A_307 = vector.shape_cast %add3A_302 : vector<16xf32> to vector<1x16xf32>
      tpu.vector_store %arg34[%swap3A_303, %swap3A_304], %swap3A_307 {strides = array<i32>} : memref<128x32xf32, #tpu.memory_space<vmem>>, vector<1x16xf32>,
      %mul3A_308 = arith.constant 16 : i32
      %mul3A_309 = arith.muli %scan3A_212, %mul3A_308 : i32
      %add3A_310 = arith.constant 2 : i32
      %add3A_311 = arith.addi %mul3A_309, %add3A_310 : i32
      %slice3A_312 = vector.extract_strided_slice %get3A_217 {offsets = [2], sizes = [1], strides = [1]} : vector<16xf32> to vector<1xf32>
      %squeeze3A_313 = vector.extract %slice3A_312[0] : f32 from vector<1xf32>
      %slice3A_314 = vector.extract_strided_slice %get3A_222 {offsets = [2], sizes = [1], strides = [1]} : vector<16xf32> to vector<1xf32>
      %squeeze3A_315 = vector.extract %slice3A_314[0] : f32 from vector<1xf32>
      %get3A_316 = arith.index_cast %add3A_311 : i32 to index
      %get3A_317 = arith.constant 0 : index
      %get3A_318 = tpu.vector_load %arg30[%get3A_316, %get3A_317] {strides = array<i32>} : memref<128x128xf32, #tpu.memory_space<vmem>>, vector<1x16xf32>,
      %get3A_319 = vector.shape_cast %get3A_318 : vector<1x16xf32> to vector<16xf32>
      %mul3A_320 = vector.broadcast %squeeze3A_313 : f32 to vector<16xf32>
      %mul3A_321 = arith.mulf %get3A_319, %mul3A_320 : vector<16xf32>
      %get3A_322 = arith.index_cast %add3A_311 : i32 to index
      %get3A_323 = arith.constant 0 : index
      %get3A_324 = tpu.vector_load %arg32[%get3A_322, %get3A_323] {strides = array<i32>} : memref<128x128xf32, #tpu.memory_space<vmem>>, vector<1x16xf32>,
      %get3A_325 = vector.shape_cast %get3A_324 : vector<1x16xf32> to vector<16xf32>
      %mul3A_326 = vector.broadcast %squeeze3A_315 : f32 to vector<16xf32>
      %mul3A_327 = arith.mulf %get3A_325, %mul3A_326 : vector<16xf32>
      %add3A_328 = arith.addf %mul3A_321, %mul3A_327 : vector<16xf32>
      %swap3A_329 = arith.index_cast %add3A_311 : i32 to index
      %swap3A_330 = arith.constant 0 : index
      %swap3A_331 = tpu.vector_load %arg34[%swap3A_329, %swap3A_330] {strides = array<i32>} : memref<128x32xf32, #tpu.memory_space<vmem>>, vector<1x16xf32>,
      %swap3A_332 = vector.shape_cast %swap3A_331 : vector<1x16xf32> to vector<16xf32>
      %swap3A_333 = vector.shape_cast %add3A_328 : vector<16xf32> to vector<1x16xf32>
      tpu.vector_store %arg34[%swap3A_329, %swap3A_330], %swap3A_333 {strides = array<i32>} : memref<128x32xf32, #tpu.memory_space<vmem>>, vector<1x16xf32>,
      %get3A_334 = arith.index_cast %add3A_311 : i32 to index
      %get3A_335 = arith.constant 16 : index
      %get3A_336 = tpu.vector_load %arg30[%get3A_334, %get3A_335] {strides = array<i32>} : memref<128x128xf32, #tpu.memory_space<vmem>>, vector<1x16xf32>,
      %get3A_337 = vector.shape_cast %get3A_336 : vector<1x16xf32> to vector<16xf32>
      %mul3A_338 = vector.broadcast %squeeze3A_313 : f32 to vector<16xf32>
      %mul3A_339 = arith.mulf %get3A_337, %mul3A_338 : vector<16xf32>
      %get3A_340 = arith.index_cast %add3A_311 : i32 to index
      %get3A_341 = arith.constant 16 : index
      %get3A_342 = tpu.vector_load %arg32[%get3A_340, %get3A_341] {strides = array<i32>} : memref<128x128xf32, #tpu.memory_space<vmem>>, vector<1x16xf32>,
      %get3A_343 = vector.shape_cast %get3A_342 : vector<1x16xf32> to vector<16xf32>
      %mul3A_344 = vector.broadcast %squeeze3A_315 : f32 to vector<16xf32>
      %mul3A_345 = arith.mulf %get3A_343, %mul3A_344 : vector<16xf32>
      %add3A_346 = arith.addf %mul3A_339, %mul3A_345 : vector<16xf32>
      %swap3A_347 = arith.index_cast %add3A_311 : i32 to index
      %swap3A_348 = arith.constant 16 : index
      %swap3A_349 = tpu.vector_load %arg34[%swap3A_347, %swap3A_348] {strides = array<i32>} : memref<128x32xf32, #tpu.memory_space<vmem>>, vector<1x16xf32>,
      %swap3A_350 = vector.shape_cast %swap3A_349 : vector<1x16xf32> to vector<16xf32>
      %swap3A_351 = vector.shape_cast %add3A_346 : vector<16xf32> to vector<1x16xf32>
      tpu.vector_store %arg34[%swap3A_347, %swap3A_348], %swap3A_351 {strides = array<i32>} : memref<128x32xf32, #tpu.memory_space<vmem>>, vector<1x16xf32>,
      %mul3A_352 = arith.constant 16 : i32
      %mul3A_353 = arith.muli %scan3A_212, %mul3A_352 : i32
      %add3A_354 = arith.constant 3 : i32
      %add3A_355 = arith.addi %mul3A_353, %add3A_354 : i32
      %slice3A_356 = vector.extract_strided_slice %get3A_217 {offsets = [3], sizes = [1], strides = [1]} : vector<16xf32> to vector<1xf32>
      %squeeze3A_357 = vector.extract %slice3A_356[0] : f32 from vector<1xf32>
      %slice3A_358 = vector.extract_strided_slice %get3A_222 {offsets = [3], sizes = [1], strides = [1]} : vector<16xf32> to vector<1xf32>
      %squeeze3A_359 = vector.extract %slice3A_358[0] : f32 from vector<1xf32>
      %get3A_360 = arith.index_cast %add3A_355 : i32 to index
      %get3A_361 = arith.constant 0 : index
      %get3A_362 = tpu.vector_load %arg30[%get3A_360, %get3A_361] {strides = array<i32>} : memref<128x128xf32, #tpu.memory_space<vmem>>, vector<1x16xf32>,
      %get3A_363 = vector.shape_cast %get3A_362 : vector<1x16xf32> to vector<16xf32>
      %mul3A_364 = vector.broadcast %squeeze3A_357 : f32 to vector<16xf32>
      %mul3A_365 = arith.mulf %get3A_363, %mul3A_364 : vector<16xf32>
      %get3A_366 = arith.index_cast %add3A_355 : i32 to index
      %get3A_367 = arith.constant 0 : index
      %get3A_368 = tpu.vector_load %arg32[%get3A_366, %get3A_367] {strides = array<i32>} : memref<128x128xf32, #tpu.memory_space<vmem>>, vector<1x16xf32>,
      %get3A_369 = vector.shape_cast %get3A_368 : vector<1x16xf32> to vector<16xf32>
      %mul3A_370 = vector.broadcast %squeeze3A_359 : f32 to vector<16xf32>
      %mul3A_371 = arith.mulf %get3A_369, %mul3A_370 : vector<16xf32>
      %add3A_372 = arith.addf %mul3A_365, %mul3A_371 : vector<16xf32>
      %swap3A_373 = arith.index_cast %add3A_355 : i32 to index
      %swap3A_374 = arith.constant 0 : index
      %swap3A_375 = tpu.vector_load %arg34[%swap3A_373, %swap3A_374] {strides = array<i32>} : memref<128x32xf32, #tpu.memory_space<vmem>>, vector<1x16xf32>,
      %swap3A_376 = vector.shape_cast %swap3A_375 : vector<1x16xf32> to vector<16xf32>
      %swap3A_377 = vector.shape_cast %add3A_372 : vector<16xf32> to vector<1x16xf32>
      tpu.vector_store %arg34[%swap3A_373, %swap3A_374], %swap3A_377 {strides = array<i32>} : memref<128x32xf32, #tpu.memory_space<vmem>>, vector<1x16xf32>,
      %get3A_378 = arith.index_cast %add3A_355 : i32 to index
      %get3A_379 = arith.constant 16 : index
      %get3A_380 = tpu.vector_load %arg30[%get3A_378, %get3A_379] {strides = array<i32>} : memref<128x128xf32, #tpu.memory_space<vmem>>, vector<1x16xf32>,
      %get3A_381 = vector.shape_cast %get3A_380 : vector<1x16xf32> to vector<16xf32>
      %mul3A_382 = vector.broadcast %squeeze3A_357 : f32 to vector<16xf32>
      %mul3A_383 = arith.mulf %get3A_381, %mul3A_382 : vector<16xf32>
      %get3A_384 = arith.index_cast %add3A_355 : i32 to index
      %get3A_385 = arith.constant 16 : index
      %get3A_386 = tpu.vector_load %arg32[%get3A_384, %get3A_385] {strides = array<i32>} : memref<128x128xf32, #tpu.memory_space<vmem>>, vector<1x16xf32>,
      %get3A_387 = vector.shape_cast %get3A_386 : vector<1x16xf32> to vector<16xf32>
      %mul3A_388 = vector.broadcast %squeeze3A_359 : f32 to vector<16xf32>
      %mul3A_389 = arith.mulf %get3A_387, %mul3A_388 : vector<16xf32>
      %add3A_390 = arith.addf %mul3A_383, %mul3A_389 : vector<16xf32>
      %swap3A_391 = arith.index_cast %add3A_355 : i32 to index
      %swap3A_392 = arith.constant 16 : index
      %swap3A_393 = tpu.vector_load %arg34[%swap3A_391, %swap3A_392] {strides = array<i32>} : memref<128x32xf32, #tpu.memory_space<vmem>>, vector<1x16xf32>,
      %swap3A_394 = vector.shape_cast %swap3A_393 : vector<1x16xf32> to vector<16xf32>
      %swap3A_395 = vector.shape_cast %add3A_390 : vector<16xf32> to vector<1x16xf32>
      tpu.vector_store %arg34[%swap3A_391, %swap3A_392], %swap3A_395 {strides = array<i32>} : memref<128x32xf32, #tpu.memory_space<vmem>>, vector<1x16xf32>,
      %mul3A_396 = arith.constant 16 : i32
      %mul3A_397 = arith.muli %scan3A_212, %mul3A_396 : i32
      %add3A_398 = arith.constant 4 : i32
      %add3A_399 = arith.addi %mul3A_397, %add3A_398 : i32
      %slice3A_400 = vector.extract_strided_slice %get3A_217 {offsets = [4], sizes = [1], strides = [1]} : vector<16xf32> to vector<1xf32>
      %squeeze3A_401 = vector.extract %slice3A_400[0] : f32 from vector<1xf32>
      %slice3A_402 = vector.extract_strided_slice %get3A_222 {offsets = [4], sizes = [1], strides = [1]} : vector<16xf32> to vector<1xf32>
      %squeeze3A_403 = vector.extract %slice3A_402[0] : f32 from vector<1xf32>
      %get3A_404 = arith.index_cast %add3A_399 : i32 to index
      %get3A_405 = arith.constant 0 : index
      %get3A_406 = tpu.vector_load %arg30[%get3A_404, %get3A_405] {strides = array<i32>} : memref<128x128xf32, #tpu.memory_space<vmem>>, vector<1x16xf32>,
      %get3A_407 = vector.shape_cast %get3A_406 : vector<1x16xf32> to vector<16xf32>
      %mul3A_408 = vector.broadcast %squeeze3A_401 : f32 to vector<16xf32>
      %mul3A_409 = arith.mulf %get3A_407, %mul3A_408 : vector<16xf32>
      %get3A_410 = arith.index_cast %add3A_399 : i32 to index
      %get3A_411 = arith.constant 0 : index
      %get3A_412 = tpu.vector_load %arg32[%get3A_410, %get3A_411] {strides = array<i32>} : memref<128x128xf32, #tpu.memory_space<vmem>>, vector<1x16xf32>,
      %get3A_413 = vector.shape_cast %get3A_412 : vector<1x16xf32> to vector<16xf32>
      %mul3A_414 = vector.broadcast %squeeze3A_403 : f32 to vector<16xf32>
      %mul3A_415 = arith.mulf %get3A_413, %mul3A_414 : vector<16xf32>
      %add3A_416 = arith.addf %mul3A_409, %mul3A_415 : vector<16xf32>
      %swap3A_417 = arith.index_cast %add3A_399 : i32 to index
      %swap3A_418 = arith.constant 0 : index
      %swap3A_419 = tpu.vector_load %arg34[%swap3A_417, %swap3A_418] {strides = array<i32>} : memref<128x32xf32, #tpu.memory_space<vmem>>, vector<1x16xf32>,
      %swap3A_420 = vector.shape_cast %swap3A_419 : vector<1x16xf32> to vector<16xf32>
      %swap3A_421 = vector.shape_cast %add3A_416 : vector<16xf32> to vector<1x16xf32>
      tpu.vector_store %arg34[%swap3A_417, %swap3A_418], %swap3A_421 {strides = array<i32>} : memref<128x32xf32, #tpu.memory_space<vmem>>, vector<1x16xf32>,
      %get3A_422 = arith.index_cast %add3A_399 : i32 to index
      %get3A_423 = arith.constant 16 : index
      %get3A_424 = tpu.vector_load %arg30[%get3A_422, %get3A_423] {strides = array<i32>} : memref<128x128xf32, #tpu.memory_space<vmem>>, vector<1x16xf32>,
      %get3A_425 = vector.shape_cast %get3A_424 : vector<1x16xf32> to vector<16xf32>
      %mul3A_426 = vector.broadcast %squeeze3A_401 : f32 to vector<16xf32>
      %mul3A_427 = arith.mulf %get3A_425, %mul3A_426 : vector<16xf32>
      %get3A_428 = arith.index_cast %add3A_399 : i32 to index
      %get3A_429 = arith.constant 16 : index
      %get3A_430 = tpu.vector_load %arg32[%get3A_428, %get3A_429] {strides = array<i32>} : memref<128x128xf32, #tpu.memory_space<vmem>>, vector<1x16xf32>,
      %get3A_431 = vector.shape_cast %get3A_430 : vector<1x16xf32> to vector<16xf32>
      %mul3A_432 = vector.broadcast %squeeze3A_403 : f32 to vector<16xf32>
      %mul3A_433 = arith.mulf %get3A_431, %mul3A_432 : vector<16xf32>
      %add3A_434 = arith.addf %mul3A_427, %mul3A_433 : vector<16xf32>
      %swap3A_435 = arith.index_cast %add3A_399 : i32 to index
      %swap3A_436 = arith.constant 16 : index
      %swap3A_437 = tpu.vector_load %arg34[%swap3A_435, %swap3A_436] {strides = array<i32>} : memref<128x32xf32, #tpu.memory_space<vmem>>, vector<1x16xf32>,
      %swap3A_438 = vector.shape_cast %swap3A_437 : vector<1x16xf32> to vector<16xf32>
      %swap3A_439 = vector.shape_cast %add3A_434 : vector<16xf32> to vector<1x16xf32>
      tpu.vector_store %arg34[%swap3A_435, %swap3A_436], %swap3A_439 {strides = array<i32>} : memref<128x32xf32, #tpu.memory_space<vmem>>, vector<1x16xf32>,
      %mul3A_440 = arith.constant 16 : i32
      %mul3A_441 = arith.muli %scan3A_212, %mul3A_440 : i32
      %add3A_442 = arith.constant 5 : i32
      %add3A_443 = arith.addi %mul3A_441, %add3A_442 : i32
      %slice3A_444 = vector.extract_strided_slice %get3A_217 {offsets = [5], sizes = [1], strides = [1]} : vector<16xf32> to vector<1xf32>
      %squeeze3A_445 = vector.extract %slice3A_444[0] : f32 from vector<1xf32>
      %slice3A_446 = vector.extract_strided_slice %get3A_222 {offsets = [5], sizes = [1], strides = [1]} : vector<16xf32> to vector<1xf32>
      %squeeze3A_447 = vector.extract %slice3A_446[0] : f32 from vector<1xf32>
      %get3A_448 = arith.index_cast %add3A_443 : i32 to index
      %get3A_449 = arith.constant 0 : index
      %get3A_450 = tpu.vector_load %arg30[%get3A_448, %get3A_449] {strides = array<i32>} : memref<128x128xf32, #tpu.memory_space<vmem>>, vector<1x16xf32>,
      %get3A_451 = vector.shape_cast %get3A_450 : vector<1x16xf32> to vector<16xf32>
      %mul3A_452 = vector.broadcast %squeeze3A_445 : f32 to vector<16xf32>
      %mul3A_453 = arith.mulf %get3A_451, %mul3A_452 : vector<16xf32>
      %get3A_454 = arith.index_cast %add3A_443 : i32 to index
      %get3A_455 = arith.constant 0 : index
      %get3A_456 = tpu.vector_load %arg32[%get3A_454, %get3A_455] {strides = array<i32>} : memref<128x128xf32, #tpu.memory_space<vmem>>, vector<1x16xf32>,
      %get3A_457 = vector.shape_cast %get3A_456 : vector<1x16xf32> to vector<16xf32>
      %mul3A_458 = vector.broadcast %squeeze3A_447 : f32 to vector<16xf32>
      %mul3A_459 = arith.mulf %get3A_457, %mul3A_458 : vector<16xf32>
      %add3A_460 = arith.addf %mul3A_453, %mul3A_459 : vector<16xf32>
      %swap3A_461 = arith.index_cast %add3A_443 : i32 to index
      %swap3A_462 = arith.constant 0 : index
      %swap3A_463 = tpu.vector_load %arg34[%swap3A_461, %swap3A_462] {strides = array<i32>} : memref<128x32xf32, #tpu.memory_space<vmem>>, vector<1x16xf32>,
      %swap3A_464 = vector.shape_cast %swap3A_463 : vector<1x16xf32> to vector<16xf32>
      %swap3A_465 = vector.shape_cast %add3A_460 : vector<16xf32> to vector<1x16xf32>
      tpu.vector_store %arg34[%swap3A_461, %swap3A_462], %swap3A_465 {strides = array<i32>} : memref<128x32xf32, #tpu.memory_space<vmem>>, vector<1x16xf32>,
      %get3A_466 = arith.index_cast %add3A_443 : i32 to index
      %get3A_467 = arith.constant 16 : index
      %get3A_468 = tpu.vector_load %arg30[%get3A_466, %get3A_467] {strides = array<i32>} : memref<128x128xf32, #tpu.memory_space<vmem>>, vector<1x16xf32>,
      %get3A_469 = vector.shape_cast %get3A_468 : vector<1x16xf32> to vector<16xf32>
      %mul3A_470 = vector.broadcast %squeeze3A_445 : f32 to vector<16xf32>
      %mul3A_471 = arith.mulf %get3A_469, %mul3A_470 : vector<16xf32>
      %get3A_472 = arith.index_cast %add3A_443 : i32 to index
      %get3A_473 = arith.constant 16 : index
      %get3A_474 = tpu.vector_load %arg32[%get3A_472, %get3A_473] {strides = array<i32>} : memref<128x128xf32, #tpu.memory_space<vmem>>, vector<1x16xf32>,
      %get3A_475 = vector.shape_cast %get3A_474 : vector<1x16xf32> to vector<16xf32>
      %mul3A_476 = vector.broadcast %squeeze3A_447 : f32 to vector<16xf32>
      %mul3A_477 = arith.mulf %get3A_475, %mul3A_476 : vector<16xf32>
      %add3A_478 = arith.addf %mul3A_471, %mul3A_477 : vector<16xf32>
      %swap3A_479 = arith.index_cast %add3A_443 : i32 to index
      %swap3A_480 = arith.constant 16 : index
      %swap3A_481 = tpu.vector_load %arg34[%swap3A_479, %swap3A_480] {strides = array<i32>} : memref<128x32xf32, #tpu.memory_space<vmem>>, vector<1x16xf32>,
      %swap3A_482 = vector.shape_cast %swap3A_481 : vector<1x16xf32> to vector<16xf32>
      %swap3A_483 = vector.shape_cast %add3A_478 : vector<16xf32> to vector<1x16xf32>
      tpu.vector_store %arg34[%swap3A_479, %swap3A_480], %swap3A_483 {strides = array<i32>} : memref<128x32xf32, #tpu.memory_space<vmem>>, vector<1x16xf32>,
      %mul3A_484 = arith.constant 16 : i32
      %mul3A_485 = arith.muli %scan3A_212, %mul3A_484 : i32
      %add3A_486 = arith.constant 6 : i32
      %add3A_487 = arith.addi %mul3A_485, %add3A_486 : i32
      %slice3A_488 = vector.extract_strided_slice %get3A_217 {offsets = [6], sizes = [1], strides = [1]} : vector<16xf32> to vector<1xf32>
      %squeeze3A_489 = vector.extract %slice3A_488[0] : f32 from vector<1xf32>
      %slice3A_490 = vector.extract_strided_slice %get3A_222 {offsets = [6], sizes = [1], strides = [1]} : vector<16xf32> to vector<1xf32>
      %squeeze3A_491 = vector.extract %slice3A_490[0] : f32 from vector<1xf32>
      %get3A_492 = arith.index_cast %add3A_487 : i32 to index
      %get3A_493 = arith.constant 0 : index
      %get3A_494 = tpu.vector_load %arg30[%get3A_492, %get3A_493] {strides = array<i32>} : memref<128x128xf32, #tpu.memory_space<vmem>>, vector<1x16xf32>,
      %get3A_495 = vector.shape_cast %get3A_494 : vector<1x16xf32> to vector<16xf32>
      %mul3A_496 = vector.broadcast %squeeze3A_489 : f32 to vector<16xf32>
      %mul3A_497 = arith.mulf %get3A_495, %mul3A_496 : vector<16xf32>
      %get3A_498 = arith.index_cast %add3A_487 : i32 to index
      %get3A_499 = arith.constant 0 : index
      %get3A_500 = tpu.vector_load %arg32[%get3A_498, %get3A_499] {strides = array<i32>} : memref<128x128xf32, #tpu.memory_space<vmem>>, vector<1x16xf32>,
      %get3A_501 = vector.shape_cast %get3A_500 : vector<1x16xf32> to vector<16xf32>
      %mul3A_502 = vector.broadcast %squeeze3A_491 : f32 to vector<16xf32>
      %mul3A_503 = arith.mulf %get3A_501, %mul3A_502 : vector<16xf32>
      %add3A_504 = arith.addf %mul3A_497, %mul3A_503 : vector<16xf32>
      %swap3A_505 = arith.index_cast %add3A_487 : i32 to index
      %swap3A_506 = arith.constant 0 : index
      %swap3A_507 = tpu.vector_load %arg34[%swap3A_505, %swap3A_506] {strides = array<i32>} : memref<128x32xf32, #tpu.memory_space<vmem>>, vector<1x16xf32>,
      %swap3A_508 = vector.shape_cast %swap3A_507 : vector<1x16xf32> to vector<16xf32>
      %swap3A_509 = vector.shape_cast %add3A_504 : vector<16xf32> to vector<1x16xf32>
      tpu.vector_store %arg34[%swap3A_505, %swap3A_506], %swap3A_509 {strides = array<i32>} : memref<128x32xf32, #tpu.memory_space<vmem>>, vector<1x16xf32>,
      %get3A_510 = arith.index_cast %add3A_487 : i32 to index
      %get3A_511 = arith.constant 16 : index
      %get3A_512 = tpu.vector_load %arg30[%get3A_510, %get3A_511] {strides = array<i32>} : memref<128x128xf32, #tpu.memory_space<vmem>>, vector<1x16xf32>,
      %get3A_513 = vector.shape_cast %get3A_512 : vector<1x16xf32> to vector<16xf32>
      %mul3A_514 = vector.broadcast %squeeze3A_489 : f32 to vector<16xf32>
      %mul3A_515 = arith.mulf %get3A_513, %mul3A_514 : vector<16xf32>
      %get3A_516 = arith.index_cast %add3A_487 : i32 to index
      %get3A_517 = arith.constant 16 : index
      %get3A_518 = tpu.vector_load %arg32[%get3A_516, %get3A_517] {strides = array<i32>} : memref<128x128xf32, #tpu.memory_space<vmem>>, vector<1x16xf32>,
      %get3A_519 = vector.shape_cast %get3A_518 : vector<1x16xf32> to vector<16xf32>
      %mul3A_520 = vector.broadcast %squeeze3A_491 : f32 to vector<16xf32>
      %mul3A_521 = arith.mulf %get3A_519, %mul3A_520 : vector<16xf32>
      %add3A_522 = arith.addf %mul3A_515, %mul3A_521 : vector<16xf32>
      %swap3A_523 = arith.index_cast %add3A_487 : i32 to index
      %swap3A_524 = arith.constant 16 : index
      %swap3A_525 = tpu.vector_load %arg34[%swap3A_523, %swap3A_524] {strides = array<i32>} : memref<128x32xf32, #tpu.memory_space<vmem>>, vector<1x16xf32>,
      %swap3A_526 = vector.shape_cast %swap3A_525 : vector<1x16xf32> to vector<16xf32>
      %swap3A_527 = vector.shape_cast %add3A_522 : vector<16xf32> to vector<1x16xf32>
      tpu.vector_store %arg34[%swap3A_523, %swap3A_524], %swap3A_527 {strides = array<i32>} : memref<128x32xf32, #tpu.memory_space<vmem>>, vector<1x16xf32>,
      %mul3A_528 = arith.constant 16 : i32
      %mul3A_529 = arith.muli %scan3A_212, %mul3A_528 : i32
      %add3A_530 = arith.constant 7 : i32
      %add3A_531 = arith.addi %mul3A_529, %add3A_530 : i32
      %slice3A_532 = vector.extract_strided_slice %get3A_217 {offsets = [7], sizes = [1], strides = [1]} : vector<16xf32> to vector<1xf32>
      %squeeze3A_533 = vector.extract %slice3A_532[0] : f32 from vector<1xf32>
      %slice3A_534 = vector.extract_strided_slice %get3A_222 {offsets = [7], sizes = [1], strides = [1]} : vector<16xf32> to vector<1xf32>
      %squeeze3A_535 = vector.extract %slice3A_534[0] : f32 from vector<1xf32>
      %get3A_536 = arith.index_cast %add3A_531 : i32 to index
      %get3A_537 = arith.constant 0 : index
      %get3A_538 = tpu.vector_load %arg30[%get3A_536, %get3A_537] {strides = array<i32>} : memref<128x128xf32, #tpu.memory_space<vmem>>, vector<1x16xf32>,
      %get3A_539 = vector.shape_cast %get3A_538 : vector<1x16xf32> to vector<16xf32>
      %mul3A_540 = vector.broadcast %squeeze3A_533 : f32 to vector<16xf32>
      %mul3A_541 = arith.mulf %get3A_539, %mul3A_540 : vector<16xf32>
      %get3A_542 = arith.index_cast %add3A_531 : i32 to index
      %get3A_543 = arith.constant 0 : index
      %get3A_544 = tpu.vector_load %arg32[%get3A_542, %get3A_543] {strides = array<i32>} : memref<128x128xf32, #tpu.memory_space<vmem>>, vector<1x16xf32>,
      %get3A_545 = vector.shape_cast %get3A_544 : vector<1x16xf32> to vector<16xf32>
      %mul3A_546 = vector.broadcast %squeeze3A_535 : f32 to vector<16xf32>
      %mul3A_547 = arith.mulf %get3A_545, %mul3A_546 : vector<16xf32>
      %add3A_548 = arith.addf %mul3A_541, %mul3A_547 : vector<16xf32>
      %swap3A_549 = arith.index_cast %add3A_531 : i32 to index
      %swap3A_550 = arith.constant 0 : index
      %swap3A_551 = tpu.vector_load %arg34[%swap3A_549, %swap3A_550] {strides = array<i32>} : memref<128x32xf32, #tpu.memory_space<vmem>>, vector<1x16xf32>,
      %swap3A_552 = vector.shape_cast %swap3A_551 : vector<1x16xf32> to vector<16xf32>
      %swap3A_553 = vector.shape_cast %add3A_548 : vector<16xf32> to vector<1x16xf32>
      tpu.vector_store %arg34[%swap3A_549, %swap3A_550], %swap3A_553 {strides = array<i32>} : memref<128x32xf32, #tpu.memory_space<vmem>>, vector<1x16xf32>,
      %get3A_554 = arith.index_cast %add3A_531 : i32 to index
      %get3A_555 = arith.constant 16 : index
      %get3A_556 = tpu.vector_load %arg30[%get3A_554, %get3A_555] {strides = array<i32>} : memref<128x128xf32, #tpu.memory_space<vmem>>, vector<1x16xf32>,
      %get3A_557 = vector.shape_cast %get3A_556 : vector<1x16xf32> to vector<16xf32>
      %mul3A_558 = vector.broadcast %squeeze3A_533 : f32 to vector<16xf32>
      %mul3A_559 = arith.mulf %get3A_557, %mul3A_558 : vector<16xf32>
      %get3A_560 = arith.index_cast %add3A_531 : i32 to index
      %get3A_561 = arith.constant 16 : index
      %get3A_562 = tpu.vector_load %arg32[%get3A_560, %get3A_561] {strides = array<i32>} : memref<128x128xf32, #tpu.memory_space<vmem>>, vector<1x16xf32>,
      %get3A_563 = vector.shape_cast %get3A_562 : vector<1x16xf32> to vector<16xf32>
      %mul3A_564 = vector.broadcast %squeeze3A_535 : f32 to vector<16xf32>
      %mul3A_565 = arith.mulf %get3A_563, %mul3A_564 : vector<16xf32>
      %add3A_566 = arith.addf %mul3A_559, %mul3A_565 : vector<16xf32>
      %swap3A_567 = arith.index_cast %add3A_531 : i32 to index
      %swap3A_568 = arith.constant 16 : index
      %swap3A_569 = tpu.vector_load %arg34[%swap3A_567, %swap3A_568] {strides = array<i32>} : memref<128x32xf32, #tpu.memory_space<vmem>>, vector<1x16xf32>,
      %swap3A_570 = vector.shape_cast %swap3A_569 : vector<1x16xf32> to vector<16xf32>
      %swap3A_571 = vector.shape_cast %add3A_566 : vector<16xf32> to vector<1x16xf32>
      tpu.vector_store %arg34[%swap3A_567, %swap3A_568], %swap3A_571 {strides = array<i32>} : memref<128x32xf32, #tpu.memory_space<vmem>>, vector<1x16xf32>,
      %mul3A_572 = arith.constant 16 : i32
      %mul3A_573 = arith.muli %scan3A_212, %mul3A_572 : i32
      %add3A_574 = arith.constant 8 : i32
      %add3A_575 = arith.addi %mul3A_573, %add3A_574 : i32
      %slice3A_576 = vector.extract_strided_slice %get3A_217 {offsets = [8], sizes = [1], strides = [1]} : vector<16xf32> to vector<1xf32>
      %squeeze3A_577 = vector.extract %slice3A_576[0] : f32 from vector<1xf32>
      %slice3A_578 = vector.extract_strided_slice %get3A_222 {offsets = [8], sizes = [1], strides = [1]} : vector<16xf32> to vector<1xf32>
      %squeeze3A_579 = vector.extract %slice3A_578[0] : f32 from vector<1xf32>
      %get3A_580 = arith.index_cast %add3A_575 : i32 to index
      %get3A_581 = arith.constant 0 : index
      %get3A_582 = tpu.vector_load %arg30[%get3A_580, %get3A_581] {strides = array<i32>} : memref<128x128xf32, #tpu.memory_space<vmem>>, vector<1x16xf32>,
      %get3A_583 = vector.shape_cast %get3A_582 : vector<1x16xf32> to vector<16xf32>
      %mul3A_584 = vector.broadcast %squeeze3A_577 : f32 to vector<16xf32>
      %mul3A_585 = arith.mulf %get3A_583, %mul3A_584 : vector<16xf32>
      %get3A_586 = arith.index_cast %add3A_575 : i32 to index
      %get3A_587 = arith.constant 0 : index
      %get3A_588 = tpu.vector_load %arg32[%get3A_586, %get3A_587] {strides = array<i32>} : memref<128x128xf32, #tpu.memory_space<vmem>>, vector<1x16xf32>,
      %get3A_589 = vector.shape_cast %get3A_588 : vector<1x16xf32> to vector<16xf32>
      %mul3A_590 = vector.broadcast %squeeze3A_579 : f32 to vector<16xf32>
      %mul3A_591 = arith.mulf %get3A_589, %mul3A_590 : vector<16xf32>
      %add3A_592 = arith.addf %mul3A_585, %mul3A_591 : vector<16xf32>
      %swap3A_593 = arith.index_cast %add3A_575 : i32 to index
      %swap3A_594 = arith.constant 0 : index
      %swap3A_595 = tpu.vector_load %arg34[%swap3A_593, %swap3A_594] {strides = array<i32>} : memref<128x32xf32, #tpu.memory_space<vmem>>, vector<1x16xf32>,
      %swap3A_596 = vector.shape_cast %swap3A_595 : vector<1x16xf32> to vector<16xf32>
      %swap3A_597 = vector.shape_cast %add3A_592 : vector<16xf32> to vector<1x16xf32>
      tpu.vector_store %arg34[%swap3A_593, %swap3A_594], %swap3A_597 {strides = array<i32>} : memref<128x32xf32, #tpu.memory_space<vmem>>, vector<1x16xf32>,
      %get3A_598 = arith.index_cast %add3A_575 : i32 to index
      %get3A_599 = arith.constant 16 : index
      %get3A_600 = tpu.vector_load %arg30[%get3A_598, %get3A_599] {strides = array<i32>} : memref<128x128xf32, #tpu.memory_space<vmem>>, vector<1x16xf32>,
      %get3A_601 = vector.shape_cast %get3A_600 : vector<1x16xf32> to vector<16xf32>
      %mul3A_602 = vector.broadcast %squeeze3A_577 : f32 to vector<16xf32>
      %mul3A_603 = arith.mulf %get3A_601, %mul3A_602 : vector<16xf32>
      %get3A_604 = arith.index_cast %add3A_575 : i32 to index
      %get3A_605 = arith.constant 16 : index
      %get3A_606 = tpu.vector_load %arg32[%get3A_604, %get3A_605] {strides = array<i32>} : memref<128x128xf32, #tpu.memory_space<vmem>>, vector<1x16xf32>,
      %get3A_607 = vector.shape_cast %get3A_606 : vector<1x16xf32> to vector<16xf32>
      %mul3A_608 = vector.broadcast %squeeze3A_579 : f32 to vector<16xf32>
      %mul3A_609 = arith.mulf %get3A_607, %mul3A_608 : vector<16xf32>
      %add3A_610 = arith.addf %mul3A_603, %mul3A_609 : vector<16xf32>
      %swap3A_611 = arith.index_cast %add3A_575 : i32 to index
      %swap3A_612 = arith.constant 16 : index
      %swap3A_613 = tpu.vector_load %arg34[%swap3A_611, %swap3A_612] {strides = array<i32>} : memref<128x32xf32, #tpu.memory_space<vmem>>, vector<1x16xf32>,
      %swap3A_614 = vector.shape_cast %swap3A_613 : vector<1x16xf32> to vector<16xf32>
      %swap3A_615 = vector.shape_cast %add3A_610 : vector<16xf32> to vector<1x16xf32>
      tpu.vector_store %arg34[%swap3A_611, %swap3A_612], %swap3A_615 {strides = array<i32>} : memref<128x32xf32, #tpu.memory_space<vmem>>, vector<1x16xf32>,
      %mul3A_616 = arith.constant 16 : i32
      %mul3A_617 = arith.muli %scan3A_212, %mul3A_616 : i32
      %add3A_618 = arith.constant 9 : i32
      %add3A_619 = arith.addi %mul3A_617, %add3A_618 : i32
      %slice3A_620 = vector.extract_strided_slice %get3A_217 {offsets = [9], sizes = [1], strides = [1]} : vector<16xf32> to vector<1xf32>
      %squeeze3A_621 = vector.extract %slice3A_620[0] : f32 from vector<1xf32>
      %slice3A_622 = vector.extract_strided_slice %get3A_222 {offsets = [9], sizes = [1], strides = [1]} : vector<16xf32> to vector<1xf32>
      %squeeze3A_623 = vector.extract %slice3A_622[0] : f32 from vector<1xf32>
      %get3A_624 = arith.index_cast %add3A_619 : i32 to index
      %get3A_625 = arith.constant 0 : index
      %get3A_626 = tpu.vector_load %arg30[%get3A_624, %get3A_625] {strides = array<i32>} : memref<128x128xf32, #tpu.memory_space<vmem>>, vector<1x16xf32>,
      %get3A_627 = vector.shape_cast %get3A_626 : vector<1x16xf32> to vector<16xf32>
      %mul3A_628 = vector.broadcast %squeeze3A_621 : f32 to vector<16xf32>
      %mul3A_629 = arith.mulf %get3A_627, %mul3A_628 : vector<16xf32>
      %get3A_630 = arith.index_cast %add3A_619 : i32 to index
      %get3A_631 = arith.constant 0 : index
      %get3A_632 = tpu.vector_load %arg32[%get3A_630, %get3A_631] {strides = array<i32>} : memref<128x128xf32, #tpu.memory_space<vmem>>, vector<1x16xf32>,
      %get3A_633 = vector.shape_cast %get3A_632 : vector<1x16xf32> to vector<16xf32>
      %mul3A_634 = vector.broadcast %squeeze3A_623 : f32 to vector<16xf32>
      %mul3A_635 = arith.mulf %get3A_633, %mul3A_634 : vector<16xf32>
      %add3A_636 = arith.addf %mul3A_629, %mul3A_635 : vector<16xf32>
      %swap3A_637 = arith.index_cast %add3A_619 : i32 to index
      %swap3A_638 = arith.constant 0 : index
      %swap3A_639 = tpu.vector_load %arg34[%swap3A_637, %swap3A_638] {strides = array<i32>} : memref<128x32xf32, #tpu.memory_space<vmem>>, vector<1x16xf32>,
      %swap3A_640 = vector.shape_cast %swap3A_639 : vector<1x16xf32> to vector<16xf32>
      %swap3A_641 = vector.shape_cast %add3A_636 : vector<16xf32> to vector<1x16xf32>
      tpu.vector_store %arg34[%swap3A_637, %swap3A_638], %swap3A_641 {strides = array<i32>} : memref<128x32xf32, #tpu.memory_space<vmem>>, vector<1x16xf32>,
      %get3A_642 = arith.index_cast %add3A_619 : i32 to index
      %get3A_643 = arith.constant 16 : index
      %get3A_644 = tpu.vector_load %arg30[%get3A_642, %get3A_643] {strides = array<i32>} : memref<128x128xf32, #tpu.memory_space<vmem>>, vector<1x16xf32>,
      %get3A_645 = vector.shape_cast %get3A_644 : vector<1x16xf32> to vector<16xf32>
      %mul3A_646 = vector.broadcast %squeeze3A_621 : f32 to vector<16xf32>
      %mul3A_647 = arith.mulf %get3A_645, %mul3A_646 : vector<16xf32>
      %get3A_648 = arith.index_cast %add3A_619 : i32 to index
      %get3A_649 = arith.constant 16 : index
      %get3A_650 = tpu.vector_load %arg32[%get3A_648, %get3A_649] {strides = array<i32>} : memref<128x128xf32, #tpu.memory_space<vmem>>, vector<1x16xf32>,
      %get3A_651 = vector.shape_cast %get3A_650 : vector<1x16xf32> to vector<16xf32>
      %mul3A_652 = vector.broadcast %squeeze3A_623 : f32 to vector<16xf32>
      %mul3A_653 = arith.mulf %get3A_651, %mul3A_652 : vector<16xf32>
      %add3A_654 = arith.addf %mul3A_647, %mul3A_653 : vector<16xf32>
      %swap3A_655 = arith.index_cast %add3A_619 : i32 to index
      %swap3A_656 = arith.constant 16 : index
      %swap3A_657 = tpu.vector_load %arg34[%swap3A_655, %swap3A_656] {strides = array<i32>} : memref<128x32xf32, #tpu.memory_space<vmem>>, vector<1x16xf32>,
      %swap3A_658 = vector.shape_cast %swap3A_657 : vector<1x16xf32> to vector<16xf32>
      %swap3A_659 = vector.shape_cast %add3A_654 : vector<16xf32> to vector<1x16xf32>
      tpu.vector_store %arg34[%swap3A_655, %swap3A_656], %swap3A_659 {strides = array<i32>} : memref<128x32xf32, #tpu.memory_space<vmem>>, vector<1x16xf32>,
      %mul3A_660 = arith.constant 16 : i32
      %mul3A_661 = arith.muli %scan3A_212, %mul3A_660 : i32
      %add3A_662 = arith.constant 10 : i32
      %add3A_663 = arith.addi %mul3A_661, %add3A_662 : i32
      %slice3A_664 = vector.extract_strided_slice %get3A_217 {offsets = [10], sizes = [1], strides = [1]} : vector<16xf32> to vector<1xf32>
      %squeeze3A_665 = vector.extract %slice3A_664[0] : f32 from vector<1xf32>
      %slice3A_666 = vector.extract_strided_slice %get3A_222 {offsets = [10], sizes = [1], strides = [1]} : vector<16xf32> to vector<1xf32>
      %squeeze3A_667 = vector.extract %slice3A_666[0] : f32 from vector<1xf32>
      %get3A_668 = arith.index_cast %add3A_663 : i32 to index
      %get3A_669 = arith.constant 0 : index
      %get3A_670 = tpu.vector_load %arg30[%get3A_668, %get3A_669] {strides = array<i32>} : memref<128x128xf32, #tpu.memory_space<vmem>>, vector<1x16xf32>,
      %get3A_671 = vector.shape_cast %get3A_670 : vector<1x16xf32> to vector<16xf32>
      %mul3A_672 = vector.broadcast %squeeze3A_665 : f32 to vector<16xf32>
      %mul3A_673 = arith.mulf %get3A_671, %mul3A_672 : vector<16xf32>
      %get3A_674 = arith.index_cast %add3A_663 : i32 to index
      %get3A_675 = arith.constant 0 : index
      %get3A_676 = tpu.vector_load %arg32[%get3A_674, %get3A_675] {strides = array<i32>} : memref<128x128xf32, #tpu.memory_space<vmem>>, vector<1x16xf32>,
      %get3A_677 = vector.shape_cast %get3A_676 : vector<1x16xf32> to vector<16xf32>
      %mul3A_678 = vector.broadcast %squeeze3A_667 : f32 to vector<16xf32>
      %mul3A_679 = arith.mulf %get3A_677, %mul3A_678 : vector<16xf32>
      %add3A_680 = arith.addf %mul3A_673, %mul3A_679 : vector<16xf32>
      %swap3A_681 = arith.index_cast %add3A_663 : i32 to index
      %swap3A_682 = arith.constant 0 : index
      %swap3A_683 = tpu.vector_load %arg34[%swap3A_681, %swap3A_682] {strides = array<i32>} : memref<128x32xf32, #tpu.memory_space<vmem>>, vector<1x16xf32>,
      %swap3A_684 = vector.shape_cast %swap3A_683 : vector<1x16xf32> to vector<16xf32>
      %swap3A_685 = vector.shape_cast %add3A_680 : vector<16xf32> to vector<1x16xf32>
      tpu.vector_store %arg34[%swap3A_681, %swap3A_682], %swap3A_685 {strides = array<i32>} : memref<128x32xf32, #tpu.memory_space<vmem>>, vector<1x16xf32>,
      %get3A_686 = arith.index_cast %add3A_663 : i32 to index
      %get3A_687 = arith.constant 16 : index
      %get3A_688 = tpu.vector_load %arg30[%get3A_686, %get3A_687] {strides = array<i32>} : memref<128x128xf32, #tpu.memory_space<vmem>>, vector<1x16xf32>,
      %get3A_689 = vector.shape_cast %get3A_688 : vector<1x16xf32> to vector<16xf32>
      %mul3A_690 = vector.broadcast %squeeze3A_665 : f32 to vector<16xf32>
      %mul3A_691 = arith.mulf %get3A_689, %mul3A_690 : vector<16xf32>
      %get3A_692 = arith.index_cast %add3A_663 : i32 to index
      %get3A_693 = arith.constant 16 : index
      %get3A_694 = tpu.vector_load %arg32[%get3A_692, %get3A_693] {strides = array<i32>} : memref<128x128xf32, #tpu.memory_space<vmem>>, vector<1x16xf32>,
      %get3A_695 = vector.shape_cast %get3A_694 : vector<1x16xf32> to vector<16xf32>
      %mul3A_696 = vector.broadcast %squeeze3A_667 : f32 to vector<16xf32>
      %mul3A_697 = arith.mulf %get3A_695, %mul3A_696 : vector<16xf32>
      %add3A_698 = arith.addf %mul3A_691, %mul3A_697 : vector<16xf32>
      %swap3A_699 = arith.index_cast %add3A_663 : i32 to index
      %swap3A_700 = arith.constant 16 : index
      %swap3A_701 = tpu.vector_load %arg34[%swap3A_699, %swap3A_700] {strides = array<i32>} : memref<128x32xf32, #tpu.memory_space<vmem>>, vector<1x16xf32>,
      %swap3A_702 = vector.shape_cast %swap3A_701 : vector<1x16xf32> to vector<16xf32>
      %swap3A_703 = vector.shape_cast %add3A_698 : vector<16xf32> to vector<1x16xf32>
      tpu.vector_store %arg34[%swap3A_699, %swap3A_700], %swap3A_703 {strides = array<i32>} : memref<128x32xf32, #tpu.memory_space<vmem>>, vector<1x16xf32>,
      %mul3A_704 = arith.constant 16 : i32
      %mul3A_705 = arith.muli %scan3A_212, %mul3A_704 : i32
      %add3A_706 = arith.constant 11 : i32
      %add3A_707 = arith.addi %mul3A_705, %add3A_706 : i32
      %slice3A_708 = vector.extract_strided_slice %get3A_217 {offsets = [11], sizes = [1], strides = [1]} : vector<16xf32> to vector<1xf32>
      %squeeze3A_709 = vector.extract %slice3A_708[0] : f32 from vector<1xf32>
      %slice3A_710 = vector.extract_strided_slice %get3A_222 {offsets = [11], sizes = [1], strides = [1]} : vector<16xf32> to vector<1xf32>
      %squeeze3A_711 = vector.extract %slice3A_710[0] : f32 from vector<1xf32>
      %get3A_712 = arith.index_cast %add3A_707 : i32 to index
      %get3A_713 = arith.constant 0 : index
      %get3A_714 = tpu.vector_load %arg30[%get3A_712, %get3A_713] {strides = array<i32>} : memref<128x128xf32, #tpu.memory_space<vmem>>, vector<1x16xf32>,
      %get3A_715 = vector.shape_cast %get3A_714 : vector<1x16xf32> to vector<16xf32>
      %mul3A_716 = vector.broadcast %squeeze3A_709 : f32 to vector<16xf32>
      %mul3A_717 = arith.mulf %get3A_715, %mul3A_716 : vector<16xf32>
      %get3A_718 = arith.index_cast %add3A_707 : i32 to index
      %get3A_719 = arith.constant 0 : index
      %get3A_720 = tpu.vector_load %arg32[%get3A_718, %get3A_719] {strides = array<i32>} : memref<128x128xf32, #tpu.memory_space<vmem>>, vector<1x16xf32>,
      %get3A_721 = vector.shape_cast %get3A_720 : vector<1x16xf32> to vector<16xf32>
      %mul3A_722 = vector.broadcast %squeeze3A_711 : f32 to vector<16xf32>
      %mul3A_723 = arith.mulf %get3A_721, %mul3A_722 : vector<16xf32>
      %add3A_724 = arith.addf %mul3A_717, %mul3A_723 : vector<16xf32>
      %swap3A_725 = arith.index_cast %add3A_707 : i32 to index
      %swap3A_726 = arith.constant 0 : index
      %swap3A_727 = tpu.vector_load %arg34[%swap3A_725, %swap3A_726] {strides = array<i32>} : memref<128x32xf32, #tpu.memory_space<vmem>>, vector<1x16xf32>,
      %swap3A_728 = vector.shape_cast %swap3A_727 : vector<1x16xf32> to vector<16xf32>
      %swap3A_729 = vector.shape_cast %add3A_724 : vector<16xf32> to vector<1x16xf32>
      tpu.vector_store %arg34[%swap3A_725, %swap3A_726], %swap3A_729 {strides = array<i32>} : memref<128x32xf32, #tpu.memory_space<vmem>>, vector<1x16xf32>,
      %get3A_730 = arith.index_cast %add3A_707 : i32 to index
      %get3A_731 = arith.constant 16 : index
      %get3A_732 = tpu.vector_load %arg30[%get3A_730, %get3A_731] {strides = array<i32>} : memref<128x128xf32, #tpu.memory_space<vmem>>, vector<1x16xf32>,
      %get3A_733 = vector.shape_cast %get3A_732 : vector<1x16xf32> to vector<16xf32>
      %mul3A_734 = vector.broadcast %squeeze3A_709 : f32 to vector<16xf32>
      %mul3A_735 = arith.mulf %get3A_733, %mul3A_734 : vector<16xf32>
      %get3A_736 = arith.index_cast %add3A_707 : i32 to index
      %get3A_737 = arith.constant 16 : index
      %get3A_738 = tpu.vector_load %arg32[%get3A_736, %get3A_737] {strides = array<i32>} : memref<128x128xf32, #tpu.memory_space<vmem>>, vector<1x16xf32>,
      %get3A_739 = vector.shape_cast %get3A_738 : vector<1x16xf32> to vector<16xf32>
      %mul3A_740 = vector.broadcast %squeeze3A_711 : f32 to vector<16xf32>
      %mul3A_741 = arith.mulf %get3A_739, %mul3A_740 : vector<16xf32>
      %add3A_742 = arith.addf %mul3A_735, %mul3A_741 : vector<16xf32>
      %swap3A_743 = arith.index_cast %add3A_707 : i32 to index
      %swap3A_744 = arith.constant 16 : index
      %swap3A_745 = tpu.vector_load %arg34[%swap3A_743, %swap3A_744] {strides = array<i32>} : memref<128x32xf32, #tpu.memory_space<vmem>>, vector<1x16xf32>,
      %swap3A_746 = vector.shape_cast %swap3A_745 : vector<1x16xf32> to vector<16xf32>
      %swap3A_747 = vector.shape_cast %add3A_742 : vector<16xf32> to vector<1x16xf32>
      tpu.vector_store %arg34[%swap3A_743, %swap3A_744], %swap3A_747 {strides = array<i32>} : memref<128x32xf32, #tpu.memory_space<vmem>>, vector<1x16xf32>,
      %mul3A_748 = arith.constant 16 : i32
      %mul3A_749 = arith.muli %scan3A_212, %mul3A_748 : i32
      %add3A_750 = arith.constant 12 : i32
      %add3A_751 = arith.addi %mul3A_749, %add3A_750 : i32
      %slice3A_752 = vector.extract_strided_slice %get3A_217 {offsets = [12], sizes = [1], strides = [1]} : vector<16xf32> to vector<1xf32>
      %squeeze3A_753 = vector.extract %slice3A_752[0] : f32 from vector<1xf32>
      %slice3A_754 = vector.extract_strided_slice %get3A_222 {offsets = [12], sizes = [1], strides = [1]} : vector<16xf32> to vector<1xf32>
      %squeeze3A_755 = vector.extract %slice3A_754[0] : f32 from vector<1xf32>
      %get3A_756 = arith.index_cast %add3A_751 : i32 to index
      %get3A_757 = arith.constant 0 : index
      %get3A_758 = tpu.vector_load %arg30[%get3A_756, %get3A_757] {strides = array<i32>} : memref<128x128xf32, #tpu.memory_space<vmem>>, vector<1x16xf32>,
      %get3A_759 = vector.shape_cast %get3A_758 : vector<1x16xf32> to vector<16xf32>
      %mul3A_760 = vector.broadcast %squeeze3A_753 : f32 to vector<16xf32>
      %mul3A_761 = arith.mulf %get3A_759, %mul3A_760 : vector<16xf32>
      %get3A_762 = arith.index_cast %add3A_751 : i32 to index
      %get3A_763 = arith.constant 0 : index
      %get3A_764 = tpu.vector_load %arg32[%get3A_762, %get3A_763] {strides = array<i32>} : memref<128x128xf32, #tpu.memory_space<vmem>>, vector<1x16xf32>,
      %get3A_765 = vector.shape_cast %get3A_764 : vector<1x16xf32> to vector<16xf32>
      %mul3A_766 = vector.broadcast %squeeze3A_755 : f32 to vector<16xf32>
      %mul3A_767 = arith.mulf %get3A_765, %mul3A_766 : vector<16xf32>
      %add3A_768 = arith.addf %mul3A_761, %mul3A_767 : vector<16xf32>
      %swap3A_769 = arith.index_cast %add3A_751 : i32 to index
      %swap3A_770 = arith.constant 0 : index
      %swap3A_771 = tpu.vector_load %arg34[%swap3A_769, %swap3A_770] {strides = array<i32>} : memref<128x32xf32, #tpu.memory_space<vmem>>, vector<1x16xf32>,
      %swap3A_772 = vector.shape_cast %swap3A_771 : vector<1x16xf32> to vector<16xf32>
      %swap3A_773 = vector.shape_cast %add3A_768 : vector<16xf32> to vector<1x16xf32>
      tpu.vector_store %arg34[%swap3A_769, %swap3A_770], %swap3A_773 {strides = array<i32>} : memref<128x32xf32, #tpu.memory_space<vmem>>, vector<1x16xf32>,
      %get3A_774 = arith.index_cast %add3A_751 : i32 to index
      %get3A_775 = arith.constant 16 : index
      %get3A_776 = tpu.vector_load %arg30[%get3A_774, %get3A_775] {strides = array<i32>} : memref<128x128xf32, #tpu.memory_space<vmem>>, vector<1x16xf32>,
      %get3A_777 = vector.shape_cast %get3A_776 : vector<1x16xf32> to vector<16xf32>
      %mul3A_778 = vector.broadcast %squeeze3A_753 : f32 to vector<16xf32>
      %mul3A_779 = arith.mulf %get3A_777, %mul3A_778 : vector<16xf32>
      %get3A_780 = arith.index_cast %add3A_751 : i32 to index
      %get3A_781 = arith.constant 16 : index
      %get3A_782 = tpu.vector_load %arg32[%get3A_780, %get3A_781] {strides = array<i32>} : memref<128x128xf32, #tpu.memory_space<vmem>>, vector<1x16xf32>,
      %get3A_783 = vector.shape_cast %get3A_782 : vector<1x16xf32> to vector<16xf32>
      %mul3A_784 = vector.broadcast %squeeze3A_755 : f32 to vector<16xf32>
      %mul3A_785 = arith.mulf %get3A_783, %mul3A_784 : vector<16xf32>
      %add3A_786 = arith.addf %mul3A_779, %mul3A_785 : vector<16xf32>
      %swap3A_787 = arith.index_cast %add3A_751 : i32 to index
      %swap3A_788 = arith.constant 16 : index
      %swap3A_789 = tpu.vector_load %arg34[%swap3A_787, %swap3A_788] {strides = array<i32>} : memref<128x32xf32, #tpu.memory_space<vmem>>, vector<1x16xf32>,
      %swap3A_790 = vector.shape_cast %swap3A_789 : vector<1x16xf32> to vector<16xf32>
      %swap3A_791 = vector.shape_cast %add3A_786 : vector<16xf32> to vector<1x16xf32>
      tpu.vector_store %arg34[%swap3A_787, %swap3A_788], %swap3A_791 {strides = array<i32>} : memref<128x32xf32, #tpu.memory_space<vmem>>, vector<1x16xf32>,
      %mul3A_792 = arith.constant 16 : i32
      %mul3A_793 = arith.muli %scan3A_212, %mul3A_792 : i32
      %add3A_794 = arith.constant 13 : i32
      %add3A_795 = arith.addi %mul3A_793, %add3A_794 : i32
      %slice3A_796 = vector.extract_strided_slice %get3A_217 {offsets = [13], sizes = [1], strides = [1]} : vector<16xf32> to vector<1xf32>
      %squeeze3A_797 = vector.extract %slice3A_796[0] : f32 from vector<1xf32>
      %slice3A_798 = vector.extract_strided_slice %get3A_222 {offsets = [13], sizes = [1], strides = [1]} : vector<16xf32> to vector<1xf32>
      %squeeze3A_799 = vector.extract %slice3A_798[0] : f32 from vector<1xf32>
      %get3A_800 = arith.index_cast %add3A_795 : i32 to index
      %get3A_801 = arith.constant 0 : index
      %get3A_802 = tpu.vector_load %arg30[%get3A_800, %get3A_801] {strides = array<i32>} : memref<128x128xf32, #tpu.memory_space<vmem>>, vector<1x16xf32>,
      %get3A_803 = vector.shape_cast %get3A_802 : vector<1x16xf32> to vector<16xf32>
      %mul3A_804 = vector.broadcast %squeeze3A_797 : f32 to vector<16xf32>
      %mul3A_805 = arith.mulf %get3A_803, %mul3A_804 : vector<16xf32>
      %get3A_806 = arith.index_cast %add3A_795 : i32 to index
      %get3A_807 = arith.constant 0 : index
      %get3A_808 = tpu.vector_load %arg32[%get3A_806, %get3A_807] {strides = array<i32>} : memref<128x128xf32, #tpu.memory_space<vmem>>, vector<1x16xf32>,
      %get3A_809 = vector.shape_cast %get3A_808 : vector<1x16xf32> to vector<16xf32>
      %mul3A_810 = vector.broadcast %squeeze3A_799 : f32 to vector<16xf32>
      %mul3A_811 = arith.mulf %get3A_809, %mul3A_810 : vector<16xf32>
      %add3A_812 = arith.addf %mul3A_805, %mul3A_811 : vector<16xf32>
      %swap3A_813 = arith.index_cast %add3A_795 : i32 to index
      %swap3A_814 = arith.constant 0 : index
      %swap3A_815 = tpu.vector_load %arg34[%swap3A_813, %swap3A_814] {strides = array<i32>} : memref<128x32xf32, #tpu.memory_space<vmem>>, vector<1x16xf32>,
      %swap3A_816 = vector.shape_cast %swap3A_815 : vector<1x16xf32> to vector<16xf32>
      %swap3A_817 = vector.shape_cast %add3A_812 : vector<16xf32> to vector<1x16xf32>
      tpu.vector_store %arg34[%swap3A_813, %swap3A_814], %swap3A_817 {strides = array<i32>} : memref<128x32xf32, #tpu.memory_space<vmem>>, vector<1x16xf32>,
      %get3A_818 = arith.index_cast %add3A_795 : i32 to index
      %get3A_819 = arith.constant 16 : index
      %get3A_820 = tpu.vector_load %arg30[%get3A_818, %get3A_819] {strides = array<i32>} : memref<128x128xf32, #tpu.memory_space<vmem>>, vector<1x16xf32>,
      %get3A_821 = vector.shape_cast %get3A_820 : vector<1x16xf32> to vector<16xf32>
      %mul3A_822 = vector.broadcast %squeeze3A_797 : f32 to vector<16xf32>
      %mul3A_823 = arith.mulf %get3A_821, %mul3A_822 : vector<16xf32>
      %get3A_824 = arith.index_cast %add3A_795 : i32 to index
      %get3A_825 = arith.constant 16 : index
      %get3A_826 = tpu.vector_load %arg32[%get3A_824, %get3A_825] {strides = array<i32>} : memref<128x128xf32, #tpu.memory_space<vmem>>, vector<1x16xf32>,
      %get3A_827 = vector.shape_cast %get3A_826 : vector<1x16xf32> to vector<16xf32>
      %mul3A_828 = vector.broadcast %squeeze3A_799 : f32 to vector<16xf32>
      %mul3A_829 = arith.mulf %get3A_827, %mul3A_828 : vector<16xf32>
      %add3A_830 = arith.addf %mul3A_823, %mul3A_829 : vector<16xf32>
      %swap3A_831 = arith.index_cast %add3A_795 : i32 to index
      %swap3A_832 = arith.constant 16 : index
      %swap3A_833 = tpu.vector_load %arg34[%swap3A_831, %swap3A_832] {strides = array<i32>} : memref<128x32xf32, #tpu.memory_space<vmem>>, vector<1x16xf32>,
      %swap3A_834 = vector.shape_cast %swap3A_833 : vector<1x16xf32> to vector<16xf32>
      %swap3A_835 = vector.shape_cast %add3A_830 : vector<16xf32> to vector<1x16xf32>
      tpu.vector_store %arg34[%swap3A_831, %swap3A_832], %swap3A_835 {strides = array<i32>} : memref<128x32xf32, #tpu.memory_space<vmem>>, vector<1x16xf32>,
      %mul3A_836 = arith.constant 16 : i32
      %mul3A_837 = arith.muli %scan3A_212, %mul3A_836 : i32
      %add3A_838 = arith.constant 14 : i32
      %add3A_839 = arith.addi %mul3A_837, %add3A_838 : i32
      %slice3A_840 = vector.extract_strided_slice %get3A_217 {offsets = [14], sizes = [1], strides = [1]} : vector<16xf32> to vector<1xf32>
      %squeeze3A_841 = vector.extract %slice3A_840[0] : f32 from vector<1xf32>
      %slice3A_842 = vector.extract_strided_slice %get3A_222 {offsets = [14], sizes = [1], strides = [1]} : vector<16xf32> to vector<1xf32>
      %squeeze3A_843 = vector.extract %slice3A_842[0] : f32 from vector<1xf32>
      %get3A_844 = arith.index_cast %add3A_839 : i32 to index
      %get3A_845 = arith.constant 0 : index
      %get3A_846 = tpu.vector_load %arg30[%get3A_844, %get3A_845] {strides = array<i32>} : memref<128x128xf32, #tpu.memory_space<vmem>>, vector<1x16xf32>,
      %get3A_847 = vector.shape_cast %get3A_846 : vector<1x16xf32> to vector<16xf32>
      %mul3A_848 = vector.broadcast %squeeze3A_841 : f32 to vector<16xf32>
      %mul3A_849 = arith.mulf %get3A_847, %mul3A_848 : vector<16xf32>
      %get3A_850 = arith.index_cast %add3A_839 : i32 to index
      %get3A_851 = arith.constant 0 : index
      %get3A_852 = tpu.vector_load %arg32[%get3A_850, %get3A_851] {strides = array<i32>} : memref<128x128xf32, #tpu.memory_space<vmem>>, vector<1x16xf32>,
      %get3A_853 = vector.shape_cast %get3A_852 : vector<1x16xf32> to vector<16xf32>
      %mul3A_854 = vector.broadcast %squeeze3A_843 : f32 to vector<16xf32>
      %mul3A_855 = arith.mulf %get3A_853, %mul3A_854 : vector<16xf32>
      %add3A_856 = arith.addf %mul3A_849, %mul3A_855 : vector<16xf32>
      %swap3A_857 = arith.index_cast %add3A_839 : i32 to index
      %swap3A_858 = arith.constant 0 : index
      %swap3A_859 = tpu.vector_load %arg34[%swap3A_857, %swap3A_858] {strides = array<i32>} : memref<128x32xf32, #tpu.memory_space<vmem>>, vector<1x16xf32>,
      %swap3A_860 = vector.shape_cast %swap3A_859 : vector<1x16xf32> to vector<16xf32>
      %swap3A_861 = vector.shape_cast %add3A_856 : vector<16xf32> to vector<1x16xf32>
      tpu.vector_store %arg34[%swap3A_857, %swap3A_858], %swap3A_861 {strides = array<i32>} : memref<128x32xf32, #tpu.memory_space<vmem>>, vector<1x16xf32>,
      %get3A_862 = arith.index_cast %add3A_839 : i32 to index
      %get3A_863 = arith.constant 16 : index
      %get3A_864 = tpu.vector_load %arg30[%get3A_862, %get3A_863] {strides = array<i32>} : memref<128x128xf32, #tpu.memory_space<vmem>>, vector<1x16xf32>,
      %get3A_865 = vector.shape_cast %get3A_864 : vector<1x16xf32> to vector<16xf32>
      %mul3A_866 = vector.broadcast %squeeze3A_841 : f32 to vector<16xf32>
      %mul3A_867 = arith.mulf %get3A_865, %mul3A_866 : vector<16xf32>
      %get3A_868 = arith.index_cast %add3A_839 : i32 to index
      %get3A_869 = arith.constant 16 : index
      %get3A_870 = tpu.vector_load %arg32[%get3A_868, %get3A_869] {strides = array<i32>} : memref<128x128xf32, #tpu.memory_space<vmem>>, vector<1x16xf32>,
      %get3A_871 = vector.shape_cast %get3A_870 : vector<1x16xf32> to vector<16xf32>
      %mul3A_872 = vector.broadcast %squeeze3A_843 : f32 to vector<16xf32>
      %mul3A_873 = arith.mulf %get3A_871, %mul3A_872 : vector<16xf32>
      %add3A_874 = arith.addf %mul3A_867, %mul3A_873 : vector<16xf32>
      %swap3A_875 = arith.index_cast %add3A_839 : i32 to index
      %swap3A_876 = arith.constant 16 : index
      %swap3A_877 = tpu.vector_load %arg34[%swap3A_875, %swap3A_876] {strides = array<i32>} : memref<128x32xf32, #tpu.memory_space<vmem>>, vector<1x16xf32>,
      %swap3A_878 = vector.shape_cast %swap3A_877 : vector<1x16xf32> to vector<16xf32>
      %swap3A_879 = vector.shape_cast %add3A_874 : vector<16xf32> to vector<1x16xf32>
      tpu.vector_store %arg34[%swap3A_875, %swap3A_876], %swap3A_879 {strides = array<i32>} : memref<128x32xf32, #tpu.memory_space<vmem>>, vector<1x16xf32>,
      %mul3A_880 = arith.constant 16 : i32
      %mul3A_881 = arith.muli %scan3A_212, %mul3A_880 : i32
      %add3A_882 = arith.constant 15 : i32
      %add3A_883 = arith.addi %mul3A_881, %add3A_882 : i32
      %slice3A_884 = vector.extract_strided_slice %get3A_217 {offsets = [15], sizes = [1], strides = [1]} : vector<16xf32> to vector<1xf32>
      %squeeze3A_885 = vector.extract %slice3A_884[0] : f32 from vector<1xf32>
      %slice3A_886 = vector.extract_strided_slice %get3A_222 {offsets = [15], sizes = [1], strides = [1]} : vector<16xf32> to vector<1xf32>
      %squeeze3A_887 = vector.extract %slice3A_886[0] : f32 from vector<1xf32>
      %get3A_888 = arith.index_cast %add3A_883 : i32 to index
      %get3A_889 = arith.constant 0 : index
      %get3A_890 = tpu.vector_load %arg30[%get3A_888, %get3A_889] {strides = array<i32>} : memref<128x128xf32, #tpu.memory_space<vmem>>, vector<1x16xf32>,
      %get3A_891 = vector.shape_cast %get3A_890 : vector<1x16xf32> to vector<16xf32>
      %mul3A_892 = vector.broadcast %squeeze3A_885 : f32 to vector<16xf32>
      %mul3A_893 = arith.mulf %get3A_891, %mul3A_892 : vector<16xf32>
      %get3A_894 = arith.index_cast %add3A_883 : i32 to index
      %get3A_895 = arith.constant 0 : index
      %get3A_896 = tpu.vector_load %arg32[%get3A_894, %get3A_895] {strides = array<i32>} : memref<128x128xf32, #tpu.memory_space<vmem>>, vector<1x16xf32>,
      %get3A_897 = vector.shape_cast %get3A_896 : vector<1x16xf32> to vector<16xf32>
      %mul3A_898 = vector.broadcast %squeeze3A_887 : f32 to vector<16xf32>
      %mul3A_899 = arith.mulf %get3A_897, %mul3A_898 : vector<16xf32>
      %add3A_900 = arith.addf %mul3A_893, %mul3A_899 : vector<16xf32>
      %swap3A_901 = arith.index_cast %add3A_883 : i32 to index
      %swap3A_902 = arith.constant 0 : index
      %swap3A_903 = tpu.vector_load %arg34[%swap3A_901, %swap3A_902] {strides = array<i32>} : memref<128x32xf32, #tpu.memory_space<vmem>>, vector<1x16xf32>,
      %swap3A_904 = vector.shape_cast %swap3A_903 : vector<1x16xf32> to vector<16xf32>
      %swap3A_905 = vector.shape_cast %add3A_900 : vector<16xf32> to vector<1x16xf32>
      tpu.vector_store %arg34[%swap3A_901, %swap3A_902], %swap3A_905 {strides = array<i32>} : memref<128x32xf32, #tpu.memory_space<vmem>>, vector<1x16xf32>,
      %get3A_906 = arith.index_cast %add3A_883 : i32 to index
      %get3A_907 = arith.constant 16 : index
      %get3A_908 = tpu.vector_load %arg30[%get3A_906, %get3A_907] {strides = array<i32>} : memref<128x128xf32, #tpu.memory_space<vmem>>, vector<1x16xf32>,
      %get3A_909 = vector.shape_cast %get3A_908 : vector<1x16xf32> to vector<16xf32>
      %mul3A_910 = vector.broadcast %squeeze3A_885 : f32 to vector<16xf32>
      %mul3A_911 = arith.mulf %get3A_909, %mul3A_910 : vector<16xf32>
      %get3A_912 = arith.index_cast %add3A_883 : i32 to index
      %get3A_913 = arith.constant 16 : index
      %get3A_914 = tpu.vector_load %arg32[%get3A_912, %get3A_913] {strides = array<i32>} : memref<128x128xf32, #tpu.memory_space<vmem>>, vector<1x16xf32>,
      %get3A_915 = vector.shape_cast %get3A_914 : vector<1x16xf32> to vector<16xf32>
      %mul3A_916 = vector.broadcast %squeeze3A_887 : f32 to vector<16xf32>
      %mul3A_917 = arith.mulf %get3A_915, %mul3A_916 : vector<16xf32>
      %add3A_918 = arith.addf %mul3A_911, %mul3A_917 : vector<16xf32>
      %swap3A_919 = arith.index_cast %add3A_883 : i32 to index
      %swap3A_920 = arith.constant 16 : index
      %swap3A_921 = tpu.vector_load %arg34[%swap3A_919, %swap3A_920] {strides = array<i32>} : memref<128x32xf32, #tpu.memory_space<vmem>>, vector<1x16xf32>,
      %swap3A_922 = vector.shape_cast %swap3A_921 : vector<1x16xf32> to vector<16xf32>
      %swap3A_923 = vector.shape_cast %add3A_918 : vector<16xf32> to vector<1x16xf32>
      tpu.vector_store %arg34[%swap3A_919, %swap3A_920], %swap3A_923 {strides = array<i32>} : memref<128x32xf32, #tpu.memory_space<vmem>>, vector<1x16xf32>,
      %scan3A_924 = arith.constant 0 : i32
      scf.yield %scan3A_924 : i32
    }
    %scan3A_197 = arith.constant 8 : i32
    %add3A_198 = arith.constant 384 : i32
    %add3A_199 = arith.addi %mul3A_2, %add3A_198 : i32
    %dma_start3A_200 = arith.constant 0 : i32
    %dma_start3A_201 = tpu.memref_slice %arg8[%add3A_199, %dma_start3A_200] : memref<16384x32xf32, #tpu.memory_space<hbm>> -> memref<128x32xf32, #tpu.memory_space<hbm>>
    %dma_start3A_202 = arith.constant 0 : i32
    %dma_start3A_203 = tpu.memref_slice %arg8[%add3A_199, %dma_start3A_202] : memref<16384x32xf32, #tpu.memory_space<hbm>> -> memref<128x32xf32, #tpu.memory_space<hbm>>
    tpu.enqueue_dma source(%arg34 : memref<128x32xf32, #tpu.memory_space<vmem>>) target(%dma_start3A_203 : memref<128x32xf32, #tpu.memory_space<hbm>>) target_semaphore(%arg38 : memref<!tpu.dma_semaphore, #tpu.memory_space<semaphore_mem>>)
    %dma_wait3A_204 = arith.constant 0 : i32
    %dma_wait3A_205 = tpu.memref_slice %arg8[%add3A_172, %dma_wait3A_204] : memref<16384x32xf32, #tpu.memory_space<hbm>> -> memref<128x32xf32, #tpu.memory_space<hbm>>
    %dma_wait3A_206 = arith.constant 0 : i32
    %dma_wait3A_207 = tpu.memref_slice %arg8[%add3A_172, %dma_wait3A_206] : memref<16384x32xf32, #tpu.memory_space<hbm>> -> memref<128x32xf32, #tpu.memory_space<hbm>>
    tpu.wait_dma2 semaphore(%arg38 : memref<!tpu.dma_semaphore, #tpu.memory_space<semaphore_mem>>) src(%arg33 : memref<128x32xf32, #tpu.memory_space<vmem>>) dst(%dma_wait3A_207 : memref<128x32xf32, #tpu.memory_space<hbm>>)
    %dma_wait3A_208 = arith.constant 0 : i32
    %dma_wait3A_209 = tpu.memref_slice %arg8[%add3A_199, %dma_wait3A_208] : memref<16384x32xf32, #tpu.memory_space<hbm>> -> memref<128x32xf32, #tpu.memory_space<hbm>>
    %dma_wait3A_210 = arith.constant 0 : i32
    %dma_wait3A_211 = tpu.memref_slice %arg8[%add3A_199, %dma_wait3A_210] : memref<16384x32xf32, #tpu.memory_space<hbm>> -> memref<128x32xf32, #tpu.memory_space<hbm>>
    tpu.wait_dma2 semaphore(%arg38 : memref<!tpu.dma_semaphore, #tpu.memory_space<semaphore_mem>>) src(%arg34 : memref<128x32xf32, #tpu.memory_space<vmem>>) dst(%dma_wait3A_211 : memref<128x32xf32, #tpu.memory_space<hbm>>)
    return
  }
}

#map = affine_map<(d0, d1) -> (0)>
module attributes {stable_mosaic.version = 14 : i64} {
  func.func @body(%arg0: i32, %arg1: i32, %arg2: memref<16384xi32, #tpu.memory_space<hbm>>, %arg3: memref<100000xi32, #tpu.memory_space<hbm>>, %arg4: memref<100000xi32, #tpu.memory_space<hbm>>, %arg5: memref<16384xi32, #tpu.memory_space<hbm>>, %arg6: memref<16384xi32, #tpu.memory_space<hbm>>, %arg7: memref<128xi32, #tpu.memory_space<vmem>>, %arg8: memref<128xi32, #tpu.memory_space<vmem>>, %arg9: memref<128xi32, #tpu.memory_space<vmem>>, %arg10: memref<128xi32, #tpu.memory_space<vmem>>, %arg11: memref<512xi32, #tpu.memory_space<vmem>>, %arg12: memref<512xi32, #tpu.memory_space<vmem>>, %arg13: memref<!tpu.dma_semaphore, #tpu.memory_space<semaphore_mem>>, %arg14: memref<!tpu.dma_semaphore, #tpu.memory_space<semaphore_mem>>, %arg15: memref<!tpu.dma_semaphore, #tpu.memory_space<semaphore_mem>>) attributes {dimension_semantics = [#tpu.dimension_semantics<core_parallel>, #tpu.dimension_semantics<subcore_parallel>], iteration_bounds = array<i64: 2, 16>, scalar_prefetch = 0 : i64, scratch_operands = 9 : i64, tpu.core_type = #tpu.core_type<sc_vector_subcore>, window_params = [{transform_indices = #map}, {transform_indices = #map}, {transform_indices = #map}, {transform_indices = #map}, {transform_indices = #map}]} {
    %mul3A = arith.constant 2 : i32
    %mul3A_0 = arith.muli %arg1, %mul3A : i32
    %add3A = arith.addi %mul3A_0, %arg0 : i32
    %mul3A_1 = arith.constant 512 : i32
    %mul3A_2 = arith.muli %add3A, %mul3A_1 : i32
    %add3A_3 = arith.constant 0 : i32
    %add3A_4 = arith.addi %mul3A_2, %add3A_3 : i32
    %dma_start3A = tpu.memref_slice %arg2[%add3A_4] : memref<16384xi32, #tpu.memory_space<hbm>> -> memref<128xi32, #tpu.memory_space<hbm>>
    %dma_start3A_5 = tpu.memref_slice %arg2[%add3A_4] : memref<16384xi32, #tpu.memory_space<hbm>> -> memref<128xi32, #tpu.memory_space<hbm>>
    tpu.enqueue_dma source(%dma_start3A_5 : memref<128xi32, #tpu.memory_space<hbm>>) target(%arg7 : memref<128xi32, #tpu.memory_space<vmem>>) target_semaphore(%arg13 : memref<!tpu.dma_semaphore, #tpu.memory_space<semaphore_mem>>)
    %add3A_6 = arith.constant 128 : i32
    %add3A_7 = arith.addi %mul3A_2, %add3A_6 : i32
    %dma_start3A_8 = tpu.memref_slice %arg2[%add3A_7] : memref<16384xi32, #tpu.memory_space<hbm>> -> memref<128xi32, #tpu.memory_space<hbm>>
    %dma_start3A_9 = tpu.memref_slice %arg2[%add3A_7] : memref<16384xi32, #tpu.memory_space<hbm>> -> memref<128xi32, #tpu.memory_space<hbm>>
    tpu.enqueue_dma source(%dma_start3A_9 : memref<128xi32, #tpu.memory_space<hbm>>) target(%arg8 : memref<128xi32, #tpu.memory_space<vmem>>) target_semaphore(%arg13 : memref<!tpu.dma_semaphore, #tpu.memory_space<semaphore_mem>>)
    %add3A_10 = arith.constant 256 : i32
    %add3A_11 = arith.addi %mul3A_2, %add3A_10 : i32
    %dma_start3A_12 = tpu.memref_slice %arg2[%add3A_11] : memref<16384xi32, #tpu.memory_space<hbm>> -> memref<128xi32, #tpu.memory_space<hbm>>
    %dma_start3A_13 = tpu.memref_slice %arg2[%add3A_11] : memref<16384xi32, #tpu.memory_space<hbm>> -> memref<128xi32, #tpu.memory_space<hbm>>
    tpu.enqueue_dma source(%dma_start3A_13 : memref<128xi32, #tpu.memory_space<hbm>>) target(%arg9 : memref<128xi32, #tpu.memory_space<vmem>>) target_semaphore(%arg13 : memref<!tpu.dma_semaphore, #tpu.memory_space<semaphore_mem>>)
    %add3A_14 = arith.constant 384 : i32
    %add3A_15 = arith.addi %mul3A_2, %add3A_14 : i32
    %dma_start3A_16 = tpu.memref_slice %arg2[%add3A_15] : memref<16384xi32, #tpu.memory_space<hbm>> -> memref<128xi32, #tpu.memory_space<hbm>>
    %dma_start3A_17 = tpu.memref_slice %arg2[%add3A_15] : memref<16384xi32, #tpu.memory_space<hbm>> -> memref<128xi32, #tpu.memory_space<hbm>>
    tpu.enqueue_dma source(%dma_start3A_17 : memref<128xi32, #tpu.memory_space<hbm>>) target(%arg10 : memref<128xi32, #tpu.memory_space<vmem>>) target_semaphore(%arg13 : memref<!tpu.dma_semaphore, #tpu.memory_space<semaphore_mem>>)
    %dma_wait3A = tpu.memref_slice %arg2[%add3A_4] : memref<16384xi32, #tpu.memory_space<hbm>> -> memref<128xi32, #tpu.memory_space<hbm>>
    %dma_wait3A_18 = tpu.memref_slice %arg2[%add3A_4] : memref<16384xi32, #tpu.memory_space<hbm>> -> memref<128xi32, #tpu.memory_space<hbm>>
    tpu.wait_dma2 semaphore(%arg13 : memref<!tpu.dma_semaphore, #tpu.memory_space<semaphore_mem>>) src(%dma_wait3A_18 : memref<128xi32, #tpu.memory_space<hbm>>) dst(%arg7 : memref<128xi32, #tpu.memory_space<vmem>>)
    %dma_start3A_19 = arith.constant 0 : i32
    %dma_start3A_20 = tpu.memref_slice %arg11[%dma_start3A_19] : memref<512xi32, #tpu.memory_space<vmem>> -> memref<128xi32, #tpu.memory_space<vmem>>
    %dma_start3A_21 = arith.constant 0 : i32
    %dma_start3A_22 = tpu.memref_slice %arg3[%dma_start3A_21] : memref<100000xi32, #tpu.memory_space<hbm>> -> memref<100000xi32, #tpu.memory_space<hbm>>
    tpu.enqueue_indirect_dma source(%dma_start3A_22 : memref<100000xi32, #tpu.memory_space<hbm>>) target(%dma_start3A_20 : memref<128xi32, #tpu.memory_space<vmem>>) offsets(%arg7 : memref<128xi32, #tpu.memory_space<vmem>>) semaphore(%arg14 : memref<!tpu.dma_semaphore, #tpu.memory_space<semaphore_mem>>)
    %dma_start3A_23 = arith.constant 0 : i32
    %dma_start3A_24 = tpu.memref_slice %arg12[%dma_start3A_23] : memref<512xi32, #tpu.memory_space<vmem>> -> memref<128xi32, #tpu.memory_space<vmem>>
    %dma_start3A_25 = arith.constant 0 : i32
    %dma_start3A_26 = tpu.memref_slice %arg4[%dma_start3A_25] : memref<100000xi32, #tpu.memory_space<hbm>> -> memref<100000xi32, #tpu.memory_space<hbm>>
    tpu.enqueue_indirect_dma source(%dma_start3A_26 : memref<100000xi32, #tpu.memory_space<hbm>>) target(%dma_start3A_24 : memref<128xi32, #tpu.memory_space<vmem>>) offsets(%arg7 : memref<128xi32, #tpu.memory_space<vmem>>) semaphore(%arg14 : memref<!tpu.dma_semaphore, #tpu.memory_space<semaphore_mem>>)
    %dma_wait3A_27 = tpu.memref_slice %arg2[%add3A_7] : memref<16384xi32, #tpu.memory_space<hbm>> -> memref<128xi32, #tpu.memory_space<hbm>>
    %dma_wait3A_28 = tpu.memref_slice %arg2[%add3A_7] : memref<16384xi32, #tpu.memory_space<hbm>> -> memref<128xi32, #tpu.memory_space<hbm>>
    tpu.wait_dma2 semaphore(%arg13 : memref<!tpu.dma_semaphore, #tpu.memory_space<semaphore_mem>>) src(%dma_wait3A_28 : memref<128xi32, #tpu.memory_space<hbm>>) dst(%arg8 : memref<128xi32, #tpu.memory_space<vmem>>)
    %dma_start3A_29 = arith.constant 128 : i32
    %dma_start3A_30 = tpu.memref_slice %arg11[%dma_start3A_29] : memref<512xi32, #tpu.memory_space<vmem>> -> memref<128xi32, #tpu.memory_space<vmem>>
    %dma_start3A_31 = arith.constant 0 : i32
    %dma_start3A_32 = tpu.memref_slice %arg3[%dma_start3A_31] : memref<100000xi32, #tpu.memory_space<hbm>> -> memref<100000xi32, #tpu.memory_space<hbm>>
    tpu.enqueue_indirect_dma source(%dma_start3A_32 : memref<100000xi32, #tpu.memory_space<hbm>>) target(%dma_start3A_30 : memref<128xi32, #tpu.memory_space<vmem>>) offsets(%arg8 : memref<128xi32, #tpu.memory_space<vmem>>) semaphore(%arg14 : memref<!tpu.dma_semaphore, #tpu.memory_space<semaphore_mem>>)
    %dma_start3A_33 = arith.constant 128 : i32
    %dma_start3A_34 = tpu.memref_slice %arg12[%dma_start3A_33] : memref<512xi32, #tpu.memory_space<vmem>> -> memref<128xi32, #tpu.memory_space<vmem>>
    %dma_start3A_35 = arith.constant 0 : i32
    %dma_start3A_36 = tpu.memref_slice %arg4[%dma_start3A_35] : memref<100000xi32, #tpu.memory_space<hbm>> -> memref<100000xi32, #tpu.memory_space<hbm>>
    tpu.enqueue_indirect_dma source(%dma_start3A_36 : memref<100000xi32, #tpu.memory_space<hbm>>) target(%dma_start3A_34 : memref<128xi32, #tpu.memory_space<vmem>>) offsets(%arg8 : memref<128xi32, #tpu.memory_space<vmem>>) semaphore(%arg14 : memref<!tpu.dma_semaphore, #tpu.memory_space<semaphore_mem>>)
    %dma_wait3A_37 = tpu.memref_slice %arg2[%add3A_11] : memref<16384xi32, #tpu.memory_space<hbm>> -> memref<128xi32, #tpu.memory_space<hbm>>
    %dma_wait3A_38 = tpu.memref_slice %arg2[%add3A_11] : memref<16384xi32, #tpu.memory_space<hbm>> -> memref<128xi32, #tpu.memory_space<hbm>>
    tpu.wait_dma2 semaphore(%arg13 : memref<!tpu.dma_semaphore, #tpu.memory_space<semaphore_mem>>) src(%dma_wait3A_38 : memref<128xi32, #tpu.memory_space<hbm>>) dst(%arg9 : memref<128xi32, #tpu.memory_space<vmem>>)
    %dma_start3A_39 = arith.constant 256 : i32
    %dma_start3A_40 = tpu.memref_slice %arg11[%dma_start3A_39] : memref<512xi32, #tpu.memory_space<vmem>> -> memref<128xi32, #tpu.memory_space<vmem>>
    %dma_start3A_41 = arith.constant 0 : i32
    %dma_start3A_42 = tpu.memref_slice %arg3[%dma_start3A_41] : memref<100000xi32, #tpu.memory_space<hbm>> -> memref<100000xi32, #tpu.memory_space<hbm>>
    tpu.enqueue_indirect_dma source(%dma_start3A_42 : memref<100000xi32, #tpu.memory_space<hbm>>) target(%dma_start3A_40 : memref<128xi32, #tpu.memory_space<vmem>>) offsets(%arg9 : memref<128xi32, #tpu.memory_space<vmem>>) semaphore(%arg14 : memref<!tpu.dma_semaphore, #tpu.memory_space<semaphore_mem>>)
    %dma_start3A_43 = arith.constant 256 : i32
    %dma_start3A_44 = tpu.memref_slice %arg12[%dma_start3A_43] : memref<512xi32, #tpu.memory_space<vmem>> -> memref<128xi32, #tpu.memory_space<vmem>>
    %dma_start3A_45 = arith.constant 0 : i32
    %dma_start3A_46 = tpu.memref_slice %arg4[%dma_start3A_45] : memref<100000xi32, #tpu.memory_space<hbm>> -> memref<100000xi32, #tpu.memory_space<hbm>>
    tpu.enqueue_indirect_dma source(%dma_start3A_46 : memref<100000xi32, #tpu.memory_space<hbm>>) target(%dma_start3A_44 : memref<128xi32, #tpu.memory_space<vmem>>) offsets(%arg9 : memref<128xi32, #tpu.memory_space<vmem>>) semaphore(%arg14 : memref<!tpu.dma_semaphore, #tpu.memory_space<semaphore_mem>>)
    %dma_wait3A_47 = tpu.memref_slice %arg2[%add3A_15] : memref<16384xi32, #tpu.memory_space<hbm>> -> memref<128xi32, #tpu.memory_space<hbm>>
    %dma_wait3A_48 = tpu.memref_slice %arg2[%add3A_15] : memref<16384xi32, #tpu.memory_space<hbm>> -> memref<128xi32, #tpu.memory_space<hbm>>
    tpu.wait_dma2 semaphore(%arg13 : memref<!tpu.dma_semaphore, #tpu.memory_space<semaphore_mem>>) src(%dma_wait3A_48 : memref<128xi32, #tpu.memory_space<hbm>>) dst(%arg10 : memref<128xi32, #tpu.memory_space<vmem>>)
    %dma_start3A_49 = arith.constant 384 : i32
    %dma_start3A_50 = tpu.memref_slice %arg11[%dma_start3A_49] : memref<512xi32, #tpu.memory_space<vmem>> -> memref<128xi32, #tpu.memory_space<vmem>>
    %dma_start3A_51 = arith.constant 0 : i32
    %dma_start3A_52 = tpu.memref_slice %arg3[%dma_start3A_51] : memref<100000xi32, #tpu.memory_space<hbm>> -> memref<100000xi32, #tpu.memory_space<hbm>>
    tpu.enqueue_indirect_dma source(%dma_start3A_52 : memref<100000xi32, #tpu.memory_space<hbm>>) target(%dma_start3A_50 : memref<128xi32, #tpu.memory_space<vmem>>) offsets(%arg10 : memref<128xi32, #tpu.memory_space<vmem>>) semaphore(%arg14 : memref<!tpu.dma_semaphore, #tpu.memory_space<semaphore_mem>>)
    %dma_start3A_53 = arith.constant 384 : i32
    %dma_start3A_54 = tpu.memref_slice %arg12[%dma_start3A_53] : memref<512xi32, #tpu.memory_space<vmem>> -> memref<128xi32, #tpu.memory_space<vmem>>
    %dma_start3A_55 = arith.constant 0 : i32
    %dma_start3A_56 = tpu.memref_slice %arg4[%dma_start3A_55] : memref<100000xi32, #tpu.memory_space<hbm>> -> memref<100000xi32, #tpu.memory_space<hbm>>
    tpu.enqueue_indirect_dma source(%dma_start3A_56 : memref<100000xi32, #tpu.memory_space<hbm>>) target(%dma_start3A_54 : memref<128xi32, #tpu.memory_space<vmem>>) offsets(%arg10 : memref<128xi32, #tpu.memory_space<vmem>>) semaphore(%arg14 : memref<!tpu.dma_semaphore, #tpu.memory_space<semaphore_mem>>)
    %dma_wait3A_57 = arith.constant 0 : i32
    %dma_wait3A_58 = tpu.memref_slice %arg11[%dma_wait3A_57] : memref<512xi32, #tpu.memory_space<vmem>> -> memref<128xi32, #tpu.memory_space<vmem>>
    %dma_wait3A_59 = arith.constant 0 : i32
    %dma_wait3A_60 = tpu.memref_slice %arg3[%dma_wait3A_59] : memref<100000xi32, #tpu.memory_space<hbm>> -> memref<100000xi32, #tpu.memory_space<hbm>>
    tpu.wait_indirect_dma semaphore(%arg14 : memref<!tpu.dma_semaphore, #tpu.memory_space<semaphore_mem>>) src(%dma_wait3A_60 : memref<100000xi32, #tpu.memory_space<hbm>>) dst(%dma_wait3A_58 : memref<128xi32, #tpu.memory_space<vmem>>)
    %dma_wait3A_61 = arith.constant 0 : i32
    %dma_wait3A_62 = tpu.memref_slice %arg12[%dma_wait3A_61] : memref<512xi32, #tpu.memory_space<vmem>> -> memref<128xi32, #tpu.memory_space<vmem>>
    %dma_wait3A_63 = arith.constant 0 : i32
    %dma_wait3A_64 = tpu.memref_slice %arg4[%dma_wait3A_63] : memref<100000xi32, #tpu.memory_space<hbm>> -> memref<100000xi32, #tpu.memory_space<hbm>>
    tpu.wait_indirect_dma semaphore(%arg14 : memref<!tpu.dma_semaphore, #tpu.memory_space<semaphore_mem>>) src(%dma_wait3A_64 : memref<100000xi32, #tpu.memory_space<hbm>>) dst(%dma_wait3A_62 : memref<128xi32, #tpu.memory_space<vmem>>)
    %dma_wait3A_65 = arith.constant 128 : i32
    %dma_wait3A_66 = tpu.memref_slice %arg11[%dma_wait3A_65] : memref<512xi32, #tpu.memory_space<vmem>> -> memref<128xi32, #tpu.memory_space<vmem>>
    %dma_wait3A_67 = arith.constant 0 : i32
    %dma_wait3A_68 = tpu.memref_slice %arg3[%dma_wait3A_67] : memref<100000xi32, #tpu.memory_space<hbm>> -> memref<100000xi32, #tpu.memory_space<hbm>>
    tpu.wait_indirect_dma semaphore(%arg14 : memref<!tpu.dma_semaphore, #tpu.memory_space<semaphore_mem>>) src(%dma_wait3A_68 : memref<100000xi32, #tpu.memory_space<hbm>>) dst(%dma_wait3A_66 : memref<128xi32, #tpu.memory_space<vmem>>)
    %dma_wait3A_69 = arith.constant 128 : i32
    %dma_wait3A_70 = tpu.memref_slice %arg12[%dma_wait3A_69] : memref<512xi32, #tpu.memory_space<vmem>> -> memref<128xi32, #tpu.memory_space<vmem>>
    %dma_wait3A_71 = arith.constant 0 : i32
    %dma_wait3A_72 = tpu.memref_slice %arg4[%dma_wait3A_71] : memref<100000xi32, #tpu.memory_space<hbm>> -> memref<100000xi32, #tpu.memory_space<hbm>>
    tpu.wait_indirect_dma semaphore(%arg14 : memref<!tpu.dma_semaphore, #tpu.memory_space<semaphore_mem>>) src(%dma_wait3A_72 : memref<100000xi32, #tpu.memory_space<hbm>>) dst(%dma_wait3A_70 : memref<128xi32, #tpu.memory_space<vmem>>)
    %dma_wait3A_73 = arith.constant 256 : i32
    %dma_wait3A_74 = tpu.memref_slice %arg11[%dma_wait3A_73] : memref<512xi32, #tpu.memory_space<vmem>> -> memref<128xi32, #tpu.memory_space<vmem>>
    %dma_wait3A_75 = arith.constant 0 : i32
    %dma_wait3A_76 = tpu.memref_slice %arg3[%dma_wait3A_75] : memref<100000xi32, #tpu.memory_space<hbm>> -> memref<100000xi32, #tpu.memory_space<hbm>>
    tpu.wait_indirect_dma semaphore(%arg14 : memref<!tpu.dma_semaphore, #tpu.memory_space<semaphore_mem>>) src(%dma_wait3A_76 : memref<100000xi32, #tpu.memory_space<hbm>>) dst(%dma_wait3A_74 : memref<128xi32, #tpu.memory_space<vmem>>)
    %dma_wait3A_77 = arith.constant 256 : i32
    %dma_wait3A_78 = tpu.memref_slice %arg12[%dma_wait3A_77] : memref<512xi32, #tpu.memory_space<vmem>> -> memref<128xi32, #tpu.memory_space<vmem>>
    %dma_wait3A_79 = arith.constant 0 : i32
    %dma_wait3A_80 = tpu.memref_slice %arg4[%dma_wait3A_79] : memref<100000xi32, #tpu.memory_space<hbm>> -> memref<100000xi32, #tpu.memory_space<hbm>>
    tpu.wait_indirect_dma semaphore(%arg14 : memref<!tpu.dma_semaphore, #tpu.memory_space<semaphore_mem>>) src(%dma_wait3A_80 : memref<100000xi32, #tpu.memory_space<hbm>>) dst(%dma_wait3A_78 : memref<128xi32, #tpu.memory_space<vmem>>)
    %dma_wait3A_81 = arith.constant 384 : i32
    %dma_wait3A_82 = tpu.memref_slice %arg11[%dma_wait3A_81] : memref<512xi32, #tpu.memory_space<vmem>> -> memref<128xi32, #tpu.memory_space<vmem>>
    %dma_wait3A_83 = arith.constant 0 : i32
    %dma_wait3A_84 = tpu.memref_slice %arg3[%dma_wait3A_83] : memref<100000xi32, #tpu.memory_space<hbm>> -> memref<100000xi32, #tpu.memory_space<hbm>>
    tpu.wait_indirect_dma semaphore(%arg14 : memref<!tpu.dma_semaphore, #tpu.memory_space<semaphore_mem>>) src(%dma_wait3A_84 : memref<100000xi32, #tpu.memory_space<hbm>>) dst(%dma_wait3A_82 : memref<128xi32, #tpu.memory_space<vmem>>)
    %dma_wait3A_85 = arith.constant 384 : i32
    %dma_wait3A_86 = tpu.memref_slice %arg12[%dma_wait3A_85] : memref<512xi32, #tpu.memory_space<vmem>> -> memref<128xi32, #tpu.memory_space<vmem>>
    %dma_wait3A_87 = arith.constant 0 : i32
    %dma_wait3A_88 = tpu.memref_slice %arg4[%dma_wait3A_87] : memref<100000xi32, #tpu.memory_space<hbm>> -> memref<100000xi32, #tpu.memory_space<hbm>>
    tpu.wait_indirect_dma semaphore(%arg14 : memref<!tpu.dma_semaphore, #tpu.memory_space<semaphore_mem>>) src(%dma_wait3A_88 : memref<100000xi32, #tpu.memory_space<hbm>>) dst(%dma_wait3A_86 : memref<128xi32, #tpu.memory_space<vmem>>)
    %dma_start3A_89 = tpu.memref_slice %arg5[%mul3A_2] : memref<16384xi32, #tpu.memory_space<hbm>> -> memref<512xi32, #tpu.memory_space<hbm>>
    %dma_start3A_90 = tpu.memref_slice %arg5[%mul3A_2] : memref<16384xi32, #tpu.memory_space<hbm>> -> memref<512xi32, #tpu.memory_space<hbm>>
    tpu.enqueue_dma source(%arg11 : memref<512xi32, #tpu.memory_space<vmem>>) target(%dma_start3A_90 : memref<512xi32, #tpu.memory_space<hbm>>) target_semaphore(%arg15 : memref<!tpu.dma_semaphore, #tpu.memory_space<semaphore_mem>>)
    %dma_start3A_91 = tpu.memref_slice %arg6[%mul3A_2] : memref<16384xi32, #tpu.memory_space<hbm>> -> memref<512xi32, #tpu.memory_space<hbm>>
    %dma_start3A_92 = tpu.memref_slice %arg6[%mul3A_2] : memref<16384xi32, #tpu.memory_space<hbm>> -> memref<512xi32, #tpu.memory_space<hbm>>
    tpu.enqueue_dma source(%arg12 : memref<512xi32, #tpu.memory_space<vmem>>) target(%dma_start3A_92 : memref<512xi32, #tpu.memory_space<hbm>>) target_semaphore(%arg15 : memref<!tpu.dma_semaphore, #tpu.memory_space<semaphore_mem>>)
    %dma_wait3A_93 = tpu.memref_slice %arg5[%mul3A_2] : memref<16384xi32, #tpu.memory_space<hbm>> -> memref<512xi32, #tpu.memory_space<hbm>>
    %dma_wait3A_94 = tpu.memref_slice %arg5[%mul3A_2] : memref<16384xi32, #tpu.memory_space<hbm>> -> memref<512xi32, #tpu.memory_space<hbm>>
    tpu.wait_dma2 semaphore(%arg15 : memref<!tpu.dma_semaphore, #tpu.memory_space<semaphore_mem>>) src(%arg11 : memref<512xi32, #tpu.memory_space<vmem>>) dst(%dma_wait3A_94 : memref<512xi32, #tpu.memory_space<hbm>>)
    %dma_wait3A_95 = tpu.memref_slice %arg6[%mul3A_2] : memref<16384xi32, #tpu.memory_space<hbm>> -> memref<512xi32, #tpu.memory_space<hbm>>
    %dma_wait3A_96 = tpu.memref_slice %arg6[%mul3A_2] : memref<16384xi32, #tpu.memory_space<hbm>> -> memref<512xi32, #tpu.memory_space<hbm>>
    tpu.wait_dma2 semaphore(%arg15 : memref<!tpu.dma_semaphore, #tpu.memory_space<semaphore_mem>>) src(%arg12 : memref<512xi32, #tpu.memory_space<vmem>>) dst(%dma_wait3A_96 : memref<512xi32, #tpu.memory_space<hbm>>)
    return
  }
}

module attributes {stable_mosaic.version = 14 : i64} {
  func.func @_tc_body(%arg0: i32, %arg1: memref<4096x32xf32, #tpu.memory_space<vmem>>, %arg2: memref<25x128xf32, #tpu.memory_space<vmem>>, %arg3: memref<300x128xf32, #tpu.memory_space<vmem>>, %arg4: memref<300x4096xf32, #tpu.memory_space<vmem>>, %arg5: memref<32x300xf32, #tpu.memory_space<vmem>>) attributes {dimension_semantics = [#tpu.dimension_semantics<arbitrary>], iteration_bounds = array<i64: 4>, scalar_prefetch = 0 : i64, scratch_operands = 1 : i64, tpu.core_type = #tpu.core_type<tc>, window_params = [{transform_indices = @transform_0, window_bounds = array<i64: 4096, 32>}, {pipeline_mode = #tpu.pipeline_mode<synchronous>, transform_indices = @transform_1, window_bounds = array<i64: 25, 128>}, {pipeline_mode = #tpu.pipeline_mode<synchronous>, transform_indices = @transform_2, window_bounds = array<i64: 300, 128>}, {transform_indices = @transform_3, window_bounds = array<i64: 300, 4096>}]} {
    %eq3A = arith.constant 0 : i32
    %eq3A_0 = arith.cmpi eq, %arg0, %eq3A : i32
    %convert_element_type3A = arith.extui %eq3A_0 : i1 to i32
    %cond3A = arith.constant 0 : i32
    %cond3A_1 = arith.cmpi ne, %convert_element_type3A, %cond3A : i32
    scf.if %cond3A_1 {
      %get3A_25 = arith.constant 0 : index
      %get3A_26 = arith.constant 0 : index
      %get3A_27 = vector.load %arg2[%get3A_25, %get3A_26] : memref<25x128xf32, #tpu.memory_space<vmem>>, vector<25x128xf32>
      %get3A_28 = arith.constant 0 : index
      %get3A_29 = arith.constant 0 : index
      %get3A_30 = vector.load %arg3[%get3A_28, %get3A_29] : memref<300x128xf32, #tpu.memory_space<vmem>>, vector<300x128xf32>
      %dot_general3A_31 = arith.constant dense<0.000000e+00> : vector<25x300xf32>
      %dot_general3A_32 = tpu.matmul %get3A_27, %get3A_30, %dot_general3A_31 {dimension_numbers = #tpu.dot_dimension_numbers<[1], [1], [0], [0], [0, 0, 1, 0], [], []>, precision = #tpu.contract_precision<fp32>, transpose_lhs_hint = false} : vector<25x128xf32>, vector<300x128xf32>, vector<25x300xf32> -> vector<25x300xf32>
      %swap3A_33 = arith.constant 0 : index
      %swap3A_34 = arith.constant 0 : index
      %swap3A_35 = vector.load %arg5[%swap3A_33, %swap3A_34] : memref<32x300xf32, #tpu.memory_space<vmem>>, vector<25x300xf32>
      tpu.vector_store %arg5[%swap3A_33, %swap3A_34], %dot_general3A_32 {strides = array<i32>} : memref<32x300xf32, #tpu.memory_space<vmem>>, vector<25x300xf32>,
      %broadcast_in_dim3A_36 = arith.constant 0.000000e+00 : f32
      %broadcast_in_dim3A_37 = vector.broadcast %broadcast_in_dim3A_36 : f32 to vector<7x300xf32>
      %swap3A_38 = arith.constant 25 : index
      %swap3A_39 = arith.constant 0 : index
      %swap3A_40 = vector.load %arg5[%swap3A_38, %swap3A_39] : memref<32x300xf32, #tpu.memory_space<vmem>>, vector<7x300xf32>
      tpu.vector_store %arg5[%swap3A_38, %swap3A_39], %broadcast_in_dim3A_37 {strides = array<i32>} : memref<32x300xf32, #tpu.memory_space<vmem>>, vector<7x300xf32>,
    } else {
    }
    %get3A = arith.constant 0 : index
    %get3A_2 = arith.constant 0 : index
    %get3A_3 = vector.load %arg1[%get3A, %get3A_2] : memref<4096x32xf32, #tpu.memory_space<vmem>>, vector<4096x32xf32>
    %get3A_4 = arith.constant 0 : index
    %get3A_5 = arith.constant 0 : index
    %get3A_6 = vector.load %arg5[%get3A_4, %get3A_5] : memref<32x300xf32, #tpu.memory_space<vmem>>, vector<32x300xf32>
    %convert_element_type3A_7 = arith.truncf %get3A_3 : vector<4096x32xf32> to vector<4096x32xbf16>
    %convert_element_type3A_8 = arith.extf %convert_element_type3A_7 : vector<4096x32xbf16> to vector<4096x32xf32>
    %sub3A = arith.subf %get3A_3, %convert_element_type3A_8 : vector<4096x32xf32>
    %convert_element_type3A_9 = arith.truncf %sub3A : vector<4096x32xf32> to vector<4096x32xbf16>
    %convert_element_type3A_10 = arith.truncf %get3A_6 : vector<32x300xf32> to vector<32x300xbf16>
    %convert_element_type3A_11 = arith.extf %convert_element_type3A_10 : vector<32x300xbf16> to vector<32x300xf32>
    %sub3A_12 = arith.subf %get3A_6, %convert_element_type3A_11 : vector<32x300xf32>
    %convert_element_type3A_13 = arith.truncf %sub3A_12 : vector<32x300xf32> to vector<32x300xbf16>
    %dot_general3A = arith.constant dense<0.000000e+00> : vector<300x4096xf32>
    %dot_general3A_14 = tpu.matmul %convert_element_type3A_10, %convert_element_type3A_7, %dot_general3A {dimension_numbers = #tpu.dot_dimension_numbers<[0], [1], [1], [0], [0, 1, 1, 0], [], []>, transpose_lhs_hint = false} : vector<32x300xbf16>, vector<4096x32xbf16>, vector<300x4096xf32> -> vector<300x4096xf32>
    %dot_general3A_15 = arith.constant dense<0.000000e+00> : vector<300x4096xf32>
    %dot_general3A_16 = tpu.matmul %convert_element_type3A_13, %convert_element_type3A_7, %dot_general3A_15 {dimension_numbers = #tpu.dot_dimension_numbers<[0], [1], [1], [0], [0, 1, 1, 0], [], []>, transpose_lhs_hint = false} : vector<32x300xbf16>, vector<4096x32xbf16>, vector<300x4096xf32> -> vector<300x4096xf32>
    %dot_general3A_17 = arith.constant dense<0.000000e+00> : vector<300x4096xf32>
    %dot_general3A_18 = tpu.matmul %convert_element_type3A_10, %convert_element_type3A_9, %dot_general3A_17 {dimension_numbers = #tpu.dot_dimension_numbers<[0], [1], [1], [0], [0, 1, 1, 0], [], []>, transpose_lhs_hint = false} : vector<32x300xbf16>, vector<4096x32xbf16>, vector<300x4096xf32> -> vector<300x4096xf32>
    %add3A = arith.addf %dot_general3A_16, %dot_general3A_18 : vector<300x4096xf32>
    %add3A_19 = arith.addf %dot_general3A_14, %add3A : vector<300x4096xf32>
    %exp3A = math.exp %add3A_19 : vector<300x4096xf32>
    %reduce_sum3A = arith.constant dense<0.000000e+00> : vector<4096xf32>
    %reduce_sum3A_20 = vector.multi_reduction <add>, %exp3A, %reduce_sum3A [0] : vector<300x4096xf32> to vector<4096xf32>
    %broadcast_in_dim3A = vector.shape_cast %reduce_sum3A_20 : vector<4096xf32> to vector<1x4096xf32>
    %log3A = math.log %broadcast_in_dim3A : vector<1x4096xf32>
    %sub3A_21 = vector.broadcast %log3A : vector<1x4096xf32> to vector<300x4096xf32>
    %sub3A_22 = arith.subf %add3A_19, %sub3A_21 : vector<300x4096xf32>
    %swap3A = arith.constant 0 : index
    %swap3A_23 = arith.constant 0 : index
    %swap3A_24 = vector.load %arg4[%swap3A, %swap3A_23] : memref<300x4096xf32, #tpu.memory_space<vmem>>, vector<300x4096xf32>
    tpu.vector_store %arg4[%swap3A, %swap3A_23], %sub3A_22 {strides = array<i32>} : memref<300x4096xf32, #tpu.memory_space<vmem>>, vector<300x4096xf32>,
    return
  }
  func.func @transform_0(%arg0: i32) -> (i32, i32) {
    %c0_i32 = arith.constant 0 : i32
    %c0_i32_0 = arith.constant 0 : i32
    return %arg0, %c0_i32 : i32, i32
  }
  func.func @transform_1(%arg0: i32) -> (i32, i32) {
    %c0_i32 = arith.constant 0 : i32
    %c0_i32_0 = arith.constant 0 : i32
    %c0_i32_1 = arith.constant 0 : i32
    return %c0_i32, %c0_i32_0 : i32, i32
  }
  func.func @transform_2(%arg0: i32) -> (i32, i32) {
    %c0_i32 = arith.constant 0 : i32
    %c0_i32_0 = arith.constant 0 : i32
    %c0_i32_1 = arith.constant 0 : i32
    return %c0_i32, %c0_i32_0 : i32, i32
  }
  func.func @transform_3(%arg0: i32) -> (i32, i32) {
    %c0_i32 = arith.constant 0 : i32
    %c0_i32_0 = arith.constant 0 : i32
    return %c0_i32, %arg0 : i32, i32
  }
}

module attributes {stable_mosaic.version = 14 : i64} {
  func.func @_e_pad_body(%arg0: memref<25x10000xf32, #tpu.memory_space<vmem>>, %arg1: memref<10000x128xf32, #tpu.memory_space<vmem>>) attributes {dimension_semantics = [], scalar_prefetch = 0 : i64, scratch_operands = 0 : i64, tpu.core_type = #tpu.core_type<tc>} {
    %get3A = arith.constant 0 : index
    %get3A_0 = arith.constant 0 : index
    %get3A_1 = vector.load %arg0[%get3A, %get3A_0] : memref<25x10000xf32, #tpu.memory_space<vmem>>, vector<25x10000xf32>
    %transpose3A = tpu.transpose %get3A_1, [1, 0] : vector<25x10000xf32> -> vector<10000x25xf32>
    %swap3A = arith.constant 0 : index
    %swap3A_2 = arith.constant 0 : index
    %swap3A_3 = vector.load %arg1[%swap3A, %swap3A_2] : memref<10000x128xf32, #tpu.memory_space<vmem>>, vector<10000x25xf32>
    tpu.vector_store %arg1[%swap3A, %swap3A_2], %transpose3A {strides = array<i32>} : memref<10000x128xf32, #tpu.memory_space<vmem>>, vector<10000x25xf32>,
    %broadcast_in_dim3A = arith.constant 0.000000e+00 : f32
    %broadcast_in_dim3A_4 = vector.broadcast %broadcast_in_dim3A : f32 to vector<10000x103xf32>
    %swap3A_5 = arith.constant 0 : index
    %swap3A_6 = arith.constant 25 : index
    %swap3A_7 = vector.load %arg1[%swap3A_5, %swap3A_6] : memref<10000x128xf32, #tpu.memory_space<vmem>>, vector<10000x103xf32>
    tpu.vector_store %arg1[%swap3A_5, %swap3A_6], %broadcast_in_dim3A_4 {strides = array<i32>} : memref<10000x128xf32, #tpu.memory_space<vmem>>, vector<10000x103xf32>,
    return
  }
}

</mosaic_0001>

<sc_bundles>
// kernel: kernel.6.cloned.1.call-start
scs
__scs_entry_jumppad:
0x0: {  	(pc) =	sbr.rel $0x88, $3  }
0x1: {  	(tag) =	ssettag $0x0;
	lr =	simm.s32 $0x1  }
0x2: {  	[smem:$0x3F9B] =	sst lr;
	_ =	strace $0xD0000000  }
0x3: {  	_ = 	snop  }
0x4: {  	_ = 	snop  }
0x5: {  	_ = 	snop  }
0x6: {  	_ = 	snop  }
0x7: {  	_ = 	snop  }
__scs_overlays_trampoline_lowered:
0x8: {  	[smem:$0x3FAA] =	sst s0  }
0x9: {  	[smem:$0x3FAB] =	sst s1  }
0xa: {  	[smem:$0x3FAC] =	sst s2  }
0xb: {  	[smem:$0x3FAD] =	sst s3  }
0xc: {  	[smem:$0x3FAE] =	sst s4  }
0xd: {  	[smem:$0x3FAF] =	sst s5  }
0xe: {  	[smem:$0x3FB0] =	sst s6  }
0xf: {  	[smem:$0x3FB1] =	sst s7  }
0x10: {  	[smem:$0x3FB2] =	sst s8  }
0x11: {  	[smem:$0x3FB3] =	sst s9;
	s0 =	simm.s32 @!p0 $0x0  }
0x12: {  	s1 =	sld [smem:$0x3F99];
	s0 =	simm.s32 @p0 $0x1  }
0x13: {  	[smem:$0x3FB4] =	sst s0;
	s0 =	simm.s32 @!p1 $0x0  }
0x14: {  	s2 =	sld [smem:$0x3F98];
	s0 =	simm.s32 @p1 $0x1  }
0x15: {  	[smem:$0x3FB5] =	sst s0;
	s0 =	simm.s32 @!p2 $0x0  }
0x16: {  	s3 =	sld [smem:$0x3FDB];
	s0 =	simm.s32 @p2 $0x1  }
0x17: {  	s4 =	simm.s32 $0x1BF5;
	[smem:$0x3FB7] =	sst s0  }
0x18: {  	s0 =	sld [smem:$0x3F9A];
	_ =	swait.ge [sflag:s4], $0x0  }
0x19: {  	s7 =	sld [smem:$0x3F9B]  }
0x1a: {  	s8 =	sadd.s32 $0xFFFFE003, lr  }
0x1b: {  	s9 =	sadd.s32 $0xFFFFFEF7, lr;
	s5 =	simm.s32 $0xFFFFFFFF;
	p2 =	slt.u32 s8, $0xFFFFF086  }
0x1c: {  	p1 =	slt.u32 s9, $0xF7A;
	s5 =	simm.s32 @!p2 $0x0  }
0x1d: {  	s5 =	simm.s32 @p1 $0x1;
	p0 =	seq.s32 s7, s2  }
0x1e: {  	s7 =	smul.u32 @!p0 $0xF7A, s2;
	p2 =	seq.s32 @!p0 s5, $0x0  }
0x1f: {  	s9 =	smul.u32 $0xF7A, s1;
	s8 =	simm.s32 @!p0 $0x1BF5;
	p2 =	por !p2, p0  }
0x20: {  	[sflag:s8] =	ssyncset.s32 @!p0 $0xFFFFF086;
	s6 =	sadd.s32 @!p0 s3, s7;
	s7 =	simm.s32 @!p0 $0x108  }
0x21: {  	s3 =	sadd.s32 s3, s9;
	s6 =	sadd.s32 @!p0 $0x88, s6;
	s7 =	simm.s32 @p2 $0x1082  }
0x22: {  	[simem:s7], [sflag:s8] =	dma.local @!p0 [hbm:s6], $0xF7A  }
0x23: {  	s9 =	sor.u32 $0xD0000000, s2;
	s6 =	simm.s32 $0x108;
	_ =	swait.ge @!p0 [sflag:s8], $0x0  }
0x24: {  	s3 =	sadd.s32 $0x88, s3;
	s6 =	simm.s32 @!p1 $0x1082;
	[sflag:s4] =	ssyncset.s32 $0xFFFFF086  }
0x25: {  	[simem:s6], [sflag:s4] =	dma.local [hbm:s3], $0xF7A  }
0x26: {  	[smem:$0x3F9B] =	sst s1;
	(tag) =	ssettag s2;
	_ =	strace s9  }
0x27: {  	s1 =	sld [smem:$0x3FAB]  }
0x28: {  	s2 =	sld [smem:$0x3FAC]  }
0x29: {  	s4 =	sld [smem:$0x3FAE]  }
0x2a: {  	p0 =	seq.s32 s5, $0x0;
	s5 =	sld [smem:$0x3FAF]  }
0x2b: {  	s6 =	sld [smem:$0x3FB0]  }
0x2c: {  	s7 =	sld [smem:$0x3FB1]  }
0x2d: {  	s3 =	simm.s32 $0x108;
	s8 =	sld [smem:$0x3FB2]  }
0x2e: {  	s3 =	simm.s32 @!p0 $0x1082;
	s9 =	sld [smem:$0x3FB3]  }
0x2f: {  	lr =	sadd.s32 s0, s3;
	s0 =	sld [smem:$0x3FAA]  }
0x30: {  	s3 =	sld [smem:$0x3FAD]  }
0x31: {  	[smem:$0x3FB6] =	sst s10  }
0x32: {  	s10 =	sld [smem:$0x3FB4];
	_ =	sdelay $0x3  }
0x33: {  	p0 =	seq.s32 s10, $0x1;
	s10 =	sld [smem:$0x3FB6];
	_ =	sdelay $0x3  }
0x34: {  	[smem:$0x3FB6] =	sst s10  }
0x35: {  	s10 =	sld [smem:$0x3FB5];
	_ =	sdelay $0x3  }
0x36: {  	p1 =	seq.s32 s10, $0x1;
	s10 =	sld [smem:$0x3FB6];
	_ =	sdelay $0x3  }
0x37: {  	[smem:$0x3FB6] =	sst s10  }
0x38: {  	s10 =	sld [smem:$0x3FB7]  }
0x39: {  	_ = 	snop;
	(pc) =	sbr.ind lr, $3  }
0x3a: {  	_ = 	snop  }
0x3b: {  	_ = 	snop  }
0x3c: {  	p2 =	seq.s32 s10, $0x1;
	s10 =	sld [smem:$0x3FB6]  }
0x3d: {  	_ =	shalt  }
0x3e: {  	_ =	shalt  }
0x3f: {  	_ =	shalt  }
0x40: {  	_ =	shalt  }
0x41: {  	_ =	shalt  }
0x42: {  	_ =	shalt  }
0x43: {  	_ =	shalt  }
0x44: {  	_ =	shalt  }
0x45: {  	_ =	shalt  }
0x46: {  	_ =	shalt  }
0x47: {  	_ =	shalt  }
0x48: {  	_ =	shalt  }
0x49: {  	_ =	shalt  }
0x4a: {  	_ =	shalt  }
0x4b: {  	_ =	shalt  }
0x4c: {  	_ =	shalt  }
0x4d: {  	_ =	shalt  }
0x4e: {  	_ =	shalt  }
0x4f: {  	_ =	shalt  }
0x50: {  	_ =	shalt  }
0x51: {  	_ =	shalt  }
0x52: {  	_ =	shalt  }
0x53: {  	_ =	shalt  }
0x54: {  	_ =	shalt  }
0x55: {  	_ =	shalt  }
0x56: {  	_ =	shalt  }
0x57: {  	_ =	shalt  }
0x58: {  	_ =	shalt  }
0x59: {  	_ =	shalt  }
0x5a: {  	_ =	shalt  }
0x5b: {  	_ =	shalt  }
0x5c: {  	_ =	shalt  }
0x5d: {  	_ =	shalt  }
0x5e: {  	_ =	shalt  }
0x5f: {  	_ =	shalt  }
0x60: {  	_ =	shalt  }
0x61: {  	_ =	shalt  }
0x62: {  	_ =	shalt  }
0x63: {  	_ =	shalt  }
0x64: {  	_ =	shalt  }
0x65: {  	_ =	shalt  }
0x66: {  	_ =	shalt  }
0x67: {  	_ =	shalt  }
0x68: {  	_ =	shalt  }
0x69: {  	_ =	shalt  }
0x6a: {  	_ =	shalt  }
0x6b: {  	_ =	shalt  }
0x6c: {  	_ =	shalt  }
0x6d: {  	_ =	shalt  }
0x6e: {  	_ =	shalt  }
0x6f: {  	_ =	shalt  }
0x70: {  	_ =	shalt  }
0x71: {  	_ =	shalt  }
0x72: {  	_ =	shalt  }
0x73: {  	_ =	shalt  }
0x74: {  	_ =	shalt  }
0x75: {  	_ =	shalt  }
0x76: {  	_ =	shalt  }
0x77: {  	_ =	shalt  }
0x78: {  	_ =	shalt  }
0x79: {  	_ =	shalt  }
0x7a: {  	_ =	shalt  }
0x7b: {  	_ =	shalt  }
0x7c: {  	_ =	shalt  }
0x7d: {  	_ =	shalt  }
0x7e: {  	_ =	shalt  }
0x7f: {  	_ =	shalt  }
0x80: {  	_ =	shalt  }
0x81: {  	_ =	shalt  }
0x82: {  	_ =	shalt  }
0x83: {  	_ =	shalt  }
0x84: {  	_ =	shalt  }
0x85: {  	_ =	shalt  }
0x86: {  	_ =	shalt  }
0x87: {  	_ =	shalt  }
.Lfunc_end0:
.L_simem_size_0:
called_computation_lowered:
.L_overlay_start_0:
0x88: {  	s2 =	sld [smem:$0x3FD9]  }
0x89: {  	s3 =	sld [smem:$0x3FFE];
	_ =	sdelay $0x1  }
0x8a: {  	s1 =	srdreg.scid  }
0x8b: {  	s0 =	sand.u32 $0x1, s1  }
0x8c: {  	s17 =	sshll.u32 s0, $0xA;
	s2 =	sadd.s32 s3, s2  }
0x8d: {  	s2 =	sadd.s32 s2, s17  }
0x8e: {  	[smem:$0x3FC2] =	sst s2  }
0x8f: {  	_ = 	snop  }
0x90: {  	s2 =	sld [smem:$0x3FC9]  }
0x91: {  	s18 =	sld [smem:$0x3FD0];
	(tm) =	ssettm $0x1  }
0x92: {  	s4 =	sld [smem:$0x3FFB];
	_ =	sdelay $0x3  }
0x93: {  	_ =	strace s4  }
0x94: {  	s4 =	sld [smem:$0x3FFC];
	_ =	sdelay $0x3  }
0x95: {  	_ =	strace s4  }
0x96: {  	s4 =	sld [smem:$0x3FFD];
	_ =	sdelay $0x3  }
0x97: {  	_ =	strace s4  }
0x98: {  	_ =	strace $0x8FFFFFFF  }
0x99: {  	s19 =	sld [smem:$0x3FDB];
	_ =	sdelay $0x1  }
0x9a: {  	s5 =	simm.s32 $_scs_section_size  }
0x9b: {  	s6 =	simm.s32 $_size__tile_overlayer_lowered;
	s7 =	simm.s32 $_tile_overlayer_lowered  }
0x9c: {  	s22 =	simm.s32 $0x1BFF;
	s21 =	sshll.u32 s7, $0x1;
	s4 =	sadd.s32 s5, s19  }
0x9d: {  	s8 =	simm.s32 $0x0;
	s20 =	sshll.u32 s6, $0x1;
	s6 =	sadd.s32 s21, s4  }
0x9e: {  	[timem:s8], [sflag:s22] =	dma.local [hbm:s6], s20  }
0x9f: {  	_ =	swait.ge [sflag:s22], s20  }
0xa0: {  	s5 =	ssub.s32 $0x0, s20;
	[sflag:s22] =	ssyncset.done $0x0  }
0xa1: {  	[sflag:s22] =	ssyncadd.s32 s5;
	_ =	sdelay $0x1  }
0xa2: {  	s23 =	simm.s32 $0x1B8B  }
0xa3: {  	_ =	swait.ge [sflag:s23], $0x1  }
0xa4: {  	[sflag:s23] =	ssyncset.done $0x0  }
0xa5: {  	s25 =	simm.s32 $0x1B8E;
	s24 =	sld [smem:$0x3FFE];
	[sflag:s23] =	ssyncadd.s32 $0xFFFFFFFF  }
0xa6: {  	s26 =	simm.s32 $execute0_lowered;
	[smem:$0x3FD2] =	sst s25  }
0xa7: {  	s6 =	sshll.u32 s26, $0x1;
	_ =	strace $0x80000046;
	[dreg:$0x1] =	wrdreg $0xFFFFFFFF  }
0xa8: {  	s28 =	simm.s32 $_size_execute0_lowered;
	s4 =	sadd.s32 s4, s6;
	[dreg:$0x0] =	wrdreg $0x0  }
0xa9: {  	s6 =	sshll.u32 s28, $0x1;
	[dreg:$0x2] =	wrdreg s4  }
0xaa: {  	[dreg:$0x3] =	wrdreg s6  }
0xab: {  	[dreg:$0x4] =	wrdreg $0xC0  }
0xac: {  	_ =	task [dreg:s8], $0x5FFFF  }
0xad: {  	[dreg:$0x1] =	wrdreg $0xFFFFFFFF  }
0xae: {  	[dreg:$0x0] =	wrdreg $0x60  }
0xaf: {  	[dreg:$0x2] =	wrdreg s2  }
0xb0: {  	[dreg:$0x3] =	wrdreg s24  }
0xb1: {  	[dreg:$0x4] =	wrdreg s18  }
0xb2: {  	[dreg:$0x5] =	wrdreg $0x9  }
0xb3: {  	_ =	task.clear_ibuf [dreg:s8], $0x6FFFF;
	_ =	strace $0x90000046  }
0xb4: {  	s29 =	simm.s32 $0x9;
	_ =	strace $0x80000048  }
0xb5: {  	_ =	swait.ge [sflag:s29], $0x1  }
0xb6: {  	[sflag:s29] =	ssyncadd.s32 $0xFFFFFFFF  }
0xb7: {  	_ =	strace $0x90000048  }
0xb8: {  	_ =	sfence  }
0xb9: {  	s30 =	sld [smem:$0x0];
	_ =	sdelay $0x2  }
0xba: {  	s31 =	sshll.u32 s1, $0xD;
	s1 =	sshrl.u32 s1, $0x2  }
0xbb: {  	s3 =	sand.u32 $0x4000, s31;
	s1 =	sadd.s32 s1, s30  }
0xbc: {  	s0 =	sor.u32 s3, s0;
	s1 =	sshll.u32 s1, $0x11  }
0xbd: {  	s0 =	sor.u32 s1, s0  }
0xbe: {  	s0 =	sadd.s32 $0x8F2B, s0  }
0xbf: {  	[sflag:s0] =	ssyncadd.remote.s32 $0x1  }
0xc0: {  	_ =	sfence.sel $0xFFFF  }
0xc1: {  	[dreg:$0x0] =	wrdreg $0xFFFFFFFF;
	(pc) =	sbr.abs _section_cstart, $3  }
0xc2: {  	[dreg:$0x1] =	wrdreg $0xFFFFFFFF  }
0xc3: {  	_ =	task.clear_ibuf [dreg:s8], $0x2FFFF;
	_ =	strace $0x9FFFFFFF  }
0xc4: {  	(tm) =	ssettm $0x7FFFFFFF  }
0xc5: {  	_ =	shalt  }
tec
execute0_lowered:
.L_overlay_start_1:
0x0: {  	(tag) =	ssettag $0x1  }
0x1: {  	s4 =	rddreg [dreg:$0x0]  }
0x2: {  	s22 =	rddreg [dreg:$0x1];
	s3 =	srdreg.scid  }
0x3: {  	s2 =	rddreg [dreg:$0x2];
	s1 =	stileid.u32;
	s23 =	sand.u32 $0x1, s3  }
0x4: {  	s3 =	simm.s32 $0x0;
	s5 =	sshll.u32 s1, $0x7;
	s6 =	sshll.u32 s23, $0x6  }
0x5: {  	[smem:$0x7FF] =	sst s3;
	s24 =	sor.u32 s6, s5  }
0x6: {  	s0 =	rddreg [dreg:$0x3];
	_ =	strace $0x80000047;
	s4 =	sadd.s32 s4, s24  }
0x7: {  	[tilespmem:s3], [sflag:$0x1] =	stream.linear.gather [hbm4b:s4+s3], $0x80, $0x38;
	[tilespmem:$0x600] =	vst v63  }
0x8: {  	s6 =	simm.s32 $0x80;
	s5 =	sadd.s32 $0x10, s4  }
0x9: {  	[tilespmem:s6], [sflag:$0x1] =	stream.linear.gather [hbm4b:s5+s3], $0x80, $0x38;
	[tilespmem:$0x600] =	vst v63  }
0xa: {  	s8 =	simm.s32 $0x100;
	s7 =	sadd.s32 $0x20, s4  }
0xb: {  	[tilespmem:s8], [sflag:$0x1] =	stream.linear.gather [hbm4b:s7+s3], $0x80, $0x38;
	[tilespmem:$0x600] =	vst v63  }
0xc: {  	s10 =	simm.s32 $0x180;
	s11 =	simm.s32 $0x1;
	s9 =	sadd.s32 $0x30, s4  }
0xd: {  	[tilespmem:s10], [sflag:$0x1] =	stream.linear.gather [hbm4b:s9+s3], $0x80, $0x38;
	[tilespmem:$0x600] =	vst v63  }
0xe: {  	_ =	swait.ge [sflag:s11], $0x80  }
0xf: {  	[sflag:s11] =	ssyncset.done $0x0  }
0x10: {  	s13 =	simm.s32 $0x200;
	s12 =	sadd.s32 $0x600, s22;
	[sflag:s11] =	ssyncadd.s32 $0xFFFFFF80  }
0x11: {  	[tilespmem:s13], [sflag:$0x2] =	stream.indirect.gather [hbm4b:s12+s6], $0x1, s3, s6, $0xb8;
	[tilespmem:$0x600] =	vst v63  }
0x12: {  	s14 =	simm.s32 $0x400  }
0x13: {  	[tilespmem:s14], [sflag:$0x2] =	stream.indirect.gather [hbm4b:s2+s6], $0x1, s3, s6, $0xb8;
	[tilespmem:$0x600] =	vst v63  }
0x14: {  	_ =	swait.ge [sflag:s11], $0x80  }
0x15: {  	[sflag:s11] =	ssyncset.done $0x0  }
0x16: {  	s15 =	simm.s32 $0x280;
	[sflag:s11] =	ssyncadd.s32 $0xFFFFFF80  }
0x17: {  	[tilespmem:s15], [sflag:$0x2] =	stream.indirect.gather [hbm4b:s12+s6], $0x1, s6, s6, $0xb8;
	[tilespmem:$0x600] =	vst v63  }
0x18: {  	s16 =	simm.s32 $0x480  }
0x19: {  	[tilespmem:s16], [sflag:$0x2] =	stream.indirect.gather [hbm4b:s2+s6], $0x1, s6, s6, $0xb8;
	[tilespmem:$0x600] =	vst v63  }
0x1a: {  	_ =	swait.ge [sflag:s11], $0x80  }
0x1b: {  	[sflag:s11] =	ssyncset.done $0x0  }
0x1c: {  	s17 =	simm.s32 $0x300;
	[sflag:s11] =	ssyncadd.s32 $0xFFFFFF80  }
0x1d: {  	[tilespmem:s17], [sflag:$0x2] =	stream.indirect.gather [hbm4b:s12+s6], $0x1, s8, s6, $0xb8;
	[tilespmem:$0x600] =	vst v63  }
0x1e: {  	s18 =	simm.s32 $0x500  }
0x1f: {  	[tilespmem:s18], [sflag:$0x2] =	stream.indirect.gather [hbm4b:s2+s6], $0x1, s8, s6, $0xb8;
	[tilespmem:$0x600] =	vst v63  }
0x20: {  	_ =	swait.ge [sflag:s11], $0x80  }
0x21: {  	[sflag:s11] =	ssyncset.done $0x0  }
0x22: {  	s19 =	simm.s32 $0x380;
	[sflag:s11] =	ssyncadd.s32 $0xFFFFFF80  }
0x23: {  	[tilespmem:s19], [sflag:$0x2] =	stream.indirect.gather [hbm4b:s12+s6], $0x1, s10, s6, $0xb8;
	[tilespmem:$0x600] =	vst v63  }
0x24: {  	s20 =	simm.s32 $0x580;
	s21 =	simm.s32 $0x2  }
0x25: {  	[tilespmem:s20], [sflag:$0x2] =	stream.indirect.gather [hbm4b:s2+s6], $0x1, s10, s6, $0xb8;
	[tilespmem:$0x600] =	vst v63  }
0x26: {  	_ =	swait.ge [sflag:s21], $0x80  }
0x27: {  	[sflag:s21] =	ssyncset.done $0x0  }
0x28: {  	[sflag:s21] =	ssyncadd.s32 $0xFFFFFF80  }
0x29: {  	_ =	swait.ge [sflag:s21], $0x80  }
0x2a: {  	[sflag:s21] =	ssyncset.done $0x0  }
0x2b: {  	[sflag:s21] =	ssyncadd.s32 $0xFFFFFF80  }
0x2c: {  	_ =	swait.ge [sflag:s21], $0x80  }
0x2d: {  	[sflag:s21] =	ssyncset.done $0x0  }
0x2e: {  	[sflag:s21] =	ssyncadd.s32 $0xFFFFFF80  }
0x2f: {  	_ =	swait.ge [sflag:s21], $0x80  }
0x30: {  	[sflag:s21] =	ssyncset.done $0x0  }
0x31: {  	[sflag:s21] =	ssyncadd.s32 $0xFFFFFF80  }
0x32: {  	_ =	swait.ge [sflag:s21], $0x80  }
0x33: {  	[sflag:s21] =	ssyncset.done $0x0  }
0x34: {  	[sflag:s21] =	ssyncadd.s32 $0xFFFFFF80  }
0x35: {  	_ =	swait.ge [sflag:s21], $0x80  }
0x36: {  	[sflag:s21] =	ssyncset.done $0x0  }
0x37: {  	[sflag:s21] =	ssyncadd.s32 $0xFFFFFF80  }
0x38: {  	_ =	swait.ge [sflag:s21], $0x80  }
0x39: {  	[sflag:s21] =	ssyncset.done $0x0  }
0x3a: {  	s25 =	ssub.s32 $0x2, s23;
	[sflag:s21] =	ssyncadd.s32 $0xFFFFFF80  }
0x3b: {  	s26 =	sshrl.u32 s25, $0x1;
	_ =	swait.ge [sflag:s21], $0x80  }
0x3c: {  	s24 =	sadd.s32 s24, s22;
	s25 =	ssub.s32 s25, s26;
	[sflag:s21] =	ssyncset.done $0x0  }
0x3d: {  	s22 =	sadd.s32 $0x3800, s24;
	s25 =	smax.u32 s25, $0x1;
	[sflag:s21] =	ssyncadd.s32 $0xFFFFFF80  }
0x3e: {  	[hbm4b:s22+s3] =	stream.linear.scatter [tilespmem:s13], [sflag:$0x3], $0x200, $0x38;
	[tilespmem:$0x600] =	vst v63  }
0x3f: {  	s23 =	simm.s32 $0x3;
	s24 =	sadd.s32 $0x4000, s24;
	p0 =	sne.s32 s25, $0x1  }
0x40: {  	[hbm4b:s24+s3] =	stream.linear.scatter [tilespmem:s14], [sflag:$0x3], $0x200, $0x38;
	[tilespmem:$0x600] =	vst v63  }
.Ltmp0:
0x41: {  	_ =	swait.ge [sflag:s23], $0x200;
	(pc) =	sbr.rel @!p0 .LBB2_2-.Ltmp0, $4  }
0x42: {  	[sflag:s23] =	ssyncset.done $0x0  }
0x43: {  	[sflag:s23] =	ssyncadd.s32 $0xFFFFFE00  }
0x44: {  	_ =	swait.ge [sflag:s23], $0x200  }
0x45: {  	s25 =	sadd.s32 $0xFFFFFFFF, s25;
	[sflag:s23] =	ssyncset.done $0x0  }
.LBB2_1:
0x46: {  	p0 =	sne.s32 s25, $0x1;
	s25 =	sadd.s32 $0xFFFFFFFF, s25;
	[sflag:s23] =	ssyncadd.s32 $0xFFFFFE00  }
0x47: {  	[tilespmem:s3], [sflag:$0x1] =	stream.linear.gather [hbm4b:s4+s3], $0x80, $0x38;
	[tilespmem:$0x600] =	vst v63  }
0x48: {  	_ = 	snop  }
0x49: {  	[tilespmem:s6], [sflag:$0x1] =	stream.linear.gather [hbm4b:s5+s3], $0x80, $0x38;
	[tilespmem:$0x600] =	vst v63  }
0x4a: {  	_ = 	snop  }
0x4b: {  	[tilespmem:s8], [sflag:$0x1] =	stream.linear.gather [hbm4b:s7+s3], $0x80, $0x38;
	[tilespmem:$0x600] =	vst v63  }
0x4c: {  	_ = 	snop  }
0x4d: {  	[tilespmem:s10], [sflag:$0x1] =	stream.linear.gather [hbm4b:s9+s3], $0x80, $0x38;
	[tilespmem:$0x600] =	vst v63  }
0x4e: {  	_ =	swait.ge [sflag:s11], $0x80  }
0x4f: {  	[sflag:s11] =	ssyncset.done $0x0  }
0x50: {  	[sflag:s11] =	ssyncadd.s32 $0xFFFFFF80  }
0x51: {  	[tilespmem:s13], [sflag:$0x2] =	stream.indirect.gather [hbm4b:s12+s6], $0x1, s3, s6, $0xb8;
	[tilespmem:$0x600] =	vst v63  }
0x52: {  	_ = 	snop  }
0x53: {  	[tilespmem:s14], [sflag:$0x2] =	stream.indirect.gather [hbm4b:s2+s6], $0x1, s3, s6, $0xb8;
	[tilespmem:$0x600] =	vst v63  }
0x54: {  	_ =	swait.ge [sflag:s11], $0x80  }
0x55: {  	[sflag:s11] =	ssyncset.done $0x0  }
0x56: {  	[sflag:s11] =	ssyncadd.s32 $0xFFFFFF80  }
0x57: {  	[tilespmem:s15], [sflag:$0x2] =	stream.indirect.gather [hbm4b:s12+s6], $0x1, s6, s6, $0xb8;
	[tilespmem:$0x600] =	vst v63  }
0x58: {  	_ = 	snop  }
0x59: {  	[tilespmem:s16], [sflag:$0x2] =	stream.indirect.gather [hbm4b:s2+s6], $0x1, s6, s6, $0xb8;
	[tilespmem:$0x600] =	vst v63  }
0x5a: {  	_ =	swait.ge [sflag:s11], $0x80  }
0x5b: {  	[sflag:s11] =	ssyncset.done $0x0  }
0x5c: {  	[sflag:s11] =	ssyncadd.s32 $0xFFFFFF80  }
0x5d: {  	[tilespmem:s17], [sflag:$0x2] =	stream.indirect.gather [hbm4b:s12+s6], $0x1, s8, s6, $0xb8;
	[tilespmem:$0x600] =	vst v63  }
0x5e: {  	_ = 	snop  }
0x5f: {  	[tilespmem:s18], [sflag:$0x2] =	stream.indirect.gather [hbm4b:s2+s6], $0x1, s8, s6, $0xb8;
	[tilespmem:$0x600] =	vst v63  }
0x60: {  	_ =	swait.ge [sflag:s11], $0x80  }
0x61: {  	[sflag:s11] =	ssyncset.done $0x0  }
0x62: {  	[sflag:s11] =	ssyncadd.s32 $0xFFFFFF80  }
0x63: {  	[tilespmem:s19], [sflag:$0x2] =	stream.indirect.gather [hbm4b:s12+s6], $0x1, s10, s6, $0xb8;
	[tilespmem:$0x600] =	vst v63  }
0x64: {  	_ = 	snop  }
0x65: {  	[tilespmem:s20], [sflag:$0x2] =	stream.indirect.gather [hbm4b:s2+s6], $0x1, s10, s6, $0xb8;
	[tilespmem:$0x600] =	vst v63  }
0x66: {  	_ =	swait.ge [sflag:s21], $0x80  }
0x67: {  	[sflag:s21] =	ssyncset.done $0x0  }
0x68: {  	[sflag:s21] =	ssyncadd.s32 $0xFFFFFF80  }
0x69: {  	_ =	swait.ge [sflag:s21], $0x80  }
0x6a: {  	[sflag:s21] =	ssyncset.done $0x0  }
0x6b: {  	[sflag:s21] =	ssyncadd.s32 $0xFFFFFF80  }
0x6c: {  	_ =	swait.ge [sflag:s21], $0x80  }
0x6d: {  	[sflag:s21] =	ssyncset.done $0x0  }
0x6e: {  	[sflag:s21] =	ssyncadd.s32 $0xFFFFFF80  }
0x6f: {  	_ =	swait.ge [sflag:s21], $0x80  }
0x70: {  	[sflag:s21] =	ssyncset.done $0x0  }
0x71: {  	[sflag:s21] =	ssyncadd.s32 $0xFFFFFF80  }
0x72: {  	_ =	swait.ge [sflag:s21], $0x80  }
0x73: {  	[sflag:s21] =	ssyncset.done $0x0  }
0x74: {  	[sflag:s21] =	ssyncadd.s32 $0xFFFFFF80  }
0x75: {  	_ =	swait.ge [sflag:s21], $0x80  }
0x76: {  	[sflag:s21] =	ssyncset.done $0x0  }
0x77: {  	[sflag:s21] =	ssyncadd.s32 $0xFFFFFF80  }
0x78: {  	_ =	swait.ge [sflag:s21], $0x80  }
0x79: {  	[sflag:s21] =	ssyncset.done $0x0  }
0x7a: {  	[sflag:s21] =	ssyncadd.s32 $0xFFFFFF80  }
0x7b: {  	_ =	swait.ge [sflag:s21], $0x80  }
0x7c: {  	[sflag:s21] =	ssyncset.done $0x0  }
0x7d: {  	[sflag:s21] =	ssyncadd.s32 $0xFFFFFF80  }
0x7e: {  	[hbm4b:s22+s3] =	stream.linear.scatter [tilespmem:s13], [sflag:$0x3], $0x200, $0x38;
	[tilespmem:$0x600] =	vst v63  }
0x7f: {  	_ = 	snop  }
0x80: {  	[hbm4b:s24+s3] =	stream.linear.scatter [tilespmem:s14], [sflag:$0x3], $0x200, $0x38;
	[tilespmem:$0x600] =	vst v63  }
.Ltmp1:
0x81: {  	_ =	swait.ge [sflag:s23], $0x200;
	(pc) =	sbr.rel @p0 .LBB2_1-.Ltmp1, $4  }
0x82: {  	[sflag:s23] =	ssyncset.done $0x0  }
0x83: {  	[sflag:s23] =	ssyncadd.s32 $0xFFFFFE00  }
0x84: {  	_ =	swait.ge [sflag:s23], $0x200  }
0x85: {  	[sflag:s23] =	ssyncset.done $0x0  }
.LBB2_2:
0x86: {  	[sflag:s23] =	ssyncadd.s32 $0xFFFFFE00  }
0x87: {  	_ =	sfence.sel $0x180000  }
0x88: {  	[bflag:$0x0] =	sbarrier.arrive $0xFFFF  }
0x89: {  	p0 =	sne.s32 s1, $0x0;
	_ =	strace $0x90000047  }
0x8a: {  	s0 =	sadd.s32 @!p0 $0x100000, s0;
	[bflag:$0x2] =	sbarrier.arrive $0xFFFF  }
0x8b: {  	[sflag:s0] =	ssyncadd.tile.s32 @!p0 $0x1;
	_ =	shalt  }
.Lfunc_end2:
_tile_overlayer_lowered:
.L_overlay_start_2:
0x8c: {  	(tag) =	ssettag $0x2  }
0x8d: {  	s0 =	rddreg [dreg:$0x0];
	s2 =	stileid.u32  }
0x8e: {  	s1 =	rddreg [dreg:$0x1];
	p0 =	sne.s32 s2, $0x0  }
0x8f: {  	s3 =	rddreg [dreg:$0x2];
	[bflag:$0x3] =	sbarrier.arrive $0xFFFF;
	s2 =	simm.s32 @!p0 $0x1C04  }
0x90: {  	[timem:s3], [sflag:s2] =	dma.local @!p0 [hbm:s0], s1  }
0x91: {  	s0 =	simm.s32 @!p0 $0x4  }
0x92: {  	_ =	swait.ge @!p0 [sflag:s0], s1  }
0x93: {  	s1 =	ssub.s32 @!p0 $0x0, s1;
	[sflag:s0] =	ssyncset.done @!p0 $0x0  }
0x94: {  	[sflag:s0] =	ssyncadd.s32 @!p0 s1  }
0x95: {  	[bflag:$0x3] =	sbarrier.arrive $0xFFFF  }
0x96: {  	_ =	shalt  }

// kernel: kernel.9.cloned.1.call-start
scs
__scs_entry_jumppad:
0x0: {  	(pc) =	sbr.rel $0x88, $3  }
0x1: {  	(tag) =	ssettag $0x0;
	lr =	simm.s32 $0x1  }
0x2: {  	[smem:$0x3F9B] =	sst lr;
	_ =	strace $0xD0000000  }
0x3: {  	_ = 	snop  }
0x4: {  	_ = 	snop  }
0x5: {  	_ = 	snop  }
0x6: {  	_ = 	snop  }
0x7: {  	_ = 	snop  }
__scs_overlays_trampoline_lowered:
0x8: {  	[smem:$0x3FAA] =	sst s0  }
0x9: {  	[smem:$0x3FAB] =	sst s1  }
0xa: {  	[smem:$0x3FAC] =	sst s2  }
0xb: {  	[smem:$0x3FAD] =	sst s3  }
0xc: {  	[smem:$0x3FAE] =	sst s4  }
0xd: {  	[smem:$0x3FAF] =	sst s5  }
0xe: {  	[smem:$0x3FB0] =	sst s6  }
0xf: {  	[smem:$0x3FB1] =	sst s7  }
0x10: {  	[smem:$0x3FB2] =	sst s8  }
0x11: {  	[smem:$0x3FB3] =	sst s9;
	s0 =	simm.s32 @!p0 $0x0  }
0x12: {  	s1 =	sld [smem:$0x3F99];
	s0 =	simm.s32 @p0 $0x1  }
0x13: {  	[smem:$0x3FB4] =	sst s0;
	s0 =	simm.s32 @!p1 $0x0  }
0x14: {  	s2 =	sld [smem:$0x3F98];
	s0 =	simm.s32 @p1 $0x1  }
0x15: {  	[smem:$0x3FB5] =	sst s0;
	s0 =	simm.s32 @!p2 $0x0  }
0x16: {  	s3 =	sld [smem:$0x3FDB];
	s0 =	simm.s32 @p2 $0x1  }
0x17: {  	s4 =	simm.s32 $0x1BF5;
	[smem:$0x3FB7] =	sst s0  }
0x18: {  	s0 =	sld [smem:$0x3F9A];
	_ =	swait.ge [sflag:s4], $0x0  }
0x19: {  	s7 =	sld [smem:$0x3F9B]  }
0x1a: {  	s8 =	sadd.s32 $0xFFFFE003, lr  }
0x1b: {  	s9 =	sadd.s32 $0xFFFFFEF7, lr;
	s5 =	simm.s32 $0xFFFFFFFF;
	p2 =	slt.u32 s8, $0xFFFFF086  }
0x1c: {  	p1 =	slt.u32 s9, $0xF7A;
	s5 =	simm.s32 @!p2 $0x0  }
0x1d: {  	s5 =	simm.s32 @p1 $0x1;
	p0 =	seq.s32 s7, s2  }
0x1e: {  	s7 =	smul.u32 @!p0 $0xF7A, s2;
	p2 =	seq.s32 @!p0 s5, $0x0  }
0x1f: {  	s9 =	smul.u32 $0xF7A, s1;
	s8 =	simm.s32 @!p0 $0x1BF5;
	p2 =	por !p2, p0  }
0x20: {  	[sflag:s8] =	ssyncset.s32 @!p0 $0xFFFFF086;
	s6 =	sadd.s32 @!p0 s3, s7;
	s7 =	simm.s32 @!p0 $0x108  }
0x21: {  	s3 =	sadd.s32 s3, s9;
	s6 =	sadd.s32 @!p0 $0x88, s6;
	s7 =	simm.s32 @p2 $0x1082  }
0x22: {  	[simem:s7], [sflag:s8] =	dma.local @!p0 [hbm:s6], $0xF7A  }
0x23: {  	s9 =	sor.u32 $0xD0000000, s2;
	s6 =	simm.s32 $0x108;
	_ =	swait.ge @!p0 [sflag:s8], $0x0  }
0x24: {  	s3 =	sadd.s32 $0x88, s3;
	s6 =	simm.s32 @!p1 $0x1082;
	[sflag:s4] =	ssyncset.s32 $0xFFFFF086  }
0x25: {  	[simem:s6], [sflag:s4] =	dma.local [hbm:s3], $0xF7A  }
0x26: {  	[smem:$0x3F9B] =	sst s1;
	(tag) =	ssettag s2;
	_ =	strace s9  }
0x27: {  	s1 =	sld [smem:$0x3FAB]  }
0x28: {  	s2 =	sld [smem:$0x3FAC]  }
0x29: {  	s4 =	sld [smem:$0x3FAE]  }
0x2a: {  	p0 =	seq.s32 s5, $0x0;
	s5 =	sld [smem:$0x3FAF]  }
0x2b: {  	s6 =	sld [smem:$0x3FB0]  }
0x2c: {  	s7 =	sld [smem:$0x3FB1]  }
0x2d: {  	s3 =	simm.s32 $0x108;
	s8 =	sld [smem:$0x3FB2]  }
0x2e: {  	s3 =	simm.s32 @!p0 $0x1082;
	s9 =	sld [smem:$0x3FB3]  }
0x2f: {  	lr =	sadd.s32 s0, s3;
	s0 =	sld [smem:$0x3FAA]  }
0x30: {  	s3 =	sld [smem:$0x3FAD]  }
0x31: {  	[smem:$0x3FB6] =	sst s10  }
0x32: {  	s10 =	sld [smem:$0x3FB4];
	_ =	sdelay $0x3  }
0x33: {  	p0 =	seq.s32 s10, $0x1;
	s10 =	sld [smem:$0x3FB6];
	_ =	sdelay $0x3  }
0x34: {  	[smem:$0x3FB6] =	sst s10  }
0x35: {  	s10 =	sld [smem:$0x3FB5];
	_ =	sdelay $0x3  }
0x36: {  	p1 =	seq.s32 s10, $0x1;
	s10 =	sld [smem:$0x3FB6];
	_ =	sdelay $0x3  }
0x37: {  	[smem:$0x3FB6] =	sst s10  }
0x38: {  	s10 =	sld [smem:$0x3FB7]  }
0x39: {  	_ = 	snop;
	(pc) =	sbr.ind lr, $3  }
0x3a: {  	_ = 	snop  }
0x3b: {  	_ = 	snop  }
0x3c: {  	p2 =	seq.s32 s10, $0x1;
	s10 =	sld [smem:$0x3FB6]  }
0x3d: {  	_ =	shalt  }
0x3e: {  	_ =	shalt  }
0x3f: {  	_ =	shalt  }
0x40: {  	_ =	shalt  }
0x41: {  	_ =	shalt  }
0x42: {  	_ =	shalt  }
0x43: {  	_ =	shalt  }
0x44: {  	_ =	shalt  }
0x45: {  	_ =	shalt  }
0x46: {  	_ =	shalt  }
0x47: {  	_ =	shalt  }
0x48: {  	_ =	shalt  }
0x49: {  	_ =	shalt  }
0x4a: {  	_ =	shalt  }
0x4b: {  	_ =	shalt  }
0x4c: {  	_ =	shalt  }
0x4d: {  	_ =	shalt  }
0x4e: {  	_ =	shalt  }
0x4f: {  	_ =	shalt  }
0x50: {  	_ =	shalt  }
0x51: {  	_ =	shalt  }
0x52: {  	_ =	shalt  }
0x53: {  	_ =	shalt  }
0x54: {  	_ =	shalt  }
0x55: {  	_ =	shalt  }
0x56: {  	_ =	shalt  }
0x57: {  	_ =	shalt  }
0x58: {  	_ =	shalt  }
0x59: {  	_ =	shalt  }
0x5a: {  	_ =	shalt  }
0x5b: {  	_ =	shalt  }
0x5c: {  	_ =	shalt  }
0x5d: {  	_ =	shalt  }
0x5e: {  	_ =	shalt  }
0x5f: {  	_ =	shalt  }
0x60: {  	_ =	shalt  }
0x61: {  	_ =	shalt  }
0x62: {  	_ =	shalt  }
0x63: {  	_ =	shalt  }
0x64: {  	_ =	shalt  }
0x65: {  	_ =	shalt  }
0x66: {  	_ =	shalt  }
0x67: {  	_ =	shalt  }
0x68: {  	_ =	shalt  }
0x69: {  	_ =	shalt  }
0x6a: {  	_ =	shalt  }
0x6b: {  	_ =	shalt  }
0x6c: {  	_ =	shalt  }
0x6d: {  	_ =	shalt  }
0x6e: {  	_ =	shalt  }
0x6f: {  	_ =	shalt  }
0x70: {  	_ =	shalt  }
0x71: {  	_ =	shalt  }
0x72: {  	_ =	shalt  }
0x73: {  	_ =	shalt  }
0x74: {  	_ =	shalt  }
0x75: {  	_ =	shalt  }
0x76: {  	_ =	shalt  }
0x77: {  	_ =	shalt  }
0x78: {  	_ =	shalt  }
0x79: {  	_ =	shalt  }
0x7a: {  	_ =	shalt  }
0x7b: {  	_ =	shalt  }
0x7c: {  	_ =	shalt  }
0x7d: {  	_ =	shalt  }
0x7e: {  	_ =	shalt  }
0x7f: {  	_ =	shalt  }
0x80: {  	_ =	shalt  }
0x81: {  	_ =	shalt  }
0x82: {  	_ =	shalt  }
0x83: {  	_ =	shalt  }
0x84: {  	_ =	shalt  }
0x85: {  	_ =	shalt  }
0x86: {  	_ =	shalt  }
0x87: {  	_ =	shalt  }
.Lfunc_end0:
.L_simem_size_0:
called_computation.1_lowered:
.L_overlay_start_0:
0x88: {  	s2 =	sld [smem:$0x3FD9]  }
0x89: {  	s3 =	sld [smem:$0x3FFE];
	_ =	sdelay $0x1  }
0x8a: {  	s1 =	srdreg.scid  }
0x8b: {  	s0 =	sand.u32 $0x1, s1  }
0x8c: {  	s17 =	sshll.u32 s0, $0xA;
	s2 =	sadd.s32 s3, s2  }
0x8d: {  	s2 =	sadd.s32 s2, s17  }
0x8e: {  	[smem:$0x3FC2] =	sst s2  }
0x8f: {  	_ = 	snop  }
0x90: {  	s2 =	sld [smem:$0x3FC9]  }
0x91: {  	s18 =	sld [smem:$0x3FD0];
	(tm) =	ssettm $0x1  }
0x92: {  	s4 =	sld [smem:$0x3FFB];
	_ =	sdelay $0x3  }
0x93: {  	_ =	strace s4  }
0x94: {  	s4 =	sld [smem:$0x3FFC];
	_ =	sdelay $0x3  }
0x95: {  	_ =	strace s4  }
0x96: {  	s4 =	sld [smem:$0x3FFD];
	_ =	sdelay $0x3  }
0x97: {  	_ =	strace s4  }
0x98: {  	_ =	strace $0x8FFFFFFF  }
0x99: {  	s19 =	sld [smem:$0x3FDB];
	_ =	sdelay $0x1  }
0x9a: {  	s5 =	simm.s32 $_scs_section_size  }
0x9b: {  	s6 =	simm.s32 $_size__tile_overlayer_lowered;
	s7 =	simm.s32 $_tile_overlayer_lowered  }
0x9c: {  	s22 =	simm.s32 $0x1BFF;
	s21 =	sshll.u32 s7, $0x1;
	s4 =	sadd.s32 s5, s19  }
0x9d: {  	s8 =	simm.s32 $0x0;
	s20 =	sshll.u32 s6, $0x1;
	s6 =	sadd.s32 s21, s4  }
0x9e: {  	[timem:s8], [sflag:s22] =	dma.local [hbm:s6], s20  }
0x9f: {  	_ =	swait.ge [sflag:s22], s20  }
0xa0: {  	s5 =	ssub.s32 $0x0, s20;
	[sflag:s22] =	ssyncset.done $0x0  }
0xa1: {  	[sflag:s22] =	ssyncadd.s32 s5;
	_ =	sdelay $0x1  }
0xa2: {  	s23 =	simm.s32 $0x1B8B  }
0xa3: {  	_ =	swait.ge [sflag:s23], $0x1  }
0xa4: {  	[sflag:s23] =	ssyncset.done $0x0  }
0xa5: {  	s25 =	simm.s32 $0x1B8E;
	s24 =	sld [smem:$0x3FFE];
	[sflag:s23] =	ssyncadd.s32 $0xFFFFFFFF  }
0xa6: {  	s26 =	simm.s32 $execute0_lowered;
	[smem:$0x3FD2] =	sst s25  }
0xa7: {  	s6 =	sshll.u32 s26, $0x1;
	_ =	strace $0x80000049;
	[dreg:$0x1] =	wrdreg $0xFFFFFFFF  }
0xa8: {  	s28 =	simm.s32 $_size_execute0_lowered;
	s4 =	sadd.s32 s4, s6;
	[dreg:$0x0] =	wrdreg $0x0  }
0xa9: {  	s6 =	sshll.u32 s28, $0x1;
	[dreg:$0x2] =	wrdreg s4  }
0xaa: {  	[dreg:$0x3] =	wrdreg s6  }
0xab: {  	[dreg:$0x4] =	wrdreg $0xC0  }
0xac: {  	_ =	task [dreg:s8], $0x5FFFF  }
0xad: {  	[dreg:$0x1] =	wrdreg $0xFFFFFFFF  }
0xae: {  	[dreg:$0x0] =	wrdreg $0x60  }
0xaf: {  	[dreg:$0x2] =	wrdreg s2  }
0xb0: {  	[dreg:$0x3] =	wrdreg s24  }
0xb1: {  	[dreg:$0x4] =	wrdreg s18  }
0xb2: {  	[dreg:$0x5] =	wrdreg $0x9  }
0xb3: {  	_ =	task.clear_ibuf [dreg:s8], $0x6FFFF;
	_ =	strace $0x90000049  }
0xb4: {  	s29 =	simm.s32 $0x9;
	_ =	strace $0x8000004B  }
0xb5: {  	_ =	swait.ge [sflag:s29], $0x1  }
0xb6: {  	[sflag:s29] =	ssyncadd.s32 $0xFFFFFFFF  }
0xb7: {  	_ =	strace $0x9000004B  }
0xb8: {  	_ =	sfence  }
0xb9: {  	s30 =	sld [smem:$0x0];
	_ =	sdelay $0x2  }
0xba: {  	s31 =	sshll.u32 s1, $0xD;
	s1 =	sshrl.u32 s1, $0x2  }
0xbb: {  	s3 =	sand.u32 $0x4000, s31;
	s1 =	sadd.s32 s1, s30  }
0xbc: {  	s0 =	sor.u32 s3, s0;
	s1 =	sshll.u32 s1, $0x11  }
0xbd: {  	s0 =	sor.u32 s1, s0  }
0xbe: {  	s0 =	sadd.s32 $0x8F2B, s0  }
0xbf: {  	[sflag:s0] =	ssyncadd.remote.s32 $0x1  }
0xc0: {  	_ =	sfence.sel $0xFFFF  }
0xc1: {  	[dreg:$0x0] =	wrdreg $0xFFFFFFFF;
	(pc) =	sbr.abs _section_cstart, $3  }
0xc2: {  	[dreg:$0x1] =	wrdreg $0xFFFFFFFF  }
0xc3: {  	_ =	task.clear_ibuf [dreg:s8], $0x2FFFF;
	_ =	strace $0x9FFFFFFF  }
0xc4: {  	(tm) =	ssettm $0x7FFFFFFF  }
0xc5: {  	_ =	shalt  }
tec
execute0_lowered:
.L_overlay_start_1:
0x0: {  	(tag) =	ssettag $0x1  }
0x1: {  	s0 =	rddreg [dreg:$0x0]  }
0x2: {  	s2 =	rddreg [dreg:$0x1]  }
0x3: {  	s6 =	rddreg [dreg:$0x2];
	s1 =	simm.s32 $0x0  }
0x4: {  	s3 =	srdreg.scid;
	s5 =	stileid.u32;
	s28 =	simm.s32 $0x1  }
0x5: {  	[smem:$0x7FF] =	sst s1;
	s7 =	sadd.s32 $0x3800, s2;
	s4 =	sand.u32 $0x1, s3  }
0x6: {  	s8 =	sadd.s32 $0x4000, s2;
	s5 =	sshll.u32 s5, $0xA;
	s3 =	sadd.s32 $0x2EC00, s2  }
0x7: {  	_ =	strace $0x8000004A;
	s9 =	sshll.u32 s4, $0x9;
	s10 =	ssub.s32 $0x2, s4  }
0x8: {  	s4 =	sadd.s32 $0x2BA00, s2;
	s9 =	sor.u32 s9, s5;
	s11 =	sshrl.u32 s10, $0x1  }
0x9: {  	s5 =	sadd.s32 $0x4800, s2;
	s12 =	sshrl.u32 s9, $0x3;
	s2 =	ssub.s32 s10, s11  }
0xa: {  	s11 =	sor.u32 $0x80, s9;
	s19 =	sor.u32 $0x100, s9;
	s21 =	sor.u32 $0x180, s9  }
0xb: {  	s26 =	sshll.u32 s9, $0x4;
	s9 =	simm.s32 $0x0;
	s31 =	sadd.s32 s0, s12  }
0xc: {  	s13 =	sshrl.u32 s11, $0x3;
	s15 =	sshrl.u32 s19, $0x3;
	s17 =	sshrl.u32 s21, $0x3  }
0xd: {  	s22 =	sadd.s32 s7, s12;
	s23 =	sadd.s32 s8, s12;
	s18 =	sadd.s32 s6, s26  }
0xe: {  	s29 =	sshll.u32 s11, $0x4;
	s30 =	sshll.u32 s19, $0x4;
	[dreg:$0x4] =	wrdreg s31  }
0xf: {  	s26 =	simm.s32 $0x10A00;
	s14 =	sadd.s32 s0, s13;
	[dreg:$0x8] =	wrdreg s22  }
0x10: {  	s20 =	sadd.s32 s0, s15;
	s0 =	sadd.s32 s0, s17;
	[dreg:$0x9] =	wrdreg s23  }
0x11: {  	s24 =	sadd.s32 s7, s13;
	s25 =	sadd.s32 s8, s13;
	[dreg:$0x5] =	wrdreg s14  }
0x12: {  	s16 =	sadd.s32 s7, s17;
	s17 =	sadd.s32 s8, s17;
	[dreg:$0x6] =	wrdreg s20  }
0x13: {  	s19 =	sadd.s32 s6, s29;
	s31 =	sshll.u32 s21, $0x4;
	[dreg:$0x7] =	wrdreg s0  }
0x14: {  	s22 =	smax.u32 s2, $0x1;
	s23 =	simm.s32 $0x80;
	[dreg:$0xa] =	wrdreg s24  }
0x15: {  	s2 =	simm.s32 $0x2;
	s13 =	simm.s32 $0xCA00;
	[dreg:$0xb] =	wrdreg s25  }
0x16: {  	s14 =	sadd.s32 s7, s15;
	s15 =	sadd.s32 s8, s15;
	s20 =	sadd.s32 s6, s30  }
0x17: {  	s21 =	sadd.s32 s6, s31;
	s24 =	simm.s32 $0x100;
	s25 =	simm.s32 $0x180  }
0x18: {  	s6 =	simm.s32 $0x3;
	s7 =	simm.s32 $0x14A00;
	s8 =	simm.s32 $0x4  }
.LBB2_1:
0x19: {  	s10 =	rddreg [dreg:$0x4]  }
0x1a: {  	[tilespmem:s1], [sflag:$0x1] =	stream.linear.gather [hbm4b:s10+s1], $0x80, $0x38;
	[tilespmem:$0x18A00] =	vst v63  }
0x1b: {  	s0 =	rddreg [dreg:$0x5]  }
0x1c: {  	[tilespmem:s23], [sflag:$0x1] =	stream.linear.gather [hbm4b:s0+s1], $0x80, $0x38;
	[tilespmem:$0x18A00] =	vst v63  }
0x1d: {  	s11 =	rddreg [dreg:$0x6]  }
0x1e: {  	[tilespmem:s24], [sflag:$0x1] =	stream.linear.gather [hbm4b:s11+s1], $0x80, $0x38;
	[tilespmem:$0x18A00] =	vst v63  }
0x1f: {  	s12 =	rddreg [dreg:$0x7]  }
0x20: {  	[tilespmem:s25], [sflag:$0x1] =	stream.linear.gather [hbm4b:s12+s1], $0x80, $0x38;
	[tilespmem:$0x18A00] =	vst v63  }
0x21: {  	s31 =	rddreg [dreg:$0x8];
	s11 =	simm.s32 $0x200  }
0x22: {  	[tilespmem:s11], [sflag:$0x1] =	stream.linear.gather [hbm4b:s31+s1], $0x80, $0x38;
	[tilespmem:$0x18A00] =	vst v63  }
0x23: {  	s29 =	simm.s32 $0x400;
	s0 =	rddreg [dreg:$0x9]  }
0x24: {  	[tilespmem:s29], [sflag:$0x1] =	stream.linear.gather [hbm4b:s0+s1], $0x80, $0x38;
	[tilespmem:$0x18A00] =	vst v63  }
0x25: {  	s12 =	rddreg [dreg:$0xa];
	s31 =	simm.s32 $0x280  }
0x26: {  	[tilespmem:s31], [sflag:$0x1] =	stream.linear.gather [hbm4b:s12+s1], $0x80, $0x38;
	[tilespmem:$0x18A00] =	vst v63  }
0x27: {  	s0 =	rddreg [dreg:$0xb];
	s12 =	simm.s32 $0x480  }
0x28: {  	[tilespmem:s12], [sflag:$0x1] =	stream.linear.gather [hbm4b:s0+s1], $0x80, $0x38;
	[tilespmem:$0x18A00] =	vst v63  }
0x29: {  	s0 =	simm.s32 $0x300  }
0x2a: {  	[tilespmem:s0], [sflag:$0x1] =	stream.linear.gather [hbm4b:s14+s1], $0x80, $0x38;
	[tilespmem:$0x18A00] =	vst v63  }
0x2b: {  	s0 =	simm.s32 $0x500  }
0x2c: {  	[tilespmem:s0], [sflag:$0x1] =	stream.linear.gather [hbm4b:s15+s1], $0x80, $0x38;
	[tilespmem:$0x18A00] =	vst v63  }
0x2d: {  	s0 =	simm.s32 $0x380  }
0x2e: {  	[tilespmem:s0], [sflag:$0x1] =	stream.linear.gather [hbm4b:s16+s1], $0x80, $0x38;
	[tilespmem:$0x18A00] =	vst v63  }
0x2f: {  	s0 =	simm.s32 $0x580  }
0x30: {  	[tilespmem:s0], [sflag:$0x1] =	stream.linear.gather [hbm4b:s17+s1], $0x80, $0x38;
	[tilespmem:$0x18A00] =	vst v63  }
0x31: {  	_ =	swait.ge [sflag:s28], $0x80  }
0x32: {  	[sflag:s28] =	ssyncset.done $0x0  }
0x33: {  	s10 =	simm.s32 $0x600;
	[sflag:s28] =	ssyncadd.s32 $0xFFFFFF80  }
0x34: {  	[tilespmem:s10], [sflag:$0x2] =	stream.indirect.gather [hbm4b:s3+s23], $0x1, s1, s23, $0xb8;
	[tilespmem:$0x18A00] =	vst v63  }
0x35: {  	s30 =	simm.s32 $0x800  }
0x36: {  	[tilespmem:s30], [sflag:$0x2] =	stream.indirect.gather [hbm4b:s4+s23], $0x1, s1, s23, $0xb8;
	[tilespmem:$0x18A00] =	vst v63  }
0x37: {  	_ =	swait.ge [sflag:s28], $0x80  }
0x38: {  	[sflag:s28] =	ssyncset.done $0x0  }
0x39: {  	s0 =	simm.s32 $0x680;
	[sflag:s28] =	ssyncadd.s32 $0xFFFFFF80  }
0x3a: {  	[tilespmem:s0], [sflag:$0x2] =	stream.indirect.gather [hbm4b:s3+s23], $0x1, s23, s23, $0xb8;
	[tilespmem:$0x18A00] =	vst v63  }
0x3b: {  	s0 =	simm.s32 $0x880  }
0x3c: {  	[tilespmem:s0], [sflag:$0x2] =	stream.indirect.gather [hbm4b:s4+s23], $0x1, s23, s23, $0xb8;
	[tilespmem:$0x18A00] =	vst v63  }
0x3d: {  	_ =	swait.ge [sflag:s28], $0x80  }
0x3e: {  	[sflag:s28] =	ssyncset.done $0x0  }
0x3f: {  	s0 =	simm.s32 $0x700;
	[sflag:s28] =	ssyncadd.s32 $0xFFFFFF80  }
0x40: {  	[tilespmem:s0], [sflag:$0x2] =	stream.indirect.gather [hbm4b:s3+s23], $0x1, s24, s23, $0xb8;
	[tilespmem:$0x18A00] =	vst v63  }
0x41: {  	s0 =	simm.s32 $0x900  }
0x42: {  	[tilespmem:s0], [sflag:$0x2] =	stream.indirect.gather [hbm4b:s4+s23], $0x1, s24, s23, $0xb8;
	[tilespmem:$0x18A00] =	vst v63  }
0x43: {  	_ =	swait.ge [sflag:s28], $0x80  }
0x44: {  	[sflag:s28] =	ssyncset.done $0x0  }
0x45: {  	s0 =	simm.s32 $0x780;
	[sflag:s28] =	ssyncadd.s32 $0xFFFFFF80  }
0x46: {  	[tilespmem:s0], [sflag:$0x2] =	stream.indirect.gather [hbm4b:s3+s23], $0x1, s25, s23, $0xb8;
	[tilespmem:$0x18A00] =	vst v63  }
0x47: {  	s0 =	simm.s32 $0x980  }
0x48: {  	[tilespmem:s0], [sflag:$0x2] =	stream.indirect.gather [hbm4b:s4+s23], $0x1, s25, s23, $0xb8;
	[tilespmem:$0x18A00] =	vst v63  }
0x49: {  	_ =	swait.ge [sflag:s28], $0x80  }
0x4a: {  	[sflag:s28] =	ssyncset.done $0x0  }
0x4b: {  	[sflag:s28] =	ssyncadd.s32 $0xFFFFFF80  }
0x4c: {  	_ =	swait.ge [sflag:s28], $0x80  }
0x4d: {  	[sflag:s28] =	ssyncset.done $0x0  }
0x4e: {  	s0 =	simm.s32 $0xA00;
	[sflag:s28] =	ssyncadd.s32 $0xFFFFFF80  }
0x4f: {  	[tilespmem:s0], [sflag:$0x3] =	stream.indirect.gather [hbm4b:s5+s23], $0x80, s11, s23, $0xb8;
	[tilespmem:$0x18A00] =	vst v63  }
0x50: {  	s11 =	simm.s32 $0x8A00  }
0x51: {  	[tilespmem:s11], [sflag:$0x3] =	stream.indirect.gather [hbm4b:s5+s23], $0x80, s29, s23, $0xb8;
	[tilespmem:$0x18A00] =	vst v63  }
0x52: {  	_ =	swait.ge [sflag:s28], $0x80  }
0x53: {  	[sflag:s28] =	ssyncset.done $0x0  }
0x54: {  	[sflag:s28] =	ssyncadd.s32 $0xFFFFFF80  }
0x55: {  	_ =	swait.ge [sflag:s28], $0x80  }
0x56: {  	[sflag:s28] =	ssyncset.done $0x0  }
0x57: {  	s11 =	simm.s32 $0x4A00;
	[sflag:s28] =	ssyncadd.s32 $0xFFFFFF80  }
0x58: {  	[tilespmem:s11], [sflag:$0x3] =	stream.indirect.gather [hbm4b:s5+s23], $0x80, s31, s23, $0xb8;
	[tilespmem:$0x18A00] =	vst v63  }
0x59: {  	_ = 	snop  }
0x5a: {  	[tilespmem:s13], [sflag:$0x3] =	stream.indirect.gather [hbm4b:s5+s23], $0x80, s12, s23, $0xb8;
	[tilespmem:$0x18A00] =	vst v63  }
0x5b: {  	_ =	swait.ge [sflag:s6], $0x4000  }
0x5c: {  	[sflag:s6] =	ssyncset.done $0x0  }
0x5d: {  	[sflag:s6] =	ssyncadd.s32 $0xFFFFC000  }
0x5e: {  	_ =	swait.ge [sflag:s6], $0x4000  }
0x5f: {  	[sflag:s6] =	ssyncset.done $0x0  }
0x60: {  	[sflag:s6] =	ssyncadd.s32 $0xFFFFC000  }
0x61: {  	_ =	swait.ge [sflag:s2], $0x80  }
0x62: {  	[sflag:s2] =	ssyncset.done $0x0  }
0x63: {  	[sflag:s2] =	ssyncadd.s32 $0xFFFFFF80  }
0x64: {  	_ =	swait.ge [sflag:s2], $0x80  }
0x65: {  	[sflag:s2] =	ssyncset.done $0x0  }
0x66: {  	s29 =	simm.s32 $0x0;
	[sflag:s2] =	ssyncadd.s32 $0xFFFFFF80  }
0x67: {  	v0 =	vld [tilespmem:s29+$0xA00]  }
0x68: {  	v4 =	vld [tilespmem:s29+$0xA10]  }
0x69: {  	v3 =	vld [tilespmem:s29+$0x8A10]  }
0x6a: {  	v6 =	vld [tilespmem:s29+$0xA80]  }
0x6b: {  	v7 =	vld [tilespmem:s29+$0x8A80]  }
0x6c: {  	v8 =	vld [tilespmem:s29+$0xA90]  }
0x6d: {  	v5 =	vld [tilespmem:s29+$0x8A90]  }
0x6e: {  	v12 =	vld [tilespmem:s29+$0xB00]  }
0x6f: {  	v13 =	vld [tilespmem:s29+$0x8B00]  }
0x70: {  	v15 =	vld [tilespmem:s29+$0xB80]  }
0x71: {  	v14 =	vld [tilespmem:s29+$0x8B80]  }
0x72: {  	v11 =	vld [tilespmem:s29+$0xC00]  }
0x73: {  	v9 =	vld [tilespmem:s29+$0xC10]  }
0x74: {  	v1 =	vld [tilespmem:s10+$0x0]  }
0x75: {  	s11 =	simm.s32 $0x2000;
	s12 =	simm.s32 $0xCA00;
	v2 =	vld [tilespmem:s30+$0x0]  }
.LBB2_2:
0x76: {  	p0 =	sne.s32 s11, $0xE000;
	v10 =	vld [tilespmem:s29+$0xF90]  }
0x77: {  	v16 =	vld [tilespmem:s29+$0x8F90]  }
0x78: {  	v17 =	vld [tilespmem:s29+$0x8C10]  }
0x79: {  	v18 =	vbroadcast v1, $0x3;
	v19 =	vbroadcast v1, $0x4;
	v20 =	vld [tilespmem:s29+$0x8C00]  }
0x7a: {  	v22 =	vbroadcast v1, $0xB;
	v21 =	vld [tilespmem:s29+$0xB90];
	v23 =	vbroadcast v2, $0xB  }
0x7b: {  	v25 =	vbroadcast v2, $0x4;
	v24 =	vld [tilespmem:s29+$0x8B90];
	v26 =	vmul.f32 v9, v19  }
0x7c: {  	v10 =	vmul.f32 v10, v22;
	v27 =	vld [tilespmem:s29+$0xB10];
	v16 =	vmul.f32 v16, v23  }
0x7d: {  	v11 =	vmul.f32 v11, v19;
	v28 =	vld [tilespmem:s29+$0x8B10];
	v17 =	vmul.f32 v17, v25  }
0x7e: {  	v19 =	vbroadcast v2, $0x3;
	v20 =	vmul.f32 v20, v25;
	v9 =	vld [tilespmem:s29+$0xC80];
	v16 =	vadd.f32 v16, v10  }
0x7f: {  	v15 =	vmul.f32 v15, v18;
	v18 =	vmul.f32 v21, v18;
	v17 =	vadd.f32 v17, v26;
	v10 =	vld [tilespmem:s29+$0x8C80]  }
0x80: {  	v21 =	vmul.f32 v14, v19;
	v19 =	vmul.f32 v24, v19;
	v20 =	vadd.f32 v20, v11;
	v11 =	vld [tilespmem:s29+$0xC90];
	[tilespmem:s29+$0x10F90] =	vst v16  }
0x81: {  	v16 =	vbroadcast v1, $0x2;
	v24 =	vbroadcast v2, $0x2;
	[tilespmem:s29+$0x10C10] =	vst v17;
	v14 =	vld [tilespmem:s29+$0xD00]  }
0x82: {  	v17 =	vbroadcast v1, $0x1;
	v15 =	vadd.f32 v21, v15;
	v18 =	vadd.f32 v19, v18;
	[tilespmem:s29+$0x10C00] =	vst v20;
	v19 =	vld [tilespmem:s29+$0xE00]  }
0x83: {  	v20 =	vmul.f32 v27, v16;
	v21 =	vmul.f32 v28, v24;
	v25 =	vld [tilespmem:s29+$0xE80]  }
0x84: {  	v12 =	vmul.f32 v12, v16;
	v13 =	vmul.f32 v13, v24;
	[tilespmem:s29+$0x10B90] =	vst v18;
	v16 =	vld [tilespmem:s29+$0xF80]  }
0x85: {  	v24 =	vmul.f32 v8, v17;
	v18 =	vbroadcast v2, $0x1;
	v20 =	vadd.f32 v21, v20;
	[tilespmem:s29+$0x10B80] =	vst v15;
	v15 =	vld [tilespmem:s29+$0x8F80]  }
0x86: {  	v8 =	vbroadcast v1, $0x0;
	v6 =	vmul.f32 v6, v17;
	v12 =	vadd.f32 v13, v12;
	v13 =	vld [tilespmem:s29+$0x1000]  }
0x87: {  	v7 =	vmul.f32 v7, v18;
	v17 =	vmul.f32 v5, v18;
	[tilespmem:s29+$0x10B10] =	vst v20;
	v18 =	vld [tilespmem:s29+$0x9000]  }
0x88: {  	v4 =	vmul.f32 v4, v8;
	v5 =	vbroadcast v2, $0x0;
	[tilespmem:s29+$0x10B00] =	vst v12;
	v12 =	vld [tilespmem:s29+$0xF00]  }
0x89: {  	v20 =	vbroadcast v1, $0xC;
	v6 =	vadd.f32 v7, v6;
	v7 =	vadd.f32 v17, v24;
	v17 =	vld [tilespmem:s29+$0xF10]  }
0x8a: {  	v3 =	vmul.f32 v3, v5;
	v24 =	vbroadcast v2, $0xC;
	v21 =	vld [tilespmem:s29+$0x8F10]  }
0x8b: {  	v16 =	vmul.f32 v16, v22;
	[tilespmem:s29+$0x10A90] =	vst v7;
	v7 =	vld [tilespmem:s29+$0x8F00];
	v13 =	vmul.f32 v13, v20  }
0x8c: {  	v3 =	vadd.f32 v3, v4;
	[tilespmem:s29+$0x10A80] =	vst v6;
	v4 =	vld [tilespmem:s29+$0xE90];
	v6 =	vmul.f32 v15, v23;
	v15 =	vmul.f32 v18, v24  }
0x8d: {  	v22 =	vbroadcast v1, $0xA;
	v23 =	vbroadcast v2, $0xA;
	v18 =	vld [tilespmem:s29+$0x8E80]  }
0x8e: {  	[tilespmem:s29+$0x10A10] =	vst v3;
	v3 =	vbroadcast v1, $0x9;
	v26 =	vld [tilespmem:s29+$0x8E90];
	v6 =	vadd.f32 v6, v16;
	v13 =	vadd.f32 v15, v13  }
0x8f: {  	v16 =	vmul.f32 v17, v22;
	v15 =	vld [tilespmem:s29+$0xE10];
	v17 =	vmul.f32 v21, v23  }
0x90: {  	v12 =	vmul.f32 v12, v22;
	v21 =	vld [tilespmem:s29+$0x8E00];
	v7 =	vmul.f32 v7, v23;
	[tilespmem:s29+$0x11000] =	vst v13  }
0x91: {  	v22 =	vbroadcast v2, $0x9;
	v13 =	vld [tilespmem:s29+$0x8E10];
	v4 =	vmul.f32 v4, v3;
	v16 =	vadd.f32 v17, v16;
	[tilespmem:s29+$0x10F80] =	vst v6  }
0x92: {  	v17 =	vbroadcast v1, $0x8;
	v3 =	vmul.f32 v25, v3;
	v6 =	vld [tilespmem:s29+$0xD80];
	v7 =	vadd.f32 v7, v12  }
0x93: {  	v18 =	vmul.f32 v18, v22;
	v12 =	vld [tilespmem:s29+$0xD90];
	v22 =	vmul.f32 v26, v22;
	[tilespmem:s29+$0x10F10] =	vst v16  }
0x94: {  	v23 =	vbroadcast v2, $0x8;
	v16 =	vld [tilespmem:s29+$0x8D90];
	v15 =	vmul.f32 v15, v17;
	[tilespmem:s29+$0x10F00] =	vst v7  }
0x95: {  	v17 =	vmul.f32 v19, v17;
	v3 =	vadd.f32 v18, v3;
	v7 =	vld [tilespmem:s29+$0x8D80];
	v4 =	vadd.f32 v22, v4  }
0x96: {  	v19 =	vmul.f32 v21, v23;
	v18 =	vld [tilespmem:s29+$0xD10];
	v13 =	vmul.f32 v13, v23  }
0x97: {  	v22 =	vbroadcast v1, $0x7;
	v23 =	vbroadcast v2, $0x7;
	v21 =	vld [tilespmem:s29+$0x8D00];
	[tilespmem:s29+$0x10E90] =	vst v4  }
0x98: {  	v4 =	vbroadcast v1, $0x6;
	v17 =	vadd.f32 v19, v17;
	v25 =	vld [tilespmem:s29+$0x8D10];
	v13 =	vadd.f32 v13, v15;
	[tilespmem:s29+$0x10E80] =	vst v3  }
0x99: {  	v12 =	vmul.f32 v12, v22;
	v3 =	vld [tilespmem:s29+$0x8C90];
	v15 =	vmul.f32 v16, v23  }
0x9a: {  	v6 =	vmul.f32 v6, v22;
	v7 =	vmul.f32 v7, v23;
	[tilespmem:s29+$0x10E10] =	vst v13;
	v13 =	vld [tilespmem:s29+$0x1010]  }
0x9b: {  	v16 =	vbroadcast v2, $0x6;
	v18 =	vmul.f32 v18, v4;
	v12 =	vadd.f32 v15, v12;
	[tilespmem:s29+$0x10E00] =	vst v17;
	v15 =	vld [tilespmem:s29+$0x9010]  }
0x9c: {  	v17 =	vbroadcast v1, $0x5;
	v4 =	vmul.f32 v14, v4;
	v6 =	vadd.f32 v7, v6;
	v7 =	vld [tilespmem:s29+$0x1080]  }
0x9d: {  	v14 =	vmul.f32 v21, v16;
	v16 =	vmul.f32 v25, v16;
	[tilespmem:s29+$0x10D90] =	vst v12;
	v12 =	vld [tilespmem:s29+$0x9080]  }
0x9e: {  	v19 =	vbroadcast v2, $0x5;
	v11 =	vmul.f32 v11, v17;
	[tilespmem:s29+$0x10D80] =	vst v6;
	v6 =	vld [tilespmem:s29+$0x1090]  }
0x9f: {  	v9 =	vmul.f32 v9, v17;
	v4 =	vadd.f32 v14, v4;
	v14 =	vadd.f32 v16, v18;
	v16 =	vld [tilespmem:s29+$0x9090]  }
0xa0: {  	v10 =	vmul.f32 v10, v19;
	v3 =	vmul.f32 v3, v19;
	v17 =	vld [tilespmem:s29+$0x1100]  }
0xa1: {  	v13 =	vmul.f32 v13, v20;
	[tilespmem:s29+$0x10D10] =	vst v14;
	v14 =	vmul.f32 v15, v24;
	v15 =	vld [tilespmem:s29+$0x9100]  }
0xa2: {  	v9 =	vadd.f32 v10, v9;
	v3 =	vadd.f32 v3, v11;
	[tilespmem:s29+$0x10D00] =	vst v4;
	v4 =	vbroadcast v1, $0xD;
	v10 =	vld [tilespmem:s29+$0x1110]  }
0xa3: {  	v11 =	vadd.f32 v14, v13;
	v13 =	vbroadcast v2, $0xD;
	v14 =	vbroadcast v1, $0xE;
	v18 =	vld [tilespmem:s29+$0x9110]  }
0xa4: {  	[tilespmem:s29+$0x10C90] =	vst v3;
	v3 =	vmul.f32 v7, v4;
	v4 =	vmul.f32 v6, v4;
	v6 =	vld [tilespmem:s29+$0x1180]  }
0xa5: {  	[tilespmem:s29+$0x10C80] =	vst v9;
	v7 =	vmul.f32 v12, v13;
	v9 =	vmul.f32 v16, v13;
	v12 =	vld [tilespmem:s29+$0x9180]  }
0xa6: {  	v13 =	vbroadcast v2, $0xE;
	[tilespmem:s29+$0x11010] =	vst v11;
	v11 =	vmul.f32 v17, v14;
	v16 =	vld [tilespmem:s29+$0x1190]  }
0xa7: {  	v3 =	vadd.f32 v7, v3;
	v7 =	vadd.f32 v9, v4;
	v9 =	vmul.f32 v10, v14;
	v10 =	vld [tilespmem:s29+$0x9190]  }
0xa8: {  	s31 =	sshra.s32 s11, $0x2;
	v15 =	vmul.f32 v15, v13;
	v14 =	vld [tilespmem:s29+$0x8A00];
	v13 =	vmul.f32 v18, v13  }
0xa9: {  	v1 =	vbroadcast v1, $0xF;
	v2 =	vbroadcast v2, $0xF;
	v17 =	vld [tilespmem:s31+$0xA00];
	[tilespmem:s29+$0x11080] =	vst v3  }
0xaa: {  	v18 =	vmul.f32 v0, v8;
	v0 =	vadd.f32 v15, v11;
	v4 =	vld [tilespmem:s31+$0xA10];
	[tilespmem:s29+$0x11090] =	vst v7;
	v8 =	vadd.f32 v13, v9  }
0xab: {  	v9 =	vmul.f32 v6, v1;
	v11 =	vmul.f32 v12, v2;
	v3 =	vld [tilespmem:s31+$0x8A10]  }
0xac: {  	v12 =	vmul.f32 v16, v1;
	v6 =	vld [tilespmem:s31+$0xA80];
	[tilespmem:s29+$0x11100] =	vst v0;
	v1 =	vmul.f32 v10, v2  }
0xad: {  	v9 =	vadd.f32 v11, v9;
	v7 =	vld [tilespmem:s31+$0x8A80];
	v2 =	vmul.f32 v14, v5;
	[tilespmem:s29+$0x11110] =	vst v8  }
0xae: {  	v8 =	vld [tilespmem:s31+$0xA90];
	v1 =	vadd.f32 v1, v12;
	v0 =	vmov v17  }
0xaf: {  	v5 =	vld [tilespmem:s31+$0x8A90];
	v2 =	vadd.f32 v2, v18;
	[tilespmem:s29+$0x11180] =	vst v9  }
0xb0: {  	v12 =	vld [tilespmem:s31+$0xB00];
	[tilespmem:s29+$0x11190] =	vst v1  }
0xb1: {  	v13 =	vld [tilespmem:s31+$0x8B00];
	[tilespmem:s29+$0x10A00] =	vst v2;
	s29 =	smov.u32 s31  }
0xb2: {  	v15 =	vld [tilespmem:s29+$0xB80]  }
.Ltmp0:
0xb3: {  	v14 =	vld [tilespmem:s29+$0x8B80];
	(pc) =	sbr.rel @p0 .LBB2_2-.Ltmp0, $4  }
0xb4: {  	v11 =	vld [tilespmem:s29+$0xC00]  }
0xb5: {  	s10 =	sadd.s32 $0x10, s10;
	v9 =	vld [tilespmem:s29+$0xC10]  }
0xb6: {  	s30 =	sadd.s32 $0x10, s30;
	v1 =	vld [tilespmem:s10+$0x0]  }
0xb7: {  	s11 =	sadd.s32 $0x2000, s11;
	v2 =	vld [tilespmem:s30+$0x0]  }
0xb8: {  	v10 =	vld [tilespmem:s29+$0xF90]  }
0xb9: {  	v16 =	vld [tilespmem:s29+$0x8F90]  }
0xba: {  	v17 =	vld [tilespmem:s29+$0x8C10];
	_ =	sdelay $0x1  }
0xbb: {  	v18 =	vld [tilespmem:s29+$0x8C00];
	v20 =	vbroadcast v1, $0xB;
	v21 =	vbroadcast v2, $0xB  }
0xbc: {  	v19 =	vld [tilespmem:s29+$0xB90];
	v23 =	vbroadcast v1, $0x4;
	v24 =	vbroadcast v2, $0x4  }
0xbd: {  	v22 =	vld [tilespmem:s29+$0x8B90];
	v10 =	vmul.f32 v10, v20;
	v16 =	vmul.f32 v16, v21  }
0xbe: {  	v25 =	vld [tilespmem:s29+$0xB10];
	v27 =	vmul.f32 v9, v23;
	v17 =	vmul.f32 v17, v24  }
0xbf: {  	v26 =	vld [tilespmem:s29+$0x8B10];
	v30 =	vbroadcast v1, $0x3;
	v31 =	vbroadcast v2, $0x3;
	v16 =	vadd.f32 v16, v10  }
0xc0: {  	v33 =	vld [tilespmem:s29+$0xD00];
	v23 =	vmul.f32 v11, v23;
	v18 =	vmul.f32 v18, v24;
	v17 =	vadd.f32 v17, v27  }
0xc1: {  	v36 =	vld [tilespmem:s29+$0xE80];
	[tilespmem:s29+$0x10F90] =	vst v16  }
0xc2: {  	v37 =	vld [tilespmem:s29+$0xF80];
	v32 =	vmul.f32 v22, v31;
	v16 =	vadd.f32 v18, v23;
	[tilespmem:s29+$0x10C10] =	vst v17;
	v17 =	vmul.f32 v19, v30  }
0xc3: {  	v40 =	vld [tilespmem:s29+$0xF10];
	v34 =	vbroadcast v1, $0x2;
	v35 =	vbroadcast v2, $0x2  }
0xc4: {  	v41 =	vld [tilespmem:s29+$0x8F10];
	v15 =	vmul.f32 v15, v30;
	v14 =	vmul.f32 v14, v31;
	[tilespmem:s29+$0x10C00] =	vst v16;
	v16 =	vadd.f32 v32, v17  }
0xc5: {  	v42 =	vld [tilespmem:s29+$0x8E80]  }
0xc6: {  	v45 =	vld [tilespmem:s29+$0x8E00];
	v14 =	vadd.f32 v14, v15;
	v15 =	vmul.f32 v25, v34;
	[tilespmem:s29+$0x10B90] =	vst v16;
	v16 =	vmul.f32 v26, v35  }
0xc7: {  	v47 =	vld [tilespmem:s29+$0x8E10];
	v38 =	vbroadcast v1, $0x1;
	v39 =	vbroadcast v2, $0x1  }
0xc8: {  	v48 =	vld [tilespmem:s29+$0xD90];
	v12 =	vmul.f32 v12, v34;
	v13 =	vmul.f32 v13, v35;
	[tilespmem:s29+$0x10B80] =	vst v14;
	v14 =	vadd.f32 v16, v15  }
0xc9: {  	v51 =	vld [tilespmem:s29+$0x8D80];
	v8 =	vmul.f32 v8, v38;
	v5 =	vmul.f32 v5, v39  }
0xca: {  	v7 =	vmul.f32 v7, v39;
	v12 =	vadd.f32 v13, v12;
	v13 =	vld [tilespmem:s29+$0x9000];
	[tilespmem:s29+$0x10B10] =	vst v14;
	v14 =	vmul.f32 v6, v38  }
0xcb: {  	v8 =	vadd.f32 v5, v8;
	v5 =	vbroadcast v2, $0x0;
	v16 =	vld [tilespmem:s29+$0x1000];
	v6 =	vbroadcast v1, $0x0  }
0xcc: {  	v53 =	vld [tilespmem:s29+$0x8D00];
	[tilespmem:s29+$0x10B00] =	vst v12;
	v7 =	vadd.f32 v7, v14  }
0xcd: {  	v12 =	vld [tilespmem:s29+$0xF00];
	[tilespmem:s29+$0x10A90] =	vst v8;
	v3 =	vmul.f32 v3, v5;
	v4 =	vmul.f32 v4, v6  }
0xce: {  	v8 =	vld [tilespmem:s29+$0x8F00];
	v14 =	vbroadcast v2, $0xC;
	[tilespmem:s29+$0x10A80] =	vst v7;
	v7 =	vbroadcast v1, $0xC  }
0xcf: {  	v55 =	vld [tilespmem:s29+$0x8C90];
	v3 =	vadd.f32 v3, v4  }
0xd0: {  	v4 =	vld [tilespmem:s29+$0xE90];
	v13 =	vmul.f32 v13, v14;
	v16 =	vmul.f32 v16, v7  }
0xd1: {  	v43 =	vbroadcast v1, $0xA;
	v44 =	vbroadcast v2, $0xA;
	[tilespmem:s29+$0x10A10] =	vst v3;
	v3 =	vld [tilespmem:s29+$0x8E90]  }
0xd2: {  	v49 =	vbroadcast v1, $0x9;
	v50 =	vbroadcast v2, $0x9;
	v15 =	vld [tilespmem:s29+$0x8F80];
	v13 =	vadd.f32 v13, v16  }
0xd3: {  	v61 =	vld [tilespmem:s29+$0x1100];
	v12 =	vmul.f32 v12, v43;
	v8 =	vmul.f32 v8, v44  }
0xd4: {  	v62 =	vld [tilespmem:s29+$0x9100];
	v46 =	vmul.f32 v41, v44;
	[tilespmem:s29+$0x11000] =	vst v13;
	v13 =	vmul.f32 v40, v43  }
0xd5: {  	v52 =	vbroadcast v2, $0x8;
	v20 =	vmul.f32 v37, v20;
	v8 =	vadd.f32 v8, v12;
	v16 =	vld [tilespmem:s29+$0xE10]  }
0xd6: {  	v17 =	vld [tilespmem:s29+$0xE00];
	v4 =	vmul.f32 v4, v49;
	v3 =	vmul.f32 v3, v50;
	v13 =	vadd.f32 v46, v13  }
0xd7: {  	v63 =	vld [tilespmem:s29+$0x8A00];
	v22 =	vmul.f32 v42, v50;
	[tilespmem:s29+$0x10F00] =	vst v8;
	v15 =	vmul.f32 v15, v21  }
0xd8: {  	v12 =	vld [tilespmem:s29+$0x8D90];
	v8 =	vbroadcast v1, $0x8;
	v3 =	vadd.f32 v3, v4;
	[tilespmem:s29+$0x10F10] =	vst v13;
	v13 =	vmul.f32 v36, v49  }
0xd9: {  	v56 =	vbroadcast v1, $0x6;
	v59 =	vbroadcast v1, $0x5;
	v15 =	vadd.f32 v15, v20;
	v4 =	vld [tilespmem:s29+$0xD10]  }
0xda: {  	v20 =	vmul.f32 v47, v52;
	v16 =	vmul.f32 v16, v8;
	[tilespmem:s29+$0x10E90] =	vst v3;
	v3 =	vld [tilespmem:s29+$0x8D10];
	v13 =	vadd.f32 v22, v13  }
0xdb: {  	v54 =	vbroadcast v2, $0x7;
	[tilespmem:s29+$0x10F80] =	vst v15;
	v15 =	vld [tilespmem:s29+$0xD80];
	v8 =	vmul.f32 v17, v8  }
0xdc: {  	v9 =	vld [tilespmem:s29+$0xC80];
	v17 =	vmul.f32 v45, v52;
	v16 =	vadd.f32 v20, v16;
	[tilespmem:s29+$0x10E80] =	vst v13;
	v13 =	vbroadcast v1, $0x7  }
0xdd: {  	v57 =	vbroadcast v2, $0x6;
	v60 =	vbroadcast v2, $0x5;
	v10 =	vld [tilespmem:s29+$0x8C80]  }
0xde: {  	v11 =	vld [tilespmem:s29+$0xC90];
	v12 =	vmul.f32 v12, v54;
	v8 =	vadd.f32 v17, v8;
	[tilespmem:s29+$0x10E10] =	vst v16;
	v16 =	vmul.f32 v48, v13  }
0xdf: {  	v17 =	vld [tilespmem:s29+$0x1010];
	v4 =	vmul.f32 v4, v56;
	v3 =	vmul.f32 v3, v57  }
0xe0: {  	[tilespmem:s29+$0x10E00] =	vst v8;
	v8 =	vmul.f32 v15, v13;
	v13 =	vmul.f32 v51, v54;
	v15 =	vld [tilespmem:s29+$0x9010];
	v12 =	vadd.f32 v12, v16  }
0xe1: {  	v58 =	vmul.f32 v53, v57;
	v9 =	vmul.f32 v9, v59;
	v16 =	vld [tilespmem:s29+$0x1080];
	v3 =	vadd.f32 v3, v4  }
0xe2: {  	v10 =	vmul.f32 v10, v60;
	v8 =	vadd.f32 v13, v8;
	v13 =	vmul.f32 v33, v56;
	v4 =	vld [tilespmem:s29+$0x9090];
	[tilespmem:s29+$0x10D90] =	vst v12  }
0xe3: {  	v12 =	vld [tilespmem:s29+$0x9080];
	[tilespmem:s29+$0x10D10] =	vst v3;
	v3 =	vmul.f32 v11, v59;
	v11 =	vmul.f32 v55, v60  }
0xe4: {  	v9 =	vadd.f32 v10, v9;
	[tilespmem:s29+$0x10D80] =	vst v8;
	v8 =	vld [tilespmem:s29+$0x1090];
	v13 =	vadd.f32 v58, v13  }
0xe5: {  	v7 =	vmul.f32 v17, v7;
	v14 =	vmul.f32 v15, v14;
	v3 =	vadd.f32 v11, v3;
	v11 =	vld [tilespmem:s29+$0x1110]  }
0xe6: {  	v5 =	vmul.f32 v63, v5;
	v10 =	vbroadcast v1, $0xD;
	[tilespmem:s29+$0x10D00] =	vst v13;
	v13 =	vld [tilespmem:s29+$0x9110]  }
0xe7: {  	[tilespmem:s29+$0x10C80] =	vst v9;
	v9 =	vbroadcast v2, $0xD;
	v0 =	vmul.f32 v0, v6;
	v7 =	vadd.f32 v14, v7;
	v14 =	vld [tilespmem:s29+$0x9180]  }
0xe8: {  	v15 =	vbroadcast v1, $0xE;
	v16 =	vmul.f32 v16, v10;
	[tilespmem:s29+$0x10C90] =	vst v3;
	v3 =	vld [tilespmem:s29+$0x1180]  }
0xe9: {  	v4 =	vmul.f32 v4, v9;
	[tilespmem:s29+$0x11010] =	vst v7;
	v7 =	vmul.f32 v8, v10;
	v10 =	vld [tilespmem:s29+$0x1190]  }
0xea: {  	v8 =	vbroadcast v2, $0xE;
	v12 =	vmul.f32 v12, v9;
	v9 =	vld [tilespmem:s29+$0x9190]  }
0xeb: {  	v0 =	vadd.f32 v5, v0;
	v1 =	vbroadcast v1, $0xF;
	v17 =	vmul.f32 v61, v15  }
0xec: {  	v2 =	vbroadcast v2, $0xF;
	v18 =	vmul.f32 v62, v8;
	v12 =	vadd.f32 v12, v16  }
0xed: {  	[tilespmem:s29+$0x10A00] =	vst v0;
	v4 =	vadd.f32 v4, v7;
	v7 =	vmul.f32 v11, v15;
	v8 =	vmul.f32 v13, v8  }
0xee: {  	[tilespmem:s29+$0x11080] =	vst v12;
	v11 =	vadd.f32 v18, v17;
	v3 =	vmul.f32 v3, v1;
	v12 =	vmul.f32 v14, v2  }
0xef: {  	[tilespmem:s29+$0x11090] =	vst v4;
	v4 =	vadd.f32 v8, v7;
	v1 =	vmul.f32 v10, v1;
	v2 =	vmul.f32 v9, v2  }
0xf0: {  	[tilespmem:s29+$0x11100] =	vst v11;
	v3 =	vadd.f32 v12, v3  }
0xf1: {  	[tilespmem:s29+$0x11110] =	vst v4;
	v1 =	vadd.f32 v2, v1  }
0xf2: {  	[tilespmem:s29+$0x11180] =	vst v3  }
0xf3: {  	s10 =	simm.s32 $0x0;
	[tilespmem:s29+$0x11190] =	vst v1  }
0xf4: {  	[hbm4b:s18+s10] =	stream.linear.scatter [tilespmem:s26], [sflag:$0x4], $0x4000, $0x38;
	[tilespmem:$0x18A00] =	vst v63  }
0xf5: {  	_ =	swait.ge [sflag:s28], $0x80  }
0xf6: {  	[sflag:s28] =	ssyncset.done $0x0  }
0xf7: {  	[sflag:s28] =	ssyncadd.s32 $0xFFFFFF80  }
0xf8: {  	_ =	swait.ge [sflag:s28], $0x80  }
0xf9: {  	[sflag:s28] =	ssyncset.done $0x0  }
0xfa: {  	s31 =	simm.s32 $0x300;
	[sflag:s28] =	ssyncadd.s32 $0xFFFFFF80  }
0xfb: {  	[tilespmem:s0], [sflag:$0x3] =	stream.indirect.gather [hbm4b:s5+s23], $0x80, s31, s23, $0xb8;
	[tilespmem:$0x18A00] =	vst v63  }
0xfc: {  	s11 =	simm.s32 $0x500;
	s31 =	simm.s32 $0x8A00  }
0xfd: {  	[tilespmem:s31], [sflag:$0x3] =	stream.indirect.gather [hbm4b:s5+s23], $0x80, s11, s23, $0xb8;
	[tilespmem:$0x18A00] =	vst v63  }
0xfe: {  	_ =	swait.ge [sflag:s6], $0x4000  }
0xff: {  	[sflag:s6] =	ssyncset.done $0x0  }
0x100: {  	[sflag:s6] =	ssyncadd.s32 $0xFFFFC000  }
0x101: {  	_ =	swait.ge [sflag:s6], $0x4000  }
0x102: {  	[sflag:s6] =	ssyncset.done $0x0  }
0x103: {  	[sflag:s6] =	ssyncadd.s32 $0xFFFFC000  }
0x104: {  	_ =	swait.ge [sflag:s2], $0x80  }
0x105: {  	[sflag:s2] =	ssyncset.done $0x0  }
0x106: {  	[sflag:s2] =	ssyncadd.s32 $0xFFFFFF80  }
0x107: {  	_ =	swait.ge [sflag:s2], $0x80  }
0x108: {  	[sflag:s2] =	ssyncset.done $0x0  }
0x109: {  	s29 =	simm.s32 $0x0;
	[sflag:s2] =	ssyncadd.s32 $0xFFFFFF80  }
0x10a: {  	v0 =	vld [tilespmem:s29+$0x4A00]  }
0x10b: {  	v4 =	vld [tilespmem:s29+$0x4A10]  }
0x10c: {  	v3 =	vld [tilespmem:s29+$0xCA10]  }
0x10d: {  	v5 =	vld [tilespmem:s29+$0x4A80]  }
0x10e: {  	v6 =	vld [tilespmem:s29+$0xCA80]  }
0x10f: {  	v8 =	vld [tilespmem:s29+$0x4A90]  }
0x110: {  	v7 =	vld [tilespmem:s29+$0xCA90]  }
0x111: {  	v12 =	vld [tilespmem:s29+$0x4B00]  }
0x112: {  	v13 =	vld [tilespmem:s29+$0xCB00]  }
0x113: {  	v15 =	vld [tilespmem:s29+$0x4B80]  }
0x114: {  	v14 =	vld [tilespmem:s29+$0xCB80]  }
0x115: {  	v11 =	vld [tilespmem:s29+$0x4C00]  }
0x116: {  	s10 =	simm.s32 $0x680;
	v9 =	vld [tilespmem:s29+$0x4C10]  }
0x117: {  	s30 =	simm.s32 $0x880;
	v1 =	vld [tilespmem:s10+$0x0]  }
0x118: {  	s11 =	simm.s32 $0x2000;
	v2 =	vld [tilespmem:s30+$0x0]  }
.LBB2_4:
0x119: {  	p0 =	sne.s32 s11, $0xE000;
	v10 =	vld [tilespmem:s29+$0x4F90]  }
0x11a: {  	v16 =	vld [tilespmem:s29+$0xCF90]  }
0x11b: {  	v17 =	vld [tilespmem:s29+$0xCC10]  }
0x11c: {  	v18 =	vbroadcast v1, $0x3;
	v19 =	vbroadcast v1, $0x4;
	v20 =	vld [tilespmem:s29+$0xCC00]  }
0x11d: {  	v22 =	vbroadcast v1, $0xB;
	v21 =	vld [tilespmem:s29+$0x4B90];
	v23 =	vbroadcast v2, $0xB  }
0x11e: {  	v25 =	vbroadcast v2, $0x4;
	v24 =	vld [tilespmem:s29+$0xCB90];
	v26 =	vmul.f32 v9, v19  }
0x11f: {  	v10 =	vmul.f32 v10, v22;
	v27 =	vld [tilespmem:s29+$0x4B10];
	v16 =	vmul.f32 v16, v23  }
0x120: {  	v11 =	vmul.f32 v11, v19;
	v28 =	vld [tilespmem:s29+$0xCB10];
	v17 =	vmul.f32 v17, v25  }
0x121: {  	v19 =	vbroadcast v2, $0x3;
	v20 =	vmul.f32 v20, v25;
	v9 =	vld [tilespmem:s29+$0x4C80];
	v16 =	vadd.f32 v16, v10  }
0x122: {  	v15 =	vmul.f32 v15, v18;
	v18 =	vmul.f32 v21, v18;
	v17 =	vadd.f32 v17, v26;
	v10 =	vld [tilespmem:s29+$0xCC80]  }
0x123: {  	v21 =	vmul.f32 v14, v19;
	v19 =	vmul.f32 v24, v19;
	v20 =	vadd.f32 v20, v11;
	v11 =	vld [tilespmem:s29+$0x4C90];
	[tilespmem:s29+$0x14F90] =	vst v16  }
0x124: {  	v16 =	vbroadcast v1, $0x2;
	v24 =	vbroadcast v2, $0x2;
	[tilespmem:s29+$0x14C10] =	vst v17;
	v14 =	vld [tilespmem:s29+$0x4D00]  }
0x125: {  	v17 =	vbroadcast v1, $0x1;
	v15 =	vadd.f32 v21, v15;
	v18 =	vadd.f32 v19, v18;
	[tilespmem:s29+$0x14C00] =	vst v20;
	v19 =	vld [tilespmem:s29+$0x4E00]  }
0x126: {  	v20 =	vmul.f32 v27, v16;
	v21 =	vmul.f32 v28, v24;
	v25 =	vld [tilespmem:s29+$0x4E80]  }
0x127: {  	v12 =	vmul.f32 v12, v16;
	v13 =	vmul.f32 v13, v24;
	[tilespmem:s29+$0x14B90] =	vst v18;
	v16 =	vld [tilespmem:s29+$0x4F80]  }
0x128: {  	v24 =	vmul.f32 v8, v17;
	v18 =	vbroadcast v2, $0x1;
	v20 =	vadd.f32 v21, v20;
	[tilespmem:s29+$0x14B80] =	vst v15;
	v15 =	vld [tilespmem:s29+$0xCF80]  }
0x129: {  	v8 =	vbroadcast v1, $0x0;
	v5 =	vmul.f32 v5, v17;
	v12 =	vadd.f32 v13, v12;
	v13 =	vld [tilespmem:s29+$0x5000]  }
0x12a: {  	v6 =	vmul.f32 v6, v18;
	v17 =	vmul.f32 v7, v18;
	[tilespmem:s29+$0x14B10] =	vst v20;
	v18 =	vld [tilespmem:s29+$0xD000]  }
0x12b: {  	v4 =	vmul.f32 v4, v8;
	v7 =	vbroadcast v2, $0x0;
	[tilespmem:s29+$0x14B00] =	vst v12;
	v12 =	vld [tilespmem:s29+$0x4F00]  }
0x12c: {  	v20 =	vbroadcast v1, $0xC;
	v5 =	vadd.f32 v6, v5;
	v6 =	vadd.f32 v17, v24;
	v17 =	vld [tilespmem:s29+$0x4F10]  }
0x12d: {  	v3 =	vmul.f32 v3, v7;
	v24 =	vbroadcast v2, $0xC;
	v21 =	vld [tilespmem:s29+$0xCF10]  }
0x12e: {  	v16 =	vmul.f32 v16, v22;
	[tilespmem:s29+$0x14A90] =	vst v6;
	v6 =	vld [tilespmem:s29+$0xCF00];
	v13 =	vmul.f32 v13, v20  }
0x12f: {  	v3 =	vadd.f32 v3, v4;
	[tilespmem:s29+$0x14A80] =	vst v5;
	v4 =	vld [tilespmem:s29+$0x4E90];
	v5 =	vmul.f32 v15, v23;
	v15 =	vmul.f32 v18, v24  }
0x130: {  	v22 =	vbroadcast v1, $0xA;
	v23 =	vbroadcast v2, $0xA;
	v18 =	vld [tilespmem:s29+$0xCE80]  }
0x131: {  	[tilespmem:s29+$0x14A10] =	vst v3;
	v3 =	vbroadcast v1, $0x9;
	v26 =	vld [tilespmem:s29+$0xCE90];
	v5 =	vadd.f32 v5, v16;
	v13 =	vadd.f32 v15, v13  }
0x132: {  	v16 =	vmul.f32 v17, v22;
	v15 =	vld [tilespmem:s29+$0x4E10];
	v17 =	vmul.f32 v21, v23  }
0x133: {  	v12 =	vmul.f32 v12, v22;
	v21 =	vld [tilespmem:s29+$0xCE00];
	v6 =	vmul.f32 v6, v23;
	[tilespmem:s29+$0x15000] =	vst v13  }
0x134: {  	v22 =	vbroadcast v2, $0x9;
	v13 =	vld [tilespmem:s29+$0xCE10];
	v4 =	vmul.f32 v4, v3;
	v16 =	vadd.f32 v17, v16;
	[tilespmem:s29+$0x14F80] =	vst v5  }
0x135: {  	v17 =	vbroadcast v1, $0x8;
	v3 =	vmul.f32 v25, v3;
	v5 =	vld [tilespmem:s29+$0x4D80];
	v6 =	vadd.f32 v6, v12  }
0x136: {  	v18 =	vmul.f32 v18, v22;
	v12 =	vld [tilespmem:s29+$0x4D90];
	v22 =	vmul.f32 v26, v22;
	[tilespmem:s29+$0x14F10] =	vst v16  }
0x137: {  	v23 =	vbroadcast v2, $0x8;
	v16 =	vld [tilespmem:s29+$0xCD90];
	v15 =	vmul.f32 v15, v17;
	[tilespmem:s29+$0x14F00] =	vst v6  }
0x138: {  	v17 =	vmul.f32 v19, v17;
	v3 =	vadd.f32 v18, v3;
	v6 =	vld [tilespmem:s29+$0xCD80];
	v4 =	vadd.f32 v22, v4  }
0x139: {  	v19 =	vmul.f32 v21, v23;
	v18 =	vld [tilespmem:s29+$0x4D10];
	v13 =	vmul.f32 v13, v23  }
0x13a: {  	v22 =	vbroadcast v1, $0x7;
	v23 =	vbroadcast v2, $0x7;
	v21 =	vld [tilespmem:s29+$0xCD00];
	[tilespmem:s29+$0x14E90] =	vst v4  }
0x13b: {  	v4 =	vbroadcast v1, $0x6;
	v17 =	vadd.f32 v19, v17;
	v25 =	vld [tilespmem:s29+$0xCD10];
	v13 =	vadd.f32 v13, v15;
	[tilespmem:s29+$0x14E80] =	vst v3  }
0x13c: {  	v12 =	vmul.f32 v12, v22;
	v3 =	vld [tilespmem:s29+$0xCC90];
	v15 =	vmul.f32 v16, v23  }
0x13d: {  	v5 =	vmul.f32 v5, v22;
	v6 =	vmul.f32 v6, v23;
	[tilespmem:s29+$0x14E10] =	vst v13;
	v13 =	vld [tilespmem:s29+$0x5010]  }
0x13e: {  	v16 =	vbroadcast v2, $0x6;
	v18 =	vmul.f32 v18, v4;
	v12 =	vadd.f32 v15, v12;
	[tilespmem:s29+$0x14E00] =	vst v17;
	v15 =	vld [tilespmem:s29+$0xD010]  }
0x13f: {  	v17 =	vbroadcast v1, $0x5;
	v4 =	vmul.f32 v14, v4;
	v5 =	vadd.f32 v6, v5;
	v6 =	vld [tilespmem:s29+$0x5080]  }
0x140: {  	v14 =	vmul.f32 v21, v16;
	v16 =	vmul.f32 v25, v16;
	[tilespmem:s29+$0x14D90] =	vst v12;
	v12 =	vld [tilespmem:s29+$0xD080]  }
0x141: {  	v19 =	vbroadcast v2, $0x5;
	v11 =	vmul.f32 v11, v17;
	[tilespmem:s29+$0x14D80] =	vst v5;
	v5 =	vld [tilespmem:s29+$0x5090]  }
0x142: {  	v9 =	vmul.f32 v9, v17;
	v4 =	vadd.f32 v14, v4;
	v14 =	vadd.f32 v16, v18;
	v16 =	vld [tilespmem:s29+$0xD090]  }
0x143: {  	v10 =	vmul.f32 v10, v19;
	v3 =	vmul.f32 v3, v19;
	v17 =	vld [tilespmem:s29+$0x5100]  }
0x144: {  	v13 =	vmul.f32 v13, v20;
	[tilespmem:s29+$0x14D10] =	vst v14;
	v14 =	vmul.f32 v15, v24;
	v15 =	vld [tilespmem:s29+$0xD100]  }
0x145: {  	v9 =	vadd.f32 v10, v9;
	v3 =	vadd.f32 v3, v11;
	[tilespmem:s29+$0x14D00] =	vst v4;
	v4 =	vbroadcast v1, $0xD;
	v10 =	vld [tilespmem:s29+$0x5110]  }
0x146: {  	v11 =	vadd.f32 v14, v13;
	v13 =	vbroadcast v2, $0xD;
	v14 =	vbroadcast v1, $0xE;
	v18 =	vld [tilespmem:s29+$0xD110]  }
0x147: {  	[tilespmem:s29+$0x14C90] =	vst v3;
	v3 =	vmul.f32 v6, v4;
	v4 =	vmul.f32 v5, v4;
	v5 =	vld [tilespmem:s29+$0x5180]  }
0x148: {  	[tilespmem:s29+$0x14C80] =	vst v9;
	v6 =	vmul.f32 v12, v13;
	v9 =	vmul.f32 v16, v13;
	v12 =	vld [tilespmem:s29+$0xD180]  }
0x149: {  	v13 =	vbroadcast v2, $0xE;
	[tilespmem:s29+$0x15010] =	vst v11;
	v11 =	vmul.f32 v17, v14;
	v16 =	vld [tilespmem:s29+$0x5190]  }
0x14a: {  	v3 =	vadd.f32 v6, v3;
	v6 =	vadd.f32 v9, v4;
	v9 =	vmul.f32 v10, v14;
	v10 =	vld [tilespmem:s29+$0xD190]  }
0x14b: {  	s31 =	sshra.s32 s11, $0x2;
	v15 =	vmul.f32 v15, v13;
	v14 =	vld [tilespmem:s29+$0xCA00];
	v13 =	vmul.f32 v18, v13  }
0x14c: {  	v1 =	vbroadcast v1, $0xF;
	v2 =	vbroadcast v2, $0xF;
	v17 =	vld [tilespmem:s31+$0x4A00];
	[tilespmem:s29+$0x15080] =	vst v3  }
0x14d: {  	v18 =	vmul.f32 v0, v8;
	v0 =	vadd.f32 v15, v11;
	v4 =	vld [tilespmem:s31+$0x4A10];
	[tilespmem:s29+$0x15090] =	vst v6;
	v8 =	vadd.f32 v13, v9  }
0x14e: {  	v9 =	vmul.f32 v5, v1;
	v11 =	vmul.f32 v12, v2;
	v3 =	vld [tilespmem:s31+$0xCA10]  }
0x14f: {  	v12 =	vmul.f32 v16, v1;
	v5 =	vld [tilespmem:s31+$0x4A80];
	[tilespmem:s29+$0x15100] =	vst v0;
	v1 =	vmul.f32 v10, v2  }
0x150: {  	v9 =	vadd.f32 v11, v9;
	v6 =	vld [tilespmem:s31+$0xCA80];
	v2 =	vmul.f32 v14, v7;
	[tilespmem:s29+$0x15110] =	vst v8  }
0x151: {  	v8 =	vld [tilespmem:s31+$0x4A90];
	v1 =	vadd.f32 v1, v12;
	v0 =	vmov v17  }
0x152: {  	v7 =	vld [tilespmem:s31+$0xCA90];
	v2 =	vadd.f32 v2, v18;
	[tilespmem:s29+$0x15180] =	vst v9  }
0x153: {  	v12 =	vld [tilespmem:s31+$0x4B00];
	[tilespmem:s29+$0x15190] =	vst v1  }
0x154: {  	v13 =	vld [tilespmem:s31+$0xCB00];
	[tilespmem:s29+$0x14A00] =	vst v2;
	s29 =	smov.u32 s31  }
0x155: {  	v15 =	vld [tilespmem:s29+$0x4B80]  }
.Ltmp1:
0x156: {  	v14 =	vld [tilespmem:s29+$0xCB80];
	(pc) =	sbr.rel @p0 .LBB2_4-.Ltmp1, $4  }
0x157: {  	v11 =	vld [tilespmem:s29+$0x4C00]  }
0x158: {  	s10 =	sadd.s32 $0x10, s10;
	v9 =	vld [tilespmem:s29+$0x4C10]  }
0x159: {  	s30 =	sadd.s32 $0x10, s30;
	v1 =	vld [tilespmem:s10+$0x0]  }
0x15a: {  	s11 =	sadd.s32 $0x2000, s11;
	v2 =	vld [tilespmem:s30+$0x0]  }
0x15b: {  	v10 =	vld [tilespmem:s29+$0x4F90]  }
0x15c: {  	v16 =	vld [tilespmem:s29+$0xCF90]  }
0x15d: {  	v17 =	vld [tilespmem:s29+$0xCC10]  }
0x15e: {  	v18 =	vld [tilespmem:s29+$0xCC00]  }
0x15f: {  	v19 =	vld [tilespmem:s29+$0x4B90];
	v20 =	vbroadcast v1, $0xB;
	v21 =	vbroadcast v2, $0xB  }
0x160: {  	v22 =	vld [tilespmem:s29+$0xCB90];
	v23 =	vbroadcast v1, $0x4;
	v24 =	vbroadcast v2, $0x4  }
0x161: {  	v25 =	vld [tilespmem:s29+$0x4B10];
	v10 =	vmul.f32 v10, v20;
	v16 =	vmul.f32 v16, v21  }
0x162: {  	v26 =	vld [tilespmem:s29+$0xCB10];
	v27 =	vmul.f32 v9, v23;
	v17 =	vmul.f32 v17, v24  }
0x163: {  	v36 =	vld [tilespmem:s29+$0x4D00];
	v33 =	vbroadcast v1, $0x3;
	v34 =	vbroadcast v2, $0x3;
	v16 =	vadd.f32 v16, v10  }
0x164: {  	v39 =	vld [tilespmem:s29+$0x4E80];
	v23 =	vmul.f32 v11, v23;
	v18 =	vmul.f32 v18, v24;
	v17 =	vadd.f32 v17, v27  }
0x165: {  	v40 =	vld [tilespmem:s29+$0x4F80];
	v37 =	vbroadcast v1, $0x2;
	v41 =	vbroadcast v1, $0x1;
	[tilespmem:s29+$0x14F90] =	vst v16  }
0x166: {  	v44 =	vld [tilespmem:s29+$0xCF10];
	v35 =	vmul.f32 v22, v34;
	v16 =	vadd.f32 v18, v23;
	[tilespmem:s29+$0x14C10] =	vst v17;
	v17 =	vmul.f32 v19, v33  }
0x167: {  	v46 =	vld [tilespmem:s29+$0xCE80];
	v38 =	vbroadcast v2, $0x2;
	v42 =	vbroadcast v2, $0x1  }
0x168: {  	v49 =	vld [tilespmem:s29+$0xCE00];
	v15 =	vmul.f32 v15, v33;
	v14 =	vmul.f32 v14, v34;
	[tilespmem:s29+$0x14C00] =	vst v16;
	v16 =	vadd.f32 v35, v17  }
0x169: {  	v50 =	vld [tilespmem:s29+$0xCE10];
	v12 =	vmul.f32 v12, v37;
	v13 =	vmul.f32 v13, v38  }
0x16a: {  	v53 =	vld [tilespmem:s29+$0xCD80];
	v14 =	vadd.f32 v14, v15;
	v15 =	vmul.f32 v25, v37;
	[tilespmem:s29+$0x14B90] =	vst v16;
	v16 =	vmul.f32 v26, v38  }
0x16b: {  	v55 =	vld [tilespmem:s29+$0xCD00];
	v12 =	vadd.f32 v13, v12  }
0x16c: {  	v57 =	vld [tilespmem:s29+$0xCC90];
	v8 =	vmul.f32 v8, v41;
	v7 =	vmul.f32 v7, v42;
	[tilespmem:s29+$0x14B80] =	vst v14;
	v14 =	vadd.f32 v16, v15  }
0x16d: {  	v13 =	vld [tilespmem:s29+$0xD000];
	[tilespmem:s29+$0x14B00] =	vst v12  }
0x16e: {  	v43 =	vmul.f32 v6, v42;
	v7 =	vadd.f32 v7, v8;
	v12 =	vld [tilespmem:s29+$0x4F00];
	[tilespmem:s29+$0x14B10] =	vst v14;
	v14 =	vmul.f32 v5, v41  }
0x16f: {  	v6 =	vbroadcast v1, $0x0;
	v16 =	vld [tilespmem:s29+$0x5000];
	v5 =	vbroadcast v2, $0x0  }
0x170: {  	v47 =	vbroadcast v1, $0xA;
	[tilespmem:s29+$0x14A90] =	vst v7;
	v7 =	vld [tilespmem:s29+$0xCF00];
	v14 =	vadd.f32 v43, v14  }
0x171: {  	v4 =	vmul.f32 v4, v6;
	v15 =	vld [tilespmem:s29+$0xCF80];
	v3 =	vmul.f32 v3, v5  }
0x172: {  	v61 =	vld [tilespmem:s29+$0x5100];
	v45 =	vbroadcast v2, $0xC;
	[tilespmem:s29+$0x14A80] =	vst v14;
	v14 =	vbroadcast v1, $0xC  }
0x173: {  	v48 =	vbroadcast v2, $0xA;
	v52 =	vbroadcast v2, $0x9;
	v8 =	vld [tilespmem:s29+$0x4F10];
	v3 =	vadd.f32 v3, v4  }
0x174: {  	v13 =	vmul.f32 v13, v45;
	v4 =	vld [tilespmem:s29+$0x4E90];
	v16 =	vmul.f32 v16, v14  }
0x175: {  	v12 =	vmul.f32 v12, v47;
	v7 =	vmul.f32 v7, v48;
	[tilespmem:s29+$0x14A10] =	vst v3;
	v3 =	vld [tilespmem:s29+$0xCE90]  }
0x176: {  	v20 =	vmul.f32 v40, v20;
	v15 =	vmul.f32 v15, v21;
	v13 =	vadd.f32 v13, v16;
	v16 =	vld [tilespmem:s29+$0x4E10]  }
0x177: {  	v51 =	vbroadcast v1, $0x9;
	v22 =	vmul.f32 v46, v52;
	v17 =	vld [tilespmem:s29+$0x4E00];
	v7 =	vadd.f32 v7, v12  }
0x178: {  	v63 =	vld [tilespmem:s29+$0xCA00];
	v8 =	vmul.f32 v8, v47;
	v15 =	vadd.f32 v15, v20;
	[tilespmem:s29+$0x15000] =	vst v13;
	v13 =	vmul.f32 v44, v48  }
0x179: {  	v9 =	vld [tilespmem:s29+$0x4C80];
	v12 =	vmul.f32 v39, v51;
	[tilespmem:s29+$0x14F00] =	vst v7;
	v7 =	vbroadcast v1, $0x8  }
0x17a: {  	v54 =	vbroadcast v2, $0x8;
	[tilespmem:s29+$0x14F80] =	vst v15;
	v15 =	vld [tilespmem:s29+$0x4D90];
	v4 =	vmul.f32 v4, v51;
	v8 =	vadd.f32 v13, v8  }
0x17b: {  	v12 =	vadd.f32 v22, v12;
	v3 =	vmul.f32 v3, v52;
	v13 =	vld [tilespmem:s29+$0x4D80];
	v16 =	vmul.f32 v16, v7  }
0x17c: {  	v7 =	vmul.f32 v17, v7;
	v17 =	vmul.f32 v49, v54;
	[tilespmem:s29+$0x14F10] =	vst v8;
	v8 =	vld [tilespmem:s29+$0xCD90]  }
0x17d: {  	[tilespmem:s29+$0x14E80] =	vst v12;
	v12 =	vbroadcast v1, $0x7;
	v20 =	vmul.f32 v50, v54;
	v3 =	vadd.f32 v3, v4;
	v4 =	vld [tilespmem:s29+$0x4D10]  }
0x17e: {  	v56 =	vbroadcast v2, $0x7;
	v11 =	vld [tilespmem:s29+$0x4C90];
	v7 =	vadd.f32 v17, v7  }
0x17f: {  	v15 =	vmul.f32 v15, v12;
	[tilespmem:s29+$0x14E90] =	vst v3;
	v3 =	vld [tilespmem:s29+$0xCD10];
	v16 =	vadd.f32 v20, v16;
	v17 =	vbroadcast v1, $0x6  }
0x180: {  	v10 =	vld [tilespmem:s29+$0xCC80];
	[tilespmem:s29+$0x14E00] =	vst v7;
	v7 =	vmul.f32 v13, v12;
	v12 =	vmul.f32 v53, v56  }
0x181: {  	v58 =	vbroadcast v2, $0x6;
	[tilespmem:s29+$0x14E10] =	vst v16;
	v16 =	vld [tilespmem:s29+$0x5010];
	v8 =	vmul.f32 v8, v56  }
0x182: {  	v59 =	vbroadcast v1, $0x5;
	v13 =	vld [tilespmem:s29+$0xD010];
	v4 =	vmul.f32 v4, v17;
	v7 =	vadd.f32 v12, v7  }
0x183: {  	v12 =	vmul.f32 v36, v17;
	v17 =	vmul.f32 v55, v58;
	v8 =	vadd.f32 v8, v15;
	v15 =	vld [tilespmem:s29+$0x5080]  }
0x184: {  	v60 =	vbroadcast v2, $0x5;
	v3 =	vmul.f32 v3, v58;
	[tilespmem:s29+$0x14D80] =	vst v7;
	v7 =	vld [tilespmem:s29+$0x5090]  }
0x185: {  	v12 =	vadd.f32 v17, v12;
	v17 =	vld [tilespmem:s29+$0xD100]  }
0x186: {  	v9 =	vmul.f32 v9, v59;
	v10 =	vmul.f32 v10, v60;
	v3 =	vadd.f32 v3, v4;
	v4 =	vld [tilespmem:s29+$0xD090];
	[tilespmem:s29+$0x14D90] =	vst v8  }
0x187: {  	v14 =	vmul.f32 v16, v14;
	v13 =	vmul.f32 v13, v45;
	v8 =	vld [tilespmem:s29+$0xD080];
	[tilespmem:s29+$0x14D00] =	vst v12  }
0x188: {  	v9 =	vadd.f32 v10, v9;
	v12 =	vld [tilespmem:s29+$0xD110];
	[tilespmem:s29+$0x14D10] =	vst v3;
	v3 =	vmul.f32 v11, v59;
	v11 =	vmul.f32 v57, v60  }
0x189: {  	v0 =	vmul.f32 v0, v6;
	v10 =	vbroadcast v1, $0xD;
	v13 =	vadd.f32 v13, v14;
	v14 =	vld [tilespmem:s29+$0xD180]  }
0x18a: {  	[tilespmem:s29+$0x14C80] =	vst v9;
	v9 =	vbroadcast v2, $0xD;
	v5 =	vmul.f32 v63, v5;
	v3 =	vadd.f32 v11, v3;
	v11 =	vld [tilespmem:s29+$0x5110]  }
0x18b: {  	v16 =	vbroadcast v1, $0xE;
	v15 =	vmul.f32 v15, v10;
	[tilespmem:s29+$0x15010] =	vst v13;
	v13 =	vld [tilespmem:s29+$0x5190]  }
0x18c: {  	v7 =	vmul.f32 v7, v10;
	v10 =	vbroadcast v2, $0xE;
	[tilespmem:s29+$0x14C90] =	vst v3;
	v3 =	vld [tilespmem:s29+$0x5180]  }
0x18d: {  	v4 =	vmul.f32 v4, v9;
	v8 =	vmul.f32 v8, v9;
	v9 =	vld [tilespmem:s29+$0xD190]  }
0x18e: {  	v0 =	vadd.f32 v5, v0;
	v1 =	vbroadcast v1, $0xF;
	v62 =	vmul.f32 v61, v16  }
0x18f: {  	v2 =	vbroadcast v2, $0xF;
	v17 =	vmul.f32 v17, v10;
	v8 =	vadd.f32 v8, v15  }
0x190: {  	[tilespmem:s29+$0x14A00] =	vst v0;
	v10 =	vmul.f32 v12, v10;
	v4 =	vadd.f32 v4, v7;
	v7 =	vmul.f32 v11, v16  }
0x191: {  	v11 =	vmul.f32 v14, v2;
	[tilespmem:s29+$0x15080] =	vst v8;
	v8 =	vadd.f32 v17, v62;
	v3 =	vmul.f32 v3, v1  }
0x192: {  	[tilespmem:s29+$0x15090] =	vst v4;
	v4 =	vadd.f32 v10, v7;
	v1 =	vmul.f32 v13, v1;
	v2 =	vmul.f32 v9, v2  }
0x193: {  	[tilespmem:s29+$0x15100] =	vst v8;
	v3 =	vadd.f32 v11, v3  }
0x194: {  	[tilespmem:s29+$0x15110] =	vst v4;
	v1 =	vadd.f32 v2, v1  }
0x195: {  	[tilespmem:s29+$0x15180] =	vst v3  }
0x196: {  	s10 =	simm.s32 $0x0;
	[tilespmem:s29+$0x15190] =	vst v1  }
0x197: {  	[hbm4b:s19+s10] =	stream.linear.scatter [tilespmem:s7], [sflag:$0x4], $0x4000, $0x38;
	[tilespmem:$0x18A00] =	vst v63  }
0x198: {  	_ =	swait.ge [sflag:s28], $0x80  }
0x199: {  	[sflag:s28] =	ssyncset.done $0x0  }
0x19a: {  	[sflag:s28] =	ssyncadd.s32 $0xFFFFFF80  }
0x19b: {  	_ =	swait.ge [sflag:s28], $0x80  }
0x19c: {  	[sflag:s28] =	ssyncset.done $0x0  }
0x19d: {  	s11 =	simm.s32 $0x380;
	s0 =	simm.s32 $0x4A00;
	[sflag:s28] =	ssyncadd.s32 $0xFFFFFF80  }
0x19e: {  	[tilespmem:s0], [sflag:$0x3] =	stream.indirect.gather [hbm4b:s5+s23], $0x80, s11, s23, $0xb8;
	[tilespmem:$0x18A00] =	vst v63  }
0x19f: {  	s31 =	simm.s32 $0x580  }
0x1a0: {  	[tilespmem:s12], [sflag:$0x3] =	stream.indirect.gather [hbm4b:s5+s23], $0x80, s31, s23, $0xb8;
	[tilespmem:$0x18A00] =	vst v63  }
0x1a1: {  	_ =	swait.ge [sflag:s6], $0x4000  }
0x1a2: {  	[sflag:s6] =	ssyncset.done $0x0  }
0x1a3: {  	[sflag:s6] =	ssyncadd.s32 $0xFFFFC000  }
0x1a4: {  	_ =	swait.ge [sflag:s6], $0x4000  }
0x1a5: {  	[sflag:s6] =	ssyncset.done $0x0  }
0x1a6: {  	[sflag:s6] =	ssyncadd.s32 $0xFFFFC000  }
0x1a7: {  	_ =	swait.ge [sflag:s2], $0x80  }
0x1a8: {  	[sflag:s2] =	ssyncset.done $0x0  }
0x1a9: {  	[sflag:s2] =	ssyncadd.s32 $0xFFFFFF80  }
0x1aa: {  	_ =	swait.ge [sflag:s2], $0x80  }
0x1ab: {  	[sflag:s2] =	ssyncset.done $0x0  }
0x1ac: {  	[sflag:s2] =	ssyncadd.s32 $0xFFFFFF80  }
0x1ad: {  	_ =	swait.ge [sflag:s8], $0x4000  }
0x1ae: {  	[sflag:s8] =	ssyncset.done $0x0  }
0x1af: {  	s29 =	simm.s32 $0x0;
	[sflag:s8] =	ssyncadd.s32 $0xFFFFC000  }
0x1b0: {  	v0 =	vld [tilespmem:s29+$0xA00]  }
0x1b1: {  	v4 =	vld [tilespmem:s29+$0xA10]  }
0x1b2: {  	v3 =	vld [tilespmem:s29+$0x8A10]  }
0x1b3: {  	v5 =	vld [tilespmem:s29+$0xA80]  }
0x1b4: {  	v6 =	vld [tilespmem:s29+$0x8A80]  }
0x1b5: {  	v8 =	vld [tilespmem:s29+$0xA90]  }
0x1b6: {  	v7 =	vld [tilespmem:s29+$0x8A90]  }
0x1b7: {  	v12 =	vld [tilespmem:s29+$0xB00]  }
0x1b8: {  	v13 =	vld [tilespmem:s29+$0x8B00]  }
0x1b9: {  	v15 =	vld [tilespmem:s29+$0xB80]  }
0x1ba: {  	v14 =	vld [tilespmem:s29+$0x8B80]  }
0x1bb: {  	v11 =	vld [tilespmem:s29+$0xC00]  }
0x1bc: {  	s10 =	simm.s32 $0x700;
	v9 =	vld [tilespmem:s29+$0xC10]  }
0x1bd: {  	s30 =	simm.s32 $0x900;
	v1 =	vld [tilespmem:s10+$0x0]  }
0x1be: {  	s11 =	simm.s32 $0x2000;
	v2 =	vld [tilespmem:s30+$0x0]  }
.LBB2_6:
0x1bf: {  	p0 =	sne.s32 s11, $0xE000;
	v10 =	vld [tilespmem:s29+$0xF90]  }
0x1c0: {  	v16 =	vld [tilespmem:s29+$0x8F90]  }
0x1c1: {  	v17 =	vld [tilespmem:s29+$0x8C10]  }
0x1c2: {  	v18 =	vbroadcast v1, $0x3;
	v19 =	vbroadcast v1, $0x4;
	v20 =	vld [tilespmem:s29+$0x8C00]  }
0x1c3: {  	v22 =	vbroadcast v1, $0xB;
	v21 =	vld [tilespmem:s29+$0xB90];
	v23 =	vbroadcast v2, $0xB  }
0x1c4: {  	v25 =	vbroadcast v2, $0x4;
	v24 =	vld [tilespmem:s29+$0x8B90];
	v26 =	vmul.f32 v9, v19  }
0x1c5: {  	v10 =	vmul.f32 v10, v22;
	v27 =	vld [tilespmem:s29+$0xB10];
	v16 =	vmul.f32 v16, v23  }
0x1c6: {  	v11 =	vmul.f32 v11, v19;
	v28 =	vld [tilespmem:s29+$0x8B10];
	v17 =	vmul.f32 v17, v25  }
0x1c7: {  	v19 =	vbroadcast v2, $0x3;
	v20 =	vmul.f32 v20, v25;
	v9 =	vld [tilespmem:s29+$0xC80];
	v16 =	vadd.f32 v16, v10  }
0x1c8: {  	v15 =	vmul.f32 v15, v18;
	v18 =	vmul.f32 v21, v18;
	v17 =	vadd.f32 v17, v26;
	v10 =	vld [tilespmem:s29+$0x8C80]  }
0x1c9: {  	v21 =	vmul.f32 v14, v19;
	v19 =	vmul.f32 v24, v19;
	v20 =	vadd.f32 v20, v11;
	v11 =	vld [tilespmem:s29+$0xC90];
	[tilespmem:s29+$0x10F90] =	vst v16  }
0x1ca: {  	v16 =	vbroadcast v1, $0x2;
	v24 =	vbroadcast v2, $0x2;
	[tilespmem:s29+$0x10C10] =	vst v17;
	v14 =	vld [tilespmem:s29+$0xD00]  }
0x1cb: {  	v17 =	vbroadcast v1, $0x1;
	v15 =	vadd.f32 v21, v15;
	v18 =	vadd.f32 v19, v18;
	[tilespmem:s29+$0x10C00] =	vst v20;
	v19 =	vld [tilespmem:s29+$0xE00]  }
0x1cc: {  	v20 =	vmul.f32 v27, v16;
	v21 =	vmul.f32 v28, v24;
	v25 =	vld [tilespmem:s29+$0xE80]  }
0x1cd: {  	v12 =	vmul.f32 v12, v16;
	v13 =	vmul.f32 v13, v24;
	[tilespmem:s29+$0x10B90] =	vst v18;
	v16 =	vld [tilespmem:s29+$0xF80]  }
0x1ce: {  	v24 =	vmul.f32 v8, v17;
	v18 =	vbroadcast v2, $0x1;
	v20 =	vadd.f32 v21, v20;
	[tilespmem:s29+$0x10B80] =	vst v15;
	v15 =	vld [tilespmem:s29+$0x8F80]  }
0x1cf: {  	v8 =	vbroadcast v1, $0x0;
	v5 =	vmul.f32 v5, v17;
	v12 =	vadd.f32 v13, v12;
	v13 =	vld [tilespmem:s29+$0x1000]  }
0x1d0: {  	v6 =	vmul.f32 v6, v18;
	v17 =	vmul.f32 v7, v18;
	[tilespmem:s29+$0x10B10] =	vst v20;
	v18 =	vld [tilespmem:s29+$0x9000]  }
0x1d1: {  	v4 =	vmul.f32 v4, v8;
	v7 =	vbroadcast v2, $0x0;
	[tilespmem:s29+$0x10B00] =	vst v12;
	v12 =	vld [tilespmem:s29+$0xF00]  }
0x1d2: {  	v20 =	vbroadcast v1, $0xC;
	v5 =	vadd.f32 v6, v5;
	v6 =	vadd.f32 v17, v24;
	v17 =	vld [tilespmem:s29+$0xF10]  }
0x1d3: {  	v3 =	vmul.f32 v3, v7;
	v24 =	vbroadcast v2, $0xC;
	v21 =	vld [tilespmem:s29+$0x8F10]  }
0x1d4: {  	v16 =	vmul.f32 v16, v22;
	[tilespmem:s29+$0x10A90] =	vst v6;
	v6 =	vld [tilespmem:s29+$0x8F00];
	v13 =	vmul.f32 v13, v20  }
0x1d5: {  	v3 =	vadd.f32 v3, v4;
	[tilespmem:s29+$0x10A80] =	vst v5;
	v4 =	vld [tilespmem:s29+$0xE90];
	v5 =	vmul.f32 v15, v23;
	v15 =	vmul.f32 v18, v24  }
0x1d6: {  	v22 =	vbroadcast v1, $0xA;
	v23 =	vbroadcast v2, $0xA;
	v18 =	vld [tilespmem:s29+$0x8E80]  }
0x1d7: {  	[tilespmem:s29+$0x10A10] =	vst v3;
	v3 =	vbroadcast v1, $0x9;
	v26 =	vld [tilespmem:s29+$0x8E90];
	v5 =	vadd.f32 v5, v16;
	v13 =	vadd.f32 v15, v13  }
0x1d8: {  	v16 =	vmul.f32 v17, v22;
	v15 =	vld [tilespmem:s29+$0xE10];
	v17 =	vmul.f32 v21, v23  }
0x1d9: {  	v12 =	vmul.f32 v12, v22;
	v21 =	vld [tilespmem:s29+$0x8E00];
	v6 =	vmul.f32 v6, v23;
	[tilespmem:s29+$0x11000] =	vst v13  }
0x1da: {  	v22 =	vbroadcast v2, $0x9;
	v13 =	vld [tilespmem:s29+$0x8E10];
	v4 =	vmul.f32 v4, v3;
	v16 =	vadd.f32 v17, v16;
	[tilespmem:s29+$0x10F80] =	vst v5  }
0x1db: {  	v17 =	vbroadcast v1, $0x8;
	v3 =	vmul.f32 v25, v3;
	v5 =	vld [tilespmem:s29+$0xD80];
	v6 =	vadd.f32 v6, v12  }
0x1dc: {  	v18 =	vmul.f32 v18, v22;
	v12 =	vld [tilespmem:s29+$0xD90];
	v22 =	vmul.f32 v26, v22;
	[tilespmem:s29+$0x10F10] =	vst v16  }
0x1dd: {  	v23 =	vbroadcast v2, $0x8;
	v16 =	vld [tilespmem:s29+$0x8D90];
	v15 =	vmul.f32 v15, v17;
	[tilespmem:s29+$0x10F00] =	vst v6  }
0x1de: {  	v17 =	vmul.f32 v19, v17;
	v3 =	vadd.f32 v18, v3;
	v6 =	vld [tilespmem:s29+$0x8D80];
	v4 =	vadd.f32 v22, v4  }
0x1df: {  	v19 =	vmul.f32 v21, v23;
	v18 =	vld [tilespmem:s29+$0xD10];
	v13 =	vmul.f32 v13, v23  }
0x1e0: {  	v22 =	vbroadcast v1, $0x7;
	v23 =	vbroadcast v2, $0x7;
	v21 =	vld [tilespmem:s29+$0x8D00];
	[tilespmem:s29+$0x10E90] =	vst v4  }
0x1e1: {  	v4 =	vbroadcast v1, $0x6;
	v17 =	vadd.f32 v19, v17;
	v25 =	vld [tilespmem:s29+$0x8D10];
	v13 =	vadd.f32 v13, v15;
	[tilespmem:s29+$0x10E80] =	vst v3  }
0x1e2: {  	v12 =	vmul.f32 v12, v22;
	v3 =	vld [tilespmem:s29+$0x8C90];
	v15 =	vmul.f32 v16, v23  }
0x1e3: {  	v5 =	vmul.f32 v5, v22;
	v6 =	vmul.f32 v6, v23;
	[tilespmem:s29+$0x10E10] =	vst v13;
	v13 =	vld [tilespmem:s29+$0x1010]  }
0x1e4: {  	v16 =	vbroadcast v2, $0x6;
	v18 =	vmul.f32 v18, v4;
	v12 =	vadd.f32 v15, v12;
	[tilespmem:s29+$0x10E00] =	vst v17;
	v15 =	vld [tilespmem:s29+$0x9010]  }
0x1e5: {  	v17 =	vbroadcast v1, $0x5;
	v4 =	vmul.f32 v14, v4;
	v5 =	vadd.f32 v6, v5;
	v6 =	vld [tilespmem:s29+$0x1080]  }
0x1e6: {  	v14 =	vmul.f32 v21, v16;
	v16 =	vmul.f32 v25, v16;
	[tilespmem:s29+$0x10D90] =	vst v12;
	v12 =	vld [tilespmem:s29+$0x9080]  }
0x1e7: {  	v19 =	vbroadcast v2, $0x5;
	v11 =	vmul.f32 v11, v17;
	[tilespmem:s29+$0x10D80] =	vst v5;
	v5 =	vld [tilespmem:s29+$0x1090]  }
0x1e8: {  	v9 =	vmul.f32 v9, v17;
	v4 =	vadd.f32 v14, v4;
	v14 =	vadd.f32 v16, v18;
	v16 =	vld [tilespmem:s29+$0x9090]  }
0x1e9: {  	v10 =	vmul.f32 v10, v19;
	v3 =	vmul.f32 v3, v19;
	v17 =	vld [tilespmem:s29+$0x1100]  }
0x1ea: {  	v13 =	vmul.f32 v13, v20;
	[tilespmem:s29+$0x10D10] =	vst v14;
	v14 =	vmul.f32 v15, v24;
	v15 =	vld [tilespmem:s29+$0x9100]  }
0x1eb: {  	v9 =	vadd.f32 v10, v9;
	v3 =	vadd.f32 v3, v11;
	[tilespmem:s29+$0x10D00] =	vst v4;
	v4 =	vbroadcast v1, $0xD;
	v10 =	vld [tilespmem:s29+$0x1110]  }
0x1ec: {  	v11 =	vadd.f32 v14, v13;
	v13 =	vbroadcast v2, $0xD;
	v14 =	vbroadcast v1, $0xE;
	v18 =	vld [tilespmem:s29+$0x9110]  }
0x1ed: {  	[tilespmem:s29+$0x10C90] =	vst v3;
	v3 =	vmul.f32 v6, v4;
	v4 =	vmul.f32 v5, v4;
	v5 =	vld [tilespmem:s29+$0x1180]  }
0x1ee: {  	[tilespmem:s29+$0x10C80] =	vst v9;
	v6 =	vmul.f32 v12, v13;
	v9 =	vmul.f32 v16, v13;
	v12 =	vld [tilespmem:s29+$0x9180]  }
0x1ef: {  	v13 =	vbroadcast v2, $0xE;
	[tilespmem:s29+$0x11010] =	vst v11;
	v11 =	vmul.f32 v17, v14;
	v16 =	vld [tilespmem:s29+$0x1190]  }
0x1f0: {  	v3 =	vadd.f32 v6, v3;
	v6 =	vadd.f32 v9, v4;
	v9 =	vmul.f32 v10, v14;
	v10 =	vld [tilespmem:s29+$0x9190]  }
0x1f1: {  	s31 =	sshra.s32 s11, $0x2;
	v15 =	vmul.f32 v15, v13;
	v14 =	vld [tilespmem:s29+$0x8A00];
	v13 =	vmul.f32 v18, v13  }
0x1f2: {  	v1 =	vbroadcast v1, $0xF;
	v2 =	vbroadcast v2, $0xF;
	v17 =	vld [tilespmem:s31+$0xA00];
	[tilespmem:s29+$0x11080] =	vst v3  }
0x1f3: {  	v18 =	vmul.f32 v0, v8;
	v0 =	vadd.f32 v15, v11;
	v4 =	vld [tilespmem:s31+$0xA10];
	[tilespmem:s29+$0x11090] =	vst v6;
	v8 =	vadd.f32 v13, v9  }
0x1f4: {  	v9 =	vmul.f32 v5, v1;
	v11 =	vmul.f32 v12, v2;
	v3 =	vld [tilespmem:s31+$0x8A10]  }
0x1f5: {  	v12 =	vmul.f32 v16, v1;
	v5 =	vld [tilespmem:s31+$0xA80];
	[tilespmem:s29+$0x11100] =	vst v0;
	v1 =	vmul.f32 v10, v2  }
0x1f6: {  	v9 =	vadd.f32 v11, v9;
	v6 =	vld [tilespmem:s31+$0x8A80];
	v2 =	vmul.f32 v14, v7;
	[tilespmem:s29+$0x11110] =	vst v8  }
0x1f7: {  	v8 =	vld [tilespmem:s31+$0xA90];
	v1 =	vadd.f32 v1, v12;
	v0 =	vmov v17  }
0x1f8: {  	v7 =	vld [tilespmem:s31+$0x8A90];
	v2 =	vadd.f32 v2, v18;
	[tilespmem:s29+$0x11180] =	vst v9  }
0x1f9: {  	v12 =	vld [tilespmem:s31+$0xB00];
	[tilespmem:s29+$0x11190] =	vst v1  }
0x1fa: {  	v13 =	vld [tilespmem:s31+$0x8B00];
	[tilespmem:s29+$0x10A00] =	vst v2;
	s29 =	smov.u32 s31  }
0x1fb: {  	v15 =	vld [tilespmem:s29+$0xB80]  }
.Ltmp2:
0x1fc: {  	v14 =	vld [tilespmem:s29+$0x8B80];
	(pc) =	sbr.rel @p0 .LBB2_6-.Ltmp2, $4  }
0x1fd: {  	v11 =	vld [tilespmem:s29+$0xC00]  }
0x1fe: {  	s10 =	sadd.s32 $0x10, s10;
	v9 =	vld [tilespmem:s29+$0xC10]  }
0x1ff: {  	s30 =	sadd.s32 $0x10, s30;
	v1 =	vld [tilespmem:s10+$0x0]  }
0x200: {  	s11 =	sadd.s32 $0x2000, s11;
	v2 =	vld [tilespmem:s30+$0x0]  }
0x201: {  	v10 =	vld [tilespmem:s29+$0xF90]  }
0x202: {  	v16 =	vld [tilespmem:s29+$0x8F90]  }
0x203: {  	v17 =	vld [tilespmem:s29+$0x8C10]  }
0x204: {  	v18 =	vld [tilespmem:s29+$0x8C00]  }
0x205: {  	v19 =	vld [tilespmem:s29+$0xB90];
	v20 =	vbroadcast v1, $0xB;
	v21 =	vbroadcast v2, $0xB  }
0x206: {  	v22 =	vld [tilespmem:s29+$0x8B90];
	v23 =	vbroadcast v1, $0x4;
	v24 =	vbroadcast v2, $0x4  }
0x207: {  	v25 =	vld [tilespmem:s29+$0xB10];
	v10 =	vmul.f32 v10, v20;
	v16 =	vmul.f32 v16, v21  }
0x208: {  	v26 =	vld [tilespmem:s29+$0x8B10];
	v27 =	vmul.f32 v9, v23;
	v17 =	vmul.f32 v17, v24  }
0x209: {  	v36 =	vld [tilespmem:s29+$0xD00];
	v33 =	vbroadcast v1, $0x3;
	v34 =	vbroadcast v2, $0x3;
	v16 =	vadd.f32 v16, v10  }
0x20a: {  	v39 =	vld [tilespmem:s29+$0xE80];
	v23 =	vmul.f32 v11, v23;
	v18 =	vmul.f32 v18, v24;
	v17 =	vadd.f32 v17, v27  }
0x20b: {  	v40 =	vld [tilespmem:s29+$0xF80];
	v37 =	vbroadcast v1, $0x2;
	v41 =	vbroadcast v1, $0x1;
	[tilespmem:s29+$0x10F90] =	vst v16  }
0x20c: {  	v44 =	vld [tilespmem:s29+$0x8F10];
	v35 =	vmul.f32 v22, v34;
	v16 =	vadd.f32 v18, v23;
	[tilespmem:s29+$0x10C10] =	vst v17;
	v17 =	vmul.f32 v19, v33  }
0x20d: {  	v46 =	vld [tilespmem:s29+$0x8E80];
	v38 =	vbroadcast v2, $0x2;
	v42 =	vbroadcast v2, $0x1  }
0x20e: {  	v49 =	vld [tilespmem:s29+$0x8E00];
	v15 =	vmul.f32 v15, v33;
	v14 =	vmul.f32 v14, v34;
	[tilespmem:s29+$0x10C00] =	vst v16;
	v16 =	vadd.f32 v35, v17  }
0x20f: {  	v50 =	vld [tilespmem:s29+$0x8E10];
	v12 =	vmul.f32 v12, v37;
	v13 =	vmul.f32 v13, v38  }
0x210: {  	v53 =	vld [tilespmem:s29+$0x8D80];
	v14 =	vadd.f32 v14, v15;
	v15 =	vmul.f32 v25, v37;
	[tilespmem:s29+$0x10B90] =	vst v16;
	v16 =	vmul.f32 v26, v38  }
0x211: {  	v55 =	vld [tilespmem:s29+$0x8D00];
	v12 =	vadd.f32 v13, v12  }
0x212: {  	v57 =	vld [tilespmem:s29+$0x8C90];
	v8 =	vmul.f32 v8, v41;
	v7 =	vmul.f32 v7, v42;
	[tilespmem:s29+$0x10B80] =	vst v14;
	v14 =	vadd.f32 v16, v15  }
0x213: {  	v13 =	vld [tilespmem:s29+$0x9000];
	[tilespmem:s29+$0x10B00] =	vst v12  }
0x214: {  	v43 =	vmul.f32 v6, v42;
	v7 =	vadd.f32 v7, v8;
	v12 =	vld [tilespmem:s29+$0xF00];
	[tilespmem:s29+$0x10B10] =	vst v14;
	v14 =	vmul.f32 v5, v41  }
0x215: {  	v6 =	vbroadcast v1, $0x0;
	v16 =	vld [tilespmem:s29+$0x1000];
	v5 =	vbroadcast v2, $0x0  }
0x216: {  	v47 =	vbroadcast v1, $0xA;
	[tilespmem:s29+$0x10A90] =	vst v7;
	v7 =	vld [tilespmem:s29+$0x8F00];
	v14 =	vadd.f32 v43, v14  }
0x217: {  	v4 =	vmul.f32 v4, v6;
	v15 =	vld [tilespmem:s29+$0x8F80];
	v3 =	vmul.f32 v3, v5  }
0x218: {  	v61 =	vld [tilespmem:s29+$0x1100];
	v45 =	vbroadcast v2, $0xC;
	[tilespmem:s29+$0x10A80] =	vst v14;
	v14 =	vbroadcast v1, $0xC  }
0x219: {  	v48 =	vbroadcast v2, $0xA;
	v52 =	vbroadcast v2, $0x9;
	v8 =	vld [tilespmem:s29+$0xF10];
	v3 =	vadd.f32 v3, v4  }
0x21a: {  	v13 =	vmul.f32 v13, v45;
	v4 =	vld [tilespmem:s29+$0xE90];
	v16 =	vmul.f32 v16, v14  }
0x21b: {  	v12 =	vmul.f32 v12, v47;
	v7 =	vmul.f32 v7, v48;
	[tilespmem:s29+$0x10A10] =	vst v3;
	v3 =	vld [tilespmem:s29+$0x8E90]  }
0x21c: {  	v20 =	vmul.f32 v40, v20;
	v15 =	vmul.f32 v15, v21;
	v13 =	vadd.f32 v13, v16;
	v16 =	vld [tilespmem:s29+$0xE10]  }
0x21d: {  	v51 =	vbroadcast v1, $0x9;
	v22 =	vmul.f32 v46, v52;
	v17 =	vld [tilespmem:s29+$0xE00];
	v7 =	vadd.f32 v7, v12  }
0x21e: {  	v63 =	vld [tilespmem:s29+$0x8A00];
	v8 =	vmul.f32 v8, v47;
	v15 =	vadd.f32 v15, v20;
	[tilespmem:s29+$0x11000] =	vst v13;
	v13 =	vmul.f32 v44, v48  }
0x21f: {  	v9 =	vld [tilespmem:s29+$0xC80];
	v12 =	vmul.f32 v39, v51;
	[tilespmem:s29+$0x10F00] =	vst v7;
	v7 =	vbroadcast v1, $0x8  }
0x220: {  	v54 =	vbroadcast v2, $0x8;
	[tilespmem:s29+$0x10F80] =	vst v15;
	v15 =	vld [tilespmem:s29+$0xD90];
	v4 =	vmul.f32 v4, v51;
	v8 =	vadd.f32 v13, v8  }
0x221: {  	v12 =	vadd.f32 v22, v12;
	v3 =	vmul.f32 v3, v52;
	v13 =	vld [tilespmem:s29+$0xD80];
	v16 =	vmul.f32 v16, v7  }
0x222: {  	v7 =	vmul.f32 v17, v7;
	v17 =	vmul.f32 v49, v54;
	[tilespmem:s29+$0x10F10] =	vst v8;
	v8 =	vld [tilespmem:s29+$0x8D90]  }
0x223: {  	[tilespmem:s29+$0x10E80] =	vst v12;
	v12 =	vbroadcast v1, $0x7;
	v20 =	vmul.f32 v50, v54;
	v3 =	vadd.f32 v3, v4;
	v4 =	vld [tilespmem:s29+$0xD10]  }
0x224: {  	v56 =	vbroadcast v2, $0x7;
	v11 =	vld [tilespmem:s29+$0xC90];
	v7 =	vadd.f32 v17, v7  }
0x225: {  	v15 =	vmul.f32 v15, v12;
	[tilespmem:s29+$0x10E90] =	vst v3;
	v3 =	vld [tilespmem:s29+$0x8D10];
	v16 =	vadd.f32 v20, v16;
	v17 =	vbroadcast v1, $0x6  }
0x226: {  	v10 =	vld [tilespmem:s29+$0x8C80];
	[tilespmem:s29+$0x10E00] =	vst v7;
	v7 =	vmul.f32 v13, v12;
	v12 =	vmul.f32 v53, v56  }
0x227: {  	v58 =	vbroadcast v2, $0x6;
	[tilespmem:s29+$0x10E10] =	vst v16;
	v16 =	vld [tilespmem:s29+$0x1010];
	v8 =	vmul.f32 v8, v56  }
0x228: {  	v59 =	vbroadcast v1, $0x5;
	v13 =	vld [tilespmem:s29+$0x9010];
	v4 =	vmul.f32 v4, v17;
	v7 =	vadd.f32 v12, v7  }
0x229: {  	v12 =	vmul.f32 v36, v17;
	v17 =	vmul.f32 v55, v58;
	v8 =	vadd.f32 v8, v15;
	v15 =	vld [tilespmem:s29+$0x1080]  }
0x22a: {  	v60 =	vbroadcast v2, $0x5;
	v3 =	vmul.f32 v3, v58;
	[tilespmem:s29+$0x10D80] =	vst v7;
	v7 =	vld [tilespmem:s29+$0x1090]  }
0x22b: {  	v12 =	vadd.f32 v17, v12;
	v17 =	vld [tilespmem:s29+$0x9100]  }
0x22c: {  	v9 =	vmul.f32 v9, v59;
	v10 =	vmul.f32 v10, v60;
	v3 =	vadd.f32 v3, v4;
	v4 =	vld [tilespmem:s29+$0x9090];
	[tilespmem:s29+$0x10D90] =	vst v8  }
0x22d: {  	v14 =	vmul.f32 v16, v14;
	v13 =	vmul.f32 v13, v45;
	v8 =	vld [tilespmem:s29+$0x9080];
	[tilespmem:s29+$0x10D00] =	vst v12  }
0x22e: {  	v9 =	vadd.f32 v10, v9;
	v12 =	vld [tilespmem:s29+$0x9110];
	[tilespmem:s29+$0x10D10] =	vst v3;
	v3 =	vmul.f32 v11, v59;
	v11 =	vmul.f32 v57, v60  }
0x22f: {  	v0 =	vmul.f32 v0, v6;
	v10 =	vbroadcast v1, $0xD;
	v13 =	vadd.f32 v13, v14;
	v14 =	vld [tilespmem:s29+$0x9180]  }
0x230: {  	[tilespmem:s29+$0x10C80] =	vst v9;
	v9 =	vbroadcast v2, $0xD;
	v5 =	vmul.f32 v63, v5;
	v3 =	vadd.f32 v11, v3;
	v11 =	vld [tilespmem:s29+$0x1110]  }
0x231: {  	v16 =	vbroadcast v1, $0xE;
	v15 =	vmul.f32 v15, v10;
	[tilespmem:s29+$0x11010] =	vst v13;
	v13 =	vld [tilespmem:s29+$0x1190]  }
0x232: {  	v7 =	vmul.f32 v7, v10;
	v10 =	vbroadcast v2, $0xE;
	[tilespmem:s29+$0x10C90] =	vst v3;
	v3 =	vld [tilespmem:s29+$0x1180]  }
0x233: {  	v4 =	vmul.f32 v4, v9;
	v8 =	vmul.f32 v8, v9;
	v9 =	vld [tilespmem:s29+$0x9190]  }
0x234: {  	v0 =	vadd.f32 v5, v0;
	v1 =	vbroadcast v1, $0xF;
	v62 =	vmul.f32 v61, v16  }
0x235: {  	v2 =	vbroadcast v2, $0xF;
	v17 =	vmul.f32 v17, v10;
	v8 =	vadd.f32 v8, v15  }
0x236: {  	[tilespmem:s29+$0x10A00] =	vst v0;
	v10 =	vmul.f32 v12, v10;
	v4 =	vadd.f32 v4, v7;
	v7 =	vmul.f32 v11, v16  }
0x237: {  	v11 =	vmul.f32 v14, v2;
	[tilespmem:s29+$0x11080] =	vst v8;
	v8 =	vadd.f32 v17, v62;
	v3 =	vmul.f32 v3, v1  }
0x238: {  	[tilespmem:s29+$0x11090] =	vst v4;
	v4 =	vadd.f32 v10, v7;
	v1 =	vmul.f32 v13, v1;
	v2 =	vmul.f32 v9, v2  }
0x239: {  	[tilespmem:s29+$0x11100] =	vst v8;
	v3 =	vadd.f32 v11, v3  }
0x23a: {  	[tilespmem:s29+$0x11110] =	vst v4;
	v1 =	vadd.f32 v2, v1  }
0x23b: {  	[tilespmem:s29+$0x11180] =	vst v3  }
0x23c: {  	s10 =	simm.s32 $0x0;
	[tilespmem:s29+$0x11190] =	vst v1  }
0x23d: {  	[hbm4b:s20+s10] =	stream.linear.scatter [tilespmem:s26], [sflag:$0x4], $0x4000, $0x38;
	[tilespmem:$0x18A00] =	vst v63  }
0x23e: {  	_ =	swait.ge [sflag:s6], $0x4000  }
0x23f: {  	[sflag:s6] =	ssyncset.done $0x0  }
0x240: {  	[sflag:s6] =	ssyncadd.s32 $0xFFFFC000  }
0x241: {  	_ =	swait.ge [sflag:s6], $0x4000  }
0x242: {  	[sflag:s6] =	ssyncset.done $0x0  }
0x243: {  	[sflag:s6] =	ssyncadd.s32 $0xFFFFC000  }
0x244: {  	_ =	swait.ge [sflag:s2], $0x80  }
0x245: {  	[sflag:s2] =	ssyncset.done $0x0  }
0x246: {  	[sflag:s2] =	ssyncadd.s32 $0xFFFFFF80  }
0x247: {  	_ =	swait.ge [sflag:s2], $0x80  }
0x248: {  	[sflag:s2] =	ssyncset.done $0x0  }
0x249: {  	[sflag:s2] =	ssyncadd.s32 $0xFFFFFF80  }
0x24a: {  	_ =	swait.ge [sflag:s8], $0x4000  }
0x24b: {  	[sflag:s8] =	ssyncset.done $0x0  }
0x24c: {  	s29 =	simm.s32 $0x0;
	[sflag:s8] =	ssyncadd.s32 $0xFFFFC000  }
0x24d: {  	v0 =	vld [tilespmem:s29+$0x4A00]  }
0x24e: {  	v4 =	vld [tilespmem:s29+$0x4A10]  }
0x24f: {  	v3 =	vld [tilespmem:s29+$0xCA10]  }
0x250: {  	v5 =	vld [tilespmem:s29+$0x4A80]  }
0x251: {  	v6 =	vld [tilespmem:s29+$0xCA80]  }
0x252: {  	v8 =	vld [tilespmem:s29+$0x4A90]  }
0x253: {  	v7 =	vld [tilespmem:s29+$0xCA90]  }
0x254: {  	v12 =	vld [tilespmem:s29+$0x4B00]  }
0x255: {  	v13 =	vld [tilespmem:s29+$0xCB00]  }
0x256: {  	v15 =	vld [tilespmem:s29+$0x4B80]  }
0x257: {  	v14 =	vld [tilespmem:s29+$0xCB80]  }
0x258: {  	v11 =	vld [tilespmem:s29+$0x4C00]  }
0x259: {  	s10 =	simm.s32 $0x780;
	v9 =	vld [tilespmem:s29+$0x4C10]  }
0x25a: {  	s30 =	simm.s32 $0x980;
	v1 =	vld [tilespmem:s10+$0x0]  }
0x25b: {  	s11 =	simm.s32 $0x2000;
	v2 =	vld [tilespmem:s30+$0x0]  }
.LBB2_8:
0x25c: {  	p0 =	sne.s32 s11, $0xE000;
	v10 =	vld [tilespmem:s29+$0x4F90]  }
0x25d: {  	v16 =	vld [tilespmem:s29+$0xCF90]  }
0x25e: {  	v17 =	vld [tilespmem:s29+$0xCC10]  }
0x25f: {  	v18 =	vbroadcast v1, $0x3;
	v19 =	vbroadcast v1, $0x4;
	v20 =	vld [tilespmem:s29+$0xCC00]  }
0x260: {  	v22 =	vbroadcast v1, $0xB;
	v21 =	vld [tilespmem:s29+$0x4B90];
	v23 =	vbroadcast v2, $0xB  }
0x261: {  	v25 =	vbroadcast v2, $0x4;
	v24 =	vld [tilespmem:s29+$0xCB90];
	v26 =	vmul.f32 v9, v19  }
0x262: {  	v10 =	vmul.f32 v10, v22;
	v27 =	vld [tilespmem:s29+$0x4B10];
	v16 =	vmul.f32 v16, v23  }
0x263: {  	v11 =	vmul.f32 v11, v19;
	v28 =	vld [tilespmem:s29+$0xCB10];
	v17 =	vmul.f32 v17, v25  }
0x264: {  	v19 =	vbroadcast v2, $0x3;
	v20 =	vmul.f32 v20, v25;
	v9 =	vld [tilespmem:s29+$0x4C80];
	v16 =	vadd.f32 v16, v10  }
0x265: {  	v15 =	vmul.f32 v15, v18;
	v18 =	vmul.f32 v21, v18;
	v17 =	vadd.f32 v17, v26;
	v10 =	vld [tilespmem:s29+$0xCC80]  }
0x266: {  	v21 =	vmul.f32 v14, v19;
	v19 =	vmul.f32 v24, v19;
	v20 =	vadd.f32 v20, v11;
	v11 =	vld [tilespmem:s29+$0x4C90];
	[tilespmem:s29+$0x14F90] =	vst v16  }
0x267: {  	v16 =	vbroadcast v1, $0x2;
	v24 =	vbroadcast v2, $0x2;
	[tilespmem:s29+$0x14C10] =	vst v17;
	v14 =	vld [tilespmem:s29+$0x4D00]  }
0x268: {  	v17 =	vbroadcast v1, $0x1;
	v15 =	vadd.f32 v21, v15;
	v18 =	vadd.f32 v19, v18;
	[tilespmem:s29+$0x14C00] =	vst v20;
	v19 =	vld [tilespmem:s29+$0x4E00]  }
0x269: {  	v20 =	vmul.f32 v27, v16;
	v21 =	vmul.f32 v28, v24;
	v25 =	vld [tilespmem:s29+$0x4E80]  }
0x26a: {  	v12 =	vmul.f32 v12, v16;
	v13 =	vmul.f32 v13, v24;
	[tilespmem:s29+$0x14B90] =	vst v18;
	v16 =	vld [tilespmem:s29+$0x4F80]  }
0x26b: {  	v24 =	vmul.f32 v8, v17;
	v18 =	vbroadcast v2, $0x1;
	v20 =	vadd.f32 v21, v20;
	[tilespmem:s29+$0x14B80] =	vst v15;
	v15 =	vld [tilespmem:s29+$0xCF80]  }
0x26c: {  	v8 =	vbroadcast v1, $0x0;
	v5 =	vmul.f32 v5, v17;
	v12 =	vadd.f32 v13, v12;
	v13 =	vld [tilespmem:s29+$0x5000]  }
0x26d: {  	v6 =	vmul.f32 v6, v18;
	v17 =	vmul.f32 v7, v18;
	[tilespmem:s29+$0x14B10] =	vst v20;
	v18 =	vld [tilespmem:s29+$0xD000]  }
0x26e: {  	v4 =	vmul.f32 v4, v8;
	v7 =	vbroadcast v2, $0x0;
	[tilespmem:s29+$0x14B00] =	vst v12;
	v12 =	vld [tilespmem:s29+$0x4F00]  }
0x26f: {  	v20 =	vbroadcast v1, $0xC;
	v5 =	vadd.f32 v6, v5;
	v6 =	vadd.f32 v17, v24;
	v17 =	vld [tilespmem:s29+$0x4F10]  }
0x270: {  	v3 =	vmul.f32 v3, v7;
	v24 =	vbroadcast v2, $0xC;
	v21 =	vld [tilespmem:s29+$0xCF10]  }
0x271: {  	v16 =	vmul.f32 v16, v22;
	[tilespmem:s29+$0x14A90] =	vst v6;
	v6 =	vld [tilespmem:s29+$0xCF00];
	v13 =	vmul.f32 v13, v20  }
0x272: {  	v3 =	vadd.f32 v3, v4;
	[tilespmem:s29+$0x14A80] =	vst v5;
	v4 =	vld [tilespmem:s29+$0x4E90];
	v5 =	vmul.f32 v15, v23;
	v15 =	vmul.f32 v18, v24  }
0x273: {  	v22 =	vbroadcast v1, $0xA;
	v23 =	vbroadcast v2, $0xA;
	v18 =	vld [tilespmem:s29+$0xCE80]  }
0x274: {  	[tilespmem:s29+$0x14A10] =	vst v3;
	v3 =	vbroadcast v1, $0x9;
	v26 =	vld [tilespmem:s29+$0xCE90];
	v5 =	vadd.f32 v5, v16;
	v13 =	vadd.f32 v15, v13  }
0x275: {  	v16 =	vmul.f32 v17, v22;
	v15 =	vld [tilespmem:s29+$0x4E10];
	v17 =	vmul.f32 v21, v23  }
0x276: {  	v12 =	vmul.f32 v12, v22;
	v21 =	vld [tilespmem:s29+$0xCE00];
	v6 =	vmul.f32 v6, v23;
	[tilespmem:s29+$0x15000] =	vst v13  }
0x277: {  	v22 =	vbroadcast v2, $0x9;
	v13 =	vld [tilespmem:s29+$0xCE10];
	v4 =	vmul.f32 v4, v3;
	v16 =	vadd.f32 v17, v16;
	[tilespmem:s29+$0x14F80] =	vst v5  }
0x278: {  	v17 =	vbroadcast v1, $0x8;
	v3 =	vmul.f32 v25, v3;
	v5 =	vld [tilespmem:s29+$0x4D80];
	v6 =	vadd.f32 v6, v12  }
0x279: {  	v18 =	vmul.f32 v18, v22;
	v12 =	vld [tilespmem:s29+$0x4D90];
	v22 =	vmul.f32 v26, v22;
	[tilespmem:s29+$0x14F10] =	vst v16  }
0x27a: {  	v23 =	vbroadcast v2, $0x8;
	v16 =	vld [tilespmem:s29+$0xCD90];
	v15 =	vmul.f32 v15, v17;
	[tilespmem:s29+$0x14F00] =	vst v6  }
0x27b: {  	v17 =	vmul.f32 v19, v17;
	v3 =	vadd.f32 v18, v3;
	v6 =	vld [tilespmem:s29+$0xCD80];
	v4 =	vadd.f32 v22, v4  }
0x27c: {  	v19 =	vmul.f32 v21, v23;
	v18 =	vld [tilespmem:s29+$0x4D10];
	v13 =	vmul.f32 v13, v23  }
0x27d: {  	v22 =	vbroadcast v1, $0x7;
	v23 =	vbroadcast v2, $0x7;
	v21 =	vld [tilespmem:s29+$0xCD00];
	[tilespmem:s29+$0x14E90] =	vst v4  }
0x27e: {  	v4 =	vbroadcast v1, $0x6;
	v17 =	vadd.f32 v19, v17;
	v25 =	vld [tilespmem:s29+$0xCD10];
	v13 =	vadd.f32 v13, v15;
	[tilespmem:s29+$0x14E80] =	vst v3  }
0x27f: {  	v12 =	vmul.f32 v12, v22;
	v3 =	vld [tilespmem:s29+$0xCC90];
	v15 =	vmul.f32 v16, v23  }
0x280: {  	v5 =	vmul.f32 v5, v22;
	v6 =	vmul.f32 v6, v23;
	[tilespmem:s29+$0x14E10] =	vst v13;
	v13 =	vld [tilespmem:s29+$0x5010]  }
0x281: {  	v16 =	vbroadcast v2, $0x6;
	v18 =	vmul.f32 v18, v4;
	v12 =	vadd.f32 v15, v12;
	[tilespmem:s29+$0x14E00] =	vst v17;
	v15 =	vld [tilespmem:s29+$0xD010]  }
0x282: {  	v17 =	vbroadcast v1, $0x5;
	v4 =	vmul.f32 v14, v4;
	v5 =	vadd.f32 v6, v5;
	v6 =	vld [tilespmem:s29+$0x5080]  }
0x283: {  	v14 =	vmul.f32 v21, v16;
	v16 =	vmul.f32 v25, v16;
	[tilespmem:s29+$0x14D90] =	vst v12;
	v12 =	vld [tilespmem:s29+$0xD080]  }
0x284: {  	v19 =	vbroadcast v2, $0x5;
	v11 =	vmul.f32 v11, v17;
	[tilespmem:s29+$0x14D80] =	vst v5;
	v5 =	vld [tilespmem:s29+$0x5090]  }
0x285: {  	v9 =	vmul.f32 v9, v17;
	v4 =	vadd.f32 v14, v4;
	v14 =	vadd.f32 v16, v18;
	v16 =	vld [tilespmem:s29+$0xD090]  }
0x286: {  	v10 =	vmul.f32 v10, v19;
	v3 =	vmul.f32 v3, v19;
	v17 =	vld [tilespmem:s29+$0x5100]  }
0x287: {  	v13 =	vmul.f32 v13, v20;
	[tilespmem:s29+$0x14D10] =	vst v14;
	v14 =	vmul.f32 v15, v24;
	v15 =	vld [tilespmem:s29+$0xD100]  }
0x288: {  	v9 =	vadd.f32 v10, v9;
	v3 =	vadd.f32 v3, v11;
	[tilespmem:s29+$0x14D00] =	vst v4;
	v4 =	vbroadcast v1, $0xD;
	v10 =	vld [tilespmem:s29+$0x5110]  }
0x289: {  	v11 =	vadd.f32 v14, v13;
	v13 =	vbroadcast v2, $0xD;
	v14 =	vbroadcast v1, $0xE;
	v18 =	vld [tilespmem:s29+$0xD110]  }
0x28a: {  	[tilespmem:s29+$0x14C90] =	vst v3;
	v3 =	vmul.f32 v6, v4;
	v4 =	vmul.f32 v5, v4;
	v5 =	vld [tilespmem:s29+$0x5180]  }
0x28b: {  	[tilespmem:s29+$0x14C80] =	vst v9;
	v6 =	vmul.f32 v12, v13;
	v9 =	vmul.f32 v16, v13;
	v12 =	vld [tilespmem:s29+$0xD180]  }
0x28c: {  	v13 =	vbroadcast v2, $0xE;
	[tilespmem:s29+$0x15010] =	vst v11;
	v11 =	vmul.f32 v17, v14;
	v16 =	vld [tilespmem:s29+$0x5190]  }
0x28d: {  	v3 =	vadd.f32 v6, v3;
	v6 =	vadd.f32 v9, v4;
	v9 =	vmul.f32 v10, v14;
	v10 =	vld [tilespmem:s29+$0xD190]  }
0x28e: {  	s31 =	sshra.s32 s11, $0x2;
	v15 =	vmul.f32 v15, v13;
	v14 =	vld [tilespmem:s29+$0xCA00];
	v13 =	vmul.f32 v18, v13  }
0x28f: {  	v1 =	vbroadcast v1, $0xF;
	v2 =	vbroadcast v2, $0xF;
	v17 =	vld [tilespmem:s31+$0x4A00];
	[tilespmem:s29+$0x15080] =	vst v3  }
0x290: {  	v18 =	vmul.f32 v0, v8;
	v0 =	vadd.f32 v15, v11;
	v4 =	vld [tilespmem:s31+$0x4A10];
	[tilespmem:s29+$0x15090] =	vst v6;
	v8 =	vadd.f32 v13, v9  }
0x291: {  	v9 =	vmul.f32 v5, v1;
	v11 =	vmul.f32 v12, v2;
	v3 =	vld [tilespmem:s31+$0xCA10]  }
0x292: {  	v12 =	vmul.f32 v16, v1;
	v5 =	vld [tilespmem:s31+$0x4A80];
	[tilespmem:s29+$0x15100] =	vst v0;
	v1 =	vmul.f32 v10, v2  }
0x293: {  	v9 =	vadd.f32 v11, v9;
	v6 =	vld [tilespmem:s31+$0xCA80];
	v2 =	vmul.f32 v14, v7;
	[tilespmem:s29+$0x15110] =	vst v8  }
0x294: {  	v8 =	vld [tilespmem:s31+$0x4A90];
	v1 =	vadd.f32 v1, v12;
	v0 =	vmov v17  }
0x295: {  	v7 =	vld [tilespmem:s31+$0xCA90];
	v2 =	vadd.f32 v2, v18;
	[tilespmem:s29+$0x15180] =	vst v9  }
0x296: {  	v12 =	vld [tilespmem:s31+$0x4B00];
	[tilespmem:s29+$0x15190] =	vst v1  }
0x297: {  	v13 =	vld [tilespmem:s31+$0xCB00];
	[tilespmem:s29+$0x14A00] =	vst v2;
	s29 =	smov.u32 s31  }
0x298: {  	v15 =	vld [tilespmem:s29+$0x4B80]  }
.Ltmp3:
0x299: {  	v14 =	vld [tilespmem:s29+$0xCB80];
	(pc) =	sbr.rel @p0 .LBB2_8-.Ltmp3, $4  }
0x29a: {  	v11 =	vld [tilespmem:s29+$0x4C00]  }
0x29b: {  	s10 =	sadd.s32 $0x10, s10;
	v9 =	vld [tilespmem:s29+$0x4C10]  }
0x29c: {  	s30 =	sadd.s32 $0x10, s30;
	v1 =	vld [tilespmem:s10+$0x0]  }
0x29d: {  	s11 =	sadd.s32 $0x2000, s11;
	v2 =	vld [tilespmem:s30+$0x0]  }
0x29e: {  	v10 =	vld [tilespmem:s29+$0x4F90]  }
0x29f: {  	v16 =	vld [tilespmem:s29+$0xCF90]  }
0x2a0: {  	v17 =	vld [tilespmem:s29+$0xCC10]  }
0x2a1: {  	v18 =	vld [tilespmem:s29+$0xCC00]  }
0x2a2: {  	v19 =	vld [tilespmem:s29+$0x4B90]  }
0x2a3: {  	v22 =	vld [tilespmem:s29+$0xCB90]  }
0x2a4: {  	v25 =	vld [tilespmem:s29+$0x4B10]  }
0x2a5: {  	v26 =	vld [tilespmem:s29+$0xCB10];
	v20 =	vbroadcast v1, $0xB  }
0x2a6: {  	v62 =	vld [tilespmem:s29+$0x4E80];
	v23 =	vbroadcast v1, $0x4;
	v54 =	vbroadcast v1, $0x3  }
0x2a7: {  	v29 =	vld [tilespmem:s29+$0x4F80];
	v60 =	vbroadcast v1, $0x2;
	v33 =	vbroadcast v1, $0x1  }
0x2a8: {  	v31 =	vld [tilespmem:s29+$0xCF80];
	v46 =	vbroadcast v1, $0xA;
	v53 =	vbroadcast v1, $0x9  }
0x2a9: {  	v32 =	vld [tilespmem:s29+$0x5000];
	v21 =	vbroadcast v2, $0xB;
	v24 =	vbroadcast v2, $0x4  }
0x2aa: {  	v35 =	vld [tilespmem:s29+$0xD000];
	v55 =	vbroadcast v2, $0x3;
	v61 =	vbroadcast v2, $0x2  }
0x2ab: {  	v36 =	vld [tilespmem:s29+$0x4F00];
	v34 =	vbroadcast v2, $0x1;
	v47 =	vbroadcast v2, $0xA  }
0x2ac: {  	v39 =	vld [tilespmem:s29+$0x4F10];
	v10 =	vmul.f32 v10, v20;
	v27 =	vmul.f32 v9, v23  }
0x2ad: {  	v40 =	vld [tilespmem:s29+$0xCF10];
	v23 =	vmul.f32 v11, v23;
	v57 =	vmul.f32 v19, v54  }
0x2ae: {  	v41 =	vld [tilespmem:s29+$0xCF00];
	v15 =	vmul.f32 v15, v54;
	v63 =	vmul.f32 v25, v60  }
0x2af: {  	v42 =	vld [tilespmem:s29+$0x4E90];
	v12 =	vmul.f32 v12, v60;
	v8 =	vmul.f32 v8, v33  }
0x2b0: {  	v43 =	vld [tilespmem:s29+$0xCE80];
	v37 =	vmul.f32 v5, v33;
	v5 =	vbroadcast v2, $0x0  }
0x2b1: {  	v44 =	vld [tilespmem:s29+$0xCE90];
	v20 =	vmul.f32 v29, v20;
	v54 =	vbroadcast v2, $0x9  }
0x2b2: {  	v45 =	vld [tilespmem:s29+$0x4E10];
	v25 =	vbroadcast v1, $0x7;
	v33 =	vbroadcast v1, $0x6  }
0x2b3: {  	v48 =	vld [tilespmem:s29+$0xCE00];
	v16 =	vmul.f32 v16, v21;
	v17 =	vmul.f32 v17, v24  }
0x2b4: {  	v50 =	vld [tilespmem:s29+$0xCE10];
	v18 =	vmul.f32 v18, v24;
	v58 =	vmul.f32 v22, v55  }
0x2b5: {  	v51 =	vld [tilespmem:s29+$0x4D80];
	v14 =	vmul.f32 v14, v55;
	v28 =	vmul.f32 v26, v61  }
0x2b6: {  	v52 =	vld [tilespmem:s29+$0x4D90];
	v13 =	vmul.f32 v13, v61;
	v7 =	vmul.f32 v7, v34  }
0x2b7: {  	v9 =	vld [tilespmem:s29+$0x4C80];
	v38 =	vmul.f32 v6, v34;
	v6 =	vbroadcast v1, $0x0  }
0x2b8: {  	v11 =	vld [tilespmem:s29+$0x4C90];
	v49 =	vmul.f32 v40, v47;
	v26 =	vbroadcast v2, $0x7;
	v16 =	vadd.f32 v16, v10  }
0x2b9: {  	v19 =	vld [tilespmem:s29+$0x4D00];
	v34 =	vbroadcast v2, $0x6;
	v40 =	vbroadcast v1, $0x5;
	v17 =	vadd.f32 v17, v27  }
0x2ba: {  	v60 =	vld [tilespmem:s29+$0x4D10];
	v3 =	vmul.f32 v3, v5;
	v22 =	vmul.f32 v43, v54;
	v56 =	vadd.f32 v18, v23;
	[tilespmem:s29+$0x14F90] =	vst v16  }
0x2bb: {  	v55 =	vld [tilespmem:s29+$0xCD90];
	v29 =	vmul.f32 v51, v25;
	v59 =	vadd.f32 v58, v57;
	v14 =	vadd.f32 v14, v15;
	[tilespmem:s29+$0x14C10] =	vst v17  }
0x2bc: {  	v61 =	vld [tilespmem:s29+$0xCD00];
	v12 =	vadd.f32 v13, v12;
	v4 =	vmul.f32 v4, v6;
	v18 =	vbroadcast v2, $0xC;
	[tilespmem:s29+$0x14C00] =	vst v56  }
0x2bd: {  	v51 =	vld [tilespmem:s29+$0xD180];
	v7 =	vadd.f32 v7, v8;
	v15 =	vmul.f32 v31, v21;
	v8 =	vmul.f32 v39, v46;
	[tilespmem:s29+$0x14B80] =	vst v14  }
0x2be: {  	v10 =	vld [tilespmem:s29+$0xCC80];
	v30 =	vadd.f32 v28, v63;
	v57 =	vmul.f32 v62, v53;
	[tilespmem:s29+$0x14B00] =	vst v12;
	v13 =	vmul.f32 v35, v18  }
0x2bf: {  	v58 =	vld [tilespmem:s29+$0xCD80];
	v14 =	vadd.f32 v38, v37;
	[tilespmem:s29+$0x14A90] =	vst v7;
	v12 =	vmul.f32 v36, v46;
	v7 =	vmul.f32 v41, v47  }
0x2c0: {  	v62 =	vld [tilespmem:s29+$0xCD10];
	[tilespmem:s29+$0x14B90] =	vst v59;
	v3 =	vadd.f32 v3, v4;
	v4 =	vmul.f32 v42, v53;
	v56 =	vbroadcast v1, $0x8  }
0x2c1: {  	v27 =	vld [tilespmem:s29+$0xCC90];
	[tilespmem:s29+$0x14B10] =	vst v30;
	v59 =	vbroadcast v2, $0x8;
	v37 =	vmul.f32 v19, v33  }
0x2c2: {  	v28 =	vld [tilespmem:s29+$0x5010];
	v15 =	vadd.f32 v15, v20;
	v41 =	vbroadcast v2, $0x5;
	v9 =	vmul.f32 v9, v40;
	[tilespmem:s29+$0x14A80] =	vst v14  }
0x2c3: {  	v17 =	vld [tilespmem:s29+$0x4E00];
	v8 =	vadd.f32 v49, v8;
	v53 =	vbroadcast v2, $0xE;
	v38 =	vmul.f32 v61, v34;
	[tilespmem:s29+$0x14A10] =	vst v3  }
0x2c4: {  	v46 =	vld [tilespmem:s29+$0x5110];
	v14 =	vbroadcast v1, $0xC;
	[tilespmem:s29+$0x14F80] =	vst v15;
	v7 =	vadd.f32 v7, v12;
	v3 =	vmul.f32 v44, v54  }
0x2c5: {  	v47 =	vld [tilespmem:s29+$0xD110];
	[tilespmem:s29+$0x14F10] =	vst v8;
	v12 =	vadd.f32 v22, v57;
	v15 =	vmul.f32 v52, v25;
	v8 =	vmul.f32 v55, v26  }
0x2c6: {  	v31 =	vld [tilespmem:s29+$0xD010];
	v20 =	vmul.f32 v50, v59;
	v63 =	vmul.f32 v48, v59;
	[tilespmem:s29+$0x14F00] =	vst v7;
	v3 =	vadd.f32 v3, v4  }
0x2c7: {  	v39 =	vld [tilespmem:s29+$0xD090];
	v52 =	vbroadcast v1, $0xE;
	v10 =	vmul.f32 v10, v41;
	[tilespmem:s29+$0x14E80] =	vst v12;
	v8 =	vadd.f32 v8, v15  }
0x2c8: {  	v54 =	vld [tilespmem:s29+$0x5190];
	v59 =	vbroadcast v2, $0xF;
	v16 =	vmul.f32 v32, v14;
	v12 =	vadd.f32 v38, v37;
	[tilespmem:s29+$0x14E90] =	vst v3  }
0x2c9: {  	v55 =	vld [tilespmem:s29+$0xD190];
	v4 =	vmul.f32 v60, v33;
	v7 =	vmul.f32 v17, v56;
	v9 =	vadd.f32 v10, v9;
	[tilespmem:s29+$0x14D90] =	vst v8  }
0x2ca: {  	v57 =	vld [tilespmem:s29+$0xCA00];
	v60 =	vmul.f32 v46, v52;
	v10 =	vmul.f32 v47, v53;
	v13 =	vadd.f32 v13, v16;
	[tilespmem:s29+$0x14D00] =	vst v12  }
0x2cb: {  	v35 =	vld [tilespmem:s29+$0xD080];
	v30 =	vmul.f32 v58, v26;
	v16 =	vmul.f32 v45, v56;
	v7 =	vadd.f32 v63, v7;
	[tilespmem:s29+$0x14C80] =	vst v9  }
0x2cc: {  	v36 =	vld [tilespmem:s29+$0x5090];
	v58 =	vbroadcast v1, $0xF;
	v3 =	vmul.f32 v62, v34;
	v63 =	vadd.f32 v10, v60;
	[tilespmem:s29+$0x15000] =	vst v13  }
0x2cd: {  	v49 =	vbroadcast v1, $0xD;
	v50 =	vbroadcast v2, $0xD;
	v32 =	vld [tilespmem:s29+$0x5080];
	v16 =	vadd.f32 v20, v16;
	[tilespmem:s29+$0x14E00] =	vst v7  }
0x2ce: {  	v42 =	vld [tilespmem:s29+$0x5100];
	v1 =	vmul.f32 v54, v58;
	v2 =	vmul.f32 v55, v59;
	v3 =	vadd.f32 v3, v4;
	[tilespmem:s29+$0x15110] =	vst v63  }
0x2cf: {  	v0 =	vmul.f32 v0, v6;
	v45 =	vld [tilespmem:s29+$0xD100];
	v5 =	vmul.f32 v57, v5;
	v7 =	vadd.f32 v30, v29;
	[tilespmem:s29+$0x14E10] =	vst v16  }
0x2d0: {  	v43 =	vmul.f32 v11, v40;
	v48 =	vld [tilespmem:s29+$0x5180];
	v44 =	vmul.f32 v27, v41;
	v1 =	vadd.f32 v2, v1;
	[tilespmem:s29+$0x14D10] =	vst v3  }
0x2d1: {  	v14 =	vmul.f32 v28, v14;
	v13 =	vmul.f32 v31, v18;
	v0 =	vadd.f32 v5, v0;
	[tilespmem:s29+$0x14D80] =	vst v7  }
0x2d2: {  	v8 =	vmul.f32 v35, v50;
	v15 =	vmul.f32 v32, v49;
	v3 =	vadd.f32 v44, v43;
	[tilespmem:s29+$0x15190] =	vst v1  }
0x2d3: {  	v4 =	vmul.f32 v39, v50;
	v13 =	vadd.f32 v13, v14;
	v7 =	vmul.f32 v36, v49;
	[tilespmem:s29+$0x14A00] =	vst v0  }
0x2d4: {  	v56 =	vmul.f32 v42, v52;
	v17 =	vmul.f32 v45, v53;
	v8 =	vadd.f32 v8, v15;
	[tilespmem:s29+$0x14C90] =	vst v3  }
0x2d5: {  	v62 =	vmul.f32 v51, v59;
	[tilespmem:s29+$0x15010] =	vst v13;
	v3 =	vmul.f32 v48, v58;
	v4 =	vadd.f32 v4, v7  }
0x2d6: {  	[tilespmem:s29+$0x15080] =	vst v8;
	v61 =	vadd.f32 v17, v56  }
0x2d7: {  	v3 =	vadd.f32 v62, v3;
	[tilespmem:s29+$0x15090] =	vst v4  }
0x2d8: {  	[tilespmem:s29+$0x15100] =	vst v61  }
0x2d9: {  	s9 =	sadd.s32 $0x1, s9;
	[tilespmem:s29+$0x15180] =	vst v3  }
0x2da: {  	[hbm4b:s21+s1] =	stream.linear.scatter [tilespmem:s7], [sflag:$0x4], $0x4000, $0x38;
	[tilespmem:$0x18A00] =	vst v63  }
0x2db: {  	p0 =	sne.s32 s9, s22;
	_ =	swait.ge [sflag:s8], $0x4000  }
.Ltmp4:
0x2dc: {  	[sflag:s8] =	ssyncset.done $0x0;
	(pc) =	sbr.rel @p0 .LBB2_1-.Ltmp4, $4  }
0x2dd: {  	[sflag:s8] =	ssyncadd.s32 $0xFFFFC000  }
0x2de: {  	_ =	swait.ge [sflag:s8], $0x4000  }
0x2df: {  	[sflag:s8] =	ssyncset.done $0x0  }
0x2e0: {  	[sflag:s8] =	ssyncadd.s32 $0xFFFFC000  }
0x2e1: {  	_ =	sfence.sel $0x180000  }
0x2e2: {  	[bflag:$0x0] =	sbarrier.arrive $0xFFFF  }
0x2e3: {  	_ =	strace $0x9000004A  }
0x2e4: {  	s0 =	stileid.u32;
	[bflag:$0x2] =	sbarrier.arrive $0xFFFF  }
0x2e5: {  	p0 =	sne.s32 s0, $0x0;
	s0 =	rddreg [dreg:$0x3]  }
0x2e6: {  	s0 =	sadd.s32 @!p0 $0x100000, s0  }
0x2e7: {  	[sflag:s0] =	ssyncadd.tile.s32 @!p0 $0x1;
	_ =	shalt  }
.Lfunc_end2:
_tile_overlayer_lowered:
.L_overlay_start_2:
0x2e8: {  	(tag) =	ssettag $0x2  }
0x2e9: {  	s0 =	rddreg [dreg:$0x0];
	s2 =	stileid.u32  }
0x2ea: {  	s1 =	rddreg [dreg:$0x1];
	p0 =	sne.s32 s2, $0x0  }
0x2eb: {  	s3 =	rddreg [dreg:$0x2];
	[bflag:$0x3] =	sbarrier.arrive $0xFFFF;
	s2 =	simm.s32 @!p0 $0x1C05  }
0x2ec: {  	[timem:s3], [sflag:s2] =	dma.local @!p0 [hbm:s0], s1  }
0x2ed: {  	s0 =	simm.s32 @!p0 $0x5  }
0x2ee: {  	_ =	swait.ge @!p0 [sflag:s0], s1  }
0x2ef: {  	s1 =	ssub.s32 @!p0 $0x0, s1;
	[sflag:s0] =	ssyncset.done @!p0 $0x0  }
0x2f0: {  	[sflag:s0] =	ssyncadd.s32 @!p0 s1  }
0x2f1: {  	[bflag:$0x3] =	sbarrier.arrive $0xFFFF  }
0x2f2: {  	_ =	shalt  }

</sc_bundles>
